<compile_context>
chip_gen: v7x
topology: tpu7x:2x2x1
jax: 0.10.2.dev20260603
libtpu: 0.0.44.dev20260713+nightly
codegen_flags: <defaults>
</compile_context>

<pallas_src>
import functools

import jax
import jax.numpy as jnp
from jax import lax
from jax.experimental import pallas as pl
from jax.experimental.pallas import tpu as pltpu
from jax.experimental.pallas import tpu_sc as plsc

EPS = 1e-9
NC = 2
NS = 16
NW = NC * NS
LANES = 16
SBL = 2
SBI = SBL * 128
PITCH = 129


def _rsqrt16(v):
    bits = lax.bitcast_convert_type(v, jnp.int32)
    y = lax.bitcast_convert_type(jnp.int32(0x5F3759DF) - (bits >> 1), jnp.float32)
    vh = v * 0.5
    y = y * (1.5 - vh * y * y)
    y = y * (1.5 - vh * y * y)
    return y


@functools.lru_cache(maxsize=None)
def _build(b, l, d, t):
    assert d == 16 and b % (NW * 128) == 0 and l % (4 * SBL) == 0
    bc = b // 128
    tr = l // 8
    assert bc == NW
    n_sb = l // SBL
    mesh = plsc.VectorSubcoreMesh(core_axis_name="c", subcore_axis_name="s")

    o5 = jax.ShapeDtypeStruct((l, d // 8, bc, 8, 128), jnp.float32)
    scratch = [pltpu.VMEM((tr, 8 * 128), jnp.int32), pltpu.SemaphoreType.DMA]
    for _ in range(2):
        scratch += [
            pltpu.VMEM((SBL, d, PITCH), jnp.float32),
            pltpu.VMEM((SBL, d, PITCH), jnp.float32),
            pltpu.VMEM((SBL, d, PITCH), jnp.float32),
            pltpu.VMEM((SBL, d, PITCH), jnp.float32),
            pltpu.VMEM((SBI, d), jnp.float32),
            pltpu.VMEM((SBI, d), jnp.float32),
            pltpu.SemaphoreType.DMA,
            pltpu.SemaphoreType.DMA,
            pltpu.SemaphoreType.DMA,
        ]

    @functools.partial(
        pl.kernel,
        out_type=(o5, o5, o5),
        mesh=mesh,
        compiler_params=pltpu.CompilerParams(
            use_tc_tiling_on_sc=False, needs_layout_passes=False),
        scratch_types=scratch,
    )
    def gauss_norm(idx6, ts5, mus_tab, vars_tab,
                   out5, mus5, vars5, idx_buf, sem_i, *sets):
        w = lax.axis_index("s") * NC + lax.axis_index("c")

        ts_v = [sets[9 * s + 0] for s in range(2)]
        out_v = [sets[9 * s + 1] for s in range(2)]
        mus_o = [sets[9 * s + 2] for s in range(2)]
        vars_o = [sets[9 * s + 3] for s in range(2)]
        mus_r = [sets[9 * s + 4] for s in range(2)]
        vars_r = [sets[9 * s + 5] for s in range(2)]
        sem_t = [sets[9 * s + 6] for s in range(2)]
        sem_g = [sets[9 * s + 7] for s in range(2)]
        sem_o = [sets[9 * s + 8] for s in range(2)]

        iota = lax.iota(jnp.int32, LANES)
        box = (slice(None), pl.ds(0, 8), pl.ds(0, 128))
        box2 = (slice(None), pl.ds(8, 8), pl.ds(0, 128))

        def idx_slice(sb):
            return idx_buf.at[sb // 4, pl.ds((sb % 4) * SBI, SBI)]

        def in_triples(sb, st):
            lv = sb * SBL
            return [
                (ts5.at[pl.ds(lv, SBL), 0, w], ts_v[st].at[box], sem_t[st]),
                (ts5.at[pl.ds(lv, SBL), 1, w], ts_v[st].at[box2], sem_t[st]),
                (mus_tab.at[idx_slice(sb)], mus_r[st], sem_g[st]),
                (vars_tab.at[idx_slice(sb)], vars_r[st], sem_g[st]),
            ]

        def out_triples(sb, st):
            lv = sb * SBL
            sl0 = (pl.ds(lv, SBL), 0, w)
            sl1 = (pl.ds(lv, SBL), 1, w)
            return [
                (out_v[st].at[box], out5.at[sl0], sem_o[st]),
                (out_v[st].at[box2], out5.at[sl1], sem_o[st]),
                (mus_o[st].at[box], mus5.at[sl0], sem_o[st]),
                (mus_o[st].at[box2], mus5.at[sl1], sem_o[st]),
                (vars_o[st].at[box], vars5.at[sl0], sem_o[st]),
                (vars_o[st].at[box2], vars5.at[sl1], sem_o[st]),
            ]

        def issue(trips):
            for tpl in trips:
                pltpu.async_copy(*tpl)

        def drain(trips):
            for tpl in trips:
                pltpu.make_async_copy(*tpl).wait()

        def compute(st):
            def body(g, carry):
                for u in range(4):
                    r = g * 4 + u
                    rv = jnp.full((LANES,), r, jnp.int32)
                    l8 = jnp.full((LANES,), r >> 7, jnp.int32)
                    bb = jnp.full((LANES,), r & 127, jnp.int32)
                    m = plsc.load_gather(mus_r[st], [rv, iota])
                    v = plsc.load_gather(vars_r[st], [rv, iota])
                    tv = plsc.load_gather(ts_v[st], [l8, iota, bb])
                    o = (tv - m) * _rsqrt16(v)
                    plsc.store_scatter(out_v[st], [l8, iota, bb], o)
                    plsc.store_scatter(mus_o[st], [l8, iota, bb], m)
                    plsc.store_scatter(vars_o[st], [l8, iota, bb], v)
                return carry

            lax.fori_loop(0, SBI // 4, body, 0)

        def slot(sb, st):
            s2 = 1 - st

            @pl.when(sb >= 1)
            def _():
                drain(out_triples(sb - 1, s2))

            @pl.when(sb + 1 < n_sb)
            def _():
                issue(in_triples(sb + 1, s2))

            drain(in_triples(sb, st))
            compute(st)
            issue(out_triples(sb, st))

        for trv in range(tr):
            pltpu.async_copy(idx6.at[trv, w], idx_buf.at[trv], sem_i)
        for trv in range(tr):
            pltpu.make_async_copy(idx6.at[trv, w], idx_buf.at[trv], sem_i).wait()

        issue(in_triples(0, 0))

        def body(i, carry):
            slot(2 * i, 0)
            slot(2 * i + 1, 1)
            return carry

        lax.fori_loop(0, n_sb // 2, body, 0)

        drain(out_triples(n_sb - 1, (n_sb - 1) % 2))

    return gauss_norm


def kernel(ts_indices, ts, mus_table, vars_table):
    b, l = ts_indices.shape
    d = ts.shape[-1]
    t = mus_table.shape[0]
    idx6 = ts_indices.astype(jnp.int32).T.reshape(l // 8, 8, b // 128, 128)
    idx6 = idx6.transpose(0, 2, 1, 3).reshape(l // 8, b // 128, 8 * 128)
    ts5 = ts.transpose(1, 2, 0).reshape(l, d // 8, 8, b // 128, 128)
    ts5 = ts5.transpose(0, 1, 3, 2, 4)
    out5, mus5, vars5 = _build(b, l, d, t)(idx6, ts5, mus_table, vars_table)

    def back(o5):
        o = o5.transpose(0, 1, 3, 2, 4).reshape(l, d, b)
        return o.transpose(2, 0, 1)

    return (back(out5), back(mus5), back(vars5))

# --- scband reference (transcript-rebuilt; emitter-appended) ---
"""Pipeline reference for scband-gassimple-gaussian-63754494542508 (READ-ONLY COPY).

The authoritative reference and input builder live on the scoring server;
editing this copy changes nothing except your own understanding.
"""

import jax, jax.numpy as jnp
import numpy as np

EPS = 1e-09
T = 1000000  # length of complete time series (rows in mus/vars state)
D = 16       # number of features / channels
B = 4096     # number of pieces (windows)
L = 200      # window length


def setup_inputs(seed: int = 0) -> dict:
    key = jax.random.key(seed)
    k1, k2, k3, k4 = jax.random.split(key, 4)
    ts_indices = jax.random.randint(k1, (B, L), 0, T)
    ts = jax.random.normal(k2, (B, L, D), dtype=jnp.float32)
    # State buffers produced by warm_up (compute_mus_and_vars): per-timestep
    # running mean and variance over the complete series. Materialized here as
    # precomputed tables, since forward() only gathers from them.
    mus_table = jax.random.normal(k3, (T, D), dtype=jnp.float32)
    vars_table = jax.random.uniform(k4, (T, D), dtype=jnp.float32, minval=0.1, maxval=1.1)
    return {"ts_indices": ts_indices, "ts": ts, "mus_table": mus_table, "vars_table": vars_table}


def reference(ts_indices, ts, mus_table, vars_table):
    # Faithful translation of GASSimpleGaussian.normalize:
    #   for i, ts_ind in enumerate(ts_indices):
    #       mus[i] = self.mus[ts_ind]; vars[i] = self.vars[ts_ind]
    # i.e. a row-gather from the [T, D] state tables per window index.
    mus = jnp.take(mus_table, ts_indices, axis=0)      # [B, L, D]
    vars_ = jnp.take(vars_table, ts_indices, axis=0)   # [B, L, D]
    out = (ts - mus) / (jnp.sqrt(vars_) + EPS)
    return (out, mus, vars_)

if __name__ == "__main__":
    import jax
    _d = setup_inputs()
    print(jax.jit(kernel)(*tuple(_d.values())))

</pallas_src>

<mosaic_0001>
#map = affine_map<(d0, d1) -> (0, 0, 0)>
#map1 = affine_map<(d0, d1) -> (0, 0, 0, 0, 0)>
#map2 = affine_map<(d0, d1) -> (0, 0)>
module attributes {stable_mosaic.version = 14 : i64} {
  func.func @gauss_norm(%arg0: i32, %arg1: i32, %arg2: memref<25x32x1024xi32, #tpu.memory_space<hbm>>, %arg3: memref<200x2x32x8x128xf32, #tpu.memory_space<hbm>>, %arg4: memref<1000000x16xf32, #tpu.memory_space<hbm>>, %arg5: memref<1000000x16xf32, #tpu.memory_space<hbm>>, %arg6: memref<200x2x32x8x128xf32, #tpu.memory_space<hbm>>, %arg7: memref<200x2x32x8x128xf32, #tpu.memory_space<hbm>>, %arg8: memref<200x2x32x8x128xf32, #tpu.memory_space<hbm>>, %arg9: memref<25x1024xi32, #tpu.memory_space<vmem>>, %arg10: memref<!tpu.dma_semaphore, #tpu.memory_space<semaphore_mem>>, %arg11: memref<2x16x129xf32, #tpu.memory_space<vmem>>, %arg12: memref<2x16x129xf32, #tpu.memory_space<vmem>>, %arg13: memref<2x16x129xf32, #tpu.memory_space<vmem>>, %arg14: memref<2x16x129xf32, #tpu.memory_space<vmem>>, %arg15: memref<256x16xf32, #tpu.memory_space<vmem>>, %arg16: memref<256x16xf32, #tpu.memory_space<vmem>>, %arg17: memref<!tpu.dma_semaphore, #tpu.memory_space<semaphore_mem>>, %arg18: memref<!tpu.dma_semaphore, #tpu.memory_space<semaphore_mem>>, %arg19: memref<!tpu.dma_semaphore, #tpu.memory_space<semaphore_mem>>, %arg20: memref<2x16x129xf32, #tpu.memory_space<vmem>>, %arg21: memref<2x16x129xf32, #tpu.memory_space<vmem>>, %arg22: memref<2x16x129xf32, #tpu.memory_space<vmem>>, %arg23: memref<2x16x129xf32, #tpu.memory_space<vmem>>, %arg24: memref<256x16xf32, #tpu.memory_space<vmem>>, %arg25: memref<256x16xf32, #tpu.memory_space<vmem>>, %arg26: memref<!tpu.dma_semaphore, #tpu.memory_space<semaphore_mem>>, %arg27: memref<!tpu.dma_semaphore, #tpu.memory_space<semaphore_mem>>, %arg28: memref<!tpu.dma_semaphore, #tpu.memory_space<semaphore_mem>>) attributes {dimension_semantics = [#tpu.dimension_semantics<core_parallel>, #tpu.dimension_semantics<subcore_parallel>], iteration_bounds = array<i64: 2, 16>, scalar_prefetch = 0 : i64, scratch_operands = 20 : i64, tpu.core_type = #tpu.core_type<sc_vector_subcore>, window_params = [{transform_indices = #map}, {transform_indices = #map1}, {transform_indices = #map2}, {transform_indices = #map2}, {transform_indices = #map1}, {transform_indices = #map1}, {transform_indices = #map1}]} {
    %mul3A = arith.constant 2 : i32
    %mul3A_0 = arith.muli %arg1, %mul3A : i32
    %add3A = arith.addi %mul3A_0, %arg0 : i32
    %iota3A = tpu.iota {dimensions = array<i32: 0>} : vector<16xi32>
    %dma_start3A = arith.constant 0 : i32
    %dma_start3A_1 = arith.constant 0 : i32
    %dma_start3A_2 = arith.constant 0 : i32
    %dma_start3A_3 = tpu.memref_slice %arg9[%dma_start3A_1, %dma_start3A_2] : memref<25x1024xi32, #tpu.memory_space<vmem>> -> memref<1x1024xi32, #tpu.memory_space<vmem>>
    %dma_start3A_4 = tpu.memref_squeeze %dma_start3A_3 : memref<1x1024xi32, #tpu.memory_space<vmem>> -> memref<1024xi32, #tpu.memory_space<vmem>>
    %dma_start3A_5 = arith.constant 0 : i32
    %dma_start3A_6 = tpu.memref_slice %arg2[%dma_start3A, %add3A, %dma_start3A_5] : memref<25x32x1024xi32, #tpu.memory_space<hbm>> -> memref<1x1x1024xi32, #tpu.memory_space<hbm>>
    %dma_start3A_7 = tpu.memref_squeeze %dma_start3A_6 : memref<1x1x1024xi32, #tpu.memory_space<hbm>> -> memref<1024xi32, #tpu.memory_space<hbm>>
    %dma_start3A_8 = arith.constant 0 : i32
    %dma_start3A_9 = tpu.memref_slice %arg9[%dma_start3A_1, %dma_start3A_8] : memref<25x1024xi32, #tpu.memory_space<vmem>> -> memref<1x1024xi32, #tpu.memory_space<vmem>>
    %dma_start3A_10 = tpu.memref_squeeze %dma_start3A_9 : memref<1x1024xi32, #tpu.memory_space<vmem>> -> memref<1024xi32, #tpu.memory_space<vmem>>
    %dma_start3A_11 = arith.constant 0 : i32
    %dma_start3A_12 = tpu.memref_slice %arg2[%dma_start3A, %add3A, %dma_start3A_11] : memref<25x32x1024xi32, #tpu.memory_space<hbm>> -> memref<1x1x1024xi32, #tpu.memory_space<hbm>>
    %dma_start3A_13 = tpu.memref_squeeze %dma_start3A_12 : memref<1x1x1024xi32, #tpu.memory_space<hbm>> -> memref<1024xi32, #tpu.memory_space<hbm>>
    tpu.enqueue_dma source(%dma_start3A_13 : memref<1024xi32, #tpu.memory_space<hbm>>) target(%dma_start3A_10 : memref<1024xi32, #tpu.memory_space<vmem>>) target_semaphore(%arg10 : memref<!tpu.dma_semaphore, #tpu.memory_space<semaphore_mem>>)
    %dma_start3A_14 = arith.constant 1 : i32
    %dma_start3A_15 = arith.constant 1 : i32
    %dma_start3A_16 = arith.constant 0 : i32
    %dma_start3A_17 = tpu.memref_slice %arg9[%dma_start3A_15, %dma_start3A_16] : memref<25x1024xi32, #tpu.memory_space<vmem>> -> memref<1x1024xi32, #tpu.memory_space<vmem>>
    %dma_start3A_18 = tpu.memref_squeeze %dma_start3A_17 : memref<1x1024xi32, #tpu.memory_space<vmem>> -> memref<1024xi32, #tpu.memory_space<vmem>>
    %dma_start3A_19 = arith.constant 0 : i32
    %dma_start3A_20 = tpu.memref_slice %arg2[%dma_start3A_14, %add3A, %dma_start3A_19] : memref<25x32x1024xi32, #tpu.memory_space<hbm>> -> memref<1x1x1024xi32, #tpu.memory_space<hbm>>
    %dma_start3A_21 = tpu.memref_squeeze %dma_start3A_20 : memref<1x1x1024xi32, #tpu.memory_space<hbm>> -> memref<1024xi32, #tpu.memory_space<hbm>>
    %dma_start3A_22 = arith.constant 0 : i32
    %dma_start3A_23 = tpu.memref_slice %arg9[%dma_start3A_15, %dma_start3A_22] : memref<25x1024xi32, #tpu.memory_space<vmem>> -> memref<1x1024xi32, #tpu.memory_space<vmem>>
    %dma_start3A_24 = tpu.memref_squeeze %dma_start3A_23 : memref<1x1024xi32, #tpu.memory_space<vmem>> -> memref<1024xi32, #tpu.memory_space<vmem>>
    %dma_start3A_25 = arith.constant 0 : i32
    %dma_start3A_26 = tpu.memref_slice %arg2[%dma_start3A_14, %add3A, %dma_start3A_25] : memref<25x32x1024xi32, #tpu.memory_space<hbm>> -> memref<1x1x1024xi32, #tpu.memory_space<hbm>>
    %dma_start3A_27 = tpu.memref_squeeze %dma_start3A_26 : memref<1x1x1024xi32, #tpu.memory_space<hbm>> -> memref<1024xi32, #tpu.memory_space<hbm>>
    tpu.enqueue_dma source(%dma_start3A_27 : memref<1024xi32, #tpu.memory_space<hbm>>) target(%dma_start3A_24 : memref<1024xi32, #tpu.memory_space<vmem>>) target_semaphore(%arg10 : memref<!tpu.dma_semaphore, #tpu.memory_space<semaphore_mem>>)
    %dma_start3A_28 = arith.constant 2 : i32
    %dma_start3A_29 = arith.constant 2 : i32
    %dma_start3A_30 = arith.constant 0 : i32
    %dma_start3A_31 = tpu.memref_slice %arg9[%dma_start3A_29, %dma_start3A_30] : memref<25x1024xi32, #tpu.memory_space<vmem>> -> memref<1x1024xi32, #tpu.memory_space<vmem>>
    %dma_start3A_32 = tpu.memref_squeeze %dma_start3A_31 : memref<1x1024xi32, #tpu.memory_space<vmem>> -> memref<1024xi32, #tpu.memory_space<vmem>>
    %dma_start3A_33 = arith.constant 0 : i32
    %dma_start3A_34 = tpu.memref_slice %arg2[%dma_start3A_28, %add3A, %dma_start3A_33] : memref<25x32x1024xi32, #tpu.memory_space<hbm>> -> memref<1x1x1024xi32, #tpu.memory_space<hbm>>
    %dma_start3A_35 = tpu.memref_squeeze %dma_start3A_34 : memref<1x1x1024xi32, #tpu.memory_space<hbm>> -> memref<1024xi32, #tpu.memory_space<hbm>>
    %dma_start3A_36 = arith.constant 0 : i32
    %dma_start3A_37 = tpu.memref_slice %arg9[%dma_start3A_29, %dma_start3A_36] : memref<25x1024xi32, #tpu.memory_space<vmem>> -> memref<1x1024xi32, #tpu.memory_space<vmem>>
    %dma_start3A_38 = tpu.memref_squeeze %dma_start3A_37 : memref<1x1024xi32, #tpu.memory_space<vmem>> -> memref<1024xi32, #tpu.memory_space<vmem>>
    %dma_start3A_39 = arith.constant 0 : i32
    %dma_start3A_40 = tpu.memref_slice %arg2[%dma_start3A_28, %add3A, %dma_start3A_39] : memref<25x32x1024xi32, #tpu.memory_space<hbm>> -> memref<1x1x1024xi32, #tpu.memory_space<hbm>>
    %dma_start3A_41 = tpu.memref_squeeze %dma_start3A_40 : memref<1x1x1024xi32, #tpu.memory_space<hbm>> -> memref<1024xi32, #tpu.memory_space<hbm>>
    tpu.enqueue_dma source(%dma_start3A_41 : memref<1024xi32, #tpu.memory_space<hbm>>) target(%dma_start3A_38 : memref<1024xi32, #tpu.memory_space<vmem>>) target_semaphore(%arg10 : memref<!tpu.dma_semaphore, #tpu.memory_space<semaphore_mem>>)
    %dma_start3A_42 = arith.constant 3 : i32
    %dma_start3A_43 = arith.constant 3 : i32
    %dma_start3A_44 = arith.constant 0 : i32
    %dma_start3A_45 = tpu.memref_slice %arg9[%dma_start3A_43, %dma_start3A_44] : memref<25x1024xi32, #tpu.memory_space<vmem>> -> memref<1x1024xi32, #tpu.memory_space<vmem>>
    %dma_start3A_46 = tpu.memref_squeeze %dma_start3A_45 : memref<1x1024xi32, #tpu.memory_space<vmem>> -> memref<1024xi32, #tpu.memory_space<vmem>>
    %dma_start3A_47 = arith.constant 0 : i32
    %dma_start3A_48 = tpu.memref_slice %arg2[%dma_start3A_42, %add3A, %dma_start3A_47] : memref<25x32x1024xi32, #tpu.memory_space<hbm>> -> memref<1x1x1024xi32, #tpu.memory_space<hbm>>
    %dma_start3A_49 = tpu.memref_squeeze %dma_start3A_48 : memref<1x1x1024xi32, #tpu.memory_space<hbm>> -> memref<1024xi32, #tpu.memory_space<hbm>>
    %dma_start3A_50 = arith.constant 0 : i32
    %dma_start3A_51 = tpu.memref_slice %arg9[%dma_start3A_43, %dma_start3A_50] : memref<25x1024xi32, #tpu.memory_space<vmem>> -> memref<1x1024xi32, #tpu.memory_space<vmem>>
    %dma_start3A_52 = tpu.memref_squeeze %dma_start3A_51 : memref<1x1024xi32, #tpu.memory_space<vmem>> -> memref<1024xi32, #tpu.memory_space<vmem>>
    %dma_start3A_53 = arith.constant 0 : i32
    %dma_start3A_54 = tpu.memref_slice %arg2[%dma_start3A_42, %add3A, %dma_start3A_53] : memref<25x32x1024xi32, #tpu.memory_space<hbm>> -> memref<1x1x1024xi32, #tpu.memory_space<hbm>>
    %dma_start3A_55 = tpu.memref_squeeze %dma_start3A_54 : memref<1x1x1024xi32, #tpu.memory_space<hbm>> -> memref<1024xi32, #tpu.memory_space<hbm>>
    tpu.enqueue_dma source(%dma_start3A_55 : memref<1024xi32, #tpu.memory_space<hbm>>) target(%dma_start3A_52 : memref<1024xi32, #tpu.memory_space<vmem>>) target_semaphore(%arg10 : memref<!tpu.dma_semaphore, #tpu.memory_space<semaphore_mem>>)
    %dma_start3A_56 = arith.constant 4 : i32
    %dma_start3A_57 = arith.constant 4 : i32
    %dma_start3A_58 = arith.constant 0 : i32
    %dma_start3A_59 = tpu.memref_slice %arg9[%dma_start3A_57, %dma_start3A_58] : memref<25x1024xi32, #tpu.memory_space<vmem>> -> memref<1x1024xi32, #tpu.memory_space<vmem>>
    %dma_start3A_60 = tpu.memref_squeeze %dma_start3A_59 : memref<1x1024xi32, #tpu.memory_space<vmem>> -> memref<1024xi32, #tpu.memory_space<vmem>>
    %dma_start3A_61 = arith.constant 0 : i32
    %dma_start3A_62 = tpu.memref_slice %arg2[%dma_start3A_56, %add3A, %dma_start3A_61] : memref<25x32x1024xi32, #tpu.memory_space<hbm>> -> memref<1x1x1024xi32, #tpu.memory_space<hbm>>
    %dma_start3A_63 = tpu.memref_squeeze %dma_start3A_62 : memref<1x1x1024xi32, #tpu.memory_space<hbm>> -> memref<1024xi32, #tpu.memory_space<hbm>>
    %dma_start3A_64 = arith.constant 0 : i32
    %dma_start3A_65 = tpu.memref_slice %arg9[%dma_start3A_57, %dma_start3A_64] : memref<25x1024xi32, #tpu.memory_space<vmem>> -> memref<1x1024xi32, #tpu.memory_space<vmem>>
    %dma_start3A_66 = tpu.memref_squeeze %dma_start3A_65 : memref<1x1024xi32, #tpu.memory_space<vmem>> -> memref<1024xi32, #tpu.memory_space<vmem>>
    %dma_start3A_67 = arith.constant 0 : i32
    %dma_start3A_68 = tpu.memref_slice %arg2[%dma_start3A_56, %add3A, %dma_start3A_67] : memref<25x32x1024xi32, #tpu.memory_space<hbm>> -> memref<1x1x1024xi32, #tpu.memory_space<hbm>>
    %dma_start3A_69 = tpu.memref_squeeze %dma_start3A_68 : memref<1x1x1024xi32, #tpu.memory_space<hbm>> -> memref<1024xi32, #tpu.memory_space<hbm>>
    tpu.enqueue_dma source(%dma_start3A_69 : memref<1024xi32, #tpu.memory_space<hbm>>) target(%dma_start3A_66 : memref<1024xi32, #tpu.memory_space<vmem>>) target_semaphore(%arg10 : memref<!tpu.dma_semaphore, #tpu.memory_space<semaphore_mem>>)
    %dma_start3A_70 = arith.constant 5 : i32
    %dma_start3A_71 = arith.constant 5 : i32
    %dma_start3A_72 = arith.constant 0 : i32
    %dma_start3A_73 = tpu.memref_slice %arg9[%dma_start3A_71, %dma_start3A_72] : memref<25x1024xi32, #tpu.memory_space<vmem>> -> memref<1x1024xi32, #tpu.memory_space<vmem>>
    %dma_start3A_74 = tpu.memref_squeeze %dma_start3A_73 : memref<1x1024xi32, #tpu.memory_space<vmem>> -> memref<1024xi32, #tpu.memory_space<vmem>>
    %dma_start3A_75 = arith.constant 0 : i32
    %dma_start3A_76 = tpu.memref_slice %arg2[%dma_start3A_70, %add3A, %dma_start3A_75] : memref<25x32x1024xi32, #tpu.memory_space<hbm>> -> memref<1x1x1024xi32, #tpu.memory_space<hbm>>
    %dma_start3A_77 = tpu.memref_squeeze %dma_start3A_76 : memref<1x1x1024xi32, #tpu.memory_space<hbm>> -> memref<1024xi32, #tpu.memory_space<hbm>>
    %dma_start3A_78 = arith.constant 0 : i32
    %dma_start3A_79 = tpu.memref_slice %arg9[%dma_start3A_71, %dma_start3A_78] : memref<25x1024xi32, #tpu.memory_space<vmem>> -> memref<1x1024xi32, #tpu.memory_space<vmem>>
    %dma_start3A_80 = tpu.memref_squeeze %dma_start3A_79 : memref<1x1024xi32, #tpu.memory_space<vmem>> -> memref<1024xi32, #tpu.memory_space<vmem>>
    %dma_start3A_81 = arith.constant 0 : i32
    %dma_start3A_82 = tpu.memref_slice %arg2[%dma_start3A_70, %add3A, %dma_start3A_81] : memref<25x32x1024xi32, #tpu.memory_space<hbm>> -> memref<1x1x1024xi32, #tpu.memory_space<hbm>>
    %dma_start3A_83 = tpu.memref_squeeze %dma_start3A_82 : memref<1x1x1024xi32, #tpu.memory_space<hbm>> -> memref<1024xi32, #tpu.memory_space<hbm>>
    tpu.enqueue_dma source(%dma_start3A_83 : memref<1024xi32, #tpu.memory_space<hbm>>) target(%dma_start3A_80 : memref<1024xi32, #tpu.memory_space<vmem>>) target_semaphore(%arg10 : memref<!tpu.dma_semaphore, #tpu.memory_space<semaphore_mem>>)
    %dma_start3A_84 = arith.constant 6 : i32
    %dma_start3A_85 = arith.constant 6 : i32
    %dma_start3A_86 = arith.constant 0 : i32
    %dma_start3A_87 = tpu.memref_slice %arg9[%dma_start3A_85, %dma_start3A_86] : memref<25x1024xi32, #tpu.memory_space<vmem>> -> memref<1x1024xi32, #tpu.memory_space<vmem>>
    %dma_start3A_88 = tpu.memref_squeeze %dma_start3A_87 : memref<1x1024xi32, #tpu.memory_space<vmem>> -> memref<1024xi32, #tpu.memory_space<vmem>>
    %dma_start3A_89 = arith.constant 0 : i32
    %dma_start3A_90 = tpu.memref_slice %arg2[%dma_start3A_84, %add3A, %dma_start3A_89] : memref<25x32x1024xi32, #tpu.memory_space<hbm>> -> memref<1x1x1024xi32, #tpu.memory_space<hbm>>
    %dma_start3A_91 = tpu.memref_squeeze %dma_start3A_90 : memref<1x1x1024xi32, #tpu.memory_space<hbm>> -> memref<1024xi32, #tpu.memory_space<hbm>>
    %dma_start3A_92 = arith.constant 0 : i32
    %dma_start3A_93 = tpu.memref_slice %arg9[%dma_start3A_85, %dma_start3A_92] : memref<25x1024xi32, #tpu.memory_space<vmem>> -> memref<1x1024xi32, #tpu.memory_space<vmem>>
    %dma_start3A_94 = tpu.memref_squeeze %dma_start3A_93 : memref<1x1024xi32, #tpu.memory_space<vmem>> -> memref<1024xi32, #tpu.memory_space<vmem>>
    %dma_start3A_95 = arith.constant 0 : i32
    %dma_start3A_96 = tpu.memref_slice %arg2[%dma_start3A_84, %add3A, %dma_start3A_95] : memref<25x32x1024xi32, #tpu.memory_space<hbm>> -> memref<1x1x1024xi32, #tpu.memory_space<hbm>>
    %dma_start3A_97 = tpu.memref_squeeze %dma_start3A_96 : memref<1x1x1024xi32, #tpu.memory_space<hbm>> -> memref<1024xi32, #tpu.memory_space<hbm>>
    tpu.enqueue_dma source(%dma_start3A_97 : memref<1024xi32, #tpu.memory_space<hbm>>) target(%dma_start3A_94 : memref<1024xi32, #tpu.memory_space<vmem>>) target_semaphore(%arg10 : memref<!tpu.dma_semaphore, #tpu.memory_space<semaphore_mem>>)
    %dma_start3A_98 = arith.constant 7 : i32
    %dma_start3A_99 = arith.constant 7 : i32
    %dma_start3A_100 = arith.constant 0 : i32
    %dma_start3A_101 = tpu.memref_slice %arg9[%dma_start3A_99, %dma_start3A_100] : memref<25x1024xi32, #tpu.memory_space<vmem>> -> memref<1x1024xi32, #tpu.memory_space<vmem>>
    %dma_start3A_102 = tpu.memref_squeeze %dma_start3A_101 : memref<1x1024xi32, #tpu.memory_space<vmem>> -> memref<1024xi32, #tpu.memory_space<vmem>>
    %dma_start3A_103 = arith.constant 0 : i32
    %dma_start3A_104 = tpu.memref_slice %arg2[%dma_start3A_98, %add3A, %dma_start3A_103] : memref<25x32x1024xi32, #tpu.memory_space<hbm>> -> memref<1x1x1024xi32, #tpu.memory_space<hbm>>
    %dma_start3A_105 = tpu.memref_squeeze %dma_start3A_104 : memref<1x1x1024xi32, #tpu.memory_space<hbm>> -> memref<1024xi32, #tpu.memory_space<hbm>>
    %dma_start3A_106 = arith.constant 0 : i32
    %dma_start3A_107 = tpu.memref_slice %arg9[%dma_start3A_99, %dma_start3A_106] : memref<25x1024xi32, #tpu.memory_space<vmem>> -> memref<1x1024xi32, #tpu.memory_space<vmem>>
    %dma_start3A_108 = tpu.memref_squeeze %dma_start3A_107 : memref<1x1024xi32, #tpu.memory_space<vmem>> -> memref<1024xi32, #tpu.memory_space<vmem>>
    %dma_start3A_109 = arith.constant 0 : i32
    %dma_start3A_110 = tpu.memref_slice %arg2[%dma_start3A_98, %add3A, %dma_start3A_109] : memref<25x32x1024xi32, #tpu.memory_space<hbm>> -> memref<1x1x1024xi32, #tpu.memory_space<hbm>>
    %dma_start3A_111 = tpu.memref_squeeze %dma_start3A_110 : memref<1x1x1024xi32, #tpu.memory_space<hbm>> -> memref<1024xi32, #tpu.memory_space<hbm>>
    tpu.enqueue_dma source(%dma_start3A_111 : memref<1024xi32, #tpu.memory_space<hbm>>) target(%dma_start3A_108 : memref<1024xi32, #tpu.memory_space<vmem>>) target_semaphore(%arg10 : memref<!tpu.dma_semaphore, #tpu.memory_space<semaphore_mem>>)
    %dma_start3A_112 = arith.constant 8 : i32
    %dma_start3A_113 = arith.constant 8 : i32
    %dma_start3A_114 = arith.constant 0 : i32
    %dma_start3A_115 = tpu.memref_slice %arg9[%dma_start3A_113, %dma_start3A_114] : memref<25x1024xi32, #tpu.memory_space<vmem>> -> memref<1x1024xi32, #tpu.memory_space<vmem>>
    %dma_start3A_116 = tpu.memref_squeeze %dma_start3A_115 : memref<1x1024xi32, #tpu.memory_space<vmem>> -> memref<1024xi32, #tpu.memory_space<vmem>>
    %dma_start3A_117 = arith.constant 0 : i32
    %dma_start3A_118 = tpu.memref_slice %arg2[%dma_start3A_112, %add3A, %dma_start3A_117] : memref<25x32x1024xi32, #tpu.memory_space<hbm>> -> memref<1x1x1024xi32, #tpu.memory_space<hbm>>
    %dma_start3A_119 = tpu.memref_squeeze %dma_start3A_118 : memref<1x1x1024xi32, #tpu.memory_space<hbm>> -> memref<1024xi32, #tpu.memory_space<hbm>>
    %dma_start3A_120 = arith.constant 0 : i32
    %dma_start3A_121 = tpu.memref_slice %arg9[%dma_start3A_113, %dma_start3A_120] : memref<25x1024xi32, #tpu.memory_space<vmem>> -> memref<1x1024xi32, #tpu.memory_space<vmem>>
    %dma_start3A_122 = tpu.memref_squeeze %dma_start3A_121 : memref<1x1024xi32, #tpu.memory_space<vmem>> -> memref<1024xi32, #tpu.memory_space<vmem>>
    %dma_start3A_123 = arith.constant 0 : i32
    %dma_start3A_124 = tpu.memref_slice %arg2[%dma_start3A_112, %add3A, %dma_start3A_123] : memref<25x32x1024xi32, #tpu.memory_space<hbm>> -> memref<1x1x1024xi32, #tpu.memory_space<hbm>>
    %dma_start3A_125 = tpu.memref_squeeze %dma_start3A_124 : memref<1x1x1024xi32, #tpu.memory_space<hbm>> -> memref<1024xi32, #tpu.memory_space<hbm>>
    tpu.enqueue_dma source(%dma_start3A_125 : memref<1024xi32, #tpu.memory_space<hbm>>) target(%dma_start3A_122 : memref<1024xi32, #tpu.memory_space<vmem>>) target_semaphore(%arg10 : memref<!tpu.dma_semaphore, #tpu.memory_space<semaphore_mem>>)
    %dma_start3A_126 = arith.constant 9 : i32
    %dma_start3A_127 = arith.constant 9 : i32
    %dma_start3A_128 = arith.constant 0 : i32
    %dma_start3A_129 = tpu.memref_slice %arg9[%dma_start3A_127, %dma_start3A_128] : memref<25x1024xi32, #tpu.memory_space<vmem>> -> memref<1x1024xi32, #tpu.memory_space<vmem>>
    %dma_start3A_130 = tpu.memref_squeeze %dma_start3A_129 : memref<1x1024xi32, #tpu.memory_space<vmem>> -> memref<1024xi32, #tpu.memory_space<vmem>>
    %dma_start3A_131 = arith.constant 0 : i32
    %dma_start3A_132 = tpu.memref_slice %arg2[%dma_start3A_126, %add3A, %dma_start3A_131] : memref<25x32x1024xi32, #tpu.memory_space<hbm>> -> memref<1x1x1024xi32, #tpu.memory_space<hbm>>
    %dma_start3A_133 = tpu.memref_squeeze %dma_start3A_132 : memref<1x1x1024xi32, #tpu.memory_space<hbm>> -> memref<1024xi32, #tpu.memory_space<hbm>>
    %dma_start3A_134 = arith.constant 0 : i32
    %dma_start3A_135 = tpu.memref_slice %arg9[%dma_start3A_127, %dma_start3A_134] : memref<25x1024xi32, #tpu.memory_space<vmem>> -> memref<1x1024xi32, #tpu.memory_space<vmem>>
    %dma_start3A_136 = tpu.memref_squeeze %dma_start3A_135 : memref<1x1024xi32, #tpu.memory_space<vmem>> -> memref<1024xi32, #tpu.memory_space<vmem>>
    %dma_start3A_137 = arith.constant 0 : i32
    %dma_start3A_138 = tpu.memref_slice %arg2[%dma_start3A_126, %add3A, %dma_start3A_137] : memref<25x32x1024xi32, #tpu.memory_space<hbm>> -> memref<1x1x1024xi32, #tpu.memory_space<hbm>>
    %dma_start3A_139 = tpu.memref_squeeze %dma_start3A_138 : memref<1x1x1024xi32, #tpu.memory_space<hbm>> -> memref<1024xi32, #tpu.memory_space<hbm>>
    tpu.enqueue_dma source(%dma_start3A_139 : memref<1024xi32, #tpu.memory_space<hbm>>) target(%dma_start3A_136 : memref<1024xi32, #tpu.memory_space<vmem>>) target_semaphore(%arg10 : memref<!tpu.dma_semaphore, #tpu.memory_space<semaphore_mem>>)
    %dma_start3A_140 = arith.constant 10 : i32
    %dma_start3A_141 = arith.constant 10 : i32
    %dma_start3A_142 = arith.constant 0 : i32
    %dma_start3A_143 = tpu.memref_slice %arg9[%dma_start3A_141, %dma_start3A_142] : memref<25x1024xi32, #tpu.memory_space<vmem>> -> memref<1x1024xi32, #tpu.memory_space<vmem>>
    %dma_start3A_144 = tpu.memref_squeeze %dma_start3A_143 : memref<1x1024xi32, #tpu.memory_space<vmem>> -> memref<1024xi32, #tpu.memory_space<vmem>>
    %dma_start3A_145 = arith.constant 0 : i32
    %dma_start3A_146 = tpu.memref_slice %arg2[%dma_start3A_140, %add3A, %dma_start3A_145] : memref<25x32x1024xi32, #tpu.memory_space<hbm>> -> memref<1x1x1024xi32, #tpu.memory_space<hbm>>
    %dma_start3A_147 = tpu.memref_squeeze %dma_start3A_146 : memref<1x1x1024xi32, #tpu.memory_space<hbm>> -> memref<1024xi32, #tpu.memory_space<hbm>>
    %dma_start3A_148 = arith.constant 0 : i32
    %dma_start3A_149 = tpu.memref_slice %arg9[%dma_start3A_141, %dma_start3A_148] : memref<25x1024xi32, #tpu.memory_space<vmem>> -> memref<1x1024xi32, #tpu.memory_space<vmem>>
    %dma_start3A_150 = tpu.memref_squeeze %dma_start3A_149 : memref<1x1024xi32, #tpu.memory_space<vmem>> -> memref<1024xi32, #tpu.memory_space<vmem>>
    %dma_start3A_151 = arith.constant 0 : i32
    %dma_start3A_152 = tpu.memref_slice %arg2[%dma_start3A_140, %add3A, %dma_start3A_151] : memref<25x32x1024xi32, #tpu.memory_space<hbm>> -> memref<1x1x1024xi32, #tpu.memory_space<hbm>>
    %dma_start3A_153 = tpu.memref_squeeze %dma_start3A_152 : memref<1x1x1024xi32, #tpu.memory_space<hbm>> -> memref<1024xi32, #tpu.memory_space<hbm>>
    tpu.enqueue_dma source(%dma_start3A_153 : memref<1024xi32, #tpu.memory_space<hbm>>) target(%dma_start3A_150 : memref<1024xi32, #tpu.memory_space<vmem>>) target_semaphore(%arg10 : memref<!tpu.dma_semaphore, #tpu.memory_space<semaphore_mem>>)
    %dma_start3A_154 = arith.constant 11 : i32
    %dma_start3A_155 = arith.constant 11 : i32
    %dma_start3A_156 = arith.constant 0 : i32
    %dma_start3A_157 = tpu.memref_slice %arg9[%dma_start3A_155, %dma_start3A_156] : memref<25x1024xi32, #tpu.memory_space<vmem>> -> memref<1x1024xi32, #tpu.memory_space<vmem>>
    %dma_start3A_158 = tpu.memref_squeeze %dma_start3A_157 : memref<1x1024xi32, #tpu.memory_space<vmem>> -> memref<1024xi32, #tpu.memory_space<vmem>>
    %dma_start3A_159 = arith.constant 0 : i32
    %dma_start3A_160 = tpu.memref_slice %arg2[%dma_start3A_154, %add3A, %dma_start3A_159] : memref<25x32x1024xi32, #tpu.memory_space<hbm>> -> memref<1x1x1024xi32, #tpu.memory_space<hbm>>
    %dma_start3A_161 = tpu.memref_squeeze %dma_start3A_160 : memref<1x1x1024xi32, #tpu.memory_space<hbm>> -> memref<1024xi32, #tpu.memory_space<hbm>>
    %dma_start3A_162 = arith.constant 0 : i32
    %dma_start3A_163 = tpu.memref_slice %arg9[%dma_start3A_155, %dma_start3A_162] : memref<25x1024xi32, #tpu.memory_space<vmem>> -> memref<1x1024xi32, #tpu.memory_space<vmem>>
    %dma_start3A_164 = tpu.memref_squeeze %dma_start3A_163 : memref<1x1024xi32, #tpu.memory_space<vmem>> -> memref<1024xi32, #tpu.memory_space<vmem>>
    %dma_start3A_165 = arith.constant 0 : i32
    %dma_start3A_166 = tpu.memref_slice %arg2[%dma_start3A_154, %add3A, %dma_start3A_165] : memref<25x32x1024xi32, #tpu.memory_space<hbm>> -> memref<1x1x1024xi32, #tpu.memory_space<hbm>>
    %dma_start3A_167 = tpu.memref_squeeze %dma_start3A_166 : memref<1x1x1024xi32, #tpu.memory_space<hbm>> -> memref<1024xi32, #tpu.memory_space<hbm>>
    tpu.enqueue_dma source(%dma_start3A_167 : memref<1024xi32, #tpu.memory_space<hbm>>) target(%dma_start3A_164 : memref<1024xi32, #tpu.memory_space<vmem>>) target_semaphore(%arg10 : memref<!tpu.dma_semaphore, #tpu.memory_space<semaphore_mem>>)
    %dma_start3A_168 = arith.constant 12 : i32
    %dma_start3A_169 = arith.constant 12 : i32
    %dma_start3A_170 = arith.constant 0 : i32
    %dma_start3A_171 = tpu.memref_slice %arg9[%dma_start3A_169, %dma_start3A_170] : memref<25x1024xi32, #tpu.memory_space<vmem>> -> memref<1x1024xi32, #tpu.memory_space<vmem>>
    %dma_start3A_172 = tpu.memref_squeeze %dma_start3A_171 : memref<1x1024xi32, #tpu.memory_space<vmem>> -> memref<1024xi32, #tpu.memory_space<vmem>>
    %dma_start3A_173 = arith.constant 0 : i32
    %dma_start3A_174 = tpu.memref_slice %arg2[%dma_start3A_168, %add3A, %dma_start3A_173] : memref<25x32x1024xi32, #tpu.memory_space<hbm>> -> memref<1x1x1024xi32, #tpu.memory_space<hbm>>
    %dma_start3A_175 = tpu.memref_squeeze %dma_start3A_174 : memref<1x1x1024xi32, #tpu.memory_space<hbm>> -> memref<1024xi32, #tpu.memory_space<hbm>>
    %dma_start3A_176 = arith.constant 0 : i32
    %dma_start3A_177 = tpu.memref_slice %arg9[%dma_start3A_169, %dma_start3A_176] : memref<25x1024xi32, #tpu.memory_space<vmem>> -> memref<1x1024xi32, #tpu.memory_space<vmem>>
    %dma_start3A_178 = tpu.memref_squeeze %dma_start3A_177 : memref<1x1024xi32, #tpu.memory_space<vmem>> -> memref<1024xi32, #tpu.memory_space<vmem>>
    %dma_start3A_179 = arith.constant 0 : i32
    %dma_start3A_180 = tpu.memref_slice %arg2[%dma_start3A_168, %add3A, %dma_start3A_179] : memref<25x32x1024xi32, #tpu.memory_space<hbm>> -> memref<1x1x1024xi32, #tpu.memory_space<hbm>>
    %dma_start3A_181 = tpu.memref_squeeze %dma_start3A_180 : memref<1x1x1024xi32, #tpu.memory_space<hbm>> -> memref<1024xi32, #tpu.memory_space<hbm>>
    tpu.enqueue_dma source(%dma_start3A_181 : memref<1024xi32, #tpu.memory_space<hbm>>) target(%dma_start3A_178 : memref<1024xi32, #tpu.memory_space<vmem>>) target_semaphore(%arg10 : memref<!tpu.dma_semaphore, #tpu.memory_space<semaphore_mem>>)
    %dma_start3A_182 = arith.constant 13 : i32
    %dma_start3A_183 = arith.constant 13 : i32
    %dma_start3A_184 = arith.constant 0 : i32
    %dma_start3A_185 = tpu.memref_slice %arg9[%dma_start3A_183, %dma_start3A_184] : memref<25x1024xi32, #tpu.memory_space<vmem>> -> memref<1x1024xi32, #tpu.memory_space<vmem>>
    %dma_start3A_186 = tpu.memref_squeeze %dma_start3A_185 : memref<1x1024xi32, #tpu.memory_space<vmem>> -> memref<1024xi32, #tpu.memory_space<vmem>>
    %dma_start3A_187 = arith.constant 0 : i32
    %dma_start3A_188 = tpu.memref_slice %arg2[%dma_start3A_182, %add3A, %dma_start3A_187] : memref<25x32x1024xi32, #tpu.memory_space<hbm>> -> memref<1x1x1024xi32, #tpu.memory_space<hbm>>
    %dma_start3A_189 = tpu.memref_squeeze %dma_start3A_188 : memref<1x1x1024xi32, #tpu.memory_space<hbm>> -> memref<1024xi32, #tpu.memory_space<hbm>>
    %dma_start3A_190 = arith.constant 0 : i32
    %dma_start3A_191 = tpu.memref_slice %arg9[%dma_start3A_183, %dma_start3A_190] : memref<25x1024xi32, #tpu.memory_space<vmem>> -> memref<1x1024xi32, #tpu.memory_space<vmem>>
    %dma_start3A_192 = tpu.memref_squeeze %dma_start3A_191 : memref<1x1024xi32, #tpu.memory_space<vmem>> -> memref<1024xi32, #tpu.memory_space<vmem>>
    %dma_start3A_193 = arith.constant 0 : i32
    %dma_start3A_194 = tpu.memref_slice %arg2[%dma_start3A_182, %add3A, %dma_start3A_193] : memref<25x32x1024xi32, #tpu.memory_space<hbm>> -> memref<1x1x1024xi32, #tpu.memory_space<hbm>>
    %dma_start3A_195 = tpu.memref_squeeze %dma_start3A_194 : memref<1x1x1024xi32, #tpu.memory_space<hbm>> -> memref<1024xi32, #tpu.memory_space<hbm>>
    tpu.enqueue_dma source(%dma_start3A_195 : memref<1024xi32, #tpu.memory_space<hbm>>) target(%dma_start3A_192 : memref<1024xi32, #tpu.memory_space<vmem>>) target_semaphore(%arg10 : memref<!tpu.dma_semaphore, #tpu.memory_space<semaphore_mem>>)
    %dma_start3A_196 = arith.constant 14 : i32
    %dma_start3A_197 = arith.constant 14 : i32
    %dma_start3A_198 = arith.constant 0 : i32
    %dma_start3A_199 = tpu.memref_slice %arg9[%dma_start3A_197, %dma_start3A_198] : memref<25x1024xi32, #tpu.memory_space<vmem>> -> memref<1x1024xi32, #tpu.memory_space<vmem>>
    %dma_start3A_200 = tpu.memref_squeeze %dma_start3A_199 : memref<1x1024xi32, #tpu.memory_space<vmem>> -> memref<1024xi32, #tpu.memory_space<vmem>>
    %dma_start3A_201 = arith.constant 0 : i32
    %dma_start3A_202 = tpu.memref_slice %arg2[%dma_start3A_196, %add3A, %dma_start3A_201] : memref<25x32x1024xi32, #tpu.memory_space<hbm>> -> memref<1x1x1024xi32, #tpu.memory_space<hbm>>
    %dma_start3A_203 = tpu.memref_squeeze %dma_start3A_202 : memref<1x1x1024xi32, #tpu.memory_space<hbm>> -> memref<1024xi32, #tpu.memory_space<hbm>>
    %dma_start3A_204 = arith.constant 0 : i32
    %dma_start3A_205 = tpu.memref_slice %arg9[%dma_start3A_197, %dma_start3A_204] : memref<25x1024xi32, #tpu.memory_space<vmem>> -> memref<1x1024xi32, #tpu.memory_space<vmem>>
    %dma_start3A_206 = tpu.memref_squeeze %dma_start3A_205 : memref<1x1024xi32, #tpu.memory_space<vmem>> -> memref<1024xi32, #tpu.memory_space<vmem>>
    %dma_start3A_207 = arith.constant 0 : i32
    %dma_start3A_208 = tpu.memref_slice %arg2[%dma_start3A_196, %add3A, %dma_start3A_207] : memref<25x32x1024xi32, #tpu.memory_space<hbm>> -> memref<1x1x1024xi32, #tpu.memory_space<hbm>>
    %dma_start3A_209 = tpu.memref_squeeze %dma_start3A_208 : memref<1x1x1024xi32, #tpu.memory_space<hbm>> -> memref<1024xi32, #tpu.memory_space<hbm>>
    tpu.enqueue_dma source(%dma_start3A_209 : memref<1024xi32, #tpu.memory_space<hbm>>) target(%dma_start3A_206 : memref<1024xi32, #tpu.memory_space<vmem>>) target_semaphore(%arg10 : memref<!tpu.dma_semaphore, #tpu.memory_space<semaphore_mem>>)
    %dma_start3A_210 = arith.constant 15 : i32
    %dma_start3A_211 = arith.constant 15 : i32
    %dma_start3A_212 = arith.constant 0 : i32
    %dma_start3A_213 = tpu.memref_slice %arg9[%dma_start3A_211, %dma_start3A_212] : memref<25x1024xi32, #tpu.memory_space<vmem>> -> memref<1x1024xi32, #tpu.memory_space<vmem>>
    %dma_start3A_214 = tpu.memref_squeeze %dma_start3A_213 : memref<1x1024xi32, #tpu.memory_space<vmem>> -> memref<1024xi32, #tpu.memory_space<vmem>>
    %dma_start3A_215 = arith.constant 0 : i32
    %dma_start3A_216 = tpu.memref_slice %arg2[%dma_start3A_210, %add3A, %dma_start3A_215] : memref<25x32x1024xi32, #tpu.memory_space<hbm>> -> memref<1x1x1024xi32, #tpu.memory_space<hbm>>
    %dma_start3A_217 = tpu.memref_squeeze %dma_start3A_216 : memref<1x1x1024xi32, #tpu.memory_space<hbm>> -> memref<1024xi32, #tpu.memory_space<hbm>>
    %dma_start3A_218 = arith.constant 0 : i32
    %dma_start3A_219 = tpu.memref_slice %arg9[%dma_start3A_211, %dma_start3A_218] : memref<25x1024xi32, #tpu.memory_space<vmem>> -> memref<1x1024xi32, #tpu.memory_space<vmem>>
    %dma_start3A_220 = tpu.memref_squeeze %dma_start3A_219 : memref<1x1024xi32, #tpu.memory_space<vmem>> -> memref<1024xi32, #tpu.memory_space<vmem>>
    %dma_start3A_221 = arith.constant 0 : i32
    %dma_start3A_222 = tpu.memref_slice %arg2[%dma_start3A_210, %add3A, %dma_start3A_221] : memref<25x32x1024xi32, #tpu.memory_space<hbm>> -> memref<1x1x1024xi32, #tpu.memory_space<hbm>>
    %dma_start3A_223 = tpu.memref_squeeze %dma_start3A_222 : memref<1x1x1024xi32, #tpu.memory_space<hbm>> -> memref<1024xi32, #tpu.memory_space<hbm>>
    tpu.enqueue_dma source(%dma_start3A_223 : memref<1024xi32, #tpu.memory_space<hbm>>) target(%dma_start3A_220 : memref<1024xi32, #tpu.memory_space<vmem>>) target_semaphore(%arg10 : memref<!tpu.dma_semaphore, #tpu.memory_space<semaphore_mem>>)
    %dma_start3A_224 = arith.constant 16 : i32
    %dma_start3A_225 = arith.constant 16 : i32
    %dma_start3A_226 = arith.constant 0 : i32
    %dma_start3A_227 = tpu.memref_slice %arg9[%dma_start3A_225, %dma_start3A_226] : memref<25x1024xi32, #tpu.memory_space<vmem>> -> memref<1x1024xi32, #tpu.memory_space<vmem>>
    %dma_start3A_228 = tpu.memref_squeeze %dma_start3A_227 : memref<1x1024xi32, #tpu.memory_space<vmem>> -> memref<1024xi32, #tpu.memory_space<vmem>>
    %dma_start3A_229 = arith.constant 0 : i32
    %dma_start3A_230 = tpu.memref_slice %arg2[%dma_start3A_224, %add3A, %dma_start3A_229] : memref<25x32x1024xi32, #tpu.memory_space<hbm>> -> memref<1x1x1024xi32, #tpu.memory_space<hbm>>
    %dma_start3A_231 = tpu.memref_squeeze %dma_start3A_230 : memref<1x1x1024xi32, #tpu.memory_space<hbm>> -> memref<1024xi32, #tpu.memory_space<hbm>>
    %dma_start3A_232 = arith.constant 0 : i32
    %dma_start3A_233 = tpu.memref_slice %arg9[%dma_start3A_225, %dma_start3A_232] : memref<25x1024xi32, #tpu.memory_space<vmem>> -> memref<1x1024xi32, #tpu.memory_space<vmem>>
    %dma_start3A_234 = tpu.memref_squeeze %dma_start3A_233 : memref<1x1024xi32, #tpu.memory_space<vmem>> -> memref<1024xi32, #tpu.memory_space<vmem>>
    %dma_start3A_235 = arith.constant 0 : i32
    %dma_start3A_236 = tpu.memref_slice %arg2[%dma_start3A_224, %add3A, %dma_start3A_235] : memref<25x32x1024xi32, #tpu.memory_space<hbm>> -> memref<1x1x1024xi32, #tpu.memory_space<hbm>>
    %dma_start3A_237 = tpu.memref_squeeze %dma_start3A_236 : memref<1x1x1024xi32, #tpu.memory_space<hbm>> -> memref<1024xi32, #tpu.memory_space<hbm>>
    tpu.enqueue_dma source(%dma_start3A_237 : memref<1024xi32, #tpu.memory_space<hbm>>) target(%dma_start3A_234 : memref<1024xi32, #tpu.memory_space<vmem>>) target_semaphore(%arg10 : memref<!tpu.dma_semaphore, #tpu.memory_space<semaphore_mem>>)
    %dma_start3A_238 = arith.constant 17 : i32
    %dma_start3A_239 = arith.constant 17 : i32
    %dma_start3A_240 = arith.constant 0 : i32
    %dma_start3A_241 = tpu.memref_slice %arg9[%dma_start3A_239, %dma_start3A_240] : memref<25x1024xi32, #tpu.memory_space<vmem>> -> memref<1x1024xi32, #tpu.memory_space<vmem>>
    %dma_start3A_242 = tpu.memref_squeeze %dma_start3A_241 : memref<1x1024xi32, #tpu.memory_space<vmem>> -> memref<1024xi32, #tpu.memory_space<vmem>>
    %dma_start3A_243 = arith.constant 0 : i32
    %dma_start3A_244 = tpu.memref_slice %arg2[%dma_start3A_238, %add3A, %dma_start3A_243] : memref<25x32x1024xi32, #tpu.memory_space<hbm>> -> memref<1x1x1024xi32, #tpu.memory_space<hbm>>
    %dma_start3A_245 = tpu.memref_squeeze %dma_start3A_244 : memref<1x1x1024xi32, #tpu.memory_space<hbm>> -> memref<1024xi32, #tpu.memory_space<hbm>>
    %dma_start3A_246 = arith.constant 0 : i32
    %dma_start3A_247 = tpu.memref_slice %arg9[%dma_start3A_239, %dma_start3A_246] : memref<25x1024xi32, #tpu.memory_space<vmem>> -> memref<1x1024xi32, #tpu.memory_space<vmem>>
    %dma_start3A_248 = tpu.memref_squeeze %dma_start3A_247 : memref<1x1024xi32, #tpu.memory_space<vmem>> -> memref<1024xi32, #tpu.memory_space<vmem>>
    %dma_start3A_249 = arith.constant 0 : i32
    %dma_start3A_250 = tpu.memref_slice %arg2[%dma_start3A_238, %add3A, %dma_start3A_249] : memref<25x32x1024xi32, #tpu.memory_space<hbm>> -> memref<1x1x1024xi32, #tpu.memory_space<hbm>>
    %dma_start3A_251 = tpu.memref_squeeze %dma_start3A_250 : memref<1x1x1024xi32, #tpu.memory_space<hbm>> -> memref<1024xi32, #tpu.memory_space<hbm>>
    tpu.enqueue_dma source(%dma_start3A_251 : memref<1024xi32, #tpu.memory_space<hbm>>) target(%dma_start3A_248 : memref<1024xi32, #tpu.memory_space<vmem>>) target_semaphore(%arg10 : memref<!tpu.dma_semaphore, #tpu.memory_space<semaphore_mem>>)
    %dma_start3A_252 = arith.constant 18 : i32
    %dma_start3A_253 = arith.constant 18 : i32
    %dma_start3A_254 = arith.constant 0 : i32
    %dma_start3A_255 = tpu.memref_slice %arg9[%dma_start3A_253, %dma_start3A_254] : memref<25x1024xi32, #tpu.memory_space<vmem>> -> memref<1x1024xi32, #tpu.memory_space<vmem>>
    %dma_start3A_256 = tpu.memref_squeeze %dma_start3A_255 : memref<1x1024xi32, #tpu.memory_space<vmem>> -> memref<1024xi32, #tpu.memory_space<vmem>>
    %dma_start3A_257 = arith.constant 0 : i32
    %dma_start3A_258 = tpu.memref_slice %arg2[%dma_start3A_252, %add3A, %dma_start3A_257] : memref<25x32x1024xi32, #tpu.memory_space<hbm>> -> memref<1x1x1024xi32, #tpu.memory_space<hbm>>
    %dma_start3A_259 = tpu.memref_squeeze %dma_start3A_258 : memref<1x1x1024xi32, #tpu.memory_space<hbm>> -> memref<1024xi32, #tpu.memory_space<hbm>>
    %dma_start3A_260 = arith.constant 0 : i32
    %dma_start3A_261 = tpu.memref_slice %arg9[%dma_start3A_253, %dma_start3A_260] : memref<25x1024xi32, #tpu.memory_space<vmem>> -> memref<1x1024xi32, #tpu.memory_space<vmem>>
    %dma_start3A_262 = tpu.memref_squeeze %dma_start3A_261 : memref<1x1024xi32, #tpu.memory_space<vmem>> -> memref<1024xi32, #tpu.memory_space<vmem>>
    %dma_start3A_263 = arith.constant 0 : i32
    %dma_start3A_264 = tpu.memref_slice %arg2[%dma_start3A_252, %add3A, %dma_start3A_263] : memref<25x32x1024xi32, #tpu.memory_space<hbm>> -> memref<1x1x1024xi32, #tpu.memory_space<hbm>>
    %dma_start3A_265 = tpu.memref_squeeze %dma_start3A_264 : memref<1x1x1024xi32, #tpu.memory_space<hbm>> -> memref<1024xi32, #tpu.memory_space<hbm>>
    tpu.enqueue_dma source(%dma_start3A_265 : memref<1024xi32, #tpu.memory_space<hbm>>) target(%dma_start3A_262 : memref<1024xi32, #tpu.memory_space<vmem>>) target_semaphore(%arg10 : memref<!tpu.dma_semaphore, #tpu.memory_space<semaphore_mem>>)
    %dma_start3A_266 = arith.constant 19 : i32
    %dma_start3A_267 = arith.constant 19 : i32
    %dma_start3A_268 = arith.constant 0 : i32
    %dma_start3A_269 = tpu.memref_slice %arg9[%dma_start3A_267, %dma_start3A_268] : memref<25x1024xi32, #tpu.memory_space<vmem>> -> memref<1x1024xi32, #tpu.memory_space<vmem>>
    %dma_start3A_270 = tpu.memref_squeeze %dma_start3A_269 : memref<1x1024xi32, #tpu.memory_space<vmem>> -> memref<1024xi32, #tpu.memory_space<vmem>>
    %dma_start3A_271 = arith.constant 0 : i32
    %dma_start3A_272 = tpu.memref_slice %arg2[%dma_start3A_266, %add3A, %dma_start3A_271] : memref<25x32x1024xi32, #tpu.memory_space<hbm>> -> memref<1x1x1024xi32, #tpu.memory_space<hbm>>
    %dma_start3A_273 = tpu.memref_squeeze %dma_start3A_272 : memref<1x1x1024xi32, #tpu.memory_space<hbm>> -> memref<1024xi32, #tpu.memory_space<hbm>>
    %dma_start3A_274 = arith.constant 0 : i32
    %dma_start3A_275 = tpu.memref_slice %arg9[%dma_start3A_267, %dma_start3A_274] : memref<25x1024xi32, #tpu.memory_space<vmem>> -> memref<1x1024xi32, #tpu.memory_space<vmem>>
    %dma_start3A_276 = tpu.memref_squeeze %dma_start3A_275 : memref<1x1024xi32, #tpu.memory_space<vmem>> -> memref<1024xi32, #tpu.memory_space<vmem>>
    %dma_start3A_277 = arith.constant 0 : i32
    %dma_start3A_278 = tpu.memref_slice %arg2[%dma_start3A_266, %add3A, %dma_start3A_277] : memref<25x32x1024xi32, #tpu.memory_space<hbm>> -> memref<1x1x1024xi32, #tpu.memory_space<hbm>>
    %dma_start3A_279 = tpu.memref_squeeze %dma_start3A_278 : memref<1x1x1024xi32, #tpu.memory_space<hbm>> -> memref<1024xi32, #tpu.memory_space<hbm>>
    tpu.enqueue_dma source(%dma_start3A_279 : memref<1024xi32, #tpu.memory_space<hbm>>) target(%dma_start3A_276 : memref<1024xi32, #tpu.memory_space<vmem>>) target_semaphore(%arg10 : memref<!tpu.dma_semaphore, #tpu.memory_space<semaphore_mem>>)
    %dma_start3A_280 = arith.constant 20 : i32
    %dma_start3A_281 = arith.constant 20 : i32
    %dma_start3A_282 = arith.constant 0 : i32
    %dma_start3A_283 = tpu.memref_slice %arg9[%dma_start3A_281, %dma_start3A_282] : memref<25x1024xi32, #tpu.memory_space<vmem>> -> memref<1x1024xi32, #tpu.memory_space<vmem>>
    %dma_start3A_284 = tpu.memref_squeeze %dma_start3A_283 : memref<1x1024xi32, #tpu.memory_space<vmem>> -> memref<1024xi32, #tpu.memory_space<vmem>>
    %dma_start3A_285 = arith.constant 0 : i32
    %dma_start3A_286 = tpu.memref_slice %arg2[%dma_start3A_280, %add3A, %dma_start3A_285] : memref<25x32x1024xi32, #tpu.memory_space<hbm>> -> memref<1x1x1024xi32, #tpu.memory_space<hbm>>
    %dma_start3A_287 = tpu.memref_squeeze %dma_start3A_286 : memref<1x1x1024xi32, #tpu.memory_space<hbm>> -> memref<1024xi32, #tpu.memory_space<hbm>>
    %dma_start3A_288 = arith.constant 0 : i32
    %dma_start3A_289 = tpu.memref_slice %arg9[%dma_start3A_281, %dma_start3A_288] : memref<25x1024xi32, #tpu.memory_space<vmem>> -> memref<1x1024xi32, #tpu.memory_space<vmem>>
    %dma_start3A_290 = tpu.memref_squeeze %dma_start3A_289 : memref<1x1024xi32, #tpu.memory_space<vmem>> -> memref<1024xi32, #tpu.memory_space<vmem>>
    %dma_start3A_291 = arith.constant 0 : i32
    %dma_start3A_292 = tpu.memref_slice %arg2[%dma_start3A_280, %add3A, %dma_start3A_291] : memref<25x32x1024xi32, #tpu.memory_space<hbm>> -> memref<1x1x1024xi32, #tpu.memory_space<hbm>>
    %dma_start3A_293 = tpu.memref_squeeze %dma_start3A_292 : memref<1x1x1024xi32, #tpu.memory_space<hbm>> -> memref<1024xi32, #tpu.memory_space<hbm>>
    tpu.enqueue_dma source(%dma_start3A_293 : memref<1024xi32, #tpu.memory_space<hbm>>) target(%dma_start3A_290 : memref<1024xi32, #tpu.memory_space<vmem>>) target_semaphore(%arg10 : memref<!tpu.dma_semaphore, #tpu.memory_space<semaphore_mem>>)
    %dma_start3A_294 = arith.constant 21 : i32
    %dma_start3A_295 = arith.constant 21 : i32
    %dma_start3A_296 = arith.constant 0 : i32
    %dma_start3A_297 = tpu.memref_slice %arg9[%dma_start3A_295, %dma_start3A_296] : memref<25x1024xi32, #tpu.memory_space<vmem>> -> memref<1x1024xi32, #tpu.memory_space<vmem>>
    %dma_start3A_298 = tpu.memref_squeeze %dma_start3A_297 : memref<1x1024xi32, #tpu.memory_space<vmem>> -> memref<1024xi32, #tpu.memory_space<vmem>>
    %dma_start3A_299 = arith.constant 0 : i32
    %dma_start3A_300 = tpu.memref_slice %arg2[%dma_start3A_294, %add3A, %dma_start3A_299] : memref<25x32x1024xi32, #tpu.memory_space<hbm>> -> memref<1x1x1024xi32, #tpu.memory_space<hbm>>
    %dma_start3A_301 = tpu.memref_squeeze %dma_start3A_300 : memref<1x1x1024xi32, #tpu.memory_space<hbm>> -> memref<1024xi32, #tpu.memory_space<hbm>>
    %dma_start3A_302 = arith.constant 0 : i32
    %dma_start3A_303 = tpu.memref_slice %arg9[%dma_start3A_295, %dma_start3A_302] : memref<25x1024xi32, #tpu.memory_space<vmem>> -> memref<1x1024xi32, #tpu.memory_space<vmem>>
    %dma_start3A_304 = tpu.memref_squeeze %dma_start3A_303 : memref<1x1024xi32, #tpu.memory_space<vmem>> -> memref<1024xi32, #tpu.memory_space<vmem>>
    %dma_start3A_305 = arith.constant 0 : i32
    %dma_start3A_306 = tpu.memref_slice %arg2[%dma_start3A_294, %add3A, %dma_start3A_305] : memref<25x32x1024xi32, #tpu.memory_space<hbm>> -> memref<1x1x1024xi32, #tpu.memory_space<hbm>>
    %dma_start3A_307 = tpu.memref_squeeze %dma_start3A_306 : memref<1x1x1024xi32, #tpu.memory_space<hbm>> -> memref<1024xi32, #tpu.memory_space<hbm>>
    tpu.enqueue_dma source(%dma_start3A_307 : memref<1024xi32, #tpu.memory_space<hbm>>) target(%dma_start3A_304 : memref<1024xi32, #tpu.memory_space<vmem>>) target_semaphore(%arg10 : memref<!tpu.dma_semaphore, #tpu.memory_space<semaphore_mem>>)
    %dma_start3A_308 = arith.constant 22 : i32
    %dma_start3A_309 = arith.constant 22 : i32
    %dma_start3A_310 = arith.constant 0 : i32
    %dma_start3A_311 = tpu.memref_slice %arg9[%dma_start3A_309, %dma_start3A_310] : memref<25x1024xi32, #tpu.memory_space<vmem>> -> memref<1x1024xi32, #tpu.memory_space<vmem>>
    %dma_start3A_312 = tpu.memref_squeeze %dma_start3A_311 : memref<1x1024xi32, #tpu.memory_space<vmem>> -> memref<1024xi32, #tpu.memory_space<vmem>>
    %dma_start3A_313 = arith.constant 0 : i32
    %dma_start3A_314 = tpu.memref_slice %arg2[%dma_start3A_308, %add3A, %dma_start3A_313] : memref<25x32x1024xi32, #tpu.memory_space<hbm>> -> memref<1x1x1024xi32, #tpu.memory_space<hbm>>
    %dma_start3A_315 = tpu.memref_squeeze %dma_start3A_314 : memref<1x1x1024xi32, #tpu.memory_space<hbm>> -> memref<1024xi32, #tpu.memory_space<hbm>>
    %dma_start3A_316 = arith.constant 0 : i32
    %dma_start3A_317 = tpu.memref_slice %arg9[%dma_start3A_309, %dma_start3A_316] : memref<25x1024xi32, #tpu.memory_space<vmem>> -> memref<1x1024xi32, #tpu.memory_space<vmem>>
    %dma_start3A_318 = tpu.memref_squeeze %dma_start3A_317 : memref<1x1024xi32, #tpu.memory_space<vmem>> -> memref<1024xi32, #tpu.memory_space<vmem>>
    %dma_start3A_319 = arith.constant 0 : i32
    %dma_start3A_320 = tpu.memref_slice %arg2[%dma_start3A_308, %add3A, %dma_start3A_319] : memref<25x32x1024xi32, #tpu.memory_space<hbm>> -> memref<1x1x1024xi32, #tpu.memory_space<hbm>>
    %dma_start3A_321 = tpu.memref_squeeze %dma_start3A_320 : memref<1x1x1024xi32, #tpu.memory_space<hbm>> -> memref<1024xi32, #tpu.memory_space<hbm>>
    tpu.enqueue_dma source(%dma_start3A_321 : memref<1024xi32, #tpu.memory_space<hbm>>) target(%dma_start3A_318 : memref<1024xi32, #tpu.memory_space<vmem>>) target_semaphore(%arg10 : memref<!tpu.dma_semaphore, #tpu.memory_space<semaphore_mem>>)
    %dma_start3A_322 = arith.constant 23 : i32
    %dma_start3A_323 = arith.constant 23 : i32
    %dma_start3A_324 = arith.constant 0 : i32
    %dma_start3A_325 = tpu.memref_slice %arg9[%dma_start3A_323, %dma_start3A_324] : memref<25x1024xi32, #tpu.memory_space<vmem>> -> memref<1x1024xi32, #tpu.memory_space<vmem>>
    %dma_start3A_326 = tpu.memref_squeeze %dma_start3A_325 : memref<1x1024xi32, #tpu.memory_space<vmem>> -> memref<1024xi32, #tpu.memory_space<vmem>>
    %dma_start3A_327 = arith.constant 0 : i32
    %dma_start3A_328 = tpu.memref_slice %arg2[%dma_start3A_322, %add3A, %dma_start3A_327] : memref<25x32x1024xi32, #tpu.memory_space<hbm>> -> memref<1x1x1024xi32, #tpu.memory_space<hbm>>
    %dma_start3A_329 = tpu.memref_squeeze %dma_start3A_328 : memref<1x1x1024xi32, #tpu.memory_space<hbm>> -> memref<1024xi32, #tpu.memory_space<hbm>>
    %dma_start3A_330 = arith.constant 0 : i32
    %dma_start3A_331 = tpu.memref_slice %arg9[%dma_start3A_323, %dma_start3A_330] : memref<25x1024xi32, #tpu.memory_space<vmem>> -> memref<1x1024xi32, #tpu.memory_space<vmem>>
    %dma_start3A_332 = tpu.memref_squeeze %dma_start3A_331 : memref<1x1024xi32, #tpu.memory_space<vmem>> -> memref<1024xi32, #tpu.memory_space<vmem>>
    %dma_start3A_333 = arith.constant 0 : i32
    %dma_start3A_334 = tpu.memref_slice %arg2[%dma_start3A_322, %add3A, %dma_start3A_333] : memref<25x32x1024xi32, #tpu.memory_space<hbm>> -> memref<1x1x1024xi32, #tpu.memory_space<hbm>>
    %dma_start3A_335 = tpu.memref_squeeze %dma_start3A_334 : memref<1x1x1024xi32, #tpu.memory_space<hbm>> -> memref<1024xi32, #tpu.memory_space<hbm>>
    tpu.enqueue_dma source(%dma_start3A_335 : memref<1024xi32, #tpu.memory_space<hbm>>) target(%dma_start3A_332 : memref<1024xi32, #tpu.memory_space<vmem>>) target_semaphore(%arg10 : memref<!tpu.dma_semaphore, #tpu.memory_space<semaphore_mem>>)
    %dma_start3A_336 = arith.constant 24 : i32
    %dma_start3A_337 = arith.constant 24 : i32
    %dma_start3A_338 = arith.constant 0 : i32
    %dma_start3A_339 = tpu.memref_slice %arg9[%dma_start3A_337, %dma_start3A_338] : memref<25x1024xi32, #tpu.memory_space<vmem>> -> memref<1x1024xi32, #tpu.memory_space<vmem>>
    %dma_start3A_340 = tpu.memref_squeeze %dma_start3A_339 : memref<1x1024xi32, #tpu.memory_space<vmem>> -> memref<1024xi32, #tpu.memory_space<vmem>>
    %dma_start3A_341 = arith.constant 0 : i32
    %dma_start3A_342 = tpu.memref_slice %arg2[%dma_start3A_336, %add3A, %dma_start3A_341] : memref<25x32x1024xi32, #tpu.memory_space<hbm>> -> memref<1x1x1024xi32, #tpu.memory_space<hbm>>
    %dma_start3A_343 = tpu.memref_squeeze %dma_start3A_342 : memref<1x1x1024xi32, #tpu.memory_space<hbm>> -> memref<1024xi32, #tpu.memory_space<hbm>>
    %dma_start3A_344 = arith.constant 0 : i32
    %dma_start3A_345 = tpu.memref_slice %arg9[%dma_start3A_337, %dma_start3A_344] : memref<25x1024xi32, #tpu.memory_space<vmem>> -> memref<1x1024xi32, #tpu.memory_space<vmem>>
    %dma_start3A_346 = tpu.memref_squeeze %dma_start3A_345 : memref<1x1024xi32, #tpu.memory_space<vmem>> -> memref<1024xi32, #tpu.memory_space<vmem>>
    %dma_start3A_347 = arith.constant 0 : i32
    %dma_start3A_348 = tpu.memref_slice %arg2[%dma_start3A_336, %add3A, %dma_start3A_347] : memref<25x32x1024xi32, #tpu.memory_space<hbm>> -> memref<1x1x1024xi32, #tpu.memory_space<hbm>>
    %dma_start3A_349 = tpu.memref_squeeze %dma_start3A_348 : memref<1x1x1024xi32, #tpu.memory_space<hbm>> -> memref<1024xi32, #tpu.memory_space<hbm>>
    tpu.enqueue_dma source(%dma_start3A_349 : memref<1024xi32, #tpu.memory_space<hbm>>) target(%dma_start3A_346 : memref<1024xi32, #tpu.memory_space<vmem>>) target_semaphore(%arg10 : memref<!tpu.dma_semaphore, #tpu.memory_space<semaphore_mem>>)
    %dma_wait3A = arith.constant 0 : i32
    %dma_wait3A_350 = arith.constant 0 : i32
    %dma_wait3A_351 = arith.constant 0 : i32
    %dma_wait3A_352 = tpu.memref_slice %arg9[%dma_wait3A_350, %dma_wait3A_351] : memref<25x1024xi32, #tpu.memory_space<vmem>> -> memref<1x1024xi32, #tpu.memory_space<vmem>>
    %dma_wait3A_353 = tpu.memref_squeeze %dma_wait3A_352 : memref<1x1024xi32, #tpu.memory_space<vmem>> -> memref<1024xi32, #tpu.memory_space<vmem>>
    %dma_wait3A_354 = arith.constant 0 : i32
    %dma_wait3A_355 = tpu.memref_slice %arg2[%dma_wait3A, %add3A, %dma_wait3A_354] : memref<25x32x1024xi32, #tpu.memory_space<hbm>> -> memref<1x1x1024xi32, #tpu.memory_space<hbm>>
    %dma_wait3A_356 = tpu.memref_squeeze %dma_wait3A_355 : memref<1x1x1024xi32, #tpu.memory_space<hbm>> -> memref<1024xi32, #tpu.memory_space<hbm>>
    %dma_wait3A_357 = arith.constant 0 : i32
    %dma_wait3A_358 = tpu.memref_slice %arg9[%dma_wait3A_350, %dma_wait3A_357] : memref<25x1024xi32, #tpu.memory_space<vmem>> -> memref<1x1024xi32, #tpu.memory_space<vmem>>
    %dma_wait3A_359 = tpu.memref_squeeze %dma_wait3A_358 : memref<1x1024xi32, #tpu.memory_space<vmem>> -> memref<1024xi32, #tpu.memory_space<vmem>>
    %dma_wait3A_360 = arith.constant 0 : i32
    %dma_wait3A_361 = tpu.memref_slice %arg2[%dma_wait3A, %add3A, %dma_wait3A_360] : memref<25x32x1024xi32, #tpu.memory_space<hbm>> -> memref<1x1x1024xi32, #tpu.memory_space<hbm>>
    %dma_wait3A_362 = tpu.memref_squeeze %dma_wait3A_361 : memref<1x1x1024xi32, #tpu.memory_space<hbm>> -> memref<1024xi32, #tpu.memory_space<hbm>>
    tpu.wait_dma2 semaphore(%arg10 : memref<!tpu.dma_semaphore, #tpu.memory_space<semaphore_mem>>) src(%dma_wait3A_362 : memref<1024xi32, #tpu.memory_space<hbm>>) dst(%dma_wait3A_359 : memref<1024xi32, #tpu.memory_space<vmem>>)
    %dma_wait3A_363 = arith.constant 1 : i32
    %dma_wait3A_364 = arith.constant 1 : i32
    %dma_wait3A_365 = arith.constant 0 : i32
    %dma_wait3A_366 = tpu.memref_slice %arg9[%dma_wait3A_364, %dma_wait3A_365] : memref<25x1024xi32, #tpu.memory_space<vmem>> -> memref<1x1024xi32, #tpu.memory_space<vmem>>
    %dma_wait3A_367 = tpu.memref_squeeze %dma_wait3A_366 : memref<1x1024xi32, #tpu.memory_space<vmem>> -> memref<1024xi32, #tpu.memory_space<vmem>>
    %dma_wait3A_368 = arith.constant 0 : i32
    %dma_wait3A_369 = tpu.memref_slice %arg2[%dma_wait3A_363, %add3A, %dma_wait3A_368] : memref<25x32x1024xi32, #tpu.memory_space<hbm>> -> memref<1x1x1024xi32, #tpu.memory_space<hbm>>
    %dma_wait3A_370 = tpu.memref_squeeze %dma_wait3A_369 : memref<1x1x1024xi32, #tpu.memory_space<hbm>> -> memref<1024xi32, #tpu.memory_space<hbm>>
    %dma_wait3A_371 = arith.constant 0 : i32
    %dma_wait3A_372 = tpu.memref_slice %arg9[%dma_wait3A_364, %dma_wait3A_371] : memref<25x1024xi32, #tpu.memory_space<vmem>> -> memref<1x1024xi32, #tpu.memory_space<vmem>>
    %dma_wait3A_373 = tpu.memref_squeeze %dma_wait3A_372 : memref<1x1024xi32, #tpu.memory_space<vmem>> -> memref<1024xi32, #tpu.memory_space<vmem>>
    %dma_wait3A_374 = arith.constant 0 : i32
    %dma_wait3A_375 = tpu.memref_slice %arg2[%dma_wait3A_363, %add3A, %dma_wait3A_374] : memref<25x32x1024xi32, #tpu.memory_space<hbm>> -> memref<1x1x1024xi32, #tpu.memory_space<hbm>>
    %dma_wait3A_376 = tpu.memref_squeeze %dma_wait3A_375 : memref<1x1x1024xi32, #tpu.memory_space<hbm>> -> memref<1024xi32, #tpu.memory_space<hbm>>
    tpu.wait_dma2 semaphore(%arg10 : memref<!tpu.dma_semaphore, #tpu.memory_space<semaphore_mem>>) src(%dma_wait3A_376 : memref<1024xi32, #tpu.memory_space<hbm>>) dst(%dma_wait3A_373 : memref<1024xi32, #tpu.memory_space<vmem>>)
    %dma_wait3A_377 = arith.constant 2 : i32
    %dma_wait3A_378 = arith.constant 2 : i32
    %dma_wait3A_379 = arith.constant 0 : i32
    %dma_wait3A_380 = tpu.memref_slice %arg9[%dma_wait3A_378, %dma_wait3A_379] : memref<25x1024xi32, #tpu.memory_space<vmem>> -> memref<1x1024xi32, #tpu.memory_space<vmem>>
    %dma_wait3A_381 = tpu.memref_squeeze %dma_wait3A_380 : memref<1x1024xi32, #tpu.memory_space<vmem>> -> memref<1024xi32, #tpu.memory_space<vmem>>
    %dma_wait3A_382 = arith.constant 0 : i32
    %dma_wait3A_383 = tpu.memref_slice %arg2[%dma_wait3A_377, %add3A, %dma_wait3A_382] : memref<25x32x1024xi32, #tpu.memory_space<hbm>> -> memref<1x1x1024xi32, #tpu.memory_space<hbm>>
    %dma_wait3A_384 = tpu.memref_squeeze %dma_wait3A_383 : memref<1x1x1024xi32, #tpu.memory_space<hbm>> -> memref<1024xi32, #tpu.memory_space<hbm>>
    %dma_wait3A_385 = arith.constant 0 : i32
    %dma_wait3A_386 = tpu.memref_slice %arg9[%dma_wait3A_378, %dma_wait3A_385] : memref<25x1024xi32, #tpu.memory_space<vmem>> -> memref<1x1024xi32, #tpu.memory_space<vmem>>
    %dma_wait3A_387 = tpu.memref_squeeze %dma_wait3A_386 : memref<1x1024xi32, #tpu.memory_space<vmem>> -> memref<1024xi32, #tpu.memory_space<vmem>>
    %dma_wait3A_388 = arith.constant 0 : i32
    %dma_wait3A_389 = tpu.memref_slice %arg2[%dma_wait3A_377, %add3A, %dma_wait3A_388] : memref<25x32x1024xi32, #tpu.memory_space<hbm>> -> memref<1x1x1024xi32, #tpu.memory_space<hbm>>
    %dma_wait3A_390 = tpu.memref_squeeze %dma_wait3A_389 : memref<1x1x1024xi32, #tpu.memory_space<hbm>> -> memref<1024xi32, #tpu.memory_space<hbm>>
    tpu.wait_dma2 semaphore(%arg10 : memref<!tpu.dma_semaphore, #tpu.memory_space<semaphore_mem>>) src(%dma_wait3A_390 : memref<1024xi32, #tpu.memory_space<hbm>>) dst(%dma_wait3A_387 : memref<1024xi32, #tpu.memory_space<vmem>>)
    %dma_wait3A_391 = arith.constant 3 : i32
    %dma_wait3A_392 = arith.constant 3 : i32
    %dma_wait3A_393 = arith.constant 0 : i32
    %dma_wait3A_394 = tpu.memref_slice %arg9[%dma_wait3A_392, %dma_wait3A_393] : memref<25x1024xi32, #tpu.memory_space<vmem>> -> memref<1x1024xi32, #tpu.memory_space<vmem>>
    %dma_wait3A_395 = tpu.memref_squeeze %dma_wait3A_394 : memref<1x1024xi32, #tpu.memory_space<vmem>> -> memref<1024xi32, #tpu.memory_space<vmem>>
    %dma_wait3A_396 = arith.constant 0 : i32
    %dma_wait3A_397 = tpu.memref_slice %arg2[%dma_wait3A_391, %add3A, %dma_wait3A_396] : memref<25x32x1024xi32, #tpu.memory_space<hbm>> -> memref<1x1x1024xi32, #tpu.memory_space<hbm>>
    %dma_wait3A_398 = tpu.memref_squeeze %dma_wait3A_397 : memref<1x1x1024xi32, #tpu.memory_space<hbm>> -> memref<1024xi32, #tpu.memory_space<hbm>>
    %dma_wait3A_399 = arith.constant 0 : i32
    %dma_wait3A_400 = tpu.memref_slice %arg9[%dma_wait3A_392, %dma_wait3A_399] : memref<25x1024xi32, #tpu.memory_space<vmem>> -> memref<1x1024xi32, #tpu.memory_space<vmem>>
    %dma_wait3A_401 = tpu.memref_squeeze %dma_wait3A_400 : memref<1x1024xi32, #tpu.memory_space<vmem>> -> memref<1024xi32, #tpu.memory_space<vmem>>
    %dma_wait3A_402 = arith.constant 0 : i32
    %dma_wait3A_403 = tpu.memref_slice %arg2[%dma_wait3A_391, %add3A, %dma_wait3A_402] : memref<25x32x1024xi32, #tpu.memory_space<hbm>> -> memref<1x1x1024xi32, #tpu.memory_space<hbm>>
    %dma_wait3A_404 = tpu.memref_squeeze %dma_wait3A_403 : memref<1x1x1024xi32, #tpu.memory_space<hbm>> -> memref<1024xi32, #tpu.memory_space<hbm>>
    tpu.wait_dma2 semaphore(%arg10 : memref<!tpu.dma_semaphore, #tpu.memory_space<semaphore_mem>>) src(%dma_wait3A_404 : memref<1024xi32, #tpu.memory_space<hbm>>) dst(%dma_wait3A_401 : memref<1024xi32, #tpu.memory_space<vmem>>)
    %dma_wait3A_405 = arith.constant 4 : i32
    %dma_wait3A_406 = arith.constant 4 : i32
    %dma_wait3A_407 = arith.constant 0 : i32
    %dma_wait3A_408 = tpu.memref_slice %arg9[%dma_wait3A_406, %dma_wait3A_407] : memref<25x1024xi32, #tpu.memory_space<vmem>> -> memref<1x1024xi32, #tpu.memory_space<vmem>>
    %dma_wait3A_409 = tpu.memref_squeeze %dma_wait3A_408 : memref<1x1024xi32, #tpu.memory_space<vmem>> -> memref<1024xi32, #tpu.memory_space<vmem>>
    %dma_wait3A_410 = arith.constant 0 : i32
    %dma_wait3A_411 = tpu.memref_slice %arg2[%dma_wait3A_405, %add3A, %dma_wait3A_410] : memref<25x32x1024xi32, #tpu.memory_space<hbm>> -> memref<1x1x1024xi32, #tpu.memory_space<hbm>>
    %dma_wait3A_412 = tpu.memref_squeeze %dma_wait3A_411 : memref<1x1x1024xi32, #tpu.memory_space<hbm>> -> memref<1024xi32, #tpu.memory_space<hbm>>
    %dma_wait3A_413 = arith.constant 0 : i32
    %dma_wait3A_414 = tpu.memref_slice %arg9[%dma_wait3A_406, %dma_wait3A_413] : memref<25x1024xi32, #tpu.memory_space<vmem>> -> memref<1x1024xi32, #tpu.memory_space<vmem>>
    %dma_wait3A_415 = tpu.memref_squeeze %dma_wait3A_414 : memref<1x1024xi32, #tpu.memory_space<vmem>> -> memref<1024xi32, #tpu.memory_space<vmem>>
    %dma_wait3A_416 = arith.constant 0 : i32
    %dma_wait3A_417 = tpu.memref_slice %arg2[%dma_wait3A_405, %add3A, %dma_wait3A_416] : memref<25x32x1024xi32, #tpu.memory_space<hbm>> -> memref<1x1x1024xi32, #tpu.memory_space<hbm>>
    %dma_wait3A_418 = tpu.memref_squeeze %dma_wait3A_417 : memref<1x1x1024xi32, #tpu.memory_space<hbm>> -> memref<1024xi32, #tpu.memory_space<hbm>>
    tpu.wait_dma2 semaphore(%arg10 : memref<!tpu.dma_semaphore, #tpu.memory_space<semaphore_mem>>) src(%dma_wait3A_418 : memref<1024xi32, #tpu.memory_space<hbm>>) dst(%dma_wait3A_415 : memref<1024xi32, #tpu.memory_space<vmem>>)
    %dma_wait3A_419 = arith.constant 5 : i32
    %dma_wait3A_420 = arith.constant 5 : i32
    %dma_wait3A_421 = arith.constant 0 : i32
    %dma_wait3A_422 = tpu.memref_slice %arg9[%dma_wait3A_420, %dma_wait3A_421] : memref<25x1024xi32, #tpu.memory_space<vmem>> -> memref<1x1024xi32, #tpu.memory_space<vmem>>
    %dma_wait3A_423 = tpu.memref_squeeze %dma_wait3A_422 : memref<1x1024xi32, #tpu.memory_space<vmem>> -> memref<1024xi32, #tpu.memory_space<vmem>>
    %dma_wait3A_424 = arith.constant 0 : i32
    %dma_wait3A_425 = tpu.memref_slice %arg2[%dma_wait3A_419, %add3A, %dma_wait3A_424] : memref<25x32x1024xi32, #tpu.memory_space<hbm>> -> memref<1x1x1024xi32, #tpu.memory_space<hbm>>
    %dma_wait3A_426 = tpu.memref_squeeze %dma_wait3A_425 : memref<1x1x1024xi32, #tpu.memory_space<hbm>> -> memref<1024xi32, #tpu.memory_space<hbm>>
    %dma_wait3A_427 = arith.constant 0 : i32
    %dma_wait3A_428 = tpu.memref_slice %arg9[%dma_wait3A_420, %dma_wait3A_427] : memref<25x1024xi32, #tpu.memory_space<vmem>> -> memref<1x1024xi32, #tpu.memory_space<vmem>>
    %dma_wait3A_429 = tpu.memref_squeeze %dma_wait3A_428 : memref<1x1024xi32, #tpu.memory_space<vmem>> -> memref<1024xi32, #tpu.memory_space<vmem>>
    %dma_wait3A_430 = arith.constant 0 : i32
    %dma_wait3A_431 = tpu.memref_slice %arg2[%dma_wait3A_419, %add3A, %dma_wait3A_430] : memref<25x32x1024xi32, #tpu.memory_space<hbm>> -> memref<1x1x1024xi32, #tpu.memory_space<hbm>>
    %dma_wait3A_432 = tpu.memref_squeeze %dma_wait3A_431 : memref<1x1x1024xi32, #tpu.memory_space<hbm>> -> memref<1024xi32, #tpu.memory_space<hbm>>
    tpu.wait_dma2 semaphore(%arg10 : memref<!tpu.dma_semaphore, #tpu.memory_space<semaphore_mem>>) src(%dma_wait3A_432 : memref<1024xi32, #tpu.memory_space<hbm>>) dst(%dma_wait3A_429 : memref<1024xi32, #tpu.memory_space<vmem>>)
    %dma_wait3A_433 = arith.constant 6 : i32
    %dma_wait3A_434 = arith.constant 6 : i32
    %dma_wait3A_435 = arith.constant 0 : i32
    %dma_wait3A_436 = tpu.memref_slice %arg9[%dma_wait3A_434, %dma_wait3A_435] : memref<25x1024xi32, #tpu.memory_space<vmem>> -> memref<1x1024xi32, #tpu.memory_space<vmem>>
    %dma_wait3A_437 = tpu.memref_squeeze %dma_wait3A_436 : memref<1x1024xi32, #tpu.memory_space<vmem>> -> memref<1024xi32, #tpu.memory_space<vmem>>
    %dma_wait3A_438 = arith.constant 0 : i32
    %dma_wait3A_439 = tpu.memref_slice %arg2[%dma_wait3A_433, %add3A, %dma_wait3A_438] : memref<25x32x1024xi32, #tpu.memory_space<hbm>> -> memref<1x1x1024xi32, #tpu.memory_space<hbm>>
    %dma_wait3A_440 = tpu.memref_squeeze %dma_wait3A_439 : memref<1x1x1024xi32, #tpu.memory_space<hbm>> -> memref<1024xi32, #tpu.memory_space<hbm>>
    %dma_wait3A_441 = arith.constant 0 : i32
    %dma_wait3A_442 = tpu.memref_slice %arg9[%dma_wait3A_434, %dma_wait3A_441] : memref<25x1024xi32, #tpu.memory_space<vmem>> -> memref<1x1024xi32, #tpu.memory_space<vmem>>
    %dma_wait3A_443 = tpu.memref_squeeze %dma_wait3A_442 : memref<1x1024xi32, #tpu.memory_space<vmem>> -> memref<1024xi32, #tpu.memory_space<vmem>>
    %dma_wait3A_444 = arith.constant 0 : i32
    %dma_wait3A_445 = tpu.memref_slice %arg2[%dma_wait3A_433, %add3A, %dma_wait3A_444] : memref<25x32x1024xi32, #tpu.memory_space<hbm>> -> memref<1x1x1024xi32, #tpu.memory_space<hbm>>
    %dma_wait3A_446 = tpu.memref_squeeze %dma_wait3A_445 : memref<1x1x1024xi32, #tpu.memory_space<hbm>> -> memref<1024xi32, #tpu.memory_space<hbm>>
    tpu.wait_dma2 semaphore(%arg10 : memref<!tpu.dma_semaphore, #tpu.memory_space<semaphore_mem>>) src(%dma_wait3A_446 : memref<1024xi32, #tpu.memory_space<hbm>>) dst(%dma_wait3A_443 : memref<1024xi32, #tpu.memory_space<vmem>>)
    %dma_wait3A_447 = arith.constant 7 : i32
    %dma_wait3A_448 = arith.constant 7 : i32
    %dma_wait3A_449 = arith.constant 0 : i32
    %dma_wait3A_450 = tpu.memref_slice %arg9[%dma_wait3A_448, %dma_wait3A_449] : memref<25x1024xi32, #tpu.memory_space<vmem>> -> memref<1x1024xi32, #tpu.memory_space<vmem>>
    %dma_wait3A_451 = tpu.memref_squeeze %dma_wait3A_450 : memref<1x1024xi32, #tpu.memory_space<vmem>> -> memref<1024xi32, #tpu.memory_space<vmem>>
    %dma_wait3A_452 = arith.constant 0 : i32
    %dma_wait3A_453 = tpu.memref_slice %arg2[%dma_wait3A_447, %add3A, %dma_wait3A_452] : memref<25x32x1024xi32, #tpu.memory_space<hbm>> -> memref<1x1x1024xi32, #tpu.memory_space<hbm>>
    %dma_wait3A_454 = tpu.memref_squeeze %dma_wait3A_453 : memref<1x1x1024xi32, #tpu.memory_space<hbm>> -> memref<1024xi32, #tpu.memory_space<hbm>>
    %dma_wait3A_455 = arith.constant 0 : i32
    %dma_wait3A_456 = tpu.memref_slice %arg9[%dma_wait3A_448, %dma_wait3A_455] : memref<25x1024xi32, #tpu.memory_space<vmem>> -> memref<1x1024xi32, #tpu.memory_space<vmem>>
    %dma_wait3A_457 = tpu.memref_squeeze %dma_wait3A_456 : memref<1x1024xi32, #tpu.memory_space<vmem>> -> memref<1024xi32, #tpu.memory_space<vmem>>
    %dma_wait3A_458 = arith.constant 0 : i32
    %dma_wait3A_459 = tpu.memref_slice %arg2[%dma_wait3A_447, %add3A, %dma_wait3A_458] : memref<25x32x1024xi32, #tpu.memory_space<hbm>> -> memref<1x1x1024xi32, #tpu.memory_space<hbm>>
    %dma_wait3A_460 = tpu.memref_squeeze %dma_wait3A_459 : memref<1x1x1024xi32, #tpu.memory_space<hbm>> -> memref<1024xi32, #tpu.memory_space<hbm>>
    tpu.wait_dma2 semaphore(%arg10 : memref<!tpu.dma_semaphore, #tpu.memory_space<semaphore_mem>>) src(%dma_wait3A_460 : memref<1024xi32, #tpu.memory_space<hbm>>) dst(%dma_wait3A_457 : memref<1024xi32, #tpu.memory_space<vmem>>)
    %dma_wait3A_461 = arith.constant 8 : i32
    %dma_wait3A_462 = arith.constant 8 : i32
    %dma_wait3A_463 = arith.constant 0 : i32
    %dma_wait3A_464 = tpu.memref_slice %arg9[%dma_wait3A_462, %dma_wait3A_463] : memref<25x1024xi32, #tpu.memory_space<vmem>> -> memref<1x1024xi32, #tpu.memory_space<vmem>>
    %dma_wait3A_465 = tpu.memref_squeeze %dma_wait3A_464 : memref<1x1024xi32, #tpu.memory_space<vmem>> -> memref<1024xi32, #tpu.memory_space<vmem>>
    %dma_wait3A_466 = arith.constant 0 : i32
    %dma_wait3A_467 = tpu.memref_slice %arg2[%dma_wait3A_461, %add3A, %dma_wait3A_466] : memref<25x32x1024xi32, #tpu.memory_space<hbm>> -> memref<1x1x1024xi32, #tpu.memory_space<hbm>>
    %dma_wait3A_468 = tpu.memref_squeeze %dma_wait3A_467 : memref<1x1x1024xi32, #tpu.memory_space<hbm>> -> memref<1024xi32, #tpu.memory_space<hbm>>
    %dma_wait3A_469 = arith.constant 0 : i32
    %dma_wait3A_470 = tpu.memref_slice %arg9[%dma_wait3A_462, %dma_wait3A_469] : memref<25x1024xi32, #tpu.memory_space<vmem>> -> memref<1x1024xi32, #tpu.memory_space<vmem>>
    %dma_wait3A_471 = tpu.memref_squeeze %dma_wait3A_470 : memref<1x1024xi32, #tpu.memory_space<vmem>> -> memref<1024xi32, #tpu.memory_space<vmem>>
    %dma_wait3A_472 = arith.constant 0 : i32
    %dma_wait3A_473 = tpu.memref_slice %arg2[%dma_wait3A_461, %add3A, %dma_wait3A_472] : memref<25x32x1024xi32, #tpu.memory_space<hbm>> -> memref<1x1x1024xi32, #tpu.memory_space<hbm>>
    %dma_wait3A_474 = tpu.memref_squeeze %dma_wait3A_473 : memref<1x1x1024xi32, #tpu.memory_space<hbm>> -> memref<1024xi32, #tpu.memory_space<hbm>>
    tpu.wait_dma2 semaphore(%arg10 : memref<!tpu.dma_semaphore, #tpu.memory_space<semaphore_mem>>) src(%dma_wait3A_474 : memref<1024xi32, #tpu.memory_space<hbm>>) dst(%dma_wait3A_471 : memref<1024xi32, #tpu.memory_space<vmem>>)
    %dma_wait3A_475 = arith.constant 9 : i32
    %dma_wait3A_476 = arith.constant 9 : i32
    %dma_wait3A_477 = arith.constant 0 : i32
    %dma_wait3A_478 = tpu.memref_slice %arg9[%dma_wait3A_476, %dma_wait3A_477] : memref<25x1024xi32, #tpu.memory_space<vmem>> -> memref<1x1024xi32, #tpu.memory_space<vmem>>
    %dma_wait3A_479 = tpu.memref_squeeze %dma_wait3A_478 : memref<1x1024xi32, #tpu.memory_space<vmem>> -> memref<1024xi32, #tpu.memory_space<vmem>>
    %dma_wait3A_480 = arith.constant 0 : i32
    %dma_wait3A_481 = tpu.memref_slice %arg2[%dma_wait3A_475, %add3A, %dma_wait3A_480] : memref<25x32x1024xi32, #tpu.memory_space<hbm>> -> memref<1x1x1024xi32, #tpu.memory_space<hbm>>
    %dma_wait3A_482 = tpu.memref_squeeze %dma_wait3A_481 : memref<1x1x1024xi32, #tpu.memory_space<hbm>> -> memref<1024xi32, #tpu.memory_space<hbm>>
    %dma_wait3A_483 = arith.constant 0 : i32
    %dma_wait3A_484 = tpu.memref_slice %arg9[%dma_wait3A_476, %dma_wait3A_483] : memref<25x1024xi32, #tpu.memory_space<vmem>> -> memref<1x1024xi32, #tpu.memory_space<vmem>>
    %dma_wait3A_485 = tpu.memref_squeeze %dma_wait3A_484 : memref<1x1024xi32, #tpu.memory_space<vmem>> -> memref<1024xi32, #tpu.memory_space<vmem>>
    %dma_wait3A_486 = arith.constant 0 : i32
    %dma_wait3A_487 = tpu.memref_slice %arg2[%dma_wait3A_475, %add3A, %dma_wait3A_486] : memref<25x32x1024xi32, #tpu.memory_space<hbm>> -> memref<1x1x1024xi32, #tpu.memory_space<hbm>>
    %dma_wait3A_488 = tpu.memref_squeeze %dma_wait3A_487 : memref<1x1x1024xi32, #tpu.memory_space<hbm>> -> memref<1024xi32, #tpu.memory_space<hbm>>
    tpu.wait_dma2 semaphore(%arg10 : memref<!tpu.dma_semaphore, #tpu.memory_space<semaphore_mem>>) src(%dma_wait3A_488 : memref<1024xi32, #tpu.memory_space<hbm>>) dst(%dma_wait3A_485 : memref<1024xi32, #tpu.memory_space<vmem>>)
    %dma_wait3A_489 = arith.constant 10 : i32
    %dma_wait3A_490 = arith.constant 10 : i32
    %dma_wait3A_491 = arith.constant 0 : i32
    %dma_wait3A_492 = tpu.memref_slice %arg9[%dma_wait3A_490, %dma_wait3A_491] : memref<25x1024xi32, #tpu.memory_space<vmem>> -> memref<1x1024xi32, #tpu.memory_space<vmem>>
    %dma_wait3A_493 = tpu.memref_squeeze %dma_wait3A_492 : memref<1x1024xi32, #tpu.memory_space<vmem>> -> memref<1024xi32, #tpu.memory_space<vmem>>
    %dma_wait3A_494 = arith.constant 0 : i32
    %dma_wait3A_495 = tpu.memref_slice %arg2[%dma_wait3A_489, %add3A, %dma_wait3A_494] : memref<25x32x1024xi32, #tpu.memory_space<hbm>> -> memref<1x1x1024xi32, #tpu.memory_space<hbm>>
    %dma_wait3A_496 = tpu.memref_squeeze %dma_wait3A_495 : memref<1x1x1024xi32, #tpu.memory_space<hbm>> -> memref<1024xi32, #tpu.memory_space<hbm>>
    %dma_wait3A_497 = arith.constant 0 : i32
    %dma_wait3A_498 = tpu.memref_slice %arg9[%dma_wait3A_490, %dma_wait3A_497] : memref<25x1024xi32, #tpu.memory_space<vmem>> -> memref<1x1024xi32, #tpu.memory_space<vmem>>
    %dma_wait3A_499 = tpu.memref_squeeze %dma_wait3A_498 : memref<1x1024xi32, #tpu.memory_space<vmem>> -> memref<1024xi32, #tpu.memory_space<vmem>>
    %dma_wait3A_500 = arith.constant 0 : i32
    %dma_wait3A_501 = tpu.memref_slice %arg2[%dma_wait3A_489, %add3A, %dma_wait3A_500] : memref<25x32x1024xi32, #tpu.memory_space<hbm>> -> memref<1x1x1024xi32, #tpu.memory_space<hbm>>
    %dma_wait3A_502 = tpu.memref_squeeze %dma_wait3A_501 : memref<1x1x1024xi32, #tpu.memory_space<hbm>> -> memref<1024xi32, #tpu.memory_space<hbm>>
    tpu.wait_dma2 semaphore(%arg10 : memref<!tpu.dma_semaphore, #tpu.memory_space<semaphore_mem>>) src(%dma_wait3A_502 : memref<1024xi32, #tpu.memory_space<hbm>>) dst(%dma_wait3A_499 : memref<1024xi32, #tpu.memory_space<vmem>>)
    %dma_wait3A_503 = arith.constant 11 : i32
    %dma_wait3A_504 = arith.constant 11 : i32
    %dma_wait3A_505 = arith.constant 0 : i32
    %dma_wait3A_506 = tpu.memref_slice %arg9[%dma_wait3A_504, %dma_wait3A_505] : memref<25x1024xi32, #tpu.memory_space<vmem>> -> memref<1x1024xi32, #tpu.memory_space<vmem>>
    %dma_wait3A_507 = tpu.memref_squeeze %dma_wait3A_506 : memref<1x1024xi32, #tpu.memory_space<vmem>> -> memref<1024xi32, #tpu.memory_space<vmem>>
    %dma_wait3A_508 = arith.constant 0 : i32
    %dma_wait3A_509 = tpu.memref_slice %arg2[%dma_wait3A_503, %add3A, %dma_wait3A_508] : memref<25x32x1024xi32, #tpu.memory_space<hbm>> -> memref<1x1x1024xi32, #tpu.memory_space<hbm>>
    %dma_wait3A_510 = tpu.memref_squeeze %dma_wait3A_509 : memref<1x1x1024xi32, #tpu.memory_space<hbm>> -> memref<1024xi32, #tpu.memory_space<hbm>>
    %dma_wait3A_511 = arith.constant 0 : i32
    %dma_wait3A_512 = tpu.memref_slice %arg9[%dma_wait3A_504, %dma_wait3A_511] : memref<25x1024xi32, #tpu.memory_space<vmem>> -> memref<1x1024xi32, #tpu.memory_space<vmem>>
    %dma_wait3A_513 = tpu.memref_squeeze %dma_wait3A_512 : memref<1x1024xi32, #tpu.memory_space<vmem>> -> memref<1024xi32, #tpu.memory_space<vmem>>
    %dma_wait3A_514 = arith.constant 0 : i32
    %dma_wait3A_515 = tpu.memref_slice %arg2[%dma_wait3A_503, %add3A, %dma_wait3A_514] : memref<25x32x1024xi32, #tpu.memory_space<hbm>> -> memref<1x1x1024xi32, #tpu.memory_space<hbm>>
    %dma_wait3A_516 = tpu.memref_squeeze %dma_wait3A_515 : memref<1x1x1024xi32, #tpu.memory_space<hbm>> -> memref<1024xi32, #tpu.memory_space<hbm>>
    tpu.wait_dma2 semaphore(%arg10 : memref<!tpu.dma_semaphore, #tpu.memory_space<semaphore_mem>>) src(%dma_wait3A_516 : memref<1024xi32, #tpu.memory_space<hbm>>) dst(%dma_wait3A_513 : memref<1024xi32, #tpu.memory_space<vmem>>)
    %dma_wait3A_517 = arith.constant 12 : i32
    %dma_wait3A_518 = arith.constant 12 : i32
    %dma_wait3A_519 = arith.constant 0 : i32
    %dma_wait3A_520 = tpu.memref_slice %arg9[%dma_wait3A_518, %dma_wait3A_519] : memref<25x1024xi32, #tpu.memory_space<vmem>> -> memref<1x1024xi32, #tpu.memory_space<vmem>>
    %dma_wait3A_521 = tpu.memref_squeeze %dma_wait3A_520 : memref<1x1024xi32, #tpu.memory_space<vmem>> -> memref<1024xi32, #tpu.memory_space<vmem>>
    %dma_wait3A_522 = arith.constant 0 : i32
    %dma_wait3A_523 = tpu.memref_slice %arg2[%dma_wait3A_517, %add3A, %dma_wait3A_522] : memref<25x32x1024xi32, #tpu.memory_space<hbm>> -> memref<1x1x1024xi32, #tpu.memory_space<hbm>>
    %dma_wait3A_524 = tpu.memref_squeeze %dma_wait3A_523 : memref<1x1x1024xi32, #tpu.memory_space<hbm>> -> memref<1024xi32, #tpu.memory_space<hbm>>
    %dma_wait3A_525 = arith.constant 0 : i32
    %dma_wait3A_526 = tpu.memref_slice %arg9[%dma_wait3A_518, %dma_wait3A_525] : memref<25x1024xi32, #tpu.memory_space<vmem>> -> memref<1x1024xi32, #tpu.memory_space<vmem>>
    %dma_wait3A_527 = tpu.memref_squeeze %dma_wait3A_526 : memref<1x1024xi32, #tpu.memory_space<vmem>> -> memref<1024xi32, #tpu.memory_space<vmem>>
    %dma_wait3A_528 = arith.constant 0 : i32
    %dma_wait3A_529 = tpu.memref_slice %arg2[%dma_wait3A_517, %add3A, %dma_wait3A_528] : memref<25x32x1024xi32, #tpu.memory_space<hbm>> -> memref<1x1x1024xi32, #tpu.memory_space<hbm>>
    %dma_wait3A_530 = tpu.memref_squeeze %dma_wait3A_529 : memref<1x1x1024xi32, #tpu.memory_space<hbm>> -> memref<1024xi32, #tpu.memory_space<hbm>>
    tpu.wait_dma2 semaphore(%arg10 : memref<!tpu.dma_semaphore, #tpu.memory_space<semaphore_mem>>) src(%dma_wait3A_530 : memref<1024xi32, #tpu.memory_space<hbm>>) dst(%dma_wait3A_527 : memref<1024xi32, #tpu.memory_space<vmem>>)
    %dma_wait3A_531 = arith.constant 13 : i32
    %dma_wait3A_532 = arith.constant 13 : i32
    %dma_wait3A_533 = arith.constant 0 : i32
    %dma_wait3A_534 = tpu.memref_slice %arg9[%dma_wait3A_532, %dma_wait3A_533] : memref<25x1024xi32, #tpu.memory_space<vmem>> -> memref<1x1024xi32, #tpu.memory_space<vmem>>
    %dma_wait3A_535 = tpu.memref_squeeze %dma_wait3A_534 : memref<1x1024xi32, #tpu.memory_space<vmem>> -> memref<1024xi32, #tpu.memory_space<vmem>>
    %dma_wait3A_536 = arith.constant 0 : i32
    %dma_wait3A_537 = tpu.memref_slice %arg2[%dma_wait3A_531, %add3A, %dma_wait3A_536] : memref<25x32x1024xi32, #tpu.memory_space<hbm>> -> memref<1x1x1024xi32, #tpu.memory_space<hbm>>
    %dma_wait3A_538 = tpu.memref_squeeze %dma_wait3A_537 : memref<1x1x1024xi32, #tpu.memory_space<hbm>> -> memref<1024xi32, #tpu.memory_space<hbm>>
    %dma_wait3A_539 = arith.constant 0 : i32
    %dma_wait3A_540 = tpu.memref_slice %arg9[%dma_wait3A_532, %dma_wait3A_539] : memref<25x1024xi32, #tpu.memory_space<vmem>> -> memref<1x1024xi32, #tpu.memory_space<vmem>>
    %dma_wait3A_541 = tpu.memref_squeeze %dma_wait3A_540 : memref<1x1024xi32, #tpu.memory_space<vmem>> -> memref<1024xi32, #tpu.memory_space<vmem>>
    %dma_wait3A_542 = arith.constant 0 : i32
    %dma_wait3A_543 = tpu.memref_slice %arg2[%dma_wait3A_531, %add3A, %dma_wait3A_542] : memref<25x32x1024xi32, #tpu.memory_space<hbm>> -> memref<1x1x1024xi32, #tpu.memory_space<hbm>>
    %dma_wait3A_544 = tpu.memref_squeeze %dma_wait3A_543 : memref<1x1x1024xi32, #tpu.memory_space<hbm>> -> memref<1024xi32, #tpu.memory_space<hbm>>
    tpu.wait_dma2 semaphore(%arg10 : memref<!tpu.dma_semaphore, #tpu.memory_space<semaphore_mem>>) src(%dma_wait3A_544 : memref<1024xi32, #tpu.memory_space<hbm>>) dst(%dma_wait3A_541 : memref<1024xi32, #tpu.memory_space<vmem>>)
    %dma_wait3A_545 = arith.constant 14 : i32
    %dma_wait3A_546 = arith.constant 14 : i32
    %dma_wait3A_547 = arith.constant 0 : i32
    %dma_wait3A_548 = tpu.memref_slice %arg9[%dma_wait3A_546, %dma_wait3A_547] : memref<25x1024xi32, #tpu.memory_space<vmem>> -> memref<1x1024xi32, #tpu.memory_space<vmem>>
    %dma_wait3A_549 = tpu.memref_squeeze %dma_wait3A_548 : memref<1x1024xi32, #tpu.memory_space<vmem>> -> memref<1024xi32, #tpu.memory_space<vmem>>
    %dma_wait3A_550 = arith.constant 0 : i32
    %dma_wait3A_551 = tpu.memref_slice %arg2[%dma_wait3A_545, %add3A, %dma_wait3A_550] : memref<25x32x1024xi32, #tpu.memory_space<hbm>> -> memref<1x1x1024xi32, #tpu.memory_space<hbm>>
    %dma_wait3A_552 = tpu.memref_squeeze %dma_wait3A_551 : memref<1x1x1024xi32, #tpu.memory_space<hbm>> -> memref<1024xi32, #tpu.memory_space<hbm>>
    %dma_wait3A_553 = arith.constant 0 : i32
    %dma_wait3A_554 = tpu.memref_slice %arg9[%dma_wait3A_546, %dma_wait3A_553] : memref<25x1024xi32, #tpu.memory_space<vmem>> -> memref<1x1024xi32, #tpu.memory_space<vmem>>
    %dma_wait3A_555 = tpu.memref_squeeze %dma_wait3A_554 : memref<1x1024xi32, #tpu.memory_space<vmem>> -> memref<1024xi32, #tpu.memory_space<vmem>>
    %dma_wait3A_556 = arith.constant 0 : i32
    %dma_wait3A_557 = tpu.memref_slice %arg2[%dma_wait3A_545, %add3A, %dma_wait3A_556] : memref<25x32x1024xi32, #tpu.memory_space<hbm>> -> memref<1x1x1024xi32, #tpu.memory_space<hbm>>
    %dma_wait3A_558 = tpu.memref_squeeze %dma_wait3A_557 : memref<1x1x1024xi32, #tpu.memory_space<hbm>> -> memref<1024xi32, #tpu.memory_space<hbm>>
    tpu.wait_dma2 semaphore(%arg10 : memref<!tpu.dma_semaphore, #tpu.memory_space<semaphore_mem>>) src(%dma_wait3A_558 : memref<1024xi32, #tpu.memory_space<hbm>>) dst(%dma_wait3A_555 : memref<1024xi32, #tpu.memory_space<vmem>>)
    %dma_wait3A_559 = arith.constant 15 : i32
    %dma_wait3A_560 = arith.constant 15 : i32
    %dma_wait3A_561 = arith.constant 0 : i32
    %dma_wait3A_562 = tpu.memref_slice %arg9[%dma_wait3A_560, %dma_wait3A_561] : memref<25x1024xi32, #tpu.memory_space<vmem>> -> memref<1x1024xi32, #tpu.memory_space<vmem>>
    %dma_wait3A_563 = tpu.memref_squeeze %dma_wait3A_562 : memref<1x1024xi32, #tpu.memory_space<vmem>> -> memref<1024xi32, #tpu.memory_space<vmem>>
    %dma_wait3A_564 = arith.constant 0 : i32
    %dma_wait3A_565 = tpu.memref_slice %arg2[%dma_wait3A_559, %add3A, %dma_wait3A_564] : memref<25x32x1024xi32, #tpu.memory_space<hbm>> -> memref<1x1x1024xi32, #tpu.memory_space<hbm>>
    %dma_wait3A_566 = tpu.memref_squeeze %dma_wait3A_565 : memref<1x1x1024xi32, #tpu.memory_space<hbm>> -> memref<1024xi32, #tpu.memory_space<hbm>>
    %dma_wait3A_567 = arith.constant 0 : i32
    %dma_wait3A_568 = tpu.memref_slice %arg9[%dma_wait3A_560, %dma_wait3A_567] : memref<25x1024xi32, #tpu.memory_space<vmem>> -> memref<1x1024xi32, #tpu.memory_space<vmem>>
    %dma_wait3A_569 = tpu.memref_squeeze %dma_wait3A_568 : memref<1x1024xi32, #tpu.memory_space<vmem>> -> memref<1024xi32, #tpu.memory_space<vmem>>
    %dma_wait3A_570 = arith.constant 0 : i32
    %dma_wait3A_571 = tpu.memref_slice %arg2[%dma_wait3A_559, %add3A, %dma_wait3A_570] : memref<25x32x1024xi32, #tpu.memory_space<hbm>> -> memref<1x1x1024xi32, #tpu.memory_space<hbm>>
    %dma_wait3A_572 = tpu.memref_squeeze %dma_wait3A_571 : memref<1x1x1024xi32, #tpu.memory_space<hbm>> -> memref<1024xi32, #tpu.memory_space<hbm>>
    tpu.wait_dma2 semaphore(%arg10 : memref<!tpu.dma_semaphore, #tpu.memory_space<semaphore_mem>>) src(%dma_wait3A_572 : memref<1024xi32, #tpu.memory_space<hbm>>) dst(%dma_wait3A_569 : memref<1024xi32, #tpu.memory_space<vmem>>)
    %dma_wait3A_573 = arith.constant 16 : i32
    %dma_wait3A_574 = arith.constant 16 : i32
    %dma_wait3A_575 = arith.constant 0 : i32
    %dma_wait3A_576 = tpu.memref_slice %arg9[%dma_wait3A_574, %dma_wait3A_575] : memref<25x1024xi32, #tpu.memory_space<vmem>> -> memref<1x1024xi32, #tpu.memory_space<vmem>>
    %dma_wait3A_577 = tpu.memref_squeeze %dma_wait3A_576 : memref<1x1024xi32, #tpu.memory_space<vmem>> -> memref<1024xi32, #tpu.memory_space<vmem>>
    %dma_wait3A_578 = arith.constant 0 : i32
    %dma_wait3A_579 = tpu.memref_slice %arg2[%dma_wait3A_573, %add3A, %dma_wait3A_578] : memref<25x32x1024xi32, #tpu.memory_space<hbm>> -> memref<1x1x1024xi32, #tpu.memory_space<hbm>>
    %dma_wait3A_580 = tpu.memref_squeeze %dma_wait3A_579 : memref<1x1x1024xi32, #tpu.memory_space<hbm>> -> memref<1024xi32, #tpu.memory_space<hbm>>
    %dma_wait3A_581 = arith.constant 0 : i32
    %dma_wait3A_582 = tpu.memref_slice %arg9[%dma_wait3A_574, %dma_wait3A_581] : memref<25x1024xi32, #tpu.memory_space<vmem>> -> memref<1x1024xi32, #tpu.memory_space<vmem>>
    %dma_wait3A_583 = tpu.memref_squeeze %dma_wait3A_582 : memref<1x1024xi32, #tpu.memory_space<vmem>> -> memref<1024xi32, #tpu.memory_space<vmem>>
    %dma_wait3A_584 = arith.constant 0 : i32
    %dma_wait3A_585 = tpu.memref_slice %arg2[%dma_wait3A_573, %add3A, %dma_wait3A_584] : memref<25x32x1024xi32, #tpu.memory_space<hbm>> -> memref<1x1x1024xi32, #tpu.memory_space<hbm>>
    %dma_wait3A_586 = tpu.memref_squeeze %dma_wait3A_585 : memref<1x1x1024xi32, #tpu.memory_space<hbm>> -> memref<1024xi32, #tpu.memory_space<hbm>>
    tpu.wait_dma2 semaphore(%arg10 : memref<!tpu.dma_semaphore, #tpu.memory_space<semaphore_mem>>) src(%dma_wait3A_586 : memref<1024xi32, #tpu.memory_space<hbm>>) dst(%dma_wait3A_583 : memref<1024xi32, #tpu.memory_space<vmem>>)
    %dma_wait3A_587 = arith.constant 17 : i32
    %dma_wait3A_588 = arith.constant 17 : i32
    %dma_wait3A_589 = arith.constant 0 : i32
    %dma_wait3A_590 = tpu.memref_slice %arg9[%dma_wait3A_588, %dma_wait3A_589] : memref<25x1024xi32, #tpu.memory_space<vmem>> -> memref<1x1024xi32, #tpu.memory_space<vmem>>
    %dma_wait3A_591 = tpu.memref_squeeze %dma_wait3A_590 : memref<1x1024xi32, #tpu.memory_space<vmem>> -> memref<1024xi32, #tpu.memory_space<vmem>>
    %dma_wait3A_592 = arith.constant 0 : i32
    %dma_wait3A_593 = tpu.memref_slice %arg2[%dma_wait3A_587, %add3A, %dma_wait3A_592] : memref<25x32x1024xi32, #tpu.memory_space<hbm>> -> memref<1x1x1024xi32, #tpu.memory_space<hbm>>
    %dma_wait3A_594 = tpu.memref_squeeze %dma_wait3A_593 : memref<1x1x1024xi32, #tpu.memory_space<hbm>> -> memref<1024xi32, #tpu.memory_space<hbm>>
    %dma_wait3A_595 = arith.constant 0 : i32
    %dma_wait3A_596 = tpu.memref_slice %arg9[%dma_wait3A_588, %dma_wait3A_595] : memref<25x1024xi32, #tpu.memory_space<vmem>> -> memref<1x1024xi32, #tpu.memory_space<vmem>>
    %dma_wait3A_597 = tpu.memref_squeeze %dma_wait3A_596 : memref<1x1024xi32, #tpu.memory_space<vmem>> -> memref<1024xi32, #tpu.memory_space<vmem>>
    %dma_wait3A_598 = arith.constant 0 : i32
    %dma_wait3A_599 = tpu.memref_slice %arg2[%dma_wait3A_587, %add3A, %dma_wait3A_598] : memref<25x32x1024xi32, #tpu.memory_space<hbm>> -> memref<1x1x1024xi32, #tpu.memory_space<hbm>>
    %dma_wait3A_600 = tpu.memref_squeeze %dma_wait3A_599 : memref<1x1x1024xi32, #tpu.memory_space<hbm>> -> memref<1024xi32, #tpu.memory_space<hbm>>
    tpu.wait_dma2 semaphore(%arg10 : memref<!tpu.dma_semaphore, #tpu.memory_space<semaphore_mem>>) src(%dma_wait3A_600 : memref<1024xi32, #tpu.memory_space<hbm>>) dst(%dma_wait3A_597 : memref<1024xi32, #tpu.memory_space<vmem>>)
    %dma_wait3A_601 = arith.constant 18 : i32
    %dma_wait3A_602 = arith.constant 18 : i32
    %dma_wait3A_603 = arith.constant 0 : i32
    %dma_wait3A_604 = tpu.memref_slice %arg9[%dma_wait3A_602, %dma_wait3A_603] : memref<25x1024xi32, #tpu.memory_space<vmem>> -> memref<1x1024xi32, #tpu.memory_space<vmem>>
    %dma_wait3A_605 = tpu.memref_squeeze %dma_wait3A_604 : memref<1x1024xi32, #tpu.memory_space<vmem>> -> memref<1024xi32, #tpu.memory_space<vmem>>
    %dma_wait3A_606 = arith.constant 0 : i32
    %dma_wait3A_607 = tpu.memref_slice %arg2[%dma_wait3A_601, %add3A, %dma_wait3A_606] : memref<25x32x1024xi32, #tpu.memory_space<hbm>> -> memref<1x1x1024xi32, #tpu.memory_space<hbm>>
    %dma_wait3A_608 = tpu.memref_squeeze %dma_wait3A_607 : memref<1x1x1024xi32, #tpu.memory_space<hbm>> -> memref<1024xi32, #tpu.memory_space<hbm>>
    %dma_wait3A_609 = arith.constant 0 : i32
    %dma_wait3A_610 = tpu.memref_slice %arg9[%dma_wait3A_602, %dma_wait3A_609] : memref<25x1024xi32, #tpu.memory_space<vmem>> -> memref<1x1024xi32, #tpu.memory_space<vmem>>
    %dma_wait3A_611 = tpu.memref_squeeze %dma_wait3A_610 : memref<1x1024xi32, #tpu.memory_space<vmem>> -> memref<1024xi32, #tpu.memory_space<vmem>>
    %dma_wait3A_612 = arith.constant 0 : i32
    %dma_wait3A_613 = tpu.memref_slice %arg2[%dma_wait3A_601, %add3A, %dma_wait3A_612] : memref<25x32x1024xi32, #tpu.memory_space<hbm>> -> memref<1x1x1024xi32, #tpu.memory_space<hbm>>
    %dma_wait3A_614 = tpu.memref_squeeze %dma_wait3A_613 : memref<1x1x1024xi32, #tpu.memory_space<hbm>> -> memref<1024xi32, #tpu.memory_space<hbm>>
    tpu.wait_dma2 semaphore(%arg10 : memref<!tpu.dma_semaphore, #tpu.memory_space<semaphore_mem>>) src(%dma_wait3A_614 : memref<1024xi32, #tpu.memory_space<hbm>>) dst(%dma_wait3A_611 : memref<1024xi32, #tpu.memory_space<vmem>>)
    %dma_wait3A_615 = arith.constant 19 : i32
    %dma_wait3A_616 = arith.constant 19 : i32
    %dma_wait3A_617 = arith.constant 0 : i32
    %dma_wait3A_618 = tpu.memref_slice %arg9[%dma_wait3A_616, %dma_wait3A_617] : memref<25x1024xi32, #tpu.memory_space<vmem>> -> memref<1x1024xi32, #tpu.memory_space<vmem>>
    %dma_wait3A_619 = tpu.memref_squeeze %dma_wait3A_618 : memref<1x1024xi32, #tpu.memory_space<vmem>> -> memref<1024xi32, #tpu.memory_space<vmem>>
    %dma_wait3A_620 = arith.constant 0 : i32
    %dma_wait3A_621 = tpu.memref_slice %arg2[%dma_wait3A_615, %add3A, %dma_wait3A_620] : memref<25x32x1024xi32, #tpu.memory_space<hbm>> -> memref<1x1x1024xi32, #tpu.memory_space<hbm>>
    %dma_wait3A_622 = tpu.memref_squeeze %dma_wait3A_621 : memref<1x1x1024xi32, #tpu.memory_space<hbm>> -> memref<1024xi32, #tpu.memory_space<hbm>>
    %dma_wait3A_623 = arith.constant 0 : i32
    %dma_wait3A_624 = tpu.memref_slice %arg9[%dma_wait3A_616, %dma_wait3A_623] : memref<25x1024xi32, #tpu.memory_space<vmem>> -> memref<1x1024xi32, #tpu.memory_space<vmem>>
    %dma_wait3A_625 = tpu.memref_squeeze %dma_wait3A_624 : memref<1x1024xi32, #tpu.memory_space<vmem>> -> memref<1024xi32, #tpu.memory_space<vmem>>
    %dma_wait3A_626 = arith.constant 0 : i32
    %dma_wait3A_627 = tpu.memref_slice %arg2[%dma_wait3A_615, %add3A, %dma_wait3A_626] : memref<25x32x1024xi32, #tpu.memory_space<hbm>> -> memref<1x1x1024xi32, #tpu.memory_space<hbm>>
    %dma_wait3A_628 = tpu.memref_squeeze %dma_wait3A_627 : memref<1x1x1024xi32, #tpu.memory_space<hbm>> -> memref<1024xi32, #tpu.memory_space<hbm>>
    tpu.wait_dma2 semaphore(%arg10 : memref<!tpu.dma_semaphore, #tpu.memory_space<semaphore_mem>>) src(%dma_wait3A_628 : memref<1024xi32, #tpu.memory_space<hbm>>) dst(%dma_wait3A_625 : memref<1024xi32, #tpu.memory_space<vmem>>)
    %dma_wait3A_629 = arith.constant 20 : i32
    %dma_wait3A_630 = arith.constant 20 : i32
    %dma_wait3A_631 = arith.constant 0 : i32
    %dma_wait3A_632 = tpu.memref_slice %arg9[%dma_wait3A_630, %dma_wait3A_631] : memref<25x1024xi32, #tpu.memory_space<vmem>> -> memref<1x1024xi32, #tpu.memory_space<vmem>>
    %dma_wait3A_633 = tpu.memref_squeeze %dma_wait3A_632 : memref<1x1024xi32, #tpu.memory_space<vmem>> -> memref<1024xi32, #tpu.memory_space<vmem>>
    %dma_wait3A_634 = arith.constant 0 : i32
    %dma_wait3A_635 = tpu.memref_slice %arg2[%dma_wait3A_629, %add3A, %dma_wait3A_634] : memref<25x32x1024xi32, #tpu.memory_space<hbm>> -> memref<1x1x1024xi32, #tpu.memory_space<hbm>>
    %dma_wait3A_636 = tpu.memref_squeeze %dma_wait3A_635 : memref<1x1x1024xi32, #tpu.memory_space<hbm>> -> memref<1024xi32, #tpu.memory_space<hbm>>
    %dma_wait3A_637 = arith.constant 0 : i32
    %dma_wait3A_638 = tpu.memref_slice %arg9[%dma_wait3A_630, %dma_wait3A_637] : memref<25x1024xi32, #tpu.memory_space<vmem>> -> memref<1x1024xi32, #tpu.memory_space<vmem>>
    %dma_wait3A_639 = tpu.memref_squeeze %dma_wait3A_638 : memref<1x1024xi32, #tpu.memory_space<vmem>> -> memref<1024xi32, #tpu.memory_space<vmem>>
    %dma_wait3A_640 = arith.constant 0 : i32
    %dma_wait3A_641 = tpu.memref_slice %arg2[%dma_wait3A_629, %add3A, %dma_wait3A_640] : memref<25x32x1024xi32, #tpu.memory_space<hbm>> -> memref<1x1x1024xi32, #tpu.memory_space<hbm>>
    %dma_wait3A_642 = tpu.memref_squeeze %dma_wait3A_641 : memref<1x1x1024xi32, #tpu.memory_space<hbm>> -> memref<1024xi32, #tpu.memory_space<hbm>>
    tpu.wait_dma2 semaphore(%arg10 : memref<!tpu.dma_semaphore, #tpu.memory_space<semaphore_mem>>) src(%dma_wait3A_642 : memref<1024xi32, #tpu.memory_space<hbm>>) dst(%dma_wait3A_639 : memref<1024xi32, #tpu.memory_space<vmem>>)
    %dma_wait3A_643 = arith.constant 21 : i32
    %dma_wait3A_644 = arith.constant 21 : i32
    %dma_wait3A_645 = arith.constant 0 : i32
    %dma_wait3A_646 = tpu.memref_slice %arg9[%dma_wait3A_644, %dma_wait3A_645] : memref<25x1024xi32, #tpu.memory_space<vmem>> -> memref<1x1024xi32, #tpu.memory_space<vmem>>
    %dma_wait3A_647 = tpu.memref_squeeze %dma_wait3A_646 : memref<1x1024xi32, #tpu.memory_space<vmem>> -> memref<1024xi32, #tpu.memory_space<vmem>>
    %dma_wait3A_648 = arith.constant 0 : i32
    %dma_wait3A_649 = tpu.memref_slice %arg2[%dma_wait3A_643, %add3A, %dma_wait3A_648] : memref<25x32x1024xi32, #tpu.memory_space<hbm>> -> memref<1x1x1024xi32, #tpu.memory_space<hbm>>
    %dma_wait3A_650 = tpu.memref_squeeze %dma_wait3A_649 : memref<1x1x1024xi32, #tpu.memory_space<hbm>> -> memref<1024xi32, #tpu.memory_space<hbm>>
    %dma_wait3A_651 = arith.constant 0 : i32
    %dma_wait3A_652 = tpu.memref_slice %arg9[%dma_wait3A_644, %dma_wait3A_651] : memref<25x1024xi32, #tpu.memory_space<vmem>> -> memref<1x1024xi32, #tpu.memory_space<vmem>>
    %dma_wait3A_653 = tpu.memref_squeeze %dma_wait3A_652 : memref<1x1024xi32, #tpu.memory_space<vmem>> -> memref<1024xi32, #tpu.memory_space<vmem>>
    %dma_wait3A_654 = arith.constant 0 : i32
    %dma_wait3A_655 = tpu.memref_slice %arg2[%dma_wait3A_643, %add3A, %dma_wait3A_654] : memref<25x32x1024xi32, #tpu.memory_space<hbm>> -> memref<1x1x1024xi32, #tpu.memory_space<hbm>>
    %dma_wait3A_656 = tpu.memref_squeeze %dma_wait3A_655 : memref<1x1x1024xi32, #tpu.memory_space<hbm>> -> memref<1024xi32, #tpu.memory_space<hbm>>
    tpu.wait_dma2 semaphore(%arg10 : memref<!tpu.dma_semaphore, #tpu.memory_space<semaphore_mem>>) src(%dma_wait3A_656 : memref<1024xi32, #tpu.memory_space<hbm>>) dst(%dma_wait3A_653 : memref<1024xi32, #tpu.memory_space<vmem>>)
    %dma_wait3A_657 = arith.constant 22 : i32
    %dma_wait3A_658 = arith.constant 22 : i32
    %dma_wait3A_659 = arith.constant 0 : i32
    %dma_wait3A_660 = tpu.memref_slice %arg9[%dma_wait3A_658, %dma_wait3A_659] : memref<25x1024xi32, #tpu.memory_space<vmem>> -> memref<1x1024xi32, #tpu.memory_space<vmem>>
    %dma_wait3A_661 = tpu.memref_squeeze %dma_wait3A_660 : memref<1x1024xi32, #tpu.memory_space<vmem>> -> memref<1024xi32, #tpu.memory_space<vmem>>
    %dma_wait3A_662 = arith.constant 0 : i32
    %dma_wait3A_663 = tpu.memref_slice %arg2[%dma_wait3A_657, %add3A, %dma_wait3A_662] : memref<25x32x1024xi32, #tpu.memory_space<hbm>> -> memref<1x1x1024xi32, #tpu.memory_space<hbm>>
    %dma_wait3A_664 = tpu.memref_squeeze %dma_wait3A_663 : memref<1x1x1024xi32, #tpu.memory_space<hbm>> -> memref<1024xi32, #tpu.memory_space<hbm>>
    %dma_wait3A_665 = arith.constant 0 : i32
    %dma_wait3A_666 = tpu.memref_slice %arg9[%dma_wait3A_658, %dma_wait3A_665] : memref<25x1024xi32, #tpu.memory_space<vmem>> -> memref<1x1024xi32, #tpu.memory_space<vmem>>
    %dma_wait3A_667 = tpu.memref_squeeze %dma_wait3A_666 : memref<1x1024xi32, #tpu.memory_space<vmem>> -> memref<1024xi32, #tpu.memory_space<vmem>>
    %dma_wait3A_668 = arith.constant 0 : i32
    %dma_wait3A_669 = tpu.memref_slice %arg2[%dma_wait3A_657, %add3A, %dma_wait3A_668] : memref<25x32x1024xi32, #tpu.memory_space<hbm>> -> memref<1x1x1024xi32, #tpu.memory_space<hbm>>
    %dma_wait3A_670 = tpu.memref_squeeze %dma_wait3A_669 : memref<1x1x1024xi32, #tpu.memory_space<hbm>> -> memref<1024xi32, #tpu.memory_space<hbm>>
    tpu.wait_dma2 semaphore(%arg10 : memref<!tpu.dma_semaphore, #tpu.memory_space<semaphore_mem>>) src(%dma_wait3A_670 : memref<1024xi32, #tpu.memory_space<hbm>>) dst(%dma_wait3A_667 : memref<1024xi32, #tpu.memory_space<vmem>>)
    %dma_wait3A_671 = arith.constant 23 : i32
    %dma_wait3A_672 = arith.constant 23 : i32
    %dma_wait3A_673 = arith.constant 0 : i32
    %dma_wait3A_674 = tpu.memref_slice %arg9[%dma_wait3A_672, %dma_wait3A_673] : memref<25x1024xi32, #tpu.memory_space<vmem>> -> memref<1x1024xi32, #tpu.memory_space<vmem>>
    %dma_wait3A_675 = tpu.memref_squeeze %dma_wait3A_674 : memref<1x1024xi32, #tpu.memory_space<vmem>> -> memref<1024xi32, #tpu.memory_space<vmem>>
    %dma_wait3A_676 = arith.constant 0 : i32
    %dma_wait3A_677 = tpu.memref_slice %arg2[%dma_wait3A_671, %add3A, %dma_wait3A_676] : memref<25x32x1024xi32, #tpu.memory_space<hbm>> -> memref<1x1x1024xi32, #tpu.memory_space<hbm>>
    %dma_wait3A_678 = tpu.memref_squeeze %dma_wait3A_677 : memref<1x1x1024xi32, #tpu.memory_space<hbm>> -> memref<1024xi32, #tpu.memory_space<hbm>>
    %dma_wait3A_679 = arith.constant 0 : i32
    %dma_wait3A_680 = tpu.memref_slice %arg9[%dma_wait3A_672, %dma_wait3A_679] : memref<25x1024xi32, #tpu.memory_space<vmem>> -> memref<1x1024xi32, #tpu.memory_space<vmem>>
    %dma_wait3A_681 = tpu.memref_squeeze %dma_wait3A_680 : memref<1x1024xi32, #tpu.memory_space<vmem>> -> memref<1024xi32, #tpu.memory_space<vmem>>
    %dma_wait3A_682 = arith.constant 0 : i32
    %dma_wait3A_683 = tpu.memref_slice %arg2[%dma_wait3A_671, %add3A, %dma_wait3A_682] : memref<25x32x1024xi32, #tpu.memory_space<hbm>> -> memref<1x1x1024xi32, #tpu.memory_space<hbm>>
    %dma_wait3A_684 = tpu.memref_squeeze %dma_wait3A_683 : memref<1x1x1024xi32, #tpu.memory_space<hbm>> -> memref<1024xi32, #tpu.memory_space<hbm>>
    tpu.wait_dma2 semaphore(%arg10 : memref<!tpu.dma_semaphore, #tpu.memory_space<semaphore_mem>>) src(%dma_wait3A_684 : memref<1024xi32, #tpu.memory_space<hbm>>) dst(%dma_wait3A_681 : memref<1024xi32, #tpu.memory_space<vmem>>)
    %dma_wait3A_685 = arith.constant 24 : i32
    %dma_wait3A_686 = arith.constant 24 : i32
    %dma_wait3A_687 = arith.constant 0 : i32
    %dma_wait3A_688 = tpu.memref_slice %arg9[%dma_wait3A_686, %dma_wait3A_687] : memref<25x1024xi32, #tpu.memory_space<vmem>> -> memref<1x1024xi32, #tpu.memory_space<vmem>>
    %dma_wait3A_689 = tpu.memref_squeeze %dma_wait3A_688 : memref<1x1024xi32, #tpu.memory_space<vmem>> -> memref<1024xi32, #tpu.memory_space<vmem>>
    %dma_wait3A_690 = arith.constant 0 : i32
    %dma_wait3A_691 = tpu.memref_slice %arg2[%dma_wait3A_685, %add3A, %dma_wait3A_690] : memref<25x32x1024xi32, #tpu.memory_space<hbm>> -> memref<1x1x1024xi32, #tpu.memory_space<hbm>>
    %dma_wait3A_692 = tpu.memref_squeeze %dma_wait3A_691 : memref<1x1x1024xi32, #tpu.memory_space<hbm>> -> memref<1024xi32, #tpu.memory_space<hbm>>
    %dma_wait3A_693 = arith.constant 0 : i32
    %dma_wait3A_694 = tpu.memref_slice %arg9[%dma_wait3A_686, %dma_wait3A_693] : memref<25x1024xi32, #tpu.memory_space<vmem>> -> memref<1x1024xi32, #tpu.memory_space<vmem>>
    %dma_wait3A_695 = tpu.memref_squeeze %dma_wait3A_694 : memref<1x1024xi32, #tpu.memory_space<vmem>> -> memref<1024xi32, #tpu.memory_space<vmem>>
    %dma_wait3A_696 = arith.constant 0 : i32
    %dma_wait3A_697 = tpu.memref_slice %arg2[%dma_wait3A_685, %add3A, %dma_wait3A_696] : memref<25x32x1024xi32, #tpu.memory_space<hbm>> -> memref<1x1x1024xi32, #tpu.memory_space<hbm>>
    %dma_wait3A_698 = tpu.memref_squeeze %dma_wait3A_697 : memref<1x1x1024xi32, #tpu.memory_space<hbm>> -> memref<1024xi32, #tpu.memory_space<hbm>>
    tpu.wait_dma2 semaphore(%arg10 : memref<!tpu.dma_semaphore, #tpu.memory_space<semaphore_mem>>) src(%dma_wait3A_698 : memref<1024xi32, #tpu.memory_space<hbm>>) dst(%dma_wait3A_695 : memref<1024xi32, #tpu.memory_space<vmem>>)
    %dma_start3A_699 = arith.constant 0 : i32
    %dma_start3A_700 = arith.constant 0 : i32
    %dma_start3A_701 = arith.constant 0 : i32
    %dma_start3A_702 = arith.constant 0 : i32
    %dma_start3A_703 = tpu.memref_slice %arg11[%dma_start3A_700, %dma_start3A_701, %dma_start3A_702] : memref<2x16x129xf32, #tpu.memory_space<vmem>> -> memref<2x8x128xf32, #tpu.memory_space<vmem>>
    %dma_start3A_704 = arith.constant 0 : i32
    %dma_start3A_705 = arith.constant 0 : i32
    %dma_start3A_706 = arith.constant 0 : i32
    %dma_start3A_707 = tpu.memref_slice %arg3[%dma_start3A_704, %dma_start3A_699, %add3A, %dma_start3A_705, %dma_start3A_706] : memref<200x2x32x8x128xf32, #tpu.memory_space<hbm>> -> memref<2x1x1x8x128xf32, #tpu.memory_space<hbm>>
    %dma_start3A_708 = tpu.memref_squeeze %dma_start3A_707 : memref<2x1x1x8x128xf32, #tpu.memory_space<hbm>> -> memref<2x8x128xf32, #tpu.memory_space<hbm>>
    %dma_start3A_709 = arith.constant 0 : i32
    %dma_start3A_710 = arith.constant 0 : i32
    %dma_start3A_711 = arith.constant 0 : i32
    %dma_start3A_712 = tpu.memref_slice %arg11[%dma_start3A_709, %dma_start3A_710, %dma_start3A_711] : memref<2x16x129xf32, #tpu.memory_space<vmem>> -> memref<2x8x128xf32, #tpu.memory_space<vmem>>
    %dma_start3A_713 = arith.constant 0 : i32
    %dma_start3A_714 = arith.constant 0 : i32
    %dma_start3A_715 = arith.constant 0 : i32
    %dma_start3A_716 = tpu.memref_slice %arg3[%dma_start3A_713, %dma_start3A_699, %add3A, %dma_start3A_714, %dma_start3A_715] : memref<200x2x32x8x128xf32, #tpu.memory_space<hbm>> -> memref<2x1x1x8x128xf32, #tpu.memory_space<hbm>>
    %dma_start3A_717 = tpu.memref_squeeze %dma_start3A_716 : memref<2x1x1x8x128xf32, #tpu.memory_space<hbm>> -> memref<2x8x128xf32, #tpu.memory_space<hbm>>
    tpu.enqueue_dma source(%dma_start3A_717 : memref<2x8x128xf32, #tpu.memory_space<hbm>>) target(%dma_start3A_712 : memref<2x8x128xf32, #tpu.memory_space<vmem>>) target_semaphore(%arg17 : memref<!tpu.dma_semaphore, #tpu.memory_space<semaphore_mem>>)
    %dma_start3A_718 = arith.constant 1 : i32
    %dma_start3A_719 = arith.constant 0 : i32
    %dma_start3A_720 = arith.constant 8 : i32
    %dma_start3A_721 = arith.constant 0 : i32
    %dma_start3A_722 = tpu.memref_slice %arg11[%dma_start3A_719, %dma_start3A_720, %dma_start3A_721] : memref<2x16x129xf32, #tpu.memory_space<vmem>> -> memref<2x8x128xf32, #tpu.memory_space<vmem>>
    %dma_start3A_723 = arith.constant 0 : i32
    %dma_start3A_724 = arith.constant 0 : i32
    %dma_start3A_725 = arith.constant 0 : i32
    %dma_start3A_726 = tpu.memref_slice %arg3[%dma_start3A_723, %dma_start3A_718, %add3A, %dma_start3A_724, %dma_start3A_725] : memref<200x2x32x8x128xf32, #tpu.memory_space<hbm>> -> memref<2x1x1x8x128xf32, #tpu.memory_space<hbm>>
    %dma_start3A_727 = tpu.memref_squeeze %dma_start3A_726 : memref<2x1x1x8x128xf32, #tpu.memory_space<hbm>> -> memref<2x8x128xf32, #tpu.memory_space<hbm>>
    %dma_start3A_728 = arith.constant 0 : i32
    %dma_start3A_729 = arith.constant 8 : i32
    %dma_start3A_730 = arith.constant 0 : i32
    %dma_start3A_731 = tpu.memref_slice %arg11[%dma_start3A_728, %dma_start3A_729, %dma_start3A_730] : memref<2x16x129xf32, #tpu.memory_space<vmem>> -> memref<2x8x128xf32, #tpu.memory_space<vmem>>
    %dma_start3A_732 = arith.constant 0 : i32
    %dma_start3A_733 = arith.constant 0 : i32
    %dma_start3A_734 = arith.constant 0 : i32
    %dma_start3A_735 = tpu.memref_slice %arg3[%dma_start3A_732, %dma_start3A_718, %add3A, %dma_start3A_733, %dma_start3A_734] : memref<200x2x32x8x128xf32, #tpu.memory_space<hbm>> -> memref<2x1x1x8x128xf32, #tpu.memory_space<hbm>>
    %dma_start3A_736 = tpu.memref_squeeze %dma_start3A_735 : memref<2x1x1x8x128xf32, #tpu.memory_space<hbm>> -> memref<2x8x128xf32, #tpu.memory_space<hbm>>
    tpu.enqueue_dma source(%dma_start3A_736 : memref<2x8x128xf32, #tpu.memory_space<hbm>>) target(%dma_start3A_731 : memref<2x8x128xf32, #tpu.memory_space<vmem>>) target_semaphore(%arg17 : memref<!tpu.dma_semaphore, #tpu.memory_space<semaphore_mem>>)
    %dma_start3A_737 = arith.constant 0 : i32
    %dma_start3A_738 = arith.constant 0 : i32
    %dma_start3A_739 = tpu.memref_slice %arg9[%dma_start3A_737, %dma_start3A_738] : memref<25x1024xi32, #tpu.memory_space<vmem>> -> memref<1x256xi32, #tpu.memory_space<vmem>>
    %dma_start3A_740 = tpu.memref_squeeze %dma_start3A_739 : memref<1x256xi32, #tpu.memory_space<vmem>> -> memref<256xi32, #tpu.memory_space<vmem>>
    %dma_start3A_741 = arith.constant 0 : i32
    %dma_start3A_742 = arith.constant 0 : i32
    %dma_start3A_743 = tpu.memref_slice %arg4[%dma_start3A_741, %dma_start3A_742] : memref<1000000x16xf32, #tpu.memory_space<hbm>> -> memref<1000000x16xf32, #tpu.memory_space<hbm>>
    tpu.enqueue_indirect_dma source(%dma_start3A_743 : memref<1000000x16xf32, #tpu.memory_space<hbm>>) target(%arg15 : memref<256x16xf32, #tpu.memory_space<vmem>>) offsets(%dma_start3A_740 : memref<256xi32, #tpu.memory_space<vmem>>) semaphore(%arg18 : memref<!tpu.dma_semaphore, #tpu.memory_space<semaphore_mem>>)
    %dma_start3A_744 = arith.constant 0 : i32
    %dma_start3A_745 = arith.constant 0 : i32
    %dma_start3A_746 = tpu.memref_slice %arg9[%dma_start3A_744, %dma_start3A_745] : memref<25x1024xi32, #tpu.memory_space<vmem>> -> memref<1x256xi32, #tpu.memory_space<vmem>>
    %dma_start3A_747 = tpu.memref_squeeze %dma_start3A_746 : memref<1x256xi32, #tpu.memory_space<vmem>> -> memref<256xi32, #tpu.memory_space<vmem>>
    %dma_start3A_748 = arith.constant 0 : i32
    %dma_start3A_749 = arith.constant 0 : i32
    %dma_start3A_750 = tpu.memref_slice %arg5[%dma_start3A_748, %dma_start3A_749] : memref<1000000x16xf32, #tpu.memory_space<hbm>> -> memref<1000000x16xf32, #tpu.memory_space<hbm>>
    tpu.enqueue_indirect_dma source(%dma_start3A_750 : memref<1000000x16xf32, #tpu.memory_space<hbm>>) target(%arg16 : memref<256x16xf32, #tpu.memory_space<vmem>>) offsets(%dma_start3A_747 : memref<256xi32, #tpu.memory_space<vmem>>) semaphore(%arg18 : memref<!tpu.dma_semaphore, #tpu.memory_space<semaphore_mem>>)
    %scan3A = arith.constant 0 : i32
    %scan3A_751 = arith.constant 0 : i32
    %scan3A_752 = arith.constant 50 : i32
    %scan3A_753 = arith.addi %scan3A_751, %scan3A_752 : i32
    %scan3A_754 = arith.constant 1 : i32
    scf.for %scan3A_870 = %scan3A_751 to %scan3A_753 step %scan3A_754  : i32 {
      %mul3A_871 = arith.constant 2 : i32
      %mul3A_872 = arith.muli %mul3A_871, %scan3A_870 : i32
      %ge3A = arith.constant 1 : i32
      %ge3A_873 = arith.cmpi sge, %mul3A_872, %ge3A : i32
      %convert_element_type3A = arith.extui %ge3A_873 : i1 to i32
      %cond3A = arith.constant 0 : i32
      %cond3A_874 = arith.cmpi ne, %convert_element_type3A, %cond3A : i32
      scf.if %cond3A_874 {
        %sub3A_1368 = arith.constant 1 : i32
        %sub3A_1369 = arith.subi %mul3A_872, %sub3A_1368 : i32
        %mul3A_1370 = arith.constant 2 : i32
        %mul3A_1371 = arith.muli %sub3A_1369, %mul3A_1370 : i32
        %dma_wait3A_1372 = arith.constant 0 : i32
        %dma_wait3A_1373 = arith.constant 0 : i32
        %dma_wait3A_1374 = arith.constant 0 : i32
        %dma_wait3A_1375 = arith.constant 0 : i32
        %dma_wait3A_1376 = tpu.memref_slice %arg21[%dma_wait3A_1373, %dma_wait3A_1374, %dma_wait3A_1375] : memref<2x16x129xf32, #tpu.memory_space<vmem>> -> memref<2x8x128xf32, #tpu.memory_space<vmem>>
        %dma_wait3A_1377 = arith.constant 0 : i32
        %dma_wait3A_1378 = arith.constant 0 : i32
        %dma_wait3A_1379 = tpu.memref_slice %arg6[%mul3A_1371, %dma_wait3A_1372, %add3A, %dma_wait3A_1377, %dma_wait3A_1378] : memref<200x2x32x8x128xf32, #tpu.memory_space<hbm>> -> memref<2x1x1x8x128xf32, #tpu.memory_space<hbm>>
        %dma_wait3A_1380 = tpu.memref_squeeze %dma_wait3A_1379 : memref<2x1x1x8x128xf32, #tpu.memory_space<hbm>> -> memref<2x8x128xf32, #tpu.memory_space<hbm>>
        %dma_wait3A_1381 = arith.constant 0 : i32
        %dma_wait3A_1382 = arith.constant 0 : i32
        %dma_wait3A_1383 = tpu.memref_slice %arg6[%mul3A_1371, %dma_wait3A_1372, %add3A, %dma_wait3A_1381, %dma_wait3A_1382] : memref<200x2x32x8x128xf32, #tpu.memory_space<hbm>> -> memref<2x1x1x8x128xf32, #tpu.memory_space<hbm>>
        %dma_wait3A_1384 = tpu.memref_squeeze %dma_wait3A_1383 : memref<2x1x1x8x128xf32, #tpu.memory_space<hbm>> -> memref<2x8x128xf32, #tpu.memory_space<hbm>>
        %dma_wait3A_1385 = arith.constant 0 : i32
        %dma_wait3A_1386 = arith.constant 0 : i32
        %dma_wait3A_1387 = arith.constant 0 : i32
        %dma_wait3A_1388 = tpu.memref_slice %arg21[%dma_wait3A_1385, %dma_wait3A_1386, %dma_wait3A_1387] : memref<2x16x129xf32, #tpu.memory_space<vmem>> -> memref<2x8x128xf32, #tpu.memory_space<vmem>>
        tpu.wait_dma2 semaphore(%arg28 : memref<!tpu.dma_semaphore, #tpu.memory_space<semaphore_mem>>) src(%dma_wait3A_1388 : memref<2x8x128xf32, #tpu.memory_space<vmem>>) dst(%dma_wait3A_1384 : memref<2x8x128xf32, #tpu.memory_space<hbm>>)
        %dma_wait3A_1389 = arith.constant 1 : i32
        %dma_wait3A_1390 = arith.constant 0 : i32
        %dma_wait3A_1391 = arith.constant 8 : i32
        %dma_wait3A_1392 = arith.constant 0 : i32
        %dma_wait3A_1393 = tpu.memref_slice %arg21[%dma_wait3A_1390, %dma_wait3A_1391, %dma_wait3A_1392] : memref<2x16x129xf32, #tpu.memory_space<vmem>> -> memref<2x8x128xf32, #tpu.memory_space<vmem>>
        %dma_wait3A_1394 = arith.constant 0 : i32
        %dma_wait3A_1395 = arith.constant 0 : i32
        %dma_wait3A_1396 = tpu.memref_slice %arg6[%mul3A_1371, %dma_wait3A_1389, %add3A, %dma_wait3A_1394, %dma_wait3A_1395] : memref<200x2x32x8x128xf32, #tpu.memory_space<hbm>> -> memref<2x1x1x8x128xf32, #tpu.memory_space<hbm>>
        %dma_wait3A_1397 = tpu.memref_squeeze %dma_wait3A_1396 : memref<2x1x1x8x128xf32, #tpu.memory_space<hbm>> -> memref<2x8x128xf32, #tpu.memory_space<hbm>>
        %dma_wait3A_1398 = arith.constant 0 : i32
        %dma_wait3A_1399 = arith.constant 0 : i32
        %dma_wait3A_1400 = tpu.memref_slice %arg6[%mul3A_1371, %dma_wait3A_1389, %add3A, %dma_wait3A_1398, %dma_wait3A_1399] : memref<200x2x32x8x128xf32, #tpu.memory_space<hbm>> -> memref<2x1x1x8x128xf32, #tpu.memory_space<hbm>>
        %dma_wait3A_1401 = tpu.memref_squeeze %dma_wait3A_1400 : memref<2x1x1x8x128xf32, #tpu.memory_space<hbm>> -> memref<2x8x128xf32, #tpu.memory_space<hbm>>
        %dma_wait3A_1402 = arith.constant 0 : i32
        %dma_wait3A_1403 = arith.constant 8 : i32
        %dma_wait3A_1404 = arith.constant 0 : i32
        %dma_wait3A_1405 = tpu.memref_slice %arg21[%dma_wait3A_1402, %dma_wait3A_1403, %dma_wait3A_1404] : memref<2x16x129xf32, #tpu.memory_space<vmem>> -> memref<2x8x128xf32, #tpu.memory_space<vmem>>
        tpu.wait_dma2 semaphore(%arg28 : memref<!tpu.dma_semaphore, #tpu.memory_space<semaphore_mem>>) src(%dma_wait3A_1405 : memref<2x8x128xf32, #tpu.memory_space<vmem>>) dst(%dma_wait3A_1401 : memref<2x8x128xf32, #tpu.memory_space<hbm>>)
        %dma_wait3A_1406 = arith.constant 0 : i32
        %dma_wait3A_1407 = arith.constant 0 : i32
        %dma_wait3A_1408 = arith.constant 0 : i32
        %dma_wait3A_1409 = arith.constant 0 : i32
        %dma_wait3A_1410 = tpu.memref_slice %arg22[%dma_wait3A_1407, %dma_wait3A_1408, %dma_wait3A_1409] : memref<2x16x129xf32, #tpu.memory_space<vmem>> -> memref<2x8x128xf32, #tpu.memory_space<vmem>>
        %dma_wait3A_1411 = arith.constant 0 : i32
        %dma_wait3A_1412 = arith.constant 0 : i32
        %dma_wait3A_1413 = tpu.memref_slice %arg7[%mul3A_1371, %dma_wait3A_1406, %add3A, %dma_wait3A_1411, %dma_wait3A_1412] : memref<200x2x32x8x128xf32, #tpu.memory_space<hbm>> -> memref<2x1x1x8x128xf32, #tpu.memory_space<hbm>>
        %dma_wait3A_1414 = tpu.memref_squeeze %dma_wait3A_1413 : memref<2x1x1x8x128xf32, #tpu.memory_space<hbm>> -> memref<2x8x128xf32, #tpu.memory_space<hbm>>
        %dma_wait3A_1415 = arith.constant 0 : i32
        %dma_wait3A_1416 = arith.constant 0 : i32
        %dma_wait3A_1417 = tpu.memref_slice %arg7[%mul3A_1371, %dma_wait3A_1406, %add3A, %dma_wait3A_1415, %dma_wait3A_1416] : memref<200x2x32x8x128xf32, #tpu.memory_space<hbm>> -> memref<2x1x1x8x128xf32, #tpu.memory_space<hbm>>
        %dma_wait3A_1418 = tpu.memref_squeeze %dma_wait3A_1417 : memref<2x1x1x8x128xf32, #tpu.memory_space<hbm>> -> memref<2x8x128xf32, #tpu.memory_space<hbm>>
        %dma_wait3A_1419 = arith.constant 0 : i32
        %dma_wait3A_1420 = arith.constant 0 : i32
        %dma_wait3A_1421 = arith.constant 0 : i32
        %dma_wait3A_1422 = tpu.memref_slice %arg22[%dma_wait3A_1419, %dma_wait3A_1420, %dma_wait3A_1421] : memref<2x16x129xf32, #tpu.memory_space<vmem>> -> memref<2x8x128xf32, #tpu.memory_space<vmem>>
        tpu.wait_dma2 semaphore(%arg28 : memref<!tpu.dma_semaphore, #tpu.memory_space<semaphore_mem>>) src(%dma_wait3A_1422 : memref<2x8x128xf32, #tpu.memory_space<vmem>>) dst(%dma_wait3A_1418 : memref<2x8x128xf32, #tpu.memory_space<hbm>>)
        %dma_wait3A_1423 = arith.constant 1 : i32
        %dma_wait3A_1424 = arith.constant 0 : i32
        %dma_wait3A_1425 = arith.constant 8 : i32
        %dma_wait3A_1426 = arith.constant 0 : i32
        %dma_wait3A_1427 = tpu.memref_slice %arg22[%dma_wait3A_1424, %dma_wait3A_1425, %dma_wait3A_1426] : memref<2x16x129xf32, #tpu.memory_space<vmem>> -> memref<2x8x128xf32, #tpu.memory_space<vmem>>
        %dma_wait3A_1428 = arith.constant 0 : i32
        %dma_wait3A_1429 = arith.constant 0 : i32
        %dma_wait3A_1430 = tpu.memref_slice %arg7[%mul3A_1371, %dma_wait3A_1423, %add3A, %dma_wait3A_1428, %dma_wait3A_1429] : memref<200x2x32x8x128xf32, #tpu.memory_space<hbm>> -> memref<2x1x1x8x128xf32, #tpu.memory_space<hbm>>
        %dma_wait3A_1431 = tpu.memref_squeeze %dma_wait3A_1430 : memref<2x1x1x8x128xf32, #tpu.memory_space<hbm>> -> memref<2x8x128xf32, #tpu.memory_space<hbm>>
        %dma_wait3A_1432 = arith.constant 0 : i32
        %dma_wait3A_1433 = arith.constant 0 : i32
        %dma_wait3A_1434 = tpu.memref_slice %arg7[%mul3A_1371, %dma_wait3A_1423, %add3A, %dma_wait3A_1432, %dma_wait3A_1433] : memref<200x2x32x8x128xf32, #tpu.memory_space<hbm>> -> memref<2x1x1x8x128xf32, #tpu.memory_space<hbm>>
        %dma_wait3A_1435 = tpu.memref_squeeze %dma_wait3A_1434 : memref<2x1x1x8x128xf32, #tpu.memory_space<hbm>> -> memref<2x8x128xf32, #tpu.memory_space<hbm>>
        %dma_wait3A_1436 = arith.constant 0 : i32
        %dma_wait3A_1437 = arith.constant 8 : i32
        %dma_wait3A_1438 = arith.constant 0 : i32
        %dma_wait3A_1439 = tpu.memref_slice %arg22[%dma_wait3A_1436, %dma_wait3A_1437, %dma_wait3A_1438] : memref<2x16x129xf32, #tpu.memory_space<vmem>> -> memref<2x8x128xf32, #tpu.memory_space<vmem>>
        tpu.wait_dma2 semaphore(%arg28 : memref<!tpu.dma_semaphore, #tpu.memory_space<semaphore_mem>>) src(%dma_wait3A_1439 : memref<2x8x128xf32, #tpu.memory_space<vmem>>) dst(%dma_wait3A_1435 : memref<2x8x128xf32, #tpu.memory_space<hbm>>)
        %dma_wait3A_1440 = arith.constant 0 : i32
        %dma_wait3A_1441 = arith.constant 0 : i32
        %dma_wait3A_1442 = arith.constant 0 : i32
        %dma_wait3A_1443 = arith.constant 0 : i32
        %dma_wait3A_1444 = tpu.memref_slice %arg23[%dma_wait3A_1441, %dma_wait3A_1442, %dma_wait3A_1443] : memref<2x16x129xf32, #tpu.memory_space<vmem>> -> memref<2x8x128xf32, #tpu.memory_space<vmem>>
        %dma_wait3A_1445 = arith.constant 0 : i32
        %dma_wait3A_1446 = arith.constant 0 : i32
        %dma_wait3A_1447 = tpu.memref_slice %arg8[%mul3A_1371, %dma_wait3A_1440, %add3A, %dma_wait3A_1445, %dma_wait3A_1446] : memref<200x2x32x8x128xf32, #tpu.memory_space<hbm>> -> memref<2x1x1x8x128xf32, #tpu.memory_space<hbm>>
        %dma_wait3A_1448 = tpu.memref_squeeze %dma_wait3A_1447 : memref<2x1x1x8x128xf32, #tpu.memory_space<hbm>> -> memref<2x8x128xf32, #tpu.memory_space<hbm>>
        %dma_wait3A_1449 = arith.constant 0 : i32
        %dma_wait3A_1450 = arith.constant 0 : i32
        %dma_wait3A_1451 = tpu.memref_slice %arg8[%mul3A_1371, %dma_wait3A_1440, %add3A, %dma_wait3A_1449, %dma_wait3A_1450] : memref<200x2x32x8x128xf32, #tpu.memory_space<hbm>> -> memref<2x1x1x8x128xf32, #tpu.memory_space<hbm>>
        %dma_wait3A_1452 = tpu.memref_squeeze %dma_wait3A_1451 : memref<2x1x1x8x128xf32, #tpu.memory_space<hbm>> -> memref<2x8x128xf32, #tpu.memory_space<hbm>>
        %dma_wait3A_1453 = arith.constant 0 : i32
        %dma_wait3A_1454 = arith.constant 0 : i32
        %dma_wait3A_1455 = arith.constant 0 : i32
        %dma_wait3A_1456 = tpu.memref_slice %arg23[%dma_wait3A_1453, %dma_wait3A_1454, %dma_wait3A_1455] : memref<2x16x129xf32, #tpu.memory_space<vmem>> -> memref<2x8x128xf32, #tpu.memory_space<vmem>>
        tpu.wait_dma2 semaphore(%arg28 : memref<!tpu.dma_semaphore, #tpu.memory_space<semaphore_mem>>) src(%dma_wait3A_1456 : memref<2x8x128xf32, #tpu.memory_space<vmem>>) dst(%dma_wait3A_1452 : memref<2x8x128xf32, #tpu.memory_space<hbm>>)
        %dma_wait3A_1457 = arith.constant 1 : i32
        %dma_wait3A_1458 = arith.constant 0 : i32
        %dma_wait3A_1459 = arith.constant 8 : i32
        %dma_wait3A_1460 = arith.constant 0 : i32
        %dma_wait3A_1461 = tpu.memref_slice %arg23[%dma_wait3A_1458, %dma_wait3A_1459, %dma_wait3A_1460] : memref<2x16x129xf32, #tpu.memory_space<vmem>> -> memref<2x8x128xf32, #tpu.memory_space<vmem>>
        %dma_wait3A_1462 = arith.constant 0 : i32
        %dma_wait3A_1463 = arith.constant 0 : i32
        %dma_wait3A_1464 = tpu.memref_slice %arg8[%mul3A_1371, %dma_wait3A_1457, %add3A, %dma_wait3A_1462, %dma_wait3A_1463] : memref<200x2x32x8x128xf32, #tpu.memory_space<hbm>> -> memref<2x1x1x8x128xf32, #tpu.memory_space<hbm>>
        %dma_wait3A_1465 = tpu.memref_squeeze %dma_wait3A_1464 : memref<2x1x1x8x128xf32, #tpu.memory_space<hbm>> -> memref<2x8x128xf32, #tpu.memory_space<hbm>>
        %dma_wait3A_1466 = arith.constant 0 : i32
        %dma_wait3A_1467 = arith.constant 0 : i32
        %dma_wait3A_1468 = tpu.memref_slice %arg8[%mul3A_1371, %dma_wait3A_1457, %add3A, %dma_wait3A_1466, %dma_wait3A_1467] : memref<200x2x32x8x128xf32, #tpu.memory_space<hbm>> -> memref<2x1x1x8x128xf32, #tpu.memory_space<hbm>>
        %dma_wait3A_1469 = tpu.memref_squeeze %dma_wait3A_1468 : memref<2x1x1x8x128xf32, #tpu.memory_space<hbm>> -> memref<2x8x128xf32, #tpu.memory_space<hbm>>
        %dma_wait3A_1470 = arith.constant 0 : i32
        %dma_wait3A_1471 = arith.constant 8 : i32
        %dma_wait3A_1472 = arith.constant 0 : i32
        %dma_wait3A_1473 = tpu.memref_slice %arg23[%dma_wait3A_1470, %dma_wait3A_1471, %dma_wait3A_1472] : memref<2x16x129xf32, #tpu.memory_space<vmem>> -> memref<2x8x128xf32, #tpu.memory_space<vmem>>
        tpu.wait_dma2 semaphore(%arg28 : memref<!tpu.dma_semaphore, #tpu.memory_space<semaphore_mem>>) src(%dma_wait3A_1473 : memref<2x8x128xf32, #tpu.memory_space<vmem>>) dst(%dma_wait3A_1469 : memref<2x8x128xf32, #tpu.memory_space<hbm>>)
      } else {
      }
      %add3A_875 = arith.constant 1 : i32
      %add3A_876 = arith.addi %mul3A_872, %add3A_875 : i32
      %lt3A = arith.constant 100 : i32
      %lt3A_877 = arith.cmpi slt, %add3A_876, %lt3A : i32
      %convert_element_type3A_878 = arith.extui %lt3A_877 : i1 to i32
      %cond3A_879 = arith.constant 0 : i32
      %cond3A_880 = arith.cmpi ne, %convert_element_type3A_878, %cond3A_879 : i32
      scf.if %cond3A_880 {
        %add3A_1368 = arith.constant 1 : i32
        %add3A_1369 = arith.addi %mul3A_872, %add3A_1368 : i32
        %mul3A_1370 = arith.constant 2 : i32
        %mul3A_1371 = arith.muli %add3A_1369, %mul3A_1370 : i32
        %jit3A_1372 = arith.constant 4 : i32
        %div3A_1373 = arith.divsi %add3A_1369, %jit3A_1372 : i32
        %sign3A_1374 = arith.constant 0 : i32
        %sign3A_1375 = arith.cmpi sgt, %add3A_1369, %sign3A_1374 : i32
        %sign3A_1376 = arith.extui %sign3A_1375 : i1 to i32
        %sign3A_1377 = arith.constant 0 : i32
        %sign3A_1378 = arith.cmpi slt, %add3A_1369, %sign3A_1377 : i32
        %sign3A_1379 = arith.extui %sign3A_1378 : i1 to i32
        %sign3A_1380 = arith.subi %sign3A_1376, %sign3A_1379 : i32
        %sign3A_1381 = arith.constant 0 : i32
        %sign3A_1382 = arith.cmpi sgt, %jit3A_1372, %sign3A_1381 : i32
        %sign3A_1383 = arith.extui %sign3A_1382 : i1 to i32
        %sign3A_1384 = arith.constant 0 : i32
        %sign3A_1385 = arith.cmpi slt, %jit3A_1372, %sign3A_1384 : i32
        %sign3A_1386 = arith.extui %sign3A_1385 : i1 to i32
        %sign3A_1387 = arith.subi %sign3A_1383, %sign3A_1386 : i32
        %ne3A_1388 = arith.cmpi ne, %sign3A_1380, %sign3A_1387 : i32
        %rem3A_1389 = arith.remsi %add3A_1369, %jit3A_1372 : i32
        %ne3A_1390 = arith.constant 0 : i32
        %ne3A_1391 = arith.cmpi ne, %rem3A_1389, %ne3A_1390 : i32
        %and3A_1392 = arith.andi %ne3A_1388, %ne3A_1391 : i1
        %sub3A_1393 = arith.constant 1 : i32
        %sub3A_1394 = arith.subi %div3A_1373, %sub3A_1393 : i32
        %select_n3A_1395 = arith.select %and3A_1392, %sub3A_1394, %div3A_1373 : i32
        %jit3A_1396 = arith.constant 4 : i32
        %eq3A_1397 = arith.constant 0 : i32
        %eq3A_1398 = arith.cmpi eq, %jit3A_1396, %eq3A_1397 : i32
        %jit3A_1399 = arith.constant 1 : i32
        %select_n3A_1400 = arith.select %eq3A_1398, %jit3A_1399, %jit3A_1396 : i32
        %rem3A_1401 = arith.remsi %add3A_1369, %select_n3A_1400 : i32
        %ne3A_1402 = arith.constant 0 : i32
        %ne3A_1403 = arith.cmpi ne, %rem3A_1401, %ne3A_1402 : i32
        %lt3A_1404 = arith.constant 0 : i32
        %lt3A_1405 = arith.cmpi slt, %rem3A_1401, %lt3A_1404 : i32
        %lt3A_1406 = arith.constant 0 : i32
        %lt3A_1407 = arith.cmpi slt, %select_n3A_1400, %lt3A_1406 : i32
        %ne3A_1408 = arith.xori %lt3A_1405, %lt3A_1407 : i1
        %and3A_1409 = arith.andi %ne3A_1408, %ne3A_1403 : i1
        %add3A_1410 = arith.addi %rem3A_1401, %select_n3A_1400 : i32
        %select_n3A_1411 = arith.select %and3A_1409, %add3A_1410, %rem3A_1401 : i32
        %mul3A_1412 = arith.constant 256 : i32
        %mul3A_1413 = arith.muli %select_n3A_1411, %mul3A_1412 : i32
        %jit3A_1414 = arith.constant 4 : i32
        %div3A_1415 = arith.divsi %add3A_1369, %jit3A_1414 : i32
        %sign3A_1416 = arith.constant 0 : i32
        %sign3A_1417 = arith.cmpi sgt, %add3A_1369, %sign3A_1416 : i32
        %sign3A_1418 = arith.extui %sign3A_1417 : i1 to i32
        %sign3A_1419 = arith.constant 0 : i32
        %sign3A_1420 = arith.cmpi slt, %add3A_1369, %sign3A_1419 : i32
        %sign3A_1421 = arith.extui %sign3A_1420 : i1 to i32
        %sign3A_1422 = arith.subi %sign3A_1418, %sign3A_1421 : i32
        %sign3A_1423 = arith.constant 0 : i32
        %sign3A_1424 = arith.cmpi sgt, %jit3A_1414, %sign3A_1423 : i32
        %sign3A_1425 = arith.extui %sign3A_1424 : i1 to i32
        %sign3A_1426 = arith.constant 0 : i32
        %sign3A_1427 = arith.cmpi slt, %jit3A_1414, %sign3A_1426 : i32
        %sign3A_1428 = arith.extui %sign3A_1427 : i1 to i32
        %sign3A_1429 = arith.subi %sign3A_1425, %sign3A_1428 : i32
        %ne3A_1430 = arith.cmpi ne, %sign3A_1422, %sign3A_1429 : i32
        %rem3A_1431 = arith.remsi %add3A_1369, %jit3A_1414 : i32
        %ne3A_1432 = arith.constant 0 : i32
        %ne3A_1433 = arith.cmpi ne, %rem3A_1431, %ne3A_1432 : i32
        %and3A_1434 = arith.andi %ne3A_1430, %ne3A_1433 : i1
        %sub3A_1435 = arith.constant 1 : i32
        %sub3A_1436 = arith.subi %div3A_1415, %sub3A_1435 : i32
        %select_n3A_1437 = arith.select %and3A_1434, %sub3A_1436, %div3A_1415 : i32
        %jit3A_1438 = arith.constant 4 : i32
        %eq3A_1439 = arith.constant 0 : i32
        %eq3A_1440 = arith.cmpi eq, %jit3A_1438, %eq3A_1439 : i32
        %jit3A_1441 = arith.constant 1 : i32
        %select_n3A_1442 = arith.select %eq3A_1440, %jit3A_1441, %jit3A_1438 : i32
        %rem3A_1443 = arith.remsi %add3A_1369, %select_n3A_1442 : i32
        %ne3A_1444 = arith.constant 0 : i32
        %ne3A_1445 = arith.cmpi ne, %rem3A_1443, %ne3A_1444 : i32
        %lt3A_1446 = arith.constant 0 : i32
        %lt3A_1447 = arith.cmpi slt, %rem3A_1443, %lt3A_1446 : i32
        %lt3A_1448 = arith.constant 0 : i32
        %lt3A_1449 = arith.cmpi slt, %select_n3A_1442, %lt3A_1448 : i32
        %ne3A_1450 = arith.xori %lt3A_1447, %lt3A_1449 : i1
        %and3A_1451 = arith.andi %ne3A_1450, %ne3A_1445 : i1
        %add3A_1452 = arith.addi %rem3A_1443, %select_n3A_1442 : i32
        %select_n3A_1453 = arith.select %and3A_1451, %add3A_1452, %rem3A_1443 : i32
        %mul3A_1454 = arith.constant 256 : i32
        %mul3A_1455 = arith.muli %select_n3A_1453, %mul3A_1454 : i32
        %dma_start3A_1456 = arith.constant 0 : i32
        %dma_start3A_1457 = arith.constant 0 : i32
        %dma_start3A_1458 = arith.constant 0 : i32
        %dma_start3A_1459 = arith.constant 0 : i32
        %dma_start3A_1460 = tpu.memref_slice %arg20[%dma_start3A_1457, %dma_start3A_1458, %dma_start3A_1459] : memref<2x16x129xf32, #tpu.memory_space<vmem>> -> memref<2x8x128xf32, #tpu.memory_space<vmem>>
        %dma_start3A_1461 = arith.constant 0 : i32
        %dma_start3A_1462 = arith.constant 0 : i32
        %dma_start3A_1463 = tpu.memref_slice %arg3[%mul3A_1371, %dma_start3A_1456, %add3A, %dma_start3A_1461, %dma_start3A_1462] : memref<200x2x32x8x128xf32, #tpu.memory_space<hbm>> -> memref<2x1x1x8x128xf32, #tpu.memory_space<hbm>>
        %dma_start3A_1464 = tpu.memref_squeeze %dma_start3A_1463 : memref<2x1x1x8x128xf32, #tpu.memory_space<hbm>> -> memref<2x8x128xf32, #tpu.memory_space<hbm>>
        %dma_start3A_1465 = arith.constant 0 : i32
        %dma_start3A_1466 = arith.constant 0 : i32
        %dma_start3A_1467 = arith.constant 0 : i32
        %dma_start3A_1468 = tpu.memref_slice %arg20[%dma_start3A_1465, %dma_start3A_1466, %dma_start3A_1467] : memref<2x16x129xf32, #tpu.memory_space<vmem>> -> memref<2x8x128xf32, #tpu.memory_space<vmem>>
        %dma_start3A_1469 = arith.constant 0 : i32
        %dma_start3A_1470 = arith.constant 0 : i32
        %dma_start3A_1471 = tpu.memref_slice %arg3[%mul3A_1371, %dma_start3A_1456, %add3A, %dma_start3A_1469, %dma_start3A_1470] : memref<200x2x32x8x128xf32, #tpu.memory_space<hbm>> -> memref<2x1x1x8x128xf32, #tpu.memory_space<hbm>>
        %dma_start3A_1472 = tpu.memref_squeeze %dma_start3A_1471 : memref<2x1x1x8x128xf32, #tpu.memory_space<hbm>> -> memref<2x8x128xf32, #tpu.memory_space<hbm>>
        tpu.enqueue_dma source(%dma_start3A_1472 : memref<2x8x128xf32, #tpu.memory_space<hbm>>) target(%dma_start3A_1468 : memref<2x8x128xf32, #tpu.memory_space<vmem>>) target_semaphore(%arg26 : memref<!tpu.dma_semaphore, #tpu.memory_space<semaphore_mem>>)
        %dma_start3A_1473 = arith.constant 1 : i32
        %dma_start3A_1474 = arith.constant 0 : i32
        %dma_start3A_1475 = arith.constant 8 : i32
        %dma_start3A_1476 = arith.constant 0 : i32
        %dma_start3A_1477 = tpu.memref_slice %arg20[%dma_start3A_1474, %dma_start3A_1475, %dma_start3A_1476] : memref<2x16x129xf32, #tpu.memory_space<vmem>> -> memref<2x8x128xf32, #tpu.memory_space<vmem>>
        %dma_start3A_1478 = arith.constant 0 : i32
        %dma_start3A_1479 = arith.constant 0 : i32
        %dma_start3A_1480 = tpu.memref_slice %arg3[%mul3A_1371, %dma_start3A_1473, %add3A, %dma_start3A_1478, %dma_start3A_1479] : memref<200x2x32x8x128xf32, #tpu.memory_space<hbm>> -> memref<2x1x1x8x128xf32, #tpu.memory_space<hbm>>
        %dma_start3A_1481 = tpu.memref_squeeze %dma_start3A_1480 : memref<2x1x1x8x128xf32, #tpu.memory_space<hbm>> -> memref<2x8x128xf32, #tpu.memory_space<hbm>>
        %dma_start3A_1482 = arith.constant 0 : i32
        %dma_start3A_1483 = arith.constant 8 : i32
        %dma_start3A_1484 = arith.constant 0 : i32
        %dma_start3A_1485 = tpu.memref_slice %arg20[%dma_start3A_1482, %dma_start3A_1483, %dma_start3A_1484] : memref<2x16x129xf32, #tpu.memory_space<vmem>> -> memref<2x8x128xf32, #tpu.memory_space<vmem>>
        %dma_start3A_1486 = arith.constant 0 : i32
        %dma_start3A_1487 = arith.constant 0 : i32
        %dma_start3A_1488 = tpu.memref_slice %arg3[%mul3A_1371, %dma_start3A_1473, %add3A, %dma_start3A_1486, %dma_start3A_1487] : memref<200x2x32x8x128xf32, #tpu.memory_space<hbm>> -> memref<2x1x1x8x128xf32, #tpu.memory_space<hbm>>
        %dma_start3A_1489 = tpu.memref_squeeze %dma_start3A_1488 : memref<2x1x1x8x128xf32, #tpu.memory_space<hbm>> -> memref<2x8x128xf32, #tpu.memory_space<hbm>>
        tpu.enqueue_dma source(%dma_start3A_1489 : memref<2x8x128xf32, #tpu.memory_space<hbm>>) target(%dma_start3A_1485 : memref<2x8x128xf32, #tpu.memory_space<vmem>>) target_semaphore(%arg26 : memref<!tpu.dma_semaphore, #tpu.memory_space<semaphore_mem>>)
        %dma_start3A_1490 = tpu.memref_slice %arg9[%select_n3A_1395, %mul3A_1413] : memref<25x1024xi32, #tpu.memory_space<vmem>> -> memref<1x256xi32, #tpu.memory_space<vmem>>
        %dma_start3A_1491 = tpu.memref_squeeze %dma_start3A_1490 : memref<1x256xi32, #tpu.memory_space<vmem>> -> memref<256xi32, #tpu.memory_space<vmem>>
        %dma_start3A_1492 = arith.constant 0 : i32
        %dma_start3A_1493 = arith.constant 0 : i32
        %dma_start3A_1494 = tpu.memref_slice %arg4[%dma_start3A_1492, %dma_start3A_1493] : memref<1000000x16xf32, #tpu.memory_space<hbm>> -> memref<1000000x16xf32, #tpu.memory_space<hbm>>
        tpu.enqueue_indirect_dma source(%dma_start3A_1494 : memref<1000000x16xf32, #tpu.memory_space<hbm>>) target(%arg24 : memref<256x16xf32, #tpu.memory_space<vmem>>) offsets(%dma_start3A_1491 : memref<256xi32, #tpu.memory_space<vmem>>) semaphore(%arg27 : memref<!tpu.dma_semaphore, #tpu.memory_space<semaphore_mem>>)
        %dma_start3A_1495 = tpu.memref_slice %arg9[%select_n3A_1437, %mul3A_1455] : memref<25x1024xi32, #tpu.memory_space<vmem>> -> memref<1x256xi32, #tpu.memory_space<vmem>>
        %dma_start3A_1496 = tpu.memref_squeeze %dma_start3A_1495 : memref<1x256xi32, #tpu.memory_space<vmem>> -> memref<256xi32, #tpu.memory_space<vmem>>
        %dma_start3A_1497 = arith.constant 0 : i32
        %dma_start3A_1498 = arith.constant 0 : i32
        %dma_start3A_1499 = tpu.memref_slice %arg5[%dma_start3A_1497, %dma_start3A_1498] : memref<1000000x16xf32, #tpu.memory_space<hbm>> -> memref<1000000x16xf32, #tpu.memory_space<hbm>>
        tpu.enqueue_indirect_dma source(%dma_start3A_1499 : memref<1000000x16xf32, #tpu.memory_space<hbm>>) target(%arg25 : memref<256x16xf32, #tpu.memory_space<vmem>>) offsets(%dma_start3A_1496 : memref<256xi32, #tpu.memory_space<vmem>>) semaphore(%arg27 : memref<!tpu.dma_semaphore, #tpu.memory_space<semaphore_mem>>)
      } else {
      }
      %mul3A_881 = arith.constant 2 : i32
      %mul3A_882 = arith.muli %mul3A_872, %mul3A_881 : i32
      %jit3A = arith.constant 4 : i32
      %div3A = arith.divsi %mul3A_872, %jit3A : i32
      %sign3A = arith.constant 0 : i32
      %sign3A_883 = arith.cmpi sgt, %mul3A_872, %sign3A : i32
      %sign3A_884 = arith.extui %sign3A_883 : i1 to i32
      %sign3A_885 = arith.constant 0 : i32
      %sign3A_886 = arith.cmpi slt, %mul3A_872, %sign3A_885 : i32
      %sign3A_887 = arith.extui %sign3A_886 : i1 to i32
      %sign3A_888 = arith.subi %sign3A_884, %sign3A_887 : i32
      %sign3A_889 = arith.constant 0 : i32
      %sign3A_890 = arith.cmpi sgt, %jit3A, %sign3A_889 : i32
      %sign3A_891 = arith.extui %sign3A_890 : i1 to i32
      %sign3A_892 = arith.constant 0 : i32
      %sign3A_893 = arith.cmpi slt, %jit3A, %sign3A_892 : i32
      %sign3A_894 = arith.extui %sign3A_893 : i1 to i32
      %sign3A_895 = arith.subi %sign3A_891, %sign3A_894 : i32
      %ne3A = arith.cmpi ne, %sign3A_888, %sign3A_895 : i32
      %rem3A = arith.remsi %mul3A_872, %jit3A : i32
      %ne3A_896 = arith.constant 0 : i32
      %ne3A_897 = arith.cmpi ne, %rem3A, %ne3A_896 : i32
      %and3A = arith.andi %ne3A, %ne3A_897 : i1
      %sub3A = arith.constant 1 : i32
      %sub3A_898 = arith.subi %div3A, %sub3A : i32
      %select_n3A = arith.select %and3A, %sub3A_898, %div3A : i32
      %jit3A_899 = arith.constant 4 : i32
      %eq3A = arith.constant 0 : i32
      %eq3A_900 = arith.cmpi eq, %jit3A_899, %eq3A : i32
      %jit3A_901 = arith.constant 1 : i32
      %select_n3A_902 = arith.select %eq3A_900, %jit3A_901, %jit3A_899 : i32
      %rem3A_903 = arith.remsi %mul3A_872, %select_n3A_902 : i32
      %ne3A_904 = arith.constant 0 : i32
      %ne3A_905 = arith.cmpi ne, %rem3A_903, %ne3A_904 : i32
      %lt3A_906 = arith.constant 0 : i32
      %lt3A_907 = arith.cmpi slt, %rem3A_903, %lt3A_906 : i32
      %lt3A_908 = arith.constant 0 : i32
      %lt3A_909 = arith.cmpi slt, %select_n3A_902, %lt3A_908 : i32
      %ne3A_910 = arith.xori %lt3A_907, %lt3A_909 : i1
      %and3A_911 = arith.andi %ne3A_910, %ne3A_905 : i1
      %add3A_912 = arith.addi %rem3A_903, %select_n3A_902 : i32
      %select_n3A_913 = arith.select %and3A_911, %add3A_912, %rem3A_903 : i32
      %mul3A_914 = arith.constant 256 : i32
      %mul3A_915 = arith.muli %select_n3A_913, %mul3A_914 : i32
      %jit3A_916 = arith.constant 4 : i32
      %div3A_917 = arith.divsi %mul3A_872, %jit3A_916 : i32
      %sign3A_918 = arith.constant 0 : i32
      %sign3A_919 = arith.cmpi sgt, %mul3A_872, %sign3A_918 : i32
      %sign3A_920 = arith.extui %sign3A_919 : i1 to i32
      %sign3A_921 = arith.constant 0 : i32
      %sign3A_922 = arith.cmpi slt, %mul3A_872, %sign3A_921 : i32
      %sign3A_923 = arith.extui %sign3A_922 : i1 to i32
      %sign3A_924 = arith.subi %sign3A_920, %sign3A_923 : i32
      %sign3A_925 = arith.constant 0 : i32
      %sign3A_926 = arith.cmpi sgt, %jit3A_916, %sign3A_925 : i32
      %sign3A_927 = arith.extui %sign3A_926 : i1 to i32
      %sign3A_928 = arith.constant 0 : i32
      %sign3A_929 = arith.cmpi slt, %jit3A_916, %sign3A_928 : i32
      %sign3A_930 = arith.extui %sign3A_929 : i1 to i32
      %sign3A_931 = arith.subi %sign3A_927, %sign3A_930 : i32
      %ne3A_932 = arith.cmpi ne, %sign3A_924, %sign3A_931 : i32
      %rem3A_933 = arith.remsi %mul3A_872, %jit3A_916 : i32
      %ne3A_934 = arith.constant 0 : i32
      %ne3A_935 = arith.cmpi ne, %rem3A_933, %ne3A_934 : i32
      %and3A_936 = arith.andi %ne3A_932, %ne3A_935 : i1
      %sub3A_937 = arith.constant 1 : i32
      %sub3A_938 = arith.subi %div3A_917, %sub3A_937 : i32
      %select_n3A_939 = arith.select %and3A_936, %sub3A_938, %div3A_917 : i32
      %jit3A_940 = arith.constant 4 : i32
      %eq3A_941 = arith.constant 0 : i32
      %eq3A_942 = arith.cmpi eq, %jit3A_940, %eq3A_941 : i32
      %jit3A_943 = arith.constant 1 : i32
      %select_n3A_944 = arith.select %eq3A_942, %jit3A_943, %jit3A_940 : i32
      %rem3A_945 = arith.remsi %mul3A_872, %select_n3A_944 : i32
      %ne3A_946 = arith.constant 0 : i32
      %ne3A_947 = arith.cmpi ne, %rem3A_945, %ne3A_946 : i32
      %lt3A_948 = arith.constant 0 : i32
      %lt3A_949 = arith.cmpi slt, %rem3A_945, %lt3A_948 : i32
      %lt3A_950 = arith.constant 0 : i32
      %lt3A_951 = arith.cmpi slt, %select_n3A_944, %lt3A_950 : i32
      %ne3A_952 = arith.xori %lt3A_949, %lt3A_951 : i1
      %and3A_953 = arith.andi %ne3A_952, %ne3A_947 : i1
      %add3A_954 = arith.addi %rem3A_945, %select_n3A_944 : i32
      %select_n3A_955 = arith.select %and3A_953, %add3A_954, %rem3A_945 : i32
      %mul3A_956 = arith.constant 256 : i32
      %mul3A_957 = arith.muli %select_n3A_955, %mul3A_956 : i32
      %dma_wait3A_958 = arith.constant 0 : i32
      %dma_wait3A_959 = arith.constant 0 : i32
      %dma_wait3A_960 = arith.constant 0 : i32
      %dma_wait3A_961 = arith.constant 0 : i32
      %dma_wait3A_962 = tpu.memref_slice %arg11[%dma_wait3A_959, %dma_wait3A_960, %dma_wait3A_961] : memref<2x16x129xf32, #tpu.memory_space<vmem>> -> memref<2x8x128xf32, #tpu.memory_space<vmem>>
      %dma_wait3A_963 = arith.constant 0 : i32
      %dma_wait3A_964 = arith.constant 0 : i32
      %dma_wait3A_965 = tpu.memref_slice %arg3[%mul3A_882, %dma_wait3A_958, %add3A, %dma_wait3A_963, %dma_wait3A_964] : memref<200x2x32x8x128xf32, #tpu.memory_space<hbm>> -> memref<2x1x1x8x128xf32, #tpu.memory_space<hbm>>
      %dma_wait3A_966 = tpu.memref_squeeze %dma_wait3A_965 : memref<2x1x1x8x128xf32, #tpu.memory_space<hbm>> -> memref<2x8x128xf32, #tpu.memory_space<hbm>>
      %dma_wait3A_967 = arith.constant 0 : i32
      %dma_wait3A_968 = arith.constant 0 : i32
      %dma_wait3A_969 = arith.constant 0 : i32
      %dma_wait3A_970 = tpu.memref_slice %arg11[%dma_wait3A_967, %dma_wait3A_968, %dma_wait3A_969] : memref<2x16x129xf32, #tpu.memory_space<vmem>> -> memref<2x8x128xf32, #tpu.memory_space<vmem>>
      %dma_wait3A_971 = arith.constant 0 : i32
      %dma_wait3A_972 = arith.constant 0 : i32
      %dma_wait3A_973 = tpu.memref_slice %arg3[%mul3A_882, %dma_wait3A_958, %add3A, %dma_wait3A_971, %dma_wait3A_972] : memref<200x2x32x8x128xf32, #tpu.memory_space<hbm>> -> memref<2x1x1x8x128xf32, #tpu.memory_space<hbm>>
      %dma_wait3A_974 = tpu.memref_squeeze %dma_wait3A_973 : memref<2x1x1x8x128xf32, #tpu.memory_space<hbm>> -> memref<2x8x128xf32, #tpu.memory_space<hbm>>
      tpu.wait_dma2 semaphore(%arg17 : memref<!tpu.dma_semaphore, #tpu.memory_space<semaphore_mem>>) src(%dma_wait3A_974 : memref<2x8x128xf32, #tpu.memory_space<hbm>>) dst(%dma_wait3A_970 : memref<2x8x128xf32, #tpu.memory_space<vmem>>)
      %dma_wait3A_975 = arith.constant 1 : i32
      %dma_wait3A_976 = arith.constant 0 : i32
      %dma_wait3A_977 = arith.constant 8 : i32
      %dma_wait3A_978 = arith.constant 0 : i32
      %dma_wait3A_979 = tpu.memref_slice %arg11[%dma_wait3A_976, %dma_wait3A_977, %dma_wait3A_978] : memref<2x16x129xf32, #tpu.memory_space<vmem>> -> memref<2x8x128xf32, #tpu.memory_space<vmem>>
      %dma_wait3A_980 = arith.constant 0 : i32
      %dma_wait3A_981 = arith.constant 0 : i32
      %dma_wait3A_982 = tpu.memref_slice %arg3[%mul3A_882, %dma_wait3A_975, %add3A, %dma_wait3A_980, %dma_wait3A_981] : memref<200x2x32x8x128xf32, #tpu.memory_space<hbm>> -> memref<2x1x1x8x128xf32, #tpu.memory_space<hbm>>
      %dma_wait3A_983 = tpu.memref_squeeze %dma_wait3A_982 : memref<2x1x1x8x128xf32, #tpu.memory_space<hbm>> -> memref<2x8x128xf32, #tpu.memory_space<hbm>>
      %dma_wait3A_984 = arith.constant 0 : i32
      %dma_wait3A_985 = arith.constant 8 : i32
      %dma_wait3A_986 = arith.constant 0 : i32
      %dma_wait3A_987 = tpu.memref_slice %arg11[%dma_wait3A_984, %dma_wait3A_985, %dma_wait3A_986] : memref<2x16x129xf32, #tpu.memory_space<vmem>> -> memref<2x8x128xf32, #tpu.memory_space<vmem>>
      %dma_wait3A_988 = arith.constant 0 : i32
      %dma_wait3A_989 = arith.constant 0 : i32
      %dma_wait3A_990 = tpu.memref_slice %arg3[%mul3A_882, %dma_wait3A_975, %add3A, %dma_wait3A_988, %dma_wait3A_989] : memref<200x2x32x8x128xf32, #tpu.memory_space<hbm>> -> memref<2x1x1x8x128xf32, #tpu.memory_space<hbm>>
      %dma_wait3A_991 = tpu.memref_squeeze %dma_wait3A_990 : memref<2x1x1x8x128xf32, #tpu.memory_space<hbm>> -> memref<2x8x128xf32, #tpu.memory_space<hbm>>
      tpu.wait_dma2 semaphore(%arg17 : memref<!tpu.dma_semaphore, #tpu.memory_space<semaphore_mem>>) src(%dma_wait3A_991 : memref<2x8x128xf32, #tpu.memory_space<hbm>>) dst(%dma_wait3A_987 : memref<2x8x128xf32, #tpu.memory_space<vmem>>)
      %dma_wait3A_992 = tpu.memref_slice %arg9[%select_n3A, %mul3A_915] : memref<25x1024xi32, #tpu.memory_space<vmem>> -> memref<1x256xi32, #tpu.memory_space<vmem>>
      %dma_wait3A_993 = tpu.memref_squeeze %dma_wait3A_992 : memref<1x256xi32, #tpu.memory_space<vmem>> -> memref<256xi32, #tpu.memory_space<vmem>>
      %dma_wait3A_994 = arith.constant 0 : i32
      %dma_wait3A_995 = arith.constant 0 : i32
      %dma_wait3A_996 = tpu.memref_slice %arg4[%dma_wait3A_994, %dma_wait3A_995] : memref<1000000x16xf32, #tpu.memory_space<hbm>> -> memref<1000000x16xf32, #tpu.memory_space<hbm>>
      tpu.wait_indirect_dma semaphore(%arg18 : memref<!tpu.dma_semaphore, #tpu.memory_space<semaphore_mem>>) src(%dma_wait3A_996 : memref<1000000x16xf32, #tpu.memory_space<hbm>>) dst(%arg15 : memref<256x16xf32, #tpu.memory_space<vmem>>)
      %dma_wait3A_997 = tpu.memref_slice %arg9[%select_n3A_939, %mul3A_957] : memref<25x1024xi32, #tpu.memory_space<vmem>> -> memref<1x256xi32, #tpu.memory_space<vmem>>
      %dma_wait3A_998 = tpu.memref_squeeze %dma_wait3A_997 : memref<1x256xi32, #tpu.memory_space<vmem>> -> memref<256xi32, #tpu.memory_space<vmem>>
      %dma_wait3A_999 = arith.constant 0 : i32
      %dma_wait3A_1000 = arith.constant 0 : i32
      %dma_wait3A_1001 = tpu.memref_slice %arg5[%dma_wait3A_999, %dma_wait3A_1000] : memref<1000000x16xf32, #tpu.memory_space<hbm>> -> memref<1000000x16xf32, #tpu.memory_space<hbm>>
      tpu.wait_indirect_dma semaphore(%arg18 : memref<!tpu.dma_semaphore, #tpu.memory_space<semaphore_mem>>) src(%dma_wait3A_1001 : memref<1000000x16xf32, #tpu.memory_space<hbm>>) dst(%arg16 : memref<256x16xf32, #tpu.memory_space<vmem>>)
      %scan3A_1002 = arith.constant 0 : i32
      %scan3A_1003 = arith.constant 0 : i32
      %scan3A_1004 = arith.constant 64 : i32
      %scan3A_1005 = arith.addi %scan3A_1003, %scan3A_1004 : i32
      %scan3A_1006 = arith.constant 1 : i32
      scf.for %scan3A_1368 = %scan3A_1003 to %scan3A_1005 step %scan3A_1006  : i32 {
        %mul3A_1369 = arith.constant 4 : i32
        %mul3A_1370 = arith.muli %scan3A_1368, %mul3A_1369 : i32
        %add3A_1371 = arith.constant 0 : i32
        %add3A_1372 = arith.addi %mul3A_1370, %add3A_1371 : i32
        %broadcast_in_dim3A = vector.broadcast %add3A_1372 : i32 to vector<16xi32>
        %shift_right_arithmetic3A = arith.constant 7 : i32
        %shift_right_arithmetic3A_1373 = arith.shrsi %add3A_1372, %shift_right_arithmetic3A : i32
        %broadcast_in_dim3A_1374 = vector.broadcast %shift_right_arithmetic3A_1373 : i32 to vector<16xi32>
        %and3A_1375 = arith.constant 127 : i32
        %and3A_1376 = arith.andi %add3A_1372, %and3A_1375 : i32
        %broadcast_in_dim3A_1377 = vector.broadcast %and3A_1376 : i32 to vector<16xi32>
        %gather3A = tpu.vector_load_idx %arg15[%broadcast_in_dim3A, %iota3A] : memref<256x16xf32, #tpu.memory_space<vmem>>[vector<16xi32>, vector<16xi32>], vector<16xf32>,
        %gather3A_1378 = tpu.vector_load_idx %arg16[%broadcast_in_dim3A, %iota3A] : memref<256x16xf32, #tpu.memory_space<vmem>>[vector<16xi32>, vector<16xi32>], vector<16xf32>,
        %gather3A_1379 = tpu.vector_load_idx %arg11[%broadcast_in_dim3A_1374, %iota3A, %broadcast_in_dim3A_1377] : memref<2x16x129xf32, #tpu.memory_space<vmem>>[vector<16xi32>, vector<16xi32>, vector<16xi32>], vector<16xf32>,
        %sub3A_1380 = arith.subf %gather3A_1379, %gather3A : vector<16xf32>
        %bitcast_convert_type3A = tpu.bitcast %gather3A_1378 : vector<16xf32> -> vector<16xi32>
        %shift_right_arithmetic3A_1381 = arith.constant 1 : i32
        %shift_right_arithmetic3A_1382 = vector.broadcast %shift_right_arithmetic3A_1381 : i32 to vector<16xi32>
        %shift_right_arithmetic3A_1383 = arith.shrsi %bitcast_convert_type3A, %shift_right_arithmetic3A_1382 : vector<16xi32>
        %sub3A_1384 = arith.constant 1597463007 : i32
        %sub3A_1385 = vector.broadcast %sub3A_1384 : i32 to vector<16xi32>
        %sub3A_1386 = arith.subi %sub3A_1385, %shift_right_arithmetic3A_1383 : vector<16xi32>
        %bitcast_convert_type3A_1387 = tpu.bitcast %sub3A_1386 : vector<16xi32> -> vector<16xf32>
        %mul3A_1388 = arith.constant 5.000000e-01 : f32
        %mul3A_1389 = vector.broadcast %mul3A_1388 : f32 to vector<16xf32>
        %mul3A_1390 = arith.mulf %gather3A_1378, %mul3A_1389 : vector<16xf32>
        %mul3A_1391 = arith.mulf %mul3A_1390, %bitcast_convert_type3A_1387 : vector<16xf32>
        %mul3A_1392 = arith.mulf %mul3A_1391, %bitcast_convert_type3A_1387 : vector<16xf32>
        %sub3A_1393 = arith.constant 1.500000e+00 : f32
        %sub3A_1394 = vector.broadcast %sub3A_1393 : f32 to vector<16xf32>
        %sub3A_1395 = arith.subf %sub3A_1394, %mul3A_1392 : vector<16xf32>
        %mul3A_1396 = arith.mulf %bitcast_convert_type3A_1387, %sub3A_1395 : vector<16xf32>
        %mul3A_1397 = arith.mulf %mul3A_1390, %mul3A_1396 : vector<16xf32>
        %mul3A_1398 = arith.mulf %mul3A_1397, %mul3A_1396 : vector<16xf32>
        %sub3A_1399 = arith.constant 1.500000e+00 : f32
        %sub3A_1400 = vector.broadcast %sub3A_1399 : f32 to vector<16xf32>
        %sub3A_1401 = arith.subf %sub3A_1400, %mul3A_1398 : vector<16xf32>
        %mul3A_1402 = arith.mulf %mul3A_1396, %sub3A_1401 : vector<16xf32>
        %mul3A_1403 = arith.mulf %sub3A_1380, %mul3A_1402 : vector<16xf32>
        tpu.vector_store_idx %arg12[%broadcast_in_dim3A_1374, %iota3A, %broadcast_in_dim3A_1377], %mul3A_1403 : memref<2x16x129xf32, #tpu.memory_space<vmem>>[vector<16xi32>, vector<16xi32>, vector<16xi32>], vector<16xf32>,
        tpu.vector_store_idx %arg13[%broadcast_in_dim3A_1374, %iota3A, %broadcast_in_dim3A_1377], %gather3A : memref<2x16x129xf32, #tpu.memory_space<vmem>>[vector<16xi32>, vector<16xi32>, vector<16xi32>], vector<16xf32>,
        tpu.vector_store_idx %arg14[%broadcast_in_dim3A_1374, %iota3A, %broadcast_in_dim3A_1377], %gather3A_1378 : memref<2x16x129xf32, #tpu.memory_space<vmem>>[vector<16xi32>, vector<16xi32>, vector<16xi32>], vector<16xf32>,
        %mul3A_1404 = arith.constant 4 : i32
        %mul3A_1405 = arith.muli %scan3A_1368, %mul3A_1404 : i32
        %add3A_1406 = arith.constant 1 : i32
        %add3A_1407 = arith.addi %mul3A_1405, %add3A_1406 : i32
        %broadcast_in_dim3A_1408 = vector.broadcast %add3A_1407 : i32 to vector<16xi32>
        %shift_right_arithmetic3A_1409 = arith.constant 7 : i32
        %shift_right_arithmetic3A_1410 = arith.shrsi %add3A_1407, %shift_right_arithmetic3A_1409 : i32
        %broadcast_in_dim3A_1411 = vector.broadcast %shift_right_arithmetic3A_1410 : i32 to vector<16xi32>
        %and3A_1412 = arith.constant 127 : i32
        %and3A_1413 = arith.andi %add3A_1407, %and3A_1412 : i32
        %broadcast_in_dim3A_1414 = vector.broadcast %and3A_1413 : i32 to vector<16xi32>
        %gather3A_1415 = tpu.vector_load_idx %arg15[%broadcast_in_dim3A_1408, %iota3A] : memref<256x16xf32, #tpu.memory_space<vmem>>[vector<16xi32>, vector<16xi32>], vector<16xf32>,
        %gather3A_1416 = tpu.vector_load_idx %arg16[%broadcast_in_dim3A_1408, %iota3A] : memref<256x16xf32, #tpu.memory_space<vmem>>[vector<16xi32>, vector<16xi32>], vector<16xf32>,
        %gather3A_1417 = tpu.vector_load_idx %arg11[%broadcast_in_dim3A_1411, %iota3A, %broadcast_in_dim3A_1414] : memref<2x16x129xf32, #tpu.memory_space<vmem>>[vector<16xi32>, vector<16xi32>, vector<16xi32>], vector<16xf32>,
        %sub3A_1418 = arith.subf %gather3A_1417, %gather3A_1415 : vector<16xf32>
        %bitcast_convert_type3A_1419 = tpu.bitcast %gather3A_1416 : vector<16xf32> -> vector<16xi32>
        %shift_right_arithmetic3A_1420 = arith.constant 1 : i32
        %shift_right_arithmetic3A_1421 = vector.broadcast %shift_right_arithmetic3A_1420 : i32 to vector<16xi32>
        %shift_right_arithmetic3A_1422 = arith.shrsi %bitcast_convert_type3A_1419, %shift_right_arithmetic3A_1421 : vector<16xi32>
        %sub3A_1423 = arith.constant 1597463007 : i32
        %sub3A_1424 = vector.broadcast %sub3A_1423 : i32 to vector<16xi32>
        %sub3A_1425 = arith.subi %sub3A_1424, %shift_right_arithmetic3A_1422 : vector<16xi32>
        %bitcast_convert_type3A_1426 = tpu.bitcast %sub3A_1425 : vector<16xi32> -> vector<16xf32>
        %mul3A_1427 = arith.constant 5.000000e-01 : f32
        %mul3A_1428 = vector.broadcast %mul3A_1427 : f32 to vector<16xf32>
        %mul3A_1429 = arith.mulf %gather3A_1416, %mul3A_1428 : vector<16xf32>
        %mul3A_1430 = arith.mulf %mul3A_1429, %bitcast_convert_type3A_1426 : vector<16xf32>
        %mul3A_1431 = arith.mulf %mul3A_1430, %bitcast_convert_type3A_1426 : vector<16xf32>
        %sub3A_1432 = arith.constant 1.500000e+00 : f32
        %sub3A_1433 = vector.broadcast %sub3A_1432 : f32 to vector<16xf32>
        %sub3A_1434 = arith.subf %sub3A_1433, %mul3A_1431 : vector<16xf32>
        %mul3A_1435 = arith.mulf %bitcast_convert_type3A_1426, %sub3A_1434 : vector<16xf32>
        %mul3A_1436 = arith.mulf %mul3A_1429, %mul3A_1435 : vector<16xf32>
        %mul3A_1437 = arith.mulf %mul3A_1436, %mul3A_1435 : vector<16xf32>
        %sub3A_1438 = arith.constant 1.500000e+00 : f32
        %sub3A_1439 = vector.broadcast %sub3A_1438 : f32 to vector<16xf32>
        %sub3A_1440 = arith.subf %sub3A_1439, %mul3A_1437 : vector<16xf32>
        %mul3A_1441 = arith.mulf %mul3A_1435, %sub3A_1440 : vector<16xf32>
        %mul3A_1442 = arith.mulf %sub3A_1418, %mul3A_1441 : vector<16xf32>
        tpu.vector_store_idx %arg12[%broadcast_in_dim3A_1411, %iota3A, %broadcast_in_dim3A_1414], %mul3A_1442 : memref<2x16x129xf32, #tpu.memory_space<vmem>>[vector<16xi32>, vector<16xi32>, vector<16xi32>], vector<16xf32>,
        tpu.vector_store_idx %arg13[%broadcast_in_dim3A_1411, %iota3A, %broadcast_in_dim3A_1414], %gather3A_1415 : memref<2x16x129xf32, #tpu.memory_space<vmem>>[vector<16xi32>, vector<16xi32>, vector<16xi32>], vector<16xf32>,
        tpu.vector_store_idx %arg14[%broadcast_in_dim3A_1411, %iota3A, %broadcast_in_dim3A_1414], %gather3A_1416 : memref<2x16x129xf32, #tpu.memory_space<vmem>>[vector<16xi32>, vector<16xi32>, vector<16xi32>], vector<16xf32>,
        %mul3A_1443 = arith.constant 4 : i32
        %mul3A_1444 = arith.muli %scan3A_1368, %mul3A_1443 : i32
        %add3A_1445 = arith.constant 2 : i32
        %add3A_1446 = arith.addi %mul3A_1444, %add3A_1445 : i32
        %broadcast_in_dim3A_1447 = vector.broadcast %add3A_1446 : i32 to vector<16xi32>
        %shift_right_arithmetic3A_1448 = arith.constant 7 : i32
        %shift_right_arithmetic3A_1449 = arith.shrsi %add3A_1446, %shift_right_arithmetic3A_1448 : i32
        %broadcast_in_dim3A_1450 = vector.broadcast %shift_right_arithmetic3A_1449 : i32 to vector<16xi32>
        %and3A_1451 = arith.constant 127 : i32
        %and3A_1452 = arith.andi %add3A_1446, %and3A_1451 : i32
        %broadcast_in_dim3A_1453 = vector.broadcast %and3A_1452 : i32 to vector<16xi32>
        %gather3A_1454 = tpu.vector_load_idx %arg15[%broadcast_in_dim3A_1447, %iota3A] : memref<256x16xf32, #tpu.memory_space<vmem>>[vector<16xi32>, vector<16xi32>], vector<16xf32>,
        %gather3A_1455 = tpu.vector_load_idx %arg16[%broadcast_in_dim3A_1447, %iota3A] : memref<256x16xf32, #tpu.memory_space<vmem>>[vector<16xi32>, vector<16xi32>], vector<16xf32>,
        %gather3A_1456 = tpu.vector_load_idx %arg11[%broadcast_in_dim3A_1450, %iota3A, %broadcast_in_dim3A_1453] : memref<2x16x129xf32, #tpu.memory_space<vmem>>[vector<16xi32>, vector<16xi32>, vector<16xi32>], vector<16xf32>,
        %sub3A_1457 = arith.subf %gather3A_1456, %gather3A_1454 : vector<16xf32>
        %bitcast_convert_type3A_1458 = tpu.bitcast %gather3A_1455 : vector<16xf32> -> vector<16xi32>
        %shift_right_arithmetic3A_1459 = arith.constant 1 : i32
        %shift_right_arithmetic3A_1460 = vector.broadcast %shift_right_arithmetic3A_1459 : i32 to vector<16xi32>
        %shift_right_arithmetic3A_1461 = arith.shrsi %bitcast_convert_type3A_1458, %shift_right_arithmetic3A_1460 : vector<16xi32>
        %sub3A_1462 = arith.constant 1597463007 : i32
        %sub3A_1463 = vector.broadcast %sub3A_1462 : i32 to vector<16xi32>
        %sub3A_1464 = arith.subi %sub3A_1463, %shift_right_arithmetic3A_1461 : vector<16xi32>
        %bitcast_convert_type3A_1465 = tpu.bitcast %sub3A_1464 : vector<16xi32> -> vector<16xf32>
        %mul3A_1466 = arith.constant 5.000000e-01 : f32
        %mul3A_1467 = vector.broadcast %mul3A_1466 : f32 to vector<16xf32>
        %mul3A_1468 = arith.mulf %gather3A_1455, %mul3A_1467 : vector<16xf32>
        %mul3A_1469 = arith.mulf %mul3A_1468, %bitcast_convert_type3A_1465 : vector<16xf32>
        %mul3A_1470 = arith.mulf %mul3A_1469, %bitcast_convert_type3A_1465 : vector<16xf32>
        %sub3A_1471 = arith.constant 1.500000e+00 : f32
        %sub3A_1472 = vector.broadcast %sub3A_1471 : f32 to vector<16xf32>
        %sub3A_1473 = arith.subf %sub3A_1472, %mul3A_1470 : vector<16xf32>
        %mul3A_1474 = arith.mulf %bitcast_convert_type3A_1465, %sub3A_1473 : vector<16xf32>
        %mul3A_1475 = arith.mulf %mul3A_1468, %mul3A_1474 : vector<16xf32>
        %mul3A_1476 = arith.mulf %mul3A_1475, %mul3A_1474 : vector<16xf32>
        %sub3A_1477 = arith.constant 1.500000e+00 : f32
        %sub3A_1478 = vector.broadcast %sub3A_1477 : f32 to vector<16xf32>
        %sub3A_1479 = arith.subf %sub3A_1478, %mul3A_1476 : vector<16xf32>
        %mul3A_1480 = arith.mulf %mul3A_1474, %sub3A_1479 : vector<16xf32>
        %mul3A_1481 = arith.mulf %sub3A_1457, %mul3A_1480 : vector<16xf32>
        tpu.vector_store_idx %arg12[%broadcast_in_dim3A_1450, %iota3A, %broadcast_in_dim3A_1453], %mul3A_1481 : memref<2x16x129xf32, #tpu.memory_space<vmem>>[vector<16xi32>, vector<16xi32>, vector<16xi32>], vector<16xf32>,
        tpu.vector_store_idx %arg13[%broadcast_in_dim3A_1450, %iota3A, %broadcast_in_dim3A_1453], %gather3A_1454 : memref<2x16x129xf32, #tpu.memory_space<vmem>>[vector<16xi32>, vector<16xi32>, vector<16xi32>], vector<16xf32>,
        tpu.vector_store_idx %arg14[%broadcast_in_dim3A_1450, %iota3A, %broadcast_in_dim3A_1453], %gather3A_1455 : memref<2x16x129xf32, #tpu.memory_space<vmem>>[vector<16xi32>, vector<16xi32>, vector<16xi32>], vector<16xf32>,
        %mul3A_1482 = arith.constant 4 : i32
        %mul3A_1483 = arith.muli %scan3A_1368, %mul3A_1482 : i32
        %add3A_1484 = arith.constant 3 : i32
        %add3A_1485 = arith.addi %mul3A_1483, %add3A_1484 : i32
        %broadcast_in_dim3A_1486 = vector.broadcast %add3A_1485 : i32 to vector<16xi32>
        %shift_right_arithmetic3A_1487 = arith.constant 7 : i32
        %shift_right_arithmetic3A_1488 = arith.shrsi %add3A_1485, %shift_right_arithmetic3A_1487 : i32
        %broadcast_in_dim3A_1489 = vector.broadcast %shift_right_arithmetic3A_1488 : i32 to vector<16xi32>
        %and3A_1490 = arith.constant 127 : i32
        %and3A_1491 = arith.andi %add3A_1485, %and3A_1490 : i32
        %broadcast_in_dim3A_1492 = vector.broadcast %and3A_1491 : i32 to vector<16xi32>
        %gather3A_1493 = tpu.vector_load_idx %arg15[%broadcast_in_dim3A_1486, %iota3A] : memref<256x16xf32, #tpu.memory_space<vmem>>[vector<16xi32>, vector<16xi32>], vector<16xf32>,
        %gather3A_1494 = tpu.vector_load_idx %arg16[%broadcast_in_dim3A_1486, %iota3A] : memref<256x16xf32, #tpu.memory_space<vmem>>[vector<16xi32>, vector<16xi32>], vector<16xf32>,
        %gather3A_1495 = tpu.vector_load_idx %arg11[%broadcast_in_dim3A_1489, %iota3A, %broadcast_in_dim3A_1492] : memref<2x16x129xf32, #tpu.memory_space<vmem>>[vector<16xi32>, vector<16xi32>, vector<16xi32>], vector<16xf32>,
        %sub3A_1496 = arith.subf %gather3A_1495, %gather3A_1493 : vector<16xf32>
        %bitcast_convert_type3A_1497 = tpu.bitcast %gather3A_1494 : vector<16xf32> -> vector<16xi32>
        %shift_right_arithmetic3A_1498 = arith.constant 1 : i32
        %shift_right_arithmetic3A_1499 = vector.broadcast %shift_right_arithmetic3A_1498 : i32 to vector<16xi32>
        %shift_right_arithmetic3A_1500 = arith.shrsi %bitcast_convert_type3A_1497, %shift_right_arithmetic3A_1499 : vector<16xi32>
        %sub3A_1501 = arith.constant 1597463007 : i32
        %sub3A_1502 = vector.broadcast %sub3A_1501 : i32 to vector<16xi32>
        %sub3A_1503 = arith.subi %sub3A_1502, %shift_right_arithmetic3A_1500 : vector<16xi32>
        %bitcast_convert_type3A_1504 = tpu.bitcast %sub3A_1503 : vector<16xi32> -> vector<16xf32>
        %mul3A_1505 = arith.constant 5.000000e-01 : f32
        %mul3A_1506 = vector.broadcast %mul3A_1505 : f32 to vector<16xf32>
        %mul3A_1507 = arith.mulf %gather3A_1494, %mul3A_1506 : vector<16xf32>
        %mul3A_1508 = arith.mulf %mul3A_1507, %bitcast_convert_type3A_1504 : vector<16xf32>
        %mul3A_1509 = arith.mulf %mul3A_1508, %bitcast_convert_type3A_1504 : vector<16xf32>
        %sub3A_1510 = arith.constant 1.500000e+00 : f32
        %sub3A_1511 = vector.broadcast %sub3A_1510 : f32 to vector<16xf32>
        %sub3A_1512 = arith.subf %sub3A_1511, %mul3A_1509 : vector<16xf32>
        %mul3A_1513 = arith.mulf %bitcast_convert_type3A_1504, %sub3A_1512 : vector<16xf32>
        %mul3A_1514 = arith.mulf %mul3A_1507, %mul3A_1513 : vector<16xf32>
        %mul3A_1515 = arith.mulf %mul3A_1514, %mul3A_1513 : vector<16xf32>
        %sub3A_1516 = arith.constant 1.500000e+00 : f32
        %sub3A_1517 = vector.broadcast %sub3A_1516 : f32 to vector<16xf32>
        %sub3A_1518 = arith.subf %sub3A_1517, %mul3A_1515 : vector<16xf32>
        %mul3A_1519 = arith.mulf %mul3A_1513, %sub3A_1518 : vector<16xf32>
        %mul3A_1520 = arith.mulf %sub3A_1496, %mul3A_1519 : vector<16xf32>
        tpu.vector_store_idx %arg12[%broadcast_in_dim3A_1489, %iota3A, %broadcast_in_dim3A_1492], %mul3A_1520 : memref<2x16x129xf32, #tpu.memory_space<vmem>>[vector<16xi32>, vector<16xi32>, vector<16xi32>], vector<16xf32>,
        tpu.vector_store_idx %arg13[%broadcast_in_dim3A_1489, %iota3A, %broadcast_in_dim3A_1492], %gather3A_1493 : memref<2x16x129xf32, #tpu.memory_space<vmem>>[vector<16xi32>, vector<16xi32>, vector<16xi32>], vector<16xf32>,
        tpu.vector_store_idx %arg14[%broadcast_in_dim3A_1489, %iota3A, %broadcast_in_dim3A_1492], %gather3A_1494 : memref<2x16x129xf32, #tpu.memory_space<vmem>>[vector<16xi32>, vector<16xi32>, vector<16xi32>], vector<16xf32>,
      }
      %scan3A_1007 = arith.constant 64 : i32
      %mul3A_1008 = arith.constant 2 : i32
      %mul3A_1009 = arith.muli %mul3A_872, %mul3A_1008 : i32
      %dma_start3A_1010 = arith.constant 0 : i32
      %dma_start3A_1011 = arith.constant 0 : i32
      %dma_start3A_1012 = arith.constant 0 : i32
      %dma_start3A_1013 = arith.constant 0 : i32
      %dma_start3A_1014 = tpu.memref_slice %arg12[%dma_start3A_1011, %dma_start3A_1012, %dma_start3A_1013] : memref<2x16x129xf32, #tpu.memory_space<vmem>> -> memref<2x8x128xf32, #tpu.memory_space<vmem>>
      %dma_start3A_1015 = arith.constant 0 : i32
      %dma_start3A_1016 = arith.constant 0 : i32
      %dma_start3A_1017 = tpu.memref_slice %arg6[%mul3A_1009, %dma_start3A_1010, %add3A, %dma_start3A_1015, %dma_start3A_1016] : memref<200x2x32x8x128xf32, #tpu.memory_space<hbm>> -> memref<2x1x1x8x128xf32, #tpu.memory_space<hbm>>
      %dma_start3A_1018 = tpu.memref_squeeze %dma_start3A_1017 : memref<2x1x1x8x128xf32, #tpu.memory_space<hbm>> -> memref<2x8x128xf32, #tpu.memory_space<hbm>>
      %dma_start3A_1019 = arith.constant 0 : i32
      %dma_start3A_1020 = arith.constant 0 : i32
      %dma_start3A_1021 = tpu.memref_slice %arg6[%mul3A_1009, %dma_start3A_1010, %add3A, %dma_start3A_1019, %dma_start3A_1020] : memref<200x2x32x8x128xf32, #tpu.memory_space<hbm>> -> memref<2x1x1x8x128xf32, #tpu.memory_space<hbm>>
      %dma_start3A_1022 = tpu.memref_squeeze %dma_start3A_1021 : memref<2x1x1x8x128xf32, #tpu.memory_space<hbm>> -> memref<2x8x128xf32, #tpu.memory_space<hbm>>
      %dma_start3A_1023 = arith.constant 0 : i32
      %dma_start3A_1024 = arith.constant 0 : i32
      %dma_start3A_1025 = arith.constant 0 : i32
      %dma_start3A_1026 = tpu.memref_slice %arg12[%dma_start3A_1023, %dma_start3A_1024, %dma_start3A_1025] : memref<2x16x129xf32, #tpu.memory_space<vmem>> -> memref<2x8x128xf32, #tpu.memory_space<vmem>>
      tpu.enqueue_dma source(%dma_start3A_1026 : memref<2x8x128xf32, #tpu.memory_space<vmem>>) target(%dma_start3A_1022 : memref<2x8x128xf32, #tpu.memory_space<hbm>>) target_semaphore(%arg19 : memref<!tpu.dma_semaphore, #tpu.memory_space<semaphore_mem>>)
      %dma_start3A_1027 = arith.constant 1 : i32
      %dma_start3A_1028 = arith.constant 0 : i32
      %dma_start3A_1029 = arith.constant 8 : i32
      %dma_start3A_1030 = arith.constant 0 : i32
      %dma_start3A_1031 = tpu.memref_slice %arg12[%dma_start3A_1028, %dma_start3A_1029, %dma_start3A_1030] : memref<2x16x129xf32, #tpu.memory_space<vmem>> -> memref<2x8x128xf32, #tpu.memory_space<vmem>>
      %dma_start3A_1032 = arith.constant 0 : i32
      %dma_start3A_1033 = arith.constant 0 : i32
      %dma_start3A_1034 = tpu.memref_slice %arg6[%mul3A_1009, %dma_start3A_1027, %add3A, %dma_start3A_1032, %dma_start3A_1033] : memref<200x2x32x8x128xf32, #tpu.memory_space<hbm>> -> memref<2x1x1x8x128xf32, #tpu.memory_space<hbm>>
      %dma_start3A_1035 = tpu.memref_squeeze %dma_start3A_1034 : memref<2x1x1x8x128xf32, #tpu.memory_space<hbm>> -> memref<2x8x128xf32, #tpu.memory_space<hbm>>
      %dma_start3A_1036 = arith.constant 0 : i32
      %dma_start3A_1037 = arith.constant 0 : i32
      %dma_start3A_1038 = tpu.memref_slice %arg6[%mul3A_1009, %dma_start3A_1027, %add3A, %dma_start3A_1036, %dma_start3A_1037] : memref<200x2x32x8x128xf32, #tpu.memory_space<hbm>> -> memref<2x1x1x8x128xf32, #tpu.memory_space<hbm>>
      %dma_start3A_1039 = tpu.memref_squeeze %dma_start3A_1038 : memref<2x1x1x8x128xf32, #tpu.memory_space<hbm>> -> memref<2x8x128xf32, #tpu.memory_space<hbm>>
      %dma_start3A_1040 = arith.constant 0 : i32
      %dma_start3A_1041 = arith.constant 8 : i32
      %dma_start3A_1042 = arith.constant 0 : i32
      %dma_start3A_1043 = tpu.memref_slice %arg12[%dma_start3A_1040, %dma_start3A_1041, %dma_start3A_1042] : memref<2x16x129xf32, #tpu.memory_space<vmem>> -> memref<2x8x128xf32, #tpu.memory_space<vmem>>
      tpu.enqueue_dma source(%dma_start3A_1043 : memref<2x8x128xf32, #tpu.memory_space<vmem>>) target(%dma_start3A_1039 : memref<2x8x128xf32, #tpu.memory_space<hbm>>) target_semaphore(%arg19 : memref<!tpu.dma_semaphore, #tpu.memory_space<semaphore_mem>>)
      %dma_start3A_1044 = arith.constant 0 : i32
      %dma_start3A_1045 = arith.constant 0 : i32
      %dma_start3A_1046 = arith.constant 0 : i32
      %dma_start3A_1047 = arith.constant 0 : i32
      %dma_start3A_1048 = tpu.memref_slice %arg13[%dma_start3A_1045, %dma_start3A_1046, %dma_start3A_1047] : memref<2x16x129xf32, #tpu.memory_space<vmem>> -> memref<2x8x128xf32, #tpu.memory_space<vmem>>
      %dma_start3A_1049 = arith.constant 0 : i32
      %dma_start3A_1050 = arith.constant 0 : i32
      %dma_start3A_1051 = tpu.memref_slice %arg7[%mul3A_1009, %dma_start3A_1044, %add3A, %dma_start3A_1049, %dma_start3A_1050] : memref<200x2x32x8x128xf32, #tpu.memory_space<hbm>> -> memref<2x1x1x8x128xf32, #tpu.memory_space<hbm>>
      %dma_start3A_1052 = tpu.memref_squeeze %dma_start3A_1051 : memref<2x1x1x8x128xf32, #tpu.memory_space<hbm>> -> memref<2x8x128xf32, #tpu.memory_space<hbm>>
      %dma_start3A_1053 = arith.constant 0 : i32
      %dma_start3A_1054 = arith.constant 0 : i32
      %dma_start3A_1055 = tpu.memref_slice %arg7[%mul3A_1009, %dma_start3A_1044, %add3A, %dma_start3A_1053, %dma_start3A_1054] : memref<200x2x32x8x128xf32, #tpu.memory_space<hbm>> -> memref<2x1x1x8x128xf32, #tpu.memory_space<hbm>>
      %dma_start3A_1056 = tpu.memref_squeeze %dma_start3A_1055 : memref<2x1x1x8x128xf32, #tpu.memory_space<hbm>> -> memref<2x8x128xf32, #tpu.memory_space<hbm>>
      %dma_start3A_1057 = arith.constant 0 : i32
      %dma_start3A_1058 = arith.constant 0 : i32
      %dma_start3A_1059 = arith.constant 0 : i32
      %dma_start3A_1060 = tpu.memref_slice %arg13[%dma_start3A_1057, %dma_start3A_1058, %dma_start3A_1059] : memref<2x16x129xf32, #tpu.memory_space<vmem>> -> memref<2x8x128xf32, #tpu.memory_space<vmem>>
      tpu.enqueue_dma source(%dma_start3A_1060 : memref<2x8x128xf32, #tpu.memory_space<vmem>>) target(%dma_start3A_1056 : memref<2x8x128xf32, #tpu.memory_space<hbm>>) target_semaphore(%arg19 : memref<!tpu.dma_semaphore, #tpu.memory_space<semaphore_mem>>)
      %dma_start3A_1061 = arith.constant 1 : i32
      %dma_start3A_1062 = arith.constant 0 : i32
      %dma_start3A_1063 = arith.constant 8 : i32
      %dma_start3A_1064 = arith.constant 0 : i32
      %dma_start3A_1065 = tpu.memref_slice %arg13[%dma_start3A_1062, %dma_start3A_1063, %dma_start3A_1064] : memref<2x16x129xf32, #tpu.memory_space<vmem>> -> memref<2x8x128xf32, #tpu.memory_space<vmem>>
      %dma_start3A_1066 = arith.constant 0 : i32
      %dma_start3A_1067 = arith.constant 0 : i32
      %dma_start3A_1068 = tpu.memref_slice %arg7[%mul3A_1009, %dma_start3A_1061, %add3A, %dma_start3A_1066, %dma_start3A_1067] : memref<200x2x32x8x128xf32, #tpu.memory_space<hbm>> -> memref<2x1x1x8x128xf32, #tpu.memory_space<hbm>>
      %dma_start3A_1069 = tpu.memref_squeeze %dma_start3A_1068 : memref<2x1x1x8x128xf32, #tpu.memory_space<hbm>> -> memref<2x8x128xf32, #tpu.memory_space<hbm>>
      %dma_start3A_1070 = arith.constant 0 : i32
      %dma_start3A_1071 = arith.constant 0 : i32
      %dma_start3A_1072 = tpu.memref_slice %arg7[%mul3A_1009, %dma_start3A_1061, %add3A, %dma_start3A_1070, %dma_start3A_1071] : memref<200x2x32x8x128xf32, #tpu.memory_space<hbm>> -> memref<2x1x1x8x128xf32, #tpu.memory_space<hbm>>
      %dma_start3A_1073 = tpu.memref_squeeze %dma_start3A_1072 : memref<2x1x1x8x128xf32, #tpu.memory_space<hbm>> -> memref<2x8x128xf32, #tpu.memory_space<hbm>>
      %dma_start3A_1074 = arith.constant 0 : i32
      %dma_start3A_1075 = arith.constant 8 : i32
      %dma_start3A_1076 = arith.constant 0 : i32
      %dma_start3A_1077 = tpu.memref_slice %arg13[%dma_start3A_1074, %dma_start3A_1075, %dma_start3A_1076] : memref<2x16x129xf32, #tpu.memory_space<vmem>> -> memref<2x8x128xf32, #tpu.memory_space<vmem>>
      tpu.enqueue_dma source(%dma_start3A_1077 : memref<2x8x128xf32, #tpu.memory_space<vmem>>) target(%dma_start3A_1073 : memref<2x8x128xf32, #tpu.memory_space<hbm>>) target_semaphore(%arg19 : memref<!tpu.dma_semaphore, #tpu.memory_space<semaphore_mem>>)
      %dma_start3A_1078 = arith.constant 0 : i32
      %dma_start3A_1079 = arith.constant 0 : i32
      %dma_start3A_1080 = arith.constant 0 : i32
      %dma_start3A_1081 = arith.constant 0 : i32
      %dma_start3A_1082 = tpu.memref_slice %arg14[%dma_start3A_1079, %dma_start3A_1080, %dma_start3A_1081] : memref<2x16x129xf32, #tpu.memory_space<vmem>> -> memref<2x8x128xf32, #tpu.memory_space<vmem>>
      %dma_start3A_1083 = arith.constant 0 : i32
      %dma_start3A_1084 = arith.constant 0 : i32
      %dma_start3A_1085 = tpu.memref_slice %arg8[%mul3A_1009, %dma_start3A_1078, %add3A, %dma_start3A_1083, %dma_start3A_1084] : memref<200x2x32x8x128xf32, #tpu.memory_space<hbm>> -> memref<2x1x1x8x128xf32, #tpu.memory_space<hbm>>
      %dma_start3A_1086 = tpu.memref_squeeze %dma_start3A_1085 : memref<2x1x1x8x128xf32, #tpu.memory_space<hbm>> -> memref<2x8x128xf32, #tpu.memory_space<hbm>>
      %dma_start3A_1087 = arith.constant 0 : i32
      %dma_start3A_1088 = arith.constant 0 : i32
      %dma_start3A_1089 = tpu.memref_slice %arg8[%mul3A_1009, %dma_start3A_1078, %add3A, %dma_start3A_1087, %dma_start3A_1088] : memref<200x2x32x8x128xf32, #tpu.memory_space<hbm>> -> memref<2x1x1x8x128xf32, #tpu.memory_space<hbm>>
      %dma_start3A_1090 = tpu.memref_squeeze %dma_start3A_1089 : memref<2x1x1x8x128xf32, #tpu.memory_space<hbm>> -> memref<2x8x128xf32, #tpu.memory_space<hbm>>
      %dma_start3A_1091 = arith.constant 0 : i32
      %dma_start3A_1092 = arith.constant 0 : i32
      %dma_start3A_1093 = arith.constant 0 : i32
      %dma_start3A_1094 = tpu.memref_slice %arg14[%dma_start3A_1091, %dma_start3A_1092, %dma_start3A_1093] : memref<2x16x129xf32, #tpu.memory_space<vmem>> -> memref<2x8x128xf32, #tpu.memory_space<vmem>>
      tpu.enqueue_dma source(%dma_start3A_1094 : memref<2x8x128xf32, #tpu.memory_space<vmem>>) target(%dma_start3A_1090 : memref<2x8x128xf32, #tpu.memory_space<hbm>>) target_semaphore(%arg19 : memref<!tpu.dma_semaphore, #tpu.memory_space<semaphore_mem>>)
      %dma_start3A_1095 = arith.constant 1 : i32
      %dma_start3A_1096 = arith.constant 0 : i32
      %dma_start3A_1097 = arith.constant 8 : i32
      %dma_start3A_1098 = arith.constant 0 : i32
      %dma_start3A_1099 = tpu.memref_slice %arg14[%dma_start3A_1096, %dma_start3A_1097, %dma_start3A_1098] : memref<2x16x129xf32, #tpu.memory_space<vmem>> -> memref<2x8x128xf32, #tpu.memory_space<vmem>>
      %dma_start3A_1100 = arith.constant 0 : i32
      %dma_start3A_1101 = arith.constant 0 : i32
      %dma_start3A_1102 = tpu.memref_slice %arg8[%mul3A_1009, %dma_start3A_1095, %add3A, %dma_start3A_1100, %dma_start3A_1101] : memref<200x2x32x8x128xf32, #tpu.memory_space<hbm>> -> memref<2x1x1x8x128xf32, #tpu.memory_space<hbm>>
      %dma_start3A_1103 = tpu.memref_squeeze %dma_start3A_1102 : memref<2x1x1x8x128xf32, #tpu.memory_space<hbm>> -> memref<2x8x128xf32, #tpu.memory_space<hbm>>
      %dma_start3A_1104 = arith.constant 0 : i32
      %dma_start3A_1105 = arith.constant 0 : i32
      %dma_start3A_1106 = tpu.memref_slice %arg8[%mul3A_1009, %dma_start3A_1095, %add3A, %dma_start3A_1104, %dma_start3A_1105] : memref<200x2x32x8x128xf32, #tpu.memory_space<hbm>> -> memref<2x1x1x8x128xf32, #tpu.memory_space<hbm>>
      %dma_start3A_1107 = tpu.memref_squeeze %dma_start3A_1106 : memref<2x1x1x8x128xf32, #tpu.memory_space<hbm>> -> memref<2x8x128xf32, #tpu.memory_space<hbm>>
      %dma_start3A_1108 = arith.constant 0 : i32
      %dma_start3A_1109 = arith.constant 8 : i32
      %dma_start3A_1110 = arith.constant 0 : i32
      %dma_start3A_1111 = tpu.memref_slice %arg14[%dma_start3A_1108, %dma_start3A_1109, %dma_start3A_1110] : memref<2x16x129xf32, #tpu.memory_space<vmem>> -> memref<2x8x128xf32, #tpu.memory_space<vmem>>
      tpu.enqueue_dma source(%dma_start3A_1111 : memref<2x8x128xf32, #tpu.memory_space<vmem>>) target(%dma_start3A_1107 : memref<2x8x128xf32, #tpu.memory_space<hbm>>) target_semaphore(%arg19 : memref<!tpu.dma_semaphore, #tpu.memory_space<semaphore_mem>>)
      %mul3A_1112 = arith.constant 2 : i32
      %mul3A_1113 = arith.muli %mul3A_1112, %scan3A_870 : i32
      %add3A_1114 = arith.constant 1 : i32
      %add3A_1115 = arith.addi %mul3A_1113, %add3A_1114 : i32
      %ge3A_1116 = arith.constant 1 : i32
      %ge3A_1117 = arith.cmpi sge, %add3A_1115, %ge3A_1116 : i32
      %convert_element_type3A_1118 = arith.extui %ge3A_1117 : i1 to i32
      %cond3A_1119 = arith.constant 0 : i32
      %cond3A_1120 = arith.cmpi ne, %convert_element_type3A_1118, %cond3A_1119 : i32
      scf.if %cond3A_1120 {
        %sub3A_1368 = arith.constant 1 : i32
        %sub3A_1369 = arith.subi %add3A_1115, %sub3A_1368 : i32
        %mul3A_1370 = arith.constant 2 : i32
        %mul3A_1371 = arith.muli %sub3A_1369, %mul3A_1370 : i32
        %dma_wait3A_1372 = arith.constant 0 : i32
        %dma_wait3A_1373 = arith.constant 0 : i32
        %dma_wait3A_1374 = arith.constant 0 : i32
        %dma_wait3A_1375 = arith.constant 0 : i32
        %dma_wait3A_1376 = tpu.memref_slice %arg12[%dma_wait3A_1373, %dma_wait3A_1374, %dma_wait3A_1375] : memref<2x16x129xf32, #tpu.memory_space<vmem>> -> memref<2x8x128xf32, #tpu.memory_space<vmem>>
        %dma_wait3A_1377 = arith.constant 0 : i32
        %dma_wait3A_1378 = arith.constant 0 : i32
        %dma_wait3A_1379 = tpu.memref_slice %arg6[%mul3A_1371, %dma_wait3A_1372, %add3A, %dma_wait3A_1377, %dma_wait3A_1378] : memref<200x2x32x8x128xf32, #tpu.memory_space<hbm>> -> memref<2x1x1x8x128xf32, #tpu.memory_space<hbm>>
        %dma_wait3A_1380 = tpu.memref_squeeze %dma_wait3A_1379 : memref<2x1x1x8x128xf32, #tpu.memory_space<hbm>> -> memref<2x8x128xf32, #tpu.memory_space<hbm>>
        %dma_wait3A_1381 = arith.constant 0 : i32
        %dma_wait3A_1382 = arith.constant 0 : i32
        %dma_wait3A_1383 = tpu.memref_slice %arg6[%mul3A_1371, %dma_wait3A_1372, %add3A, %dma_wait3A_1381, %dma_wait3A_1382] : memref<200x2x32x8x128xf32, #tpu.memory_space<hbm>> -> memref<2x1x1x8x128xf32, #tpu.memory_space<hbm>>
        %dma_wait3A_1384 = tpu.memref_squeeze %dma_wait3A_1383 : memref<2x1x1x8x128xf32, #tpu.memory_space<hbm>> -> memref<2x8x128xf32, #tpu.memory_space<hbm>>
        %dma_wait3A_1385 = arith.constant 0 : i32
        %dma_wait3A_1386 = arith.constant 0 : i32
        %dma_wait3A_1387 = arith.constant 0 : i32
        %dma_wait3A_1388 = tpu.memref_slice %arg12[%dma_wait3A_1385, %dma_wait3A_1386, %dma_wait3A_1387] : memref<2x16x129xf32, #tpu.memory_space<vmem>> -> memref<2x8x128xf32, #tpu.memory_space<vmem>>
        tpu.wait_dma2 semaphore(%arg19 : memref<!tpu.dma_semaphore, #tpu.memory_space<semaphore_mem>>) src(%dma_wait3A_1388 : memref<2x8x128xf32, #tpu.memory_space<vmem>>) dst(%dma_wait3A_1384 : memref<2x8x128xf32, #tpu.memory_space<hbm>>)
        %dma_wait3A_1389 = arith.constant 1 : i32
        %dma_wait3A_1390 = arith.constant 0 : i32
        %dma_wait3A_1391 = arith.constant 8 : i32
        %dma_wait3A_1392 = arith.constant 0 : i32
        %dma_wait3A_1393 = tpu.memref_slice %arg12[%dma_wait3A_1390, %dma_wait3A_1391, %dma_wait3A_1392] : memref<2x16x129xf32, #tpu.memory_space<vmem>> -> memref<2x8x128xf32, #tpu.memory_space<vmem>>
        %dma_wait3A_1394 = arith.constant 0 : i32
        %dma_wait3A_1395 = arith.constant 0 : i32
        %dma_wait3A_1396 = tpu.memref_slice %arg6[%mul3A_1371, %dma_wait3A_1389, %add3A, %dma_wait3A_1394, %dma_wait3A_1395] : memref<200x2x32x8x128xf32, #tpu.memory_space<hbm>> -> memref<2x1x1x8x128xf32, #tpu.memory_space<hbm>>
        %dma_wait3A_1397 = tpu.memref_squeeze %dma_wait3A_1396 : memref<2x1x1x8x128xf32, #tpu.memory_space<hbm>> -> memref<2x8x128xf32, #tpu.memory_space<hbm>>
        %dma_wait3A_1398 = arith.constant 0 : i32
        %dma_wait3A_1399 = arith.constant 0 : i32
        %dma_wait3A_1400 = tpu.memref_slice %arg6[%mul3A_1371, %dma_wait3A_1389, %add3A, %dma_wait3A_1398, %dma_wait3A_1399] : memref<200x2x32x8x128xf32, #tpu.memory_space<hbm>> -> memref<2x1x1x8x128xf32, #tpu.memory_space<hbm>>
        %dma_wait3A_1401 = tpu.memref_squeeze %dma_wait3A_1400 : memref<2x1x1x8x128xf32, #tpu.memory_space<hbm>> -> memref<2x8x128xf32, #tpu.memory_space<hbm>>
        %dma_wait3A_1402 = arith.constant 0 : i32
        %dma_wait3A_1403 = arith.constant 8 : i32
        %dma_wait3A_1404 = arith.constant 0 : i32
        %dma_wait3A_1405 = tpu.memref_slice %arg12[%dma_wait3A_1402, %dma_wait3A_1403, %dma_wait3A_1404] : memref<2x16x129xf32, #tpu.memory_space<vmem>> -> memref<2x8x128xf32, #tpu.memory_space<vmem>>
        tpu.wait_dma2 semaphore(%arg19 : memref<!tpu.dma_semaphore, #tpu.memory_space<semaphore_mem>>) src(%dma_wait3A_1405 : memref<2x8x128xf32, #tpu.memory_space<vmem>>) dst(%dma_wait3A_1401 : memref<2x8x128xf32, #tpu.memory_space<hbm>>)
        %dma_wait3A_1406 = arith.constant 0 : i32
        %dma_wait3A_1407 = arith.constant 0 : i32
        %dma_wait3A_1408 = arith.constant 0 : i32
        %dma_wait3A_1409 = arith.constant 0 : i32
        %dma_wait3A_1410 = tpu.memref_slice %arg13[%dma_wait3A_1407, %dma_wait3A_1408, %dma_wait3A_1409] : memref<2x16x129xf32, #tpu.memory_space<vmem>> -> memref<2x8x128xf32, #tpu.memory_space<vmem>>
        %dma_wait3A_1411 = arith.constant 0 : i32
        %dma_wait3A_1412 = arith.constant 0 : i32
        %dma_wait3A_1413 = tpu.memref_slice %arg7[%mul3A_1371, %dma_wait3A_1406, %add3A, %dma_wait3A_1411, %dma_wait3A_1412] : memref<200x2x32x8x128xf32, #tpu.memory_space<hbm>> -> memref<2x1x1x8x128xf32, #tpu.memory_space<hbm>>
        %dma_wait3A_1414 = tpu.memref_squeeze %dma_wait3A_1413 : memref<2x1x1x8x128xf32, #tpu.memory_space<hbm>> -> memref<2x8x128xf32, #tpu.memory_space<hbm>>
        %dma_wait3A_1415 = arith.constant 0 : i32
        %dma_wait3A_1416 = arith.constant 0 : i32
        %dma_wait3A_1417 = tpu.memref_slice %arg7[%mul3A_1371, %dma_wait3A_1406, %add3A, %dma_wait3A_1415, %dma_wait3A_1416] : memref<200x2x32x8x128xf32, #tpu.memory_space<hbm>> -> memref<2x1x1x8x128xf32, #tpu.memory_space<hbm>>
        %dma_wait3A_1418 = tpu.memref_squeeze %dma_wait3A_1417 : memref<2x1x1x8x128xf32, #tpu.memory_space<hbm>> -> memref<2x8x128xf32, #tpu.memory_space<hbm>>
        %dma_wait3A_1419 = arith.constant 0 : i32
        %dma_wait3A_1420 = arith.constant 0 : i32
        %dma_wait3A_1421 = arith.constant 0 : i32
        %dma_wait3A_1422 = tpu.memref_slice %arg13[%dma_wait3A_1419, %dma_wait3A_1420, %dma_wait3A_1421] : memref<2x16x129xf32, #tpu.memory_space<vmem>> -> memref<2x8x128xf32, #tpu.memory_space<vmem>>
        tpu.wait_dma2 semaphore(%arg19 : memref<!tpu.dma_semaphore, #tpu.memory_space<semaphore_mem>>) src(%dma_wait3A_1422 : memref<2x8x128xf32, #tpu.memory_space<vmem>>) dst(%dma_wait3A_1418 : memref<2x8x128xf32, #tpu.memory_space<hbm>>)
        %dma_wait3A_1423 = arith.constant 1 : i32
        %dma_wait3A_1424 = arith.constant 0 : i32
        %dma_wait3A_1425 = arith.constant 8 : i32
        %dma_wait3A_1426 = arith.constant 0 : i32
        %dma_wait3A_1427 = tpu.memref_slice %arg13[%dma_wait3A_1424, %dma_wait3A_1425, %dma_wait3A_1426] : memref<2x16x129xf32, #tpu.memory_space<vmem>> -> memref<2x8x128xf32, #tpu.memory_space<vmem>>
        %dma_wait3A_1428 = arith.constant 0 : i32
        %dma_wait3A_1429 = arith.constant 0 : i32
        %dma_wait3A_1430 = tpu.memref_slice %arg7[%mul3A_1371, %dma_wait3A_1423, %add3A, %dma_wait3A_1428, %dma_wait3A_1429] : memref<200x2x32x8x128xf32, #tpu.memory_space<hbm>> -> memref<2x1x1x8x128xf32, #tpu.memory_space<hbm>>
        %dma_wait3A_1431 = tpu.memref_squeeze %dma_wait3A_1430 : memref<2x1x1x8x128xf32, #tpu.memory_space<hbm>> -> memref<2x8x128xf32, #tpu.memory_space<hbm>>
        %dma_wait3A_1432 = arith.constant 0 : i32
        %dma_wait3A_1433 = arith.constant 0 : i32
        %dma_wait3A_1434 = tpu.memref_slice %arg7[%mul3A_1371, %dma_wait3A_1423, %add3A, %dma_wait3A_1432, %dma_wait3A_1433] : memref<200x2x32x8x128xf32, #tpu.memory_space<hbm>> -> memref<2x1x1x8x128xf32, #tpu.memory_space<hbm>>
        %dma_wait3A_1435 = tpu.memref_squeeze %dma_wait3A_1434 : memref<2x1x1x8x128xf32, #tpu.memory_space<hbm>> -> memref<2x8x128xf32, #tpu.memory_space<hbm>>
        %dma_wait3A_1436 = arith.constant 0 : i32
        %dma_wait3A_1437 = arith.constant 8 : i32
        %dma_wait3A_1438 = arith.constant 0 : i32
        %dma_wait3A_1439 = tpu.memref_slice %arg13[%dma_wait3A_1436, %dma_wait3A_1437, %dma_wait3A_1438] : memref<2x16x129xf32, #tpu.memory_space<vmem>> -> memref<2x8x128xf32, #tpu.memory_space<vmem>>
        tpu.wait_dma2 semaphore(%arg19 : memref<!tpu.dma_semaphore, #tpu.memory_space<semaphore_mem>>) src(%dma_wait3A_1439 : memref<2x8x128xf32, #tpu.memory_space<vmem>>) dst(%dma_wait3A_1435 : memref<2x8x128xf32, #tpu.memory_space<hbm>>)
        %dma_wait3A_1440 = arith.constant 0 : i32
        %dma_wait3A_1441 = arith.constant 0 : i32
        %dma_wait3A_1442 = arith.constant 0 : i32
        %dma_wait3A_1443 = arith.constant 0 : i32
        %dma_wait3A_1444 = tpu.memref_slice %arg14[%dma_wait3A_1441, %dma_wait3A_1442, %dma_wait3A_1443] : memref<2x16x129xf32, #tpu.memory_space<vmem>> -> memref<2x8x128xf32, #tpu.memory_space<vmem>>
        %dma_wait3A_1445 = arith.constant 0 : i32
        %dma_wait3A_1446 = arith.constant 0 : i32
        %dma_wait3A_1447 = tpu.memref_slice %arg8[%mul3A_1371, %dma_wait3A_1440, %add3A, %dma_wait3A_1445, %dma_wait3A_1446] : memref<200x2x32x8x128xf32, #tpu.memory_space<hbm>> -> memref<2x1x1x8x128xf32, #tpu.memory_space<hbm>>
        %dma_wait3A_1448 = tpu.memref_squeeze %dma_wait3A_1447 : memref<2x1x1x8x128xf32, #tpu.memory_space<hbm>> -> memref<2x8x128xf32, #tpu.memory_space<hbm>>
        %dma_wait3A_1449 = arith.constant 0 : i32
        %dma_wait3A_1450 = arith.constant 0 : i32
        %dma_wait3A_1451 = tpu.memref_slice %arg8[%mul3A_1371, %dma_wait3A_1440, %add3A, %dma_wait3A_1449, %dma_wait3A_1450] : memref<200x2x32x8x128xf32, #tpu.memory_space<hbm>> -> memref<2x1x1x8x128xf32, #tpu.memory_space<hbm>>
        %dma_wait3A_1452 = tpu.memref_squeeze %dma_wait3A_1451 : memref<2x1x1x8x128xf32, #tpu.memory_space<hbm>> -> memref<2x8x128xf32, #tpu.memory_space<hbm>>
        %dma_wait3A_1453 = arith.constant 0 : i32
        %dma_wait3A_1454 = arith.constant 0 : i32
        %dma_wait3A_1455 = arith.constant 0 : i32
        %dma_wait3A_1456 = tpu.memref_slice %arg14[%dma_wait3A_1453, %dma_wait3A_1454, %dma_wait3A_1455] : memref<2x16x129xf32, #tpu.memory_space<vmem>> -> memref<2x8x128xf32, #tpu.memory_space<vmem>>
        tpu.wait_dma2 semaphore(%arg19 : memref<!tpu.dma_semaphore, #tpu.memory_space<semaphore_mem>>) src(%dma_wait3A_1456 : memref<2x8x128xf32, #tpu.memory_space<vmem>>) dst(%dma_wait3A_1452 : memref<2x8x128xf32, #tpu.memory_space<hbm>>)
        %dma_wait3A_1457 = arith.constant 1 : i32
        %dma_wait3A_1458 = arith.constant 0 : i32
        %dma_wait3A_1459 = arith.constant 8 : i32
        %dma_wait3A_1460 = arith.constant 0 : i32
        %dma_wait3A_1461 = tpu.memref_slice %arg14[%dma_wait3A_1458, %dma_wait3A_1459, %dma_wait3A_1460] : memref<2x16x129xf32, #tpu.memory_space<vmem>> -> memref<2x8x128xf32, #tpu.memory_space<vmem>>
        %dma_wait3A_1462 = arith.constant 0 : i32
        %dma_wait3A_1463 = arith.constant 0 : i32
        %dma_wait3A_1464 = tpu.memref_slice %arg8[%mul3A_1371, %dma_wait3A_1457, %add3A, %dma_wait3A_1462, %dma_wait3A_1463] : memref<200x2x32x8x128xf32, #tpu.memory_space<hbm>> -> memref<2x1x1x8x128xf32, #tpu.memory_space<hbm>>
        %dma_wait3A_1465 = tpu.memref_squeeze %dma_wait3A_1464 : memref<2x1x1x8x128xf32, #tpu.memory_space<hbm>> -> memref<2x8x128xf32, #tpu.memory_space<hbm>>
        %dma_wait3A_1466 = arith.constant 0 : i32
        %dma_wait3A_1467 = arith.constant 0 : i32
        %dma_wait3A_1468 = tpu.memref_slice %arg8[%mul3A_1371, %dma_wait3A_1457, %add3A, %dma_wait3A_1466, %dma_wait3A_1467] : memref<200x2x32x8x128xf32, #tpu.memory_space<hbm>> -> memref<2x1x1x8x128xf32, #tpu.memory_space<hbm>>
        %dma_wait3A_1469 = tpu.memref_squeeze %dma_wait3A_1468 : memref<2x1x1x8x128xf32, #tpu.memory_space<hbm>> -> memref<2x8x128xf32, #tpu.memory_space<hbm>>
        %dma_wait3A_1470 = arith.constant 0 : i32
        %dma_wait3A_1471 = arith.constant 8 : i32
        %dma_wait3A_1472 = arith.constant 0 : i32
        %dma_wait3A_1473 = tpu.memref_slice %arg14[%dma_wait3A_1470, %dma_wait3A_1471, %dma_wait3A_1472] : memref<2x16x129xf32, #tpu.memory_space<vmem>> -> memref<2x8x128xf32, #tpu.memory_space<vmem>>
        tpu.wait_dma2 semaphore(%arg19 : memref<!tpu.dma_semaphore, #tpu.memory_space<semaphore_mem>>) src(%dma_wait3A_1473 : memref<2x8x128xf32, #tpu.memory_space<vmem>>) dst(%dma_wait3A_1469 : memref<2x8x128xf32, #tpu.memory_space<hbm>>)
      } else {
      }
      %add3A_1121 = arith.constant 1 : i32
      %add3A_1122 = arith.addi %add3A_1115, %add3A_1121 : i32
      %lt3A_1123 = arith.constant 100 : i32
      %lt3A_1124 = arith.cmpi slt, %add3A_1122, %lt3A_1123 : i32
      %convert_element_type3A_1125 = arith.extui %lt3A_1124 : i1 to i32
      %cond3A_1126 = arith.constant 0 : i32
      %cond3A_1127 = arith.cmpi ne, %convert_element_type3A_1125, %cond3A_1126 : i32
      scf.if %cond3A_1127 {
        %add3A_1368 = arith.constant 1 : i32
        %add3A_1369 = arith.addi %add3A_1115, %add3A_1368 : i32
        %mul3A_1370 = arith.constant 2 : i32
        %mul3A_1371 = arith.muli %add3A_1369, %mul3A_1370 : i32
        %jit3A_1372 = arith.constant 4 : i32
        %div3A_1373 = arith.divsi %add3A_1369, %jit3A_1372 : i32
        %sign3A_1374 = arith.constant 0 : i32
        %sign3A_1375 = arith.cmpi sgt, %add3A_1369, %sign3A_1374 : i32
        %sign3A_1376 = arith.extui %sign3A_1375 : i1 to i32
        %sign3A_1377 = arith.constant 0 : i32
        %sign3A_1378 = arith.cmpi slt, %add3A_1369, %sign3A_1377 : i32
        %sign3A_1379 = arith.extui %sign3A_1378 : i1 to i32
        %sign3A_1380 = arith.subi %sign3A_1376, %sign3A_1379 : i32
        %sign3A_1381 = arith.constant 0 : i32
        %sign3A_1382 = arith.cmpi sgt, %jit3A_1372, %sign3A_1381 : i32
        %sign3A_1383 = arith.extui %sign3A_1382 : i1 to i32
        %sign3A_1384 = arith.constant 0 : i32
        %sign3A_1385 = arith.cmpi slt, %jit3A_1372, %sign3A_1384 : i32
        %sign3A_1386 = arith.extui %sign3A_1385 : i1 to i32
        %sign3A_1387 = arith.subi %sign3A_1383, %sign3A_1386 : i32
        %ne3A_1388 = arith.cmpi ne, %sign3A_1380, %sign3A_1387 : i32
        %rem3A_1389 = arith.remsi %add3A_1369, %jit3A_1372 : i32
        %ne3A_1390 = arith.constant 0 : i32
        %ne3A_1391 = arith.cmpi ne, %rem3A_1389, %ne3A_1390 : i32
        %and3A_1392 = arith.andi %ne3A_1388, %ne3A_1391 : i1
        %sub3A_1393 = arith.constant 1 : i32
        %sub3A_1394 = arith.subi %div3A_1373, %sub3A_1393 : i32
        %select_n3A_1395 = arith.select %and3A_1392, %sub3A_1394, %div3A_1373 : i32
        %jit3A_1396 = arith.constant 4 : i32
        %eq3A_1397 = arith.constant 0 : i32
        %eq3A_1398 = arith.cmpi eq, %jit3A_1396, %eq3A_1397 : i32
        %jit3A_1399 = arith.constant 1 : i32
        %select_n3A_1400 = arith.select %eq3A_1398, %jit3A_1399, %jit3A_1396 : i32
        %rem3A_1401 = arith.remsi %add3A_1369, %select_n3A_1400 : i32
        %ne3A_1402 = arith.constant 0 : i32
        %ne3A_1403 = arith.cmpi ne, %rem3A_1401, %ne3A_1402 : i32
        %lt3A_1404 = arith.constant 0 : i32
        %lt3A_1405 = arith.cmpi slt, %rem3A_1401, %lt3A_1404 : i32
        %lt3A_1406 = arith.constant 0 : i32
        %lt3A_1407 = arith.cmpi slt, %select_n3A_1400, %lt3A_1406 : i32
        %ne3A_1408 = arith.xori %lt3A_1405, %lt3A_1407 : i1
        %and3A_1409 = arith.andi %ne3A_1408, %ne3A_1403 : i1
        %add3A_1410 = arith.addi %rem3A_1401, %select_n3A_1400 : i32
        %select_n3A_1411 = arith.select %and3A_1409, %add3A_1410, %rem3A_1401 : i32
        %mul3A_1412 = arith.constant 256 : i32
        %mul3A_1413 = arith.muli %select_n3A_1411, %mul3A_1412 : i32
        %jit3A_1414 = arith.constant 4 : i32
        %div3A_1415 = arith.divsi %add3A_1369, %jit3A_1414 : i32
        %sign3A_1416 = arith.constant 0 : i32
        %sign3A_1417 = arith.cmpi sgt, %add3A_1369, %sign3A_1416 : i32
        %sign3A_1418 = arith.extui %sign3A_1417 : i1 to i32
        %sign3A_1419 = arith.constant 0 : i32
        %sign3A_1420 = arith.cmpi slt, %add3A_1369, %sign3A_1419 : i32
        %sign3A_1421 = arith.extui %sign3A_1420 : i1 to i32
        %sign3A_1422 = arith.subi %sign3A_1418, %sign3A_1421 : i32
        %sign3A_1423 = arith.constant 0 : i32
        %sign3A_1424 = arith.cmpi sgt, %jit3A_1414, %sign3A_1423 : i32
        %sign3A_1425 = arith.extui %sign3A_1424 : i1 to i32
        %sign3A_1426 = arith.constant 0 : i32
        %sign3A_1427 = arith.cmpi slt, %jit3A_1414, %sign3A_1426 : i32
        %sign3A_1428 = arith.extui %sign3A_1427 : i1 to i32
        %sign3A_1429 = arith.subi %sign3A_1425, %sign3A_1428 : i32
        %ne3A_1430 = arith.cmpi ne, %sign3A_1422, %sign3A_1429 : i32
        %rem3A_1431 = arith.remsi %add3A_1369, %jit3A_1414 : i32
        %ne3A_1432 = arith.constant 0 : i32
        %ne3A_1433 = arith.cmpi ne, %rem3A_1431, %ne3A_1432 : i32
        %and3A_1434 = arith.andi %ne3A_1430, %ne3A_1433 : i1
        %sub3A_1435 = arith.constant 1 : i32
        %sub3A_1436 = arith.subi %div3A_1415, %sub3A_1435 : i32
        %select_n3A_1437 = arith.select %and3A_1434, %sub3A_1436, %div3A_1415 : i32
        %jit3A_1438 = arith.constant 4 : i32
        %eq3A_1439 = arith.constant 0 : i32
        %eq3A_1440 = arith.cmpi eq, %jit3A_1438, %eq3A_1439 : i32
        %jit3A_1441 = arith.constant 1 : i32
        %select_n3A_1442 = arith.select %eq3A_1440, %jit3A_1441, %jit3A_1438 : i32
        %rem3A_1443 = arith.remsi %add3A_1369, %select_n3A_1442 : i32
        %ne3A_1444 = arith.constant 0 : i32
        %ne3A_1445 = arith.cmpi ne, %rem3A_1443, %ne3A_1444 : i32
        %lt3A_1446 = arith.constant 0 : i32
        %lt3A_1447 = arith.cmpi slt, %rem3A_1443, %lt3A_1446 : i32
        %lt3A_1448 = arith.constant 0 : i32
        %lt3A_1449 = arith.cmpi slt, %select_n3A_1442, %lt3A_1448 : i32
        %ne3A_1450 = arith.xori %lt3A_1447, %lt3A_1449 : i1
        %and3A_1451 = arith.andi %ne3A_1450, %ne3A_1445 : i1
        %add3A_1452 = arith.addi %rem3A_1443, %select_n3A_1442 : i32
        %select_n3A_1453 = arith.select %and3A_1451, %add3A_1452, %rem3A_1443 : i32
        %mul3A_1454 = arith.constant 256 : i32
        %mul3A_1455 = arith.muli %select_n3A_1453, %mul3A_1454 : i32
        %dma_start3A_1456 = arith.constant 0 : i32
        %dma_start3A_1457 = arith.constant 0 : i32
        %dma_start3A_1458 = arith.constant 0 : i32
        %dma_start3A_1459 = arith.constant 0 : i32
        %dma_start3A_1460 = tpu.memref_slice %arg11[%dma_start3A_1457, %dma_start3A_1458, %dma_start3A_1459] : memref<2x16x129xf32, #tpu.memory_space<vmem>> -> memref<2x8x128xf32, #tpu.memory_space<vmem>>
        %dma_start3A_1461 = arith.constant 0 : i32
        %dma_start3A_1462 = arith.constant 0 : i32
        %dma_start3A_1463 = tpu.memref_slice %arg3[%mul3A_1371, %dma_start3A_1456, %add3A, %dma_start3A_1461, %dma_start3A_1462] : memref<200x2x32x8x128xf32, #tpu.memory_space<hbm>> -> memref<2x1x1x8x128xf32, #tpu.memory_space<hbm>>
        %dma_start3A_1464 = tpu.memref_squeeze %dma_start3A_1463 : memref<2x1x1x8x128xf32, #tpu.memory_space<hbm>> -> memref<2x8x128xf32, #tpu.memory_space<hbm>>
        %dma_start3A_1465 = arith.constant 0 : i32
        %dma_start3A_1466 = arith.constant 0 : i32
        %dma_start3A_1467 = arith.constant 0 : i32
        %dma_start3A_1468 = tpu.memref_slice %arg11[%dma_start3A_1465, %dma_start3A_1466, %dma_start3A_1467] : memref<2x16x129xf32, #tpu.memory_space<vmem>> -> memref<2x8x128xf32, #tpu.memory_space<vmem>>
        %dma_start3A_1469 = arith.constant 0 : i32
        %dma_start3A_1470 = arith.constant 0 : i32
        %dma_start3A_1471 = tpu.memref_slice %arg3[%mul3A_1371, %dma_start3A_1456, %add3A, %dma_start3A_1469, %dma_start3A_1470] : memref<200x2x32x8x128xf32, #tpu.memory_space<hbm>> -> memref<2x1x1x8x128xf32, #tpu.memory_space<hbm>>
        %dma_start3A_1472 = tpu.memref_squeeze %dma_start3A_1471 : memref<2x1x1x8x128xf32, #tpu.memory_space<hbm>> -> memref<2x8x128xf32, #tpu.memory_space<hbm>>
        tpu.enqueue_dma source(%dma_start3A_1472 : memref<2x8x128xf32, #tpu.memory_space<hbm>>) target(%dma_start3A_1468 : memref<2x8x128xf32, #tpu.memory_space<vmem>>) target_semaphore(%arg17 : memref<!tpu.dma_semaphore, #tpu.memory_space<semaphore_mem>>)
        %dma_start3A_1473 = arith.constant 1 : i32
        %dma_start3A_1474 = arith.constant 0 : i32
        %dma_start3A_1475 = arith.constant 8 : i32
        %dma_start3A_1476 = arith.constant 0 : i32
        %dma_start3A_1477 = tpu.memref_slice %arg11[%dma_start3A_1474, %dma_start3A_1475, %dma_start3A_1476] : memref<2x16x129xf32, #tpu.memory_space<vmem>> -> memref<2x8x128xf32, #tpu.memory_space<vmem>>
        %dma_start3A_1478 = arith.constant 0 : i32
        %dma_start3A_1479 = arith.constant 0 : i32
        %dma_start3A_1480 = tpu.memref_slice %arg3[%mul3A_1371, %dma_start3A_1473, %add3A, %dma_start3A_1478, %dma_start3A_1479] : memref<200x2x32x8x128xf32, #tpu.memory_space<hbm>> -> memref<2x1x1x8x128xf32, #tpu.memory_space<hbm>>
        %dma_start3A_1481 = tpu.memref_squeeze %dma_start3A_1480 : memref<2x1x1x8x128xf32, #tpu.memory_space<hbm>> -> memref<2x8x128xf32, #tpu.memory_space<hbm>>
        %dma_start3A_1482 = arith.constant 0 : i32
        %dma_start3A_1483 = arith.constant 8 : i32
        %dma_start3A_1484 = arith.constant 0 : i32
        %dma_start3A_1485 = tpu.memref_slice %arg11[%dma_start3A_1482, %dma_start3A_1483, %dma_start3A_1484] : memref<2x16x129xf32, #tpu.memory_space<vmem>> -> memref<2x8x128xf32, #tpu.memory_space<vmem>>
        %dma_start3A_1486 = arith.constant 0 : i32
        %dma_start3A_1487 = arith.constant 0 : i32
        %dma_start3A_1488 = tpu.memref_slice %arg3[%mul3A_1371, %dma_start3A_1473, %add3A, %dma_start3A_1486, %dma_start3A_1487] : memref<200x2x32x8x128xf32, #tpu.memory_space<hbm>> -> memref<2x1x1x8x128xf32, #tpu.memory_space<hbm>>
        %dma_start3A_1489 = tpu.memref_squeeze %dma_start3A_1488 : memref<2x1x1x8x128xf32, #tpu.memory_space<hbm>> -> memref<2x8x128xf32, #tpu.memory_space<hbm>>
        tpu.enqueue_dma source(%dma_start3A_1489 : memref<2x8x128xf32, #tpu.memory_space<hbm>>) target(%dma_start3A_1485 : memref<2x8x128xf32, #tpu.memory_space<vmem>>) target_semaphore(%arg17 : memref<!tpu.dma_semaphore, #tpu.memory_space<semaphore_mem>>)
        %dma_start3A_1490 = tpu.memref_slice %arg9[%select_n3A_1395, %mul3A_1413] : memref<25x1024xi32, #tpu.memory_space<vmem>> -> memref<1x256xi32, #tpu.memory_space<vmem>>
        %dma_start3A_1491 = tpu.memref_squeeze %dma_start3A_1490 : memref<1x256xi32, #tpu.memory_space<vmem>> -> memref<256xi32, #tpu.memory_space<vmem>>
        %dma_start3A_1492 = arith.constant 0 : i32
        %dma_start3A_1493 = arith.constant 0 : i32
        %dma_start3A_1494 = tpu.memref_slice %arg4[%dma_start3A_1492, %dma_start3A_1493] : memref<1000000x16xf32, #tpu.memory_space<hbm>> -> memref<1000000x16xf32, #tpu.memory_space<hbm>>
        tpu.enqueue_indirect_dma source(%dma_start3A_1494 : memref<1000000x16xf32, #tpu.memory_space<hbm>>) target(%arg15 : memref<256x16xf32, #tpu.memory_space<vmem>>) offsets(%dma_start3A_1491 : memref<256xi32, #tpu.memory_space<vmem>>) semaphore(%arg18 : memref<!tpu.dma_semaphore, #tpu.memory_space<semaphore_mem>>)
        %dma_start3A_1495 = tpu.memref_slice %arg9[%select_n3A_1437, %mul3A_1455] : memref<25x1024xi32, #tpu.memory_space<vmem>> -> memref<1x256xi32, #tpu.memory_space<vmem>>
        %dma_start3A_1496 = tpu.memref_squeeze %dma_start3A_1495 : memref<1x256xi32, #tpu.memory_space<vmem>> -> memref<256xi32, #tpu.memory_space<vmem>>
        %dma_start3A_1497 = arith.constant 0 : i32
        %dma_start3A_1498 = arith.constant 0 : i32
        %dma_start3A_1499 = tpu.memref_slice %arg5[%dma_start3A_1497, %dma_start3A_1498] : memref<1000000x16xf32, #tpu.memory_space<hbm>> -> memref<1000000x16xf32, #tpu.memory_space<hbm>>
        tpu.enqueue_indirect_dma source(%dma_start3A_1499 : memref<1000000x16xf32, #tpu.memory_space<hbm>>) target(%arg16 : memref<256x16xf32, #tpu.memory_space<vmem>>) offsets(%dma_start3A_1496 : memref<256xi32, #tpu.memory_space<vmem>>) semaphore(%arg18 : memref<!tpu.dma_semaphore, #tpu.memory_space<semaphore_mem>>)
      } else {
      }
      %mul3A_1128 = arith.constant 2 : i32
      %mul3A_1129 = arith.muli %add3A_1115, %mul3A_1128 : i32
      %jit3A_1130 = arith.constant 4 : i32
      %div3A_1131 = arith.divsi %add3A_1115, %jit3A_1130 : i32
      %sign3A_1132 = arith.constant 0 : i32
      %sign3A_1133 = arith.cmpi sgt, %add3A_1115, %sign3A_1132 : i32
      %sign3A_1134 = arith.extui %sign3A_1133 : i1 to i32
      %sign3A_1135 = arith.constant 0 : i32
      %sign3A_1136 = arith.cmpi slt, %add3A_1115, %sign3A_1135 : i32
      %sign3A_1137 = arith.extui %sign3A_1136 : i1 to i32
      %sign3A_1138 = arith.subi %sign3A_1134, %sign3A_1137 : i32
      %sign3A_1139 = arith.constant 0 : i32
      %sign3A_1140 = arith.cmpi sgt, %jit3A_1130, %sign3A_1139 : i32
      %sign3A_1141 = arith.extui %sign3A_1140 : i1 to i32
      %sign3A_1142 = arith.constant 0 : i32
      %sign3A_1143 = arith.cmpi slt, %jit3A_1130, %sign3A_1142 : i32
      %sign3A_1144 = arith.extui %sign3A_1143 : i1 to i32
      %sign3A_1145 = arith.subi %sign3A_1141, %sign3A_1144 : i32
      %ne3A_1146 = arith.cmpi ne, %sign3A_1138, %sign3A_1145 : i32
      %rem3A_1147 = arith.remsi %add3A_1115, %jit3A_1130 : i32
      %ne3A_1148 = arith.constant 0 : i32
      %ne3A_1149 = arith.cmpi ne, %rem3A_1147, %ne3A_1148 : i32
      %and3A_1150 = arith.andi %ne3A_1146, %ne3A_1149 : i1
      %sub3A_1151 = arith.constant 1 : i32
      %sub3A_1152 = arith.subi %div3A_1131, %sub3A_1151 : i32
      %select_n3A_1153 = arith.select %and3A_1150, %sub3A_1152, %div3A_1131 : i32
      %jit3A_1154 = arith.constant 4 : i32
      %eq3A_1155 = arith.constant 0 : i32
      %eq3A_1156 = arith.cmpi eq, %jit3A_1154, %eq3A_1155 : i32
      %jit3A_1157 = arith.constant 1 : i32
      %select_n3A_1158 = arith.select %eq3A_1156, %jit3A_1157, %jit3A_1154 : i32
      %rem3A_1159 = arith.remsi %add3A_1115, %select_n3A_1158 : i32
      %ne3A_1160 = arith.constant 0 : i32
      %ne3A_1161 = arith.cmpi ne, %rem3A_1159, %ne3A_1160 : i32
      %lt3A_1162 = arith.constant 0 : i32
      %lt3A_1163 = arith.cmpi slt, %rem3A_1159, %lt3A_1162 : i32
      %lt3A_1164 = arith.constant 0 : i32
      %lt3A_1165 = arith.cmpi slt, %select_n3A_1158, %lt3A_1164 : i32
      %ne3A_1166 = arith.xori %lt3A_1163, %lt3A_1165 : i1
      %and3A_1167 = arith.andi %ne3A_1166, %ne3A_1161 : i1
      %add3A_1168 = arith.addi %rem3A_1159, %select_n3A_1158 : i32
      %select_n3A_1169 = arith.select %and3A_1167, %add3A_1168, %rem3A_1159 : i32
      %mul3A_1170 = arith.constant 256 : i32
      %mul3A_1171 = arith.muli %select_n3A_1169, %mul3A_1170 : i32
      %jit3A_1172 = arith.constant 4 : i32
      %div3A_1173 = arith.divsi %add3A_1115, %jit3A_1172 : i32
      %sign3A_1174 = arith.constant 0 : i32
      %sign3A_1175 = arith.cmpi sgt, %add3A_1115, %sign3A_1174 : i32
      %sign3A_1176 = arith.extui %sign3A_1175 : i1 to i32
      %sign3A_1177 = arith.constant 0 : i32
      %sign3A_1178 = arith.cmpi slt, %add3A_1115, %sign3A_1177 : i32
      %sign3A_1179 = arith.extui %sign3A_1178 : i1 to i32
      %sign3A_1180 = arith.subi %sign3A_1176, %sign3A_1179 : i32
      %sign3A_1181 = arith.constant 0 : i32
      %sign3A_1182 = arith.cmpi sgt, %jit3A_1172, %sign3A_1181 : i32
      %sign3A_1183 = arith.extui %sign3A_1182 : i1 to i32
      %sign3A_1184 = arith.constant 0 : i32
      %sign3A_1185 = arith.cmpi slt, %jit3A_1172, %sign3A_1184 : i32
      %sign3A_1186 = arith.extui %sign3A_1185 : i1 to i32
      %sign3A_1187 = arith.subi %sign3A_1183, %sign3A_1186 : i32
      %ne3A_1188 = arith.cmpi ne, %sign3A_1180, %sign3A_1187 : i32
      %rem3A_1189 = arith.remsi %add3A_1115, %jit3A_1172 : i32
      %ne3A_1190 = arith.constant 0 : i32
      %ne3A_1191 = arith.cmpi ne, %rem3A_1189, %ne3A_1190 : i32
      %and3A_1192 = arith.andi %ne3A_1188, %ne3A_1191 : i1
      %sub3A_1193 = arith.constant 1 : i32
      %sub3A_1194 = arith.subi %div3A_1173, %sub3A_1193 : i32
      %select_n3A_1195 = arith.select %and3A_1192, %sub3A_1194, %div3A_1173 : i32
      %jit3A_1196 = arith.constant 4 : i32
      %eq3A_1197 = arith.constant 0 : i32
      %eq3A_1198 = arith.cmpi eq, %jit3A_1196, %eq3A_1197 : i32
      %jit3A_1199 = arith.constant 1 : i32
      %select_n3A_1200 = arith.select %eq3A_1198, %jit3A_1199, %jit3A_1196 : i32
      %rem3A_1201 = arith.remsi %add3A_1115, %select_n3A_1200 : i32
      %ne3A_1202 = arith.constant 0 : i32
      %ne3A_1203 = arith.cmpi ne, %rem3A_1201, %ne3A_1202 : i32
      %lt3A_1204 = arith.constant 0 : i32
      %lt3A_1205 = arith.cmpi slt, %rem3A_1201, %lt3A_1204 : i32
      %lt3A_1206 = arith.constant 0 : i32
      %lt3A_1207 = arith.cmpi slt, %select_n3A_1200, %lt3A_1206 : i32
      %ne3A_1208 = arith.xori %lt3A_1205, %lt3A_1207 : i1
      %and3A_1209 = arith.andi %ne3A_1208, %ne3A_1203 : i1
      %add3A_1210 = arith.addi %rem3A_1201, %select_n3A_1200 : i32
      %select_n3A_1211 = arith.select %and3A_1209, %add3A_1210, %rem3A_1201 : i32
      %mul3A_1212 = arith.constant 256 : i32
      %mul3A_1213 = arith.muli %select_n3A_1211, %mul3A_1212 : i32
      %dma_wait3A_1214 = arith.constant 0 : i32
      %dma_wait3A_1215 = arith.constant 0 : i32
      %dma_wait3A_1216 = arith.constant 0 : i32
      %dma_wait3A_1217 = arith.constant 0 : i32
      %dma_wait3A_1218 = tpu.memref_slice %arg20[%dma_wait3A_1215, %dma_wait3A_1216, %dma_wait3A_1217] : memref<2x16x129xf32, #tpu.memory_space<vmem>> -> memref<2x8x128xf32, #tpu.memory_space<vmem>>
      %dma_wait3A_1219 = arith.constant 0 : i32
      %dma_wait3A_1220 = arith.constant 0 : i32
      %dma_wait3A_1221 = tpu.memref_slice %arg3[%mul3A_1129, %dma_wait3A_1214, %add3A, %dma_wait3A_1219, %dma_wait3A_1220] : memref<200x2x32x8x128xf32, #tpu.memory_space<hbm>> -> memref<2x1x1x8x128xf32, #tpu.memory_space<hbm>>
      %dma_wait3A_1222 = tpu.memref_squeeze %dma_wait3A_1221 : memref<2x1x1x8x128xf32, #tpu.memory_space<hbm>> -> memref<2x8x128xf32, #tpu.memory_space<hbm>>
      %dma_wait3A_1223 = arith.constant 0 : i32
      %dma_wait3A_1224 = arith.constant 0 : i32
      %dma_wait3A_1225 = arith.constant 0 : i32
      %dma_wait3A_1226 = tpu.memref_slice %arg20[%dma_wait3A_1223, %dma_wait3A_1224, %dma_wait3A_1225] : memref<2x16x129xf32, #tpu.memory_space<vmem>> -> memref<2x8x128xf32, #tpu.memory_space<vmem>>
      %dma_wait3A_1227 = arith.constant 0 : i32
      %dma_wait3A_1228 = arith.constant 0 : i32
      %dma_wait3A_1229 = tpu.memref_slice %arg3[%mul3A_1129, %dma_wait3A_1214, %add3A, %dma_wait3A_1227, %dma_wait3A_1228] : memref<200x2x32x8x128xf32, #tpu.memory_space<hbm>> -> memref<2x1x1x8x128xf32, #tpu.memory_space<hbm>>
      %dma_wait3A_1230 = tpu.memref_squeeze %dma_wait3A_1229 : memref<2x1x1x8x128xf32, #tpu.memory_space<hbm>> -> memref<2x8x128xf32, #tpu.memory_space<hbm>>
      tpu.wait_dma2 semaphore(%arg26 : memref<!tpu.dma_semaphore, #tpu.memory_space<semaphore_mem>>) src(%dma_wait3A_1230 : memref<2x8x128xf32, #tpu.memory_space<hbm>>) dst(%dma_wait3A_1226 : memref<2x8x128xf32, #tpu.memory_space<vmem>>)
      %dma_wait3A_1231 = arith.constant 1 : i32
      %dma_wait3A_1232 = arith.constant 0 : i32
      %dma_wait3A_1233 = arith.constant 8 : i32
      %dma_wait3A_1234 = arith.constant 0 : i32
      %dma_wait3A_1235 = tpu.memref_slice %arg20[%dma_wait3A_1232, %dma_wait3A_1233, %dma_wait3A_1234] : memref<2x16x129xf32, #tpu.memory_space<vmem>> -> memref<2x8x128xf32, #tpu.memory_space<vmem>>
      %dma_wait3A_1236 = arith.constant 0 : i32
      %dma_wait3A_1237 = arith.constant 0 : i32
      %dma_wait3A_1238 = tpu.memref_slice %arg3[%mul3A_1129, %dma_wait3A_1231, %add3A, %dma_wait3A_1236, %dma_wait3A_1237] : memref<200x2x32x8x128xf32, #tpu.memory_space<hbm>> -> memref<2x1x1x8x128xf32, #tpu.memory_space<hbm>>
      %dma_wait3A_1239 = tpu.memref_squeeze %dma_wait3A_1238 : memref<2x1x1x8x128xf32, #tpu.memory_space<hbm>> -> memref<2x8x128xf32, #tpu.memory_space<hbm>>
      %dma_wait3A_1240 = arith.constant 0 : i32
      %dma_wait3A_1241 = arith.constant 8 : i32
      %dma_wait3A_1242 = arith.constant 0 : i32
      %dma_wait3A_1243 = tpu.memref_slice %arg20[%dma_wait3A_1240, %dma_wait3A_1241, %dma_wait3A_1242] : memref<2x16x129xf32, #tpu.memory_space<vmem>> -> memref<2x8x128xf32, #tpu.memory_space<vmem>>
      %dma_wait3A_1244 = arith.constant 0 : i32
      %dma_wait3A_1245 = arith.constant 0 : i32
      %dma_wait3A_1246 = tpu.memref_slice %arg3[%mul3A_1129, %dma_wait3A_1231, %add3A, %dma_wait3A_1244, %dma_wait3A_1245] : memref<200x2x32x8x128xf32, #tpu.memory_space<hbm>> -> memref<2x1x1x8x128xf32, #tpu.memory_space<hbm>>
      %dma_wait3A_1247 = tpu.memref_squeeze %dma_wait3A_1246 : memref<2x1x1x8x128xf32, #tpu.memory_space<hbm>> -> memref<2x8x128xf32, #tpu.memory_space<hbm>>
      tpu.wait_dma2 semaphore(%arg26 : memref<!tpu.dma_semaphore, #tpu.memory_space<semaphore_mem>>) src(%dma_wait3A_1247 : memref<2x8x128xf32, #tpu.memory_space<hbm>>) dst(%dma_wait3A_1243 : memref<2x8x128xf32, #tpu.memory_space<vmem>>)
      %dma_wait3A_1248 = tpu.memref_slice %arg9[%select_n3A_1153, %mul3A_1171] : memref<25x1024xi32, #tpu.memory_space<vmem>> -> memref<1x256xi32, #tpu.memory_space<vmem>>
      %dma_wait3A_1249 = tpu.memref_squeeze %dma_wait3A_1248 : memref<1x256xi32, #tpu.memory_space<vmem>> -> memref<256xi32, #tpu.memory_space<vmem>>
      %dma_wait3A_1250 = arith.constant 0 : i32
      %dma_wait3A_1251 = arith.constant 0 : i32
      %dma_wait3A_1252 = tpu.memref_slice %arg4[%dma_wait3A_1250, %dma_wait3A_1251] : memref<1000000x16xf32, #tpu.memory_space<hbm>> -> memref<1000000x16xf32, #tpu.memory_space<hbm>>
      tpu.wait_indirect_dma semaphore(%arg27 : memref<!tpu.dma_semaphore, #tpu.memory_space<semaphore_mem>>) src(%dma_wait3A_1252 : memref<1000000x16xf32, #tpu.memory_space<hbm>>) dst(%arg24 : memref<256x16xf32, #tpu.memory_space<vmem>>)
      %dma_wait3A_1253 = tpu.memref_slice %arg9[%select_n3A_1195, %mul3A_1213] : memref<25x1024xi32, #tpu.memory_space<vmem>> -> memref<1x256xi32, #tpu.memory_space<vmem>>
      %dma_wait3A_1254 = tpu.memref_squeeze %dma_wait3A_1253 : memref<1x256xi32, #tpu.memory_space<vmem>> -> memref<256xi32, #tpu.memory_space<vmem>>
      %dma_wait3A_1255 = arith.constant 0 : i32
      %dma_wait3A_1256 = arith.constant 0 : i32
      %dma_wait3A_1257 = tpu.memref_slice %arg5[%dma_wait3A_1255, %dma_wait3A_1256] : memref<1000000x16xf32, #tpu.memory_space<hbm>> -> memref<1000000x16xf32, #tpu.memory_space<hbm>>
      tpu.wait_indirect_dma semaphore(%arg27 : memref<!tpu.dma_semaphore, #tpu.memory_space<semaphore_mem>>) src(%dma_wait3A_1257 : memref<1000000x16xf32, #tpu.memory_space<hbm>>) dst(%arg25 : memref<256x16xf32, #tpu.memory_space<vmem>>)
      %scan3A_1258 = arith.constant 0 : i32
      %scan3A_1259 = arith.constant 0 : i32
      %scan3A_1260 = arith.constant 64 : i32
      %scan3A_1261 = arith.addi %scan3A_1259, %scan3A_1260 : i32
      %scan3A_1262 = arith.constant 1 : i32
      scf.for %scan3A_1368 = %scan3A_1259 to %scan3A_1261 step %scan3A_1262  : i32 {
        %mul3A_1369 = arith.constant 4 : i32
        %mul3A_1370 = arith.muli %scan3A_1368, %mul3A_1369 : i32
        %add3A_1371 = arith.constant 0 : i32
        %add3A_1372 = arith.addi %mul3A_1370, %add3A_1371 : i32
        %broadcast_in_dim3A = vector.broadcast %add3A_1372 : i32 to vector<16xi32>
        %shift_right_arithmetic3A = arith.constant 7 : i32
        %shift_right_arithmetic3A_1373 = arith.shrsi %add3A_1372, %shift_right_arithmetic3A : i32
        %broadcast_in_dim3A_1374 = vector.broadcast %shift_right_arithmetic3A_1373 : i32 to vector<16xi32>
        %and3A_1375 = arith.constant 127 : i32
        %and3A_1376 = arith.andi %add3A_1372, %and3A_1375 : i32
        %broadcast_in_dim3A_1377 = vector.broadcast %and3A_1376 : i32 to vector<16xi32>
        %gather3A = tpu.vector_load_idx %arg24[%broadcast_in_dim3A, %iota3A] : memref<256x16xf32, #tpu.memory_space<vmem>>[vector<16xi32>, vector<16xi32>], vector<16xf32>,
        %gather3A_1378 = tpu.vector_load_idx %arg25[%broadcast_in_dim3A, %iota3A] : memref<256x16xf32, #tpu.memory_space<vmem>>[vector<16xi32>, vector<16xi32>], vector<16xf32>,
        %gather3A_1379 = tpu.vector_load_idx %arg20[%broadcast_in_dim3A_1374, %iota3A, %broadcast_in_dim3A_1377] : memref<2x16x129xf32, #tpu.memory_space<vmem>>[vector<16xi32>, vector<16xi32>, vector<16xi32>], vector<16xf32>,
        %sub3A_1380 = arith.subf %gather3A_1379, %gather3A : vector<16xf32>
        %bitcast_convert_type3A = tpu.bitcast %gather3A_1378 : vector<16xf32> -> vector<16xi32>
        %shift_right_arithmetic3A_1381 = arith.constant 1 : i32
        %shift_right_arithmetic3A_1382 = vector.broadcast %shift_right_arithmetic3A_1381 : i32 to vector<16xi32>
        %shift_right_arithmetic3A_1383 = arith.shrsi %bitcast_convert_type3A, %shift_right_arithmetic3A_1382 : vector<16xi32>
        %sub3A_1384 = arith.constant 1597463007 : i32
        %sub3A_1385 = vector.broadcast %sub3A_1384 : i32 to vector<16xi32>
        %sub3A_1386 = arith.subi %sub3A_1385, %shift_right_arithmetic3A_1383 : vector<16xi32>
        %bitcast_convert_type3A_1387 = tpu.bitcast %sub3A_1386 : vector<16xi32> -> vector<16xf32>
        %mul3A_1388 = arith.constant 5.000000e-01 : f32
        %mul3A_1389 = vector.broadcast %mul3A_1388 : f32 to vector<16xf32>
        %mul3A_1390 = arith.mulf %gather3A_1378, %mul3A_1389 : vector<16xf32>
        %mul3A_1391 = arith.mulf %mul3A_1390, %bitcast_convert_type3A_1387 : vector<16xf32>
        %mul3A_1392 = arith.mulf %mul3A_1391, %bitcast_convert_type3A_1387 : vector<16xf32>
        %sub3A_1393 = arith.constant 1.500000e+00 : f32
        %sub3A_1394 = vector.broadcast %sub3A_1393 : f32 to vector<16xf32>
        %sub3A_1395 = arith.subf %sub3A_1394, %mul3A_1392 : vector<16xf32>
        %mul3A_1396 = arith.mulf %bitcast_convert_type3A_1387, %sub3A_1395 : vector<16xf32>
        %mul3A_1397 = arith.mulf %mul3A_1390, %mul3A_1396 : vector<16xf32>
        %mul3A_1398 = arith.mulf %mul3A_1397, %mul3A_1396 : vector<16xf32>
        %sub3A_1399 = arith.constant 1.500000e+00 : f32
        %sub3A_1400 = vector.broadcast %sub3A_1399 : f32 to vector<16xf32>
        %sub3A_1401 = arith.subf %sub3A_1400, %mul3A_1398 : vector<16xf32>
        %mul3A_1402 = arith.mulf %mul3A_1396, %sub3A_1401 : vector<16xf32>
        %mul3A_1403 = arith.mulf %sub3A_1380, %mul3A_1402 : vector<16xf32>
        tpu.vector_store_idx %arg21[%broadcast_in_dim3A_1374, %iota3A, %broadcast_in_dim3A_1377], %mul3A_1403 : memref<2x16x129xf32, #tpu.memory_space<vmem>>[vector<16xi32>, vector<16xi32>, vector<16xi32>], vector<16xf32>,
        tpu.vector_store_idx %arg22[%broadcast_in_dim3A_1374, %iota3A, %broadcast_in_dim3A_1377], %gather3A : memref<2x16x129xf32, #tpu.memory_space<vmem>>[vector<16xi32>, vector<16xi32>, vector<16xi32>], vector<16xf32>,
        tpu.vector_store_idx %arg23[%broadcast_in_dim3A_1374, %iota3A, %broadcast_in_dim3A_1377], %gather3A_1378 : memref<2x16x129xf32, #tpu.memory_space<vmem>>[vector<16xi32>, vector<16xi32>, vector<16xi32>], vector<16xf32>,
        %mul3A_1404 = arith.constant 4 : i32
        %mul3A_1405 = arith.muli %scan3A_1368, %mul3A_1404 : i32
        %add3A_1406 = arith.constant 1 : i32
        %add3A_1407 = arith.addi %mul3A_1405, %add3A_1406 : i32
        %broadcast_in_dim3A_1408 = vector.broadcast %add3A_1407 : i32 to vector<16xi32>
        %shift_right_arithmetic3A_1409 = arith.constant 7 : i32
        %shift_right_arithmetic3A_1410 = arith.shrsi %add3A_1407, %shift_right_arithmetic3A_1409 : i32
        %broadcast_in_dim3A_1411 = vector.broadcast %shift_right_arithmetic3A_1410 : i32 to vector<16xi32>
        %and3A_1412 = arith.constant 127 : i32
        %and3A_1413 = arith.andi %add3A_1407, %and3A_1412 : i32
        %broadcast_in_dim3A_1414 = vector.broadcast %and3A_1413 : i32 to vector<16xi32>
        %gather3A_1415 = tpu.vector_load_idx %arg24[%broadcast_in_dim3A_1408, %iota3A] : memref<256x16xf32, #tpu.memory_space<vmem>>[vector<16xi32>, vector<16xi32>], vector<16xf32>,
        %gather3A_1416 = tpu.vector_load_idx %arg25[%broadcast_in_dim3A_1408, %iota3A] : memref<256x16xf32, #tpu.memory_space<vmem>>[vector<16xi32>, vector<16xi32>], vector<16xf32>,
        %gather3A_1417 = tpu.vector_load_idx %arg20[%broadcast_in_dim3A_1411, %iota3A, %broadcast_in_dim3A_1414] : memref<2x16x129xf32, #tpu.memory_space<vmem>>[vector<16xi32>, vector<16xi32>, vector<16xi32>], vector<16xf32>,
        %sub3A_1418 = arith.subf %gather3A_1417, %gather3A_1415 : vector<16xf32>
        %bitcast_convert_type3A_1419 = tpu.bitcast %gather3A_1416 : vector<16xf32> -> vector<16xi32>
        %shift_right_arithmetic3A_1420 = arith.constant 1 : i32
        %shift_right_arithmetic3A_1421 = vector.broadcast %shift_right_arithmetic3A_1420 : i32 to vector<16xi32>
        %shift_right_arithmetic3A_1422 = arith.shrsi %bitcast_convert_type3A_1419, %shift_right_arithmetic3A_1421 : vector<16xi32>
        %sub3A_1423 = arith.constant 1597463007 : i32
        %sub3A_1424 = vector.broadcast %sub3A_1423 : i32 to vector<16xi32>
        %sub3A_1425 = arith.subi %sub3A_1424, %shift_right_arithmetic3A_1422 : vector<16xi32>
        %bitcast_convert_type3A_1426 = tpu.bitcast %sub3A_1425 : vector<16xi32> -> vector<16xf32>
        %mul3A_1427 = arith.constant 5.000000e-01 : f32
        %mul3A_1428 = vector.broadcast %mul3A_1427 : f32 to vector<16xf32>
        %mul3A_1429 = arith.mulf %gather3A_1416, %mul3A_1428 : vector<16xf32>
        %mul3A_1430 = arith.mulf %mul3A_1429, %bitcast_convert_type3A_1426 : vector<16xf32>
        %mul3A_1431 = arith.mulf %mul3A_1430, %bitcast_convert_type3A_1426 : vector<16xf32>
        %sub3A_1432 = arith.constant 1.500000e+00 : f32
        %sub3A_1433 = vector.broadcast %sub3A_1432 : f32 to vector<16xf32>
        %sub3A_1434 = arith.subf %sub3A_1433, %mul3A_1431 : vector<16xf32>
        %mul3A_1435 = arith.mulf %bitcast_convert_type3A_1426, %sub3A_1434 : vector<16xf32>
        %mul3A_1436 = arith.mulf %mul3A_1429, %mul3A_1435 : vector<16xf32>
        %mul3A_1437 = arith.mulf %mul3A_1436, %mul3A_1435 : vector<16xf32>
        %sub3A_1438 = arith.constant 1.500000e+00 : f32
        %sub3A_1439 = vector.broadcast %sub3A_1438 : f32 to vector<16xf32>
        %sub3A_1440 = arith.subf %sub3A_1439, %mul3A_1437 : vector<16xf32>
        %mul3A_1441 = arith.mulf %mul3A_1435, %sub3A_1440 : vector<16xf32>
        %mul3A_1442 = arith.mulf %sub3A_1418, %mul3A_1441 : vector<16xf32>
        tpu.vector_store_idx %arg21[%broadcast_in_dim3A_1411, %iota3A, %broadcast_in_dim3A_1414], %mul3A_1442 : memref<2x16x129xf32, #tpu.memory_space<vmem>>[vector<16xi32>, vector<16xi32>, vector<16xi32>], vector<16xf32>,
        tpu.vector_store_idx %arg22[%broadcast_in_dim3A_1411, %iota3A, %broadcast_in_dim3A_1414], %gather3A_1415 : memref<2x16x129xf32, #tpu.memory_space<vmem>>[vector<16xi32>, vector<16xi32>, vector<16xi32>], vector<16xf32>,
        tpu.vector_store_idx %arg23[%broadcast_in_dim3A_1411, %iota3A, %broadcast_in_dim3A_1414], %gather3A_1416 : memref<2x16x129xf32, #tpu.memory_space<vmem>>[vector<16xi32>, vector<16xi32>, vector<16xi32>], vector<16xf32>,
        %mul3A_1443 = arith.constant 4 : i32
        %mul3A_1444 = arith.muli %scan3A_1368, %mul3A_1443 : i32
        %add3A_1445 = arith.constant 2 : i32
        %add3A_1446 = arith.addi %mul3A_1444, %add3A_1445 : i32
        %broadcast_in_dim3A_1447 = vector.broadcast %add3A_1446 : i32 to vector<16xi32>
        %shift_right_arithmetic3A_1448 = arith.constant 7 : i32
        %shift_right_arithmetic3A_1449 = arith.shrsi %add3A_1446, %shift_right_arithmetic3A_1448 : i32
        %broadcast_in_dim3A_1450 = vector.broadcast %shift_right_arithmetic3A_1449 : i32 to vector<16xi32>
        %and3A_1451 = arith.constant 127 : i32
        %and3A_1452 = arith.andi %add3A_1446, %and3A_1451 : i32
        %broadcast_in_dim3A_1453 = vector.broadcast %and3A_1452 : i32 to vector<16xi32>
        %gather3A_1454 = tpu.vector_load_idx %arg24[%broadcast_in_dim3A_1447, %iota3A] : memref<256x16xf32, #tpu.memory_space<vmem>>[vector<16xi32>, vector<16xi32>], vector<16xf32>,
        %gather3A_1455 = tpu.vector_load_idx %arg25[%broadcast_in_dim3A_1447, %iota3A] : memref<256x16xf32, #tpu.memory_space<vmem>>[vector<16xi32>, vector<16xi32>], vector<16xf32>,
        %gather3A_1456 = tpu.vector_load_idx %arg20[%broadcast_in_dim3A_1450, %iota3A, %broadcast_in_dim3A_1453] : memref<2x16x129xf32, #tpu.memory_space<vmem>>[vector<16xi32>, vector<16xi32>, vector<16xi32>], vector<16xf32>,
        %sub3A_1457 = arith.subf %gather3A_1456, %gather3A_1454 : vector<16xf32>
        %bitcast_convert_type3A_1458 = tpu.bitcast %gather3A_1455 : vector<16xf32> -> vector<16xi32>
        %shift_right_arithmetic3A_1459 = arith.constant 1 : i32
        %shift_right_arithmetic3A_1460 = vector.broadcast %shift_right_arithmetic3A_1459 : i32 to vector<16xi32>
        %shift_right_arithmetic3A_1461 = arith.shrsi %bitcast_convert_type3A_1458, %shift_right_arithmetic3A_1460 : vector<16xi32>
        %sub3A_1462 = arith.constant 1597463007 : i32
        %sub3A_1463 = vector.broadcast %sub3A_1462 : i32 to vector<16xi32>
        %sub3A_1464 = arith.subi %sub3A_1463, %shift_right_arithmetic3A_1461 : vector<16xi32>
        %bitcast_convert_type3A_1465 = tpu.bitcast %sub3A_1464 : vector<16xi32> -> vector<16xf32>
        %mul3A_1466 = arith.constant 5.000000e-01 : f32
        %mul3A_1467 = vector.broadcast %mul3A_1466 : f32 to vector<16xf32>
        %mul3A_1468 = arith.mulf %gather3A_1455, %mul3A_1467 : vector<16xf32>
        %mul3A_1469 = arith.mulf %mul3A_1468, %bitcast_convert_type3A_1465 : vector<16xf32>
        %mul3A_1470 = arith.mulf %mul3A_1469, %bitcast_convert_type3A_1465 : vector<16xf32>
        %sub3A_1471 = arith.constant 1.500000e+00 : f32
        %sub3A_1472 = vector.broadcast %sub3A_1471 : f32 to vector<16xf32>
        %sub3A_1473 = arith.subf %sub3A_1472, %mul3A_1470 : vector<16xf32>
        %mul3A_1474 = arith.mulf %bitcast_convert_type3A_1465, %sub3A_1473 : vector<16xf32>
        %mul3A_1475 = arith.mulf %mul3A_1468, %mul3A_1474 : vector<16xf32>
        %mul3A_1476 = arith.mulf %mul3A_1475, %mul3A_1474 : vector<16xf32>
        %sub3A_1477 = arith.constant 1.500000e+00 : f32
        %sub3A_1478 = vector.broadcast %sub3A_1477 : f32 to vector<16xf32>
        %sub3A_1479 = arith.subf %sub3A_1478, %mul3A_1476 : vector<16xf32>
        %mul3A_1480 = arith.mulf %mul3A_1474, %sub3A_1479 : vector<16xf32>
        %mul3A_1481 = arith.mulf %sub3A_1457, %mul3A_1480 : vector<16xf32>
        tpu.vector_store_idx %arg21[%broadcast_in_dim3A_1450, %iota3A, %broadcast_in_dim3A_1453], %mul3A_1481 : memref<2x16x129xf32, #tpu.memory_space<vmem>>[vector<16xi32>, vector<16xi32>, vector<16xi32>], vector<16xf32>,
        tpu.vector_store_idx %arg22[%broadcast_in_dim3A_1450, %iota3A, %broadcast_in_dim3A_1453], %gather3A_1454 : memref<2x16x129xf32, #tpu.memory_space<vmem>>[vector<16xi32>, vector<16xi32>, vector<16xi32>], vector<16xf32>,
        tpu.vector_store_idx %arg23[%broadcast_in_dim3A_1450, %iota3A, %broadcast_in_dim3A_1453], %gather3A_1455 : memref<2x16x129xf32, #tpu.memory_space<vmem>>[vector<16xi32>, vector<16xi32>, vector<16xi32>], vector<16xf32>,
        %mul3A_1482 = arith.constant 4 : i32
        %mul3A_1483 = arith.muli %scan3A_1368, %mul3A_1482 : i32
        %add3A_1484 = arith.constant 3 : i32
        %add3A_1485 = arith.addi %mul3A_1483, %add3A_1484 : i32
        %broadcast_in_dim3A_1486 = vector.broadcast %add3A_1485 : i32 to vector<16xi32>
        %shift_right_arithmetic3A_1487 = arith.constant 7 : i32
        %shift_right_arithmetic3A_1488 = arith.shrsi %add3A_1485, %shift_right_arithmetic3A_1487 : i32
        %broadcast_in_dim3A_1489 = vector.broadcast %shift_right_arithmetic3A_1488 : i32 to vector<16xi32>
        %and3A_1490 = arith.constant 127 : i32
        %and3A_1491 = arith.andi %add3A_1485, %and3A_1490 : i32
        %broadcast_in_dim3A_1492 = vector.broadcast %and3A_1491 : i32 to vector<16xi32>
        %gather3A_1493 = tpu.vector_load_idx %arg24[%broadcast_in_dim3A_1486, %iota3A] : memref<256x16xf32, #tpu.memory_space<vmem>>[vector<16xi32>, vector<16xi32>], vector<16xf32>,
        %gather3A_1494 = tpu.vector_load_idx %arg25[%broadcast_in_dim3A_1486, %iota3A] : memref<256x16xf32, #tpu.memory_space<vmem>>[vector<16xi32>, vector<16xi32>], vector<16xf32>,
        %gather3A_1495 = tpu.vector_load_idx %arg20[%broadcast_in_dim3A_1489, %iota3A, %broadcast_in_dim3A_1492] : memref<2x16x129xf32, #tpu.memory_space<vmem>>[vector<16xi32>, vector<16xi32>, vector<16xi32>], vector<16xf32>,
        %sub3A_1496 = arith.subf %gather3A_1495, %gather3A_1493 : vector<16xf32>
        %bitcast_convert_type3A_1497 = tpu.bitcast %gather3A_1494 : vector<16xf32> -> vector<16xi32>
        %shift_right_arithmetic3A_1498 = arith.constant 1 : i32
        %shift_right_arithmetic3A_1499 = vector.broadcast %shift_right_arithmetic3A_1498 : i32 to vector<16xi32>
        %shift_right_arithmetic3A_1500 = arith.shrsi %bitcast_convert_type3A_1497, %shift_right_arithmetic3A_1499 : vector<16xi32>
        %sub3A_1501 = arith.constant 1597463007 : i32
        %sub3A_1502 = vector.broadcast %sub3A_1501 : i32 to vector<16xi32>
        %sub3A_1503 = arith.subi %sub3A_1502, %shift_right_arithmetic3A_1500 : vector<16xi32>
        %bitcast_convert_type3A_1504 = tpu.bitcast %sub3A_1503 : vector<16xi32> -> vector<16xf32>
        %mul3A_1505 = arith.constant 5.000000e-01 : f32
        %mul3A_1506 = vector.broadcast %mul3A_1505 : f32 to vector<16xf32>
        %mul3A_1507 = arith.mulf %gather3A_1494, %mul3A_1506 : vector<16xf32>
        %mul3A_1508 = arith.mulf %mul3A_1507, %bitcast_convert_type3A_1504 : vector<16xf32>
        %mul3A_1509 = arith.mulf %mul3A_1508, %bitcast_convert_type3A_1504 : vector<16xf32>
        %sub3A_1510 = arith.constant 1.500000e+00 : f32
        %sub3A_1511 = vector.broadcast %sub3A_1510 : f32 to vector<16xf32>
        %sub3A_1512 = arith.subf %sub3A_1511, %mul3A_1509 : vector<16xf32>
        %mul3A_1513 = arith.mulf %bitcast_convert_type3A_1504, %sub3A_1512 : vector<16xf32>
        %mul3A_1514 = arith.mulf %mul3A_1507, %mul3A_1513 : vector<16xf32>
        %mul3A_1515 = arith.mulf %mul3A_1514, %mul3A_1513 : vector<16xf32>
        %sub3A_1516 = arith.constant 1.500000e+00 : f32
        %sub3A_1517 = vector.broadcast %sub3A_1516 : f32 to vector<16xf32>
        %sub3A_1518 = arith.subf %sub3A_1517, %mul3A_1515 : vector<16xf32>
        %mul3A_1519 = arith.mulf %mul3A_1513, %sub3A_1518 : vector<16xf32>
        %mul3A_1520 = arith.mulf %sub3A_1496, %mul3A_1519 : vector<16xf32>
        tpu.vector_store_idx %arg21[%broadcast_in_dim3A_1489, %iota3A, %broadcast_in_dim3A_1492], %mul3A_1520 : memref<2x16x129xf32, #tpu.memory_space<vmem>>[vector<16xi32>, vector<16xi32>, vector<16xi32>], vector<16xf32>,
        tpu.vector_store_idx %arg22[%broadcast_in_dim3A_1489, %iota3A, %broadcast_in_dim3A_1492], %gather3A_1493 : memref<2x16x129xf32, #tpu.memory_space<vmem>>[vector<16xi32>, vector<16xi32>, vector<16xi32>], vector<16xf32>,
        tpu.vector_store_idx %arg23[%broadcast_in_dim3A_1489, %iota3A, %broadcast_in_dim3A_1492], %gather3A_1494 : memref<2x16x129xf32, #tpu.memory_space<vmem>>[vector<16xi32>, vector<16xi32>, vector<16xi32>], vector<16xf32>,
      }
      %scan3A_1263 = arith.constant 64 : i32
      %mul3A_1264 = arith.constant 2 : i32
      %mul3A_1265 = arith.muli %add3A_1115, %mul3A_1264 : i32
      %dma_start3A_1266 = arith.constant 0 : i32
      %dma_start3A_1267 = arith.constant 0 : i32
      %dma_start3A_1268 = arith.constant 0 : i32
      %dma_start3A_1269 = arith.constant 0 : i32
      %dma_start3A_1270 = tpu.memref_slice %arg21[%dma_start3A_1267, %dma_start3A_1268, %dma_start3A_1269] : memref<2x16x129xf32, #tpu.memory_space<vmem>> -> memref<2x8x128xf32, #tpu.memory_space<vmem>>
      %dma_start3A_1271 = arith.constant 0 : i32
      %dma_start3A_1272 = arith.constant 0 : i32
      %dma_start3A_1273 = tpu.memref_slice %arg6[%mul3A_1265, %dma_start3A_1266, %add3A, %dma_start3A_1271, %dma_start3A_1272] : memref<200x2x32x8x128xf32, #tpu.memory_space<hbm>> -> memref<2x1x1x8x128xf32, #tpu.memory_space<hbm>>
      %dma_start3A_1274 = tpu.memref_squeeze %dma_start3A_1273 : memref<2x1x1x8x128xf32, #tpu.memory_space<hbm>> -> memref<2x8x128xf32, #tpu.memory_space<hbm>>
      %dma_start3A_1275 = arith.constant 0 : i32
      %dma_start3A_1276 = arith.constant 0 : i32
      %dma_start3A_1277 = tpu.memref_slice %arg6[%mul3A_1265, %dma_start3A_1266, %add3A, %dma_start3A_1275, %dma_start3A_1276] : memref<200x2x32x8x128xf32, #tpu.memory_space<hbm>> -> memref<2x1x1x8x128xf32, #tpu.memory_space<hbm>>
      %dma_start3A_1278 = tpu.memref_squeeze %dma_start3A_1277 : memref<2x1x1x8x128xf32, #tpu.memory_space<hbm>> -> memref<2x8x128xf32, #tpu.memory_space<hbm>>
      %dma_start3A_1279 = arith.constant 0 : i32
      %dma_start3A_1280 = arith.constant 0 : i32
      %dma_start3A_1281 = arith.constant 0 : i32
      %dma_start3A_1282 = tpu.memref_slice %arg21[%dma_start3A_1279, %dma_start3A_1280, %dma_start3A_1281] : memref<2x16x129xf32, #tpu.memory_space<vmem>> -> memref<2x8x128xf32, #tpu.memory_space<vmem>>
      tpu.enqueue_dma source(%dma_start3A_1282 : memref<2x8x128xf32, #tpu.memory_space<vmem>>) target(%dma_start3A_1278 : memref<2x8x128xf32, #tpu.memory_space<hbm>>) target_semaphore(%arg28 : memref<!tpu.dma_semaphore, #tpu.memory_space<semaphore_mem>>)
      %dma_start3A_1283 = arith.constant 1 : i32
      %dma_start3A_1284 = arith.constant 0 : i32
      %dma_start3A_1285 = arith.constant 8 : i32
      %dma_start3A_1286 = arith.constant 0 : i32
      %dma_start3A_1287 = tpu.memref_slice %arg21[%dma_start3A_1284, %dma_start3A_1285, %dma_start3A_1286] : memref<2x16x129xf32, #tpu.memory_space<vmem>> -> memref<2x8x128xf32, #tpu.memory_space<vmem>>
      %dma_start3A_1288 = arith.constant 0 : i32
      %dma_start3A_1289 = arith.constant 0 : i32
      %dma_start3A_1290 = tpu.memref_slice %arg6[%mul3A_1265, %dma_start3A_1283, %add3A, %dma_start3A_1288, %dma_start3A_1289] : memref<200x2x32x8x128xf32, #tpu.memory_space<hbm>> -> memref<2x1x1x8x128xf32, #tpu.memory_space<hbm>>
      %dma_start3A_1291 = tpu.memref_squeeze %dma_start3A_1290 : memref<2x1x1x8x128xf32, #tpu.memory_space<hbm>> -> memref<2x8x128xf32, #tpu.memory_space<hbm>>
      %dma_start3A_1292 = arith.constant 0 : i32
      %dma_start3A_1293 = arith.constant 0 : i32
      %dma_start3A_1294 = tpu.memref_slice %arg6[%mul3A_1265, %dma_start3A_1283, %add3A, %dma_start3A_1292, %dma_start3A_1293] : memref<200x2x32x8x128xf32, #tpu.memory_space<hbm>> -> memref<2x1x1x8x128xf32, #tpu.memory_space<hbm>>
      %dma_start3A_1295 = tpu.memref_squeeze %dma_start3A_1294 : memref<2x1x1x8x128xf32, #tpu.memory_space<hbm>> -> memref<2x8x128xf32, #tpu.memory_space<hbm>>
      %dma_start3A_1296 = arith.constant 0 : i32
      %dma_start3A_1297 = arith.constant 8 : i32
      %dma_start3A_1298 = arith.constant 0 : i32
      %dma_start3A_1299 = tpu.memref_slice %arg21[%dma_start3A_1296, %dma_start3A_1297, %dma_start3A_1298] : memref<2x16x129xf32, #tpu.memory_space<vmem>> -> memref<2x8x128xf32, #tpu.memory_space<vmem>>
      tpu.enqueue_dma source(%dma_start3A_1299 : memref<2x8x128xf32, #tpu.memory_space<vmem>>) target(%dma_start3A_1295 : memref<2x8x128xf32, #tpu.memory_space<hbm>>) target_semaphore(%arg28 : memref<!tpu.dma_semaphore, #tpu.memory_space<semaphore_mem>>)
      %dma_start3A_1300 = arith.constant 0 : i32
      %dma_start3A_1301 = arith.constant 0 : i32
      %dma_start3A_1302 = arith.constant 0 : i32
      %dma_start3A_1303 = arith.constant 0 : i32
      %dma_start3A_1304 = tpu.memref_slice %arg22[%dma_start3A_1301, %dma_start3A_1302, %dma_start3A_1303] : memref<2x16x129xf32, #tpu.memory_space<vmem>> -> memref<2x8x128xf32, #tpu.memory_space<vmem>>
      %dma_start3A_1305 = arith.constant 0 : i32
      %dma_start3A_1306 = arith.constant 0 : i32
      %dma_start3A_1307 = tpu.memref_slice %arg7[%mul3A_1265, %dma_start3A_1300, %add3A, %dma_start3A_1305, %dma_start3A_1306] : memref<200x2x32x8x128xf32, #tpu.memory_space<hbm>> -> memref<2x1x1x8x128xf32, #tpu.memory_space<hbm>>
      %dma_start3A_1308 = tpu.memref_squeeze %dma_start3A_1307 : memref<2x1x1x8x128xf32, #tpu.memory_space<hbm>> -> memref<2x8x128xf32, #tpu.memory_space<hbm>>
      %dma_start3A_1309 = arith.constant 0 : i32
      %dma_start3A_1310 = arith.constant 0 : i32
      %dma_start3A_1311 = tpu.memref_slice %arg7[%mul3A_1265, %dma_start3A_1300, %add3A, %dma_start3A_1309, %dma_start3A_1310] : memref<200x2x32x8x128xf32, #tpu.memory_space<hbm>> -> memref<2x1x1x8x128xf32, #tpu.memory_space<hbm>>
      %dma_start3A_1312 = tpu.memref_squeeze %dma_start3A_1311 : memref<2x1x1x8x128xf32, #tpu.memory_space<hbm>> -> memref<2x8x128xf32, #tpu.memory_space<hbm>>
      %dma_start3A_1313 = arith.constant 0 : i32
      %dma_start3A_1314 = arith.constant 0 : i32
      %dma_start3A_1315 = arith.constant 0 : i32
      %dma_start3A_1316 = tpu.memref_slice %arg22[%dma_start3A_1313, %dma_start3A_1314, %dma_start3A_1315] : memref<2x16x129xf32, #tpu.memory_space<vmem>> -> memref<2x8x128xf32, #tpu.memory_space<vmem>>
      tpu.enqueue_dma source(%dma_start3A_1316 : memref<2x8x128xf32, #tpu.memory_space<vmem>>) target(%dma_start3A_1312 : memref<2x8x128xf32, #tpu.memory_space<hbm>>) target_semaphore(%arg28 : memref<!tpu.dma_semaphore, #tpu.memory_space<semaphore_mem>>)
      %dma_start3A_1317 = arith.constant 1 : i32
      %dma_start3A_1318 = arith.constant 0 : i32
      %dma_start3A_1319 = arith.constant 8 : i32
      %dma_start3A_1320 = arith.constant 0 : i32
      %dma_start3A_1321 = tpu.memref_slice %arg22[%dma_start3A_1318, %dma_start3A_1319, %dma_start3A_1320] : memref<2x16x129xf32, #tpu.memory_space<vmem>> -> memref<2x8x128xf32, #tpu.memory_space<vmem>>
      %dma_start3A_1322 = arith.constant 0 : i32
      %dma_start3A_1323 = arith.constant 0 : i32
      %dma_start3A_1324 = tpu.memref_slice %arg7[%mul3A_1265, %dma_start3A_1317, %add3A, %dma_start3A_1322, %dma_start3A_1323] : memref<200x2x32x8x128xf32, #tpu.memory_space<hbm>> -> memref<2x1x1x8x128xf32, #tpu.memory_space<hbm>>
      %dma_start3A_1325 = tpu.memref_squeeze %dma_start3A_1324 : memref<2x1x1x8x128xf32, #tpu.memory_space<hbm>> -> memref<2x8x128xf32, #tpu.memory_space<hbm>>
      %dma_start3A_1326 = arith.constant 0 : i32
      %dma_start3A_1327 = arith.constant 0 : i32
      %dma_start3A_1328 = tpu.memref_slice %arg7[%mul3A_1265, %dma_start3A_1317, %add3A, %dma_start3A_1326, %dma_start3A_1327] : memref<200x2x32x8x128xf32, #tpu.memory_space<hbm>> -> memref<2x1x1x8x128xf32, #tpu.memory_space<hbm>>
      %dma_start3A_1329 = tpu.memref_squeeze %dma_start3A_1328 : memref<2x1x1x8x128xf32, #tpu.memory_space<hbm>> -> memref<2x8x128xf32, #tpu.memory_space<hbm>>
      %dma_start3A_1330 = arith.constant 0 : i32
      %dma_start3A_1331 = arith.constant 8 : i32
      %dma_start3A_1332 = arith.constant 0 : i32
      %dma_start3A_1333 = tpu.memref_slice %arg22[%dma_start3A_1330, %dma_start3A_1331, %dma_start3A_1332] : memref<2x16x129xf32, #tpu.memory_space<vmem>> -> memref<2x8x128xf32, #tpu.memory_space<vmem>>
      tpu.enqueue_dma source(%dma_start3A_1333 : memref<2x8x128xf32, #tpu.memory_space<vmem>>) target(%dma_start3A_1329 : memref<2x8x128xf32, #tpu.memory_space<hbm>>) target_semaphore(%arg28 : memref<!tpu.dma_semaphore, #tpu.memory_space<semaphore_mem>>)
      %dma_start3A_1334 = arith.constant 0 : i32
      %dma_start3A_1335 = arith.constant 0 : i32
      %dma_start3A_1336 = arith.constant 0 : i32
      %dma_start3A_1337 = arith.constant 0 : i32
      %dma_start3A_1338 = tpu.memref_slice %arg23[%dma_start3A_1335, %dma_start3A_1336, %dma_start3A_1337] : memref<2x16x129xf32, #tpu.memory_space<vmem>> -> memref<2x8x128xf32, #tpu.memory_space<vmem>>
      %dma_start3A_1339 = arith.constant 0 : i32
      %dma_start3A_1340 = arith.constant 0 : i32
      %dma_start3A_1341 = tpu.memref_slice %arg8[%mul3A_1265, %dma_start3A_1334, %add3A, %dma_start3A_1339, %dma_start3A_1340] : memref<200x2x32x8x128xf32, #tpu.memory_space<hbm>> -> memref<2x1x1x8x128xf32, #tpu.memory_space<hbm>>
      %dma_start3A_1342 = tpu.memref_squeeze %dma_start3A_1341 : memref<2x1x1x8x128xf32, #tpu.memory_space<hbm>> -> memref<2x8x128xf32, #tpu.memory_space<hbm>>
      %dma_start3A_1343 = arith.constant 0 : i32
      %dma_start3A_1344 = arith.constant 0 : i32
      %dma_start3A_1345 = tpu.memref_slice %arg8[%mul3A_1265, %dma_start3A_1334, %add3A, %dma_start3A_1343, %dma_start3A_1344] : memref<200x2x32x8x128xf32, #tpu.memory_space<hbm>> -> memref<2x1x1x8x128xf32, #tpu.memory_space<hbm>>
      %dma_start3A_1346 = tpu.memref_squeeze %dma_start3A_1345 : memref<2x1x1x8x128xf32, #tpu.memory_space<hbm>> -> memref<2x8x128xf32, #tpu.memory_space<hbm>>
      %dma_start3A_1347 = arith.constant 0 : i32
      %dma_start3A_1348 = arith.constant 0 : i32
      %dma_start3A_1349 = arith.constant 0 : i32
      %dma_start3A_1350 = tpu.memref_slice %arg23[%dma_start3A_1347, %dma_start3A_1348, %dma_start3A_1349] : memref<2x16x129xf32, #tpu.memory_space<vmem>> -> memref<2x8x128xf32, #tpu.memory_space<vmem>>
      tpu.enqueue_dma source(%dma_start3A_1350 : memref<2x8x128xf32, #tpu.memory_space<vmem>>) target(%dma_start3A_1346 : memref<2x8x128xf32, #tpu.memory_space<hbm>>) target_semaphore(%arg28 : memref<!tpu.dma_semaphore, #tpu.memory_space<semaphore_mem>>)
      %dma_start3A_1351 = arith.constant 1 : i32
      %dma_start3A_1352 = arith.constant 0 : i32
      %dma_start3A_1353 = arith.constant 8 : i32
      %dma_start3A_1354 = arith.constant 0 : i32
      %dma_start3A_1355 = tpu.memref_slice %arg23[%dma_start3A_1352, %dma_start3A_1353, %dma_start3A_1354] : memref<2x16x129xf32, #tpu.memory_space<vmem>> -> memref<2x8x128xf32, #tpu.memory_space<vmem>>
      %dma_start3A_1356 = arith.constant 0 : i32
      %dma_start3A_1357 = arith.constant 0 : i32
      %dma_start3A_1358 = tpu.memref_slice %arg8[%mul3A_1265, %dma_start3A_1351, %add3A, %dma_start3A_1356, %dma_start3A_1357] : memref<200x2x32x8x128xf32, #tpu.memory_space<hbm>> -> memref<2x1x1x8x128xf32, #tpu.memory_space<hbm>>
      %dma_start3A_1359 = tpu.memref_squeeze %dma_start3A_1358 : memref<2x1x1x8x128xf32, #tpu.memory_space<hbm>> -> memref<2x8x128xf32, #tpu.memory_space<hbm>>
      %dma_start3A_1360 = arith.constant 0 : i32
      %dma_start3A_1361 = arith.constant 0 : i32
      %dma_start3A_1362 = tpu.memref_slice %arg8[%mul3A_1265, %dma_start3A_1351, %add3A, %dma_start3A_1360, %dma_start3A_1361] : memref<200x2x32x8x128xf32, #tpu.memory_space<hbm>> -> memref<2x1x1x8x128xf32, #tpu.memory_space<hbm>>
      %dma_start3A_1363 = tpu.memref_squeeze %dma_start3A_1362 : memref<2x1x1x8x128xf32, #tpu.memory_space<hbm>> -> memref<2x8x128xf32, #tpu.memory_space<hbm>>
      %dma_start3A_1364 = arith.constant 0 : i32
      %dma_start3A_1365 = arith.constant 8 : i32
      %dma_start3A_1366 = arith.constant 0 : i32
      %dma_start3A_1367 = tpu.memref_slice %arg23[%dma_start3A_1364, %dma_start3A_1365, %dma_start3A_1366] : memref<2x16x129xf32, #tpu.memory_space<vmem>> -> memref<2x8x128xf32, #tpu.memory_space<vmem>>
      tpu.enqueue_dma source(%dma_start3A_1367 : memref<2x8x128xf32, #tpu.memory_space<vmem>>) target(%dma_start3A_1363 : memref<2x8x128xf32, #tpu.memory_space<hbm>>) target_semaphore(%arg28 : memref<!tpu.dma_semaphore, #tpu.memory_space<semaphore_mem>>)
    }
    %scan3A_755 = arith.constant 50 : i32
    %dma_wait3A_756 = arith.constant 0 : i32
    %dma_wait3A_757 = arith.constant 0 : i32
    %dma_wait3A_758 = arith.constant 0 : i32
    %dma_wait3A_759 = arith.constant 0 : i32
    %dma_wait3A_760 = tpu.memref_slice %arg21[%dma_wait3A_757, %dma_wait3A_758, %dma_wait3A_759] : memref<2x16x129xf32, #tpu.memory_space<vmem>> -> memref<2x8x128xf32, #tpu.memory_space<vmem>>
    %dma_wait3A_761 = arith.constant 198 : i32
    %dma_wait3A_762 = arith.constant 0 : i32
    %dma_wait3A_763 = arith.constant 0 : i32
    %dma_wait3A_764 = tpu.memref_slice %arg6[%dma_wait3A_761, %dma_wait3A_756, %add3A, %dma_wait3A_762, %dma_wait3A_763] : memref<200x2x32x8x128xf32, #tpu.memory_space<hbm>> -> memref<2x1x1x8x128xf32, #tpu.memory_space<hbm>>
    %dma_wait3A_765 = tpu.memref_squeeze %dma_wait3A_764 : memref<2x1x1x8x128xf32, #tpu.memory_space<hbm>> -> memref<2x8x128xf32, #tpu.memory_space<hbm>>
    %dma_wait3A_766 = arith.constant 198 : i32
    %dma_wait3A_767 = arith.constant 0 : i32
    %dma_wait3A_768 = arith.constant 0 : i32
    %dma_wait3A_769 = tpu.memref_slice %arg6[%dma_wait3A_766, %dma_wait3A_756, %add3A, %dma_wait3A_767, %dma_wait3A_768] : memref<200x2x32x8x128xf32, #tpu.memory_space<hbm>> -> memref<2x1x1x8x128xf32, #tpu.memory_space<hbm>>
    %dma_wait3A_770 = tpu.memref_squeeze %dma_wait3A_769 : memref<2x1x1x8x128xf32, #tpu.memory_space<hbm>> -> memref<2x8x128xf32, #tpu.memory_space<hbm>>
    %dma_wait3A_771 = arith.constant 0 : i32
    %dma_wait3A_772 = arith.constant 0 : i32
    %dma_wait3A_773 = arith.constant 0 : i32
    %dma_wait3A_774 = tpu.memref_slice %arg21[%dma_wait3A_771, %dma_wait3A_772, %dma_wait3A_773] : memref<2x16x129xf32, #tpu.memory_space<vmem>> -> memref<2x8x128xf32, #tpu.memory_space<vmem>>
    tpu.wait_dma2 semaphore(%arg28 : memref<!tpu.dma_semaphore, #tpu.memory_space<semaphore_mem>>) src(%dma_wait3A_774 : memref<2x8x128xf32, #tpu.memory_space<vmem>>) dst(%dma_wait3A_770 : memref<2x8x128xf32, #tpu.memory_space<hbm>>)
    %dma_wait3A_775 = arith.constant 1 : i32
    %dma_wait3A_776 = arith.constant 0 : i32
    %dma_wait3A_777 = arith.constant 8 : i32
    %dma_wait3A_778 = arith.constant 0 : i32
    %dma_wait3A_779 = tpu.memref_slice %arg21[%dma_wait3A_776, %dma_wait3A_777, %dma_wait3A_778] : memref<2x16x129xf32, #tpu.memory_space<vmem>> -> memref<2x8x128xf32, #tpu.memory_space<vmem>>
    %dma_wait3A_780 = arith.constant 198 : i32
    %dma_wait3A_781 = arith.constant 0 : i32
    %dma_wait3A_782 = arith.constant 0 : i32
    %dma_wait3A_783 = tpu.memref_slice %arg6[%dma_wait3A_780, %dma_wait3A_775, %add3A, %dma_wait3A_781, %dma_wait3A_782] : memref<200x2x32x8x128xf32, #tpu.memory_space<hbm>> -> memref<2x1x1x8x128xf32, #tpu.memory_space<hbm>>
    %dma_wait3A_784 = tpu.memref_squeeze %dma_wait3A_783 : memref<2x1x1x8x128xf32, #tpu.memory_space<hbm>> -> memref<2x8x128xf32, #tpu.memory_space<hbm>>
    %dma_wait3A_785 = arith.constant 198 : i32
    %dma_wait3A_786 = arith.constant 0 : i32
    %dma_wait3A_787 = arith.constant 0 : i32
    %dma_wait3A_788 = tpu.memref_slice %arg6[%dma_wait3A_785, %dma_wait3A_775, %add3A, %dma_wait3A_786, %dma_wait3A_787] : memref<200x2x32x8x128xf32, #tpu.memory_space<hbm>> -> memref<2x1x1x8x128xf32, #tpu.memory_space<hbm>>
    %dma_wait3A_789 = tpu.memref_squeeze %dma_wait3A_788 : memref<2x1x1x8x128xf32, #tpu.memory_space<hbm>> -> memref<2x8x128xf32, #tpu.memory_space<hbm>>
    %dma_wait3A_790 = arith.constant 0 : i32
    %dma_wait3A_791 = arith.constant 8 : i32
    %dma_wait3A_792 = arith.constant 0 : i32
    %dma_wait3A_793 = tpu.memref_slice %arg21[%dma_wait3A_790, %dma_wait3A_791, %dma_wait3A_792] : memref<2x16x129xf32, #tpu.memory_space<vmem>> -> memref<2x8x128xf32, #tpu.memory_space<vmem>>
    tpu.wait_dma2 semaphore(%arg28 : memref<!tpu.dma_semaphore, #tpu.memory_space<semaphore_mem>>) src(%dma_wait3A_793 : memref<2x8x128xf32, #tpu.memory_space<vmem>>) dst(%dma_wait3A_789 : memref<2x8x128xf32, #tpu.memory_space<hbm>>)
    %dma_wait3A_794 = arith.constant 0 : i32
    %dma_wait3A_795 = arith.constant 0 : i32
    %dma_wait3A_796 = arith.constant 0 : i32
    %dma_wait3A_797 = arith.constant 0 : i32
    %dma_wait3A_798 = tpu.memref_slice %arg22[%dma_wait3A_795, %dma_wait3A_796, %dma_wait3A_797] : memref<2x16x129xf32, #tpu.memory_space<vmem>> -> memref<2x8x128xf32, #tpu.memory_space<vmem>>
    %dma_wait3A_799 = arith.constant 198 : i32
    %dma_wait3A_800 = arith.constant 0 : i32
    %dma_wait3A_801 = arith.constant 0 : i32
    %dma_wait3A_802 = tpu.memref_slice %arg7[%dma_wait3A_799, %dma_wait3A_794, %add3A, %dma_wait3A_800, %dma_wait3A_801] : memref<200x2x32x8x128xf32, #tpu.memory_space<hbm>> -> memref<2x1x1x8x128xf32, #tpu.memory_space<hbm>>
    %dma_wait3A_803 = tpu.memref_squeeze %dma_wait3A_802 : memref<2x1x1x8x128xf32, #tpu.memory_space<hbm>> -> memref<2x8x128xf32, #tpu.memory_space<hbm>>
    %dma_wait3A_804 = arith.constant 198 : i32
    %dma_wait3A_805 = arith.constant 0 : i32
    %dma_wait3A_806 = arith.constant 0 : i32
    %dma_wait3A_807 = tpu.memref_slice %arg7[%dma_wait3A_804, %dma_wait3A_794, %add3A, %dma_wait3A_805, %dma_wait3A_806] : memref<200x2x32x8x128xf32, #tpu.memory_space<hbm>> -> memref<2x1x1x8x128xf32, #tpu.memory_space<hbm>>
    %dma_wait3A_808 = tpu.memref_squeeze %dma_wait3A_807 : memref<2x1x1x8x128xf32, #tpu.memory_space<hbm>> -> memref<2x8x128xf32, #tpu.memory_space<hbm>>
    %dma_wait3A_809 = arith.constant 0 : i32
    %dma_wait3A_810 = arith.constant 0 : i32
    %dma_wait3A_811 = arith.constant 0 : i32
    %dma_wait3A_812 = tpu.memref_slice %arg22[%dma_wait3A_809, %dma_wait3A_810, %dma_wait3A_811] : memref<2x16x129xf32, #tpu.memory_space<vmem>> -> memref<2x8x128xf32, #tpu.memory_space<vmem>>
    tpu.wait_dma2 semaphore(%arg28 : memref<!tpu.dma_semaphore, #tpu.memory_space<semaphore_mem>>) src(%dma_wait3A_812 : memref<2x8x128xf32, #tpu.memory_space<vmem>>) dst(%dma_wait3A_808 : memref<2x8x128xf32, #tpu.memory_space<hbm>>)
    %dma_wait3A_813 = arith.constant 1 : i32
    %dma_wait3A_814 = arith.constant 0 : i32
    %dma_wait3A_815 = arith.constant 8 : i32
    %dma_wait3A_816 = arith.constant 0 : i32
    %dma_wait3A_817 = tpu.memref_slice %arg22[%dma_wait3A_814, %dma_wait3A_815, %dma_wait3A_816] : memref<2x16x129xf32, #tpu.memory_space<vmem>> -> memref<2x8x128xf32, #tpu.memory_space<vmem>>
    %dma_wait3A_818 = arith.constant 198 : i32
    %dma_wait3A_819 = arith.constant 0 : i32
    %dma_wait3A_820 = arith.constant 0 : i32
    %dma_wait3A_821 = tpu.memref_slice %arg7[%dma_wait3A_818, %dma_wait3A_813, %add3A, %dma_wait3A_819, %dma_wait3A_820] : memref<200x2x32x8x128xf32, #tpu.memory_space<hbm>> -> memref<2x1x1x8x128xf32, #tpu.memory_space<hbm>>
    %dma_wait3A_822 = tpu.memref_squeeze %dma_wait3A_821 : memref<2x1x1x8x128xf32, #tpu.memory_space<hbm>> -> memref<2x8x128xf32, #tpu.memory_space<hbm>>
    %dma_wait3A_823 = arith.constant 198 : i32
    %dma_wait3A_824 = arith.constant 0 : i32
    %dma_wait3A_825 = arith.constant 0 : i32
    %dma_wait3A_826 = tpu.memref_slice %arg7[%dma_wait3A_823, %dma_wait3A_813, %add3A, %dma_wait3A_824, %dma_wait3A_825] : memref<200x2x32x8x128xf32, #tpu.memory_space<hbm>> -> memref<2x1x1x8x128xf32, #tpu.memory_space<hbm>>
    %dma_wait3A_827 = tpu.memref_squeeze %dma_wait3A_826 : memref<2x1x1x8x128xf32, #tpu.memory_space<hbm>> -> memref<2x8x128xf32, #tpu.memory_space<hbm>>
    %dma_wait3A_828 = arith.constant 0 : i32
    %dma_wait3A_829 = arith.constant 8 : i32
    %dma_wait3A_830 = arith.constant 0 : i32
    %dma_wait3A_831 = tpu.memref_slice %arg22[%dma_wait3A_828, %dma_wait3A_829, %dma_wait3A_830] : memref<2x16x129xf32, #tpu.memory_space<vmem>> -> memref<2x8x128xf32, #tpu.memory_space<vmem>>
    tpu.wait_dma2 semaphore(%arg28 : memref<!tpu.dma_semaphore, #tpu.memory_space<semaphore_mem>>) src(%dma_wait3A_831 : memref<2x8x128xf32, #tpu.memory_space<vmem>>) dst(%dma_wait3A_827 : memref<2x8x128xf32, #tpu.memory_space<hbm>>)
    %dma_wait3A_832 = arith.constant 0 : i32
    %dma_wait3A_833 = arith.constant 0 : i32
    %dma_wait3A_834 = arith.constant 0 : i32
    %dma_wait3A_835 = arith.constant 0 : i32
    %dma_wait3A_836 = tpu.memref_slice %arg23[%dma_wait3A_833, %dma_wait3A_834, %dma_wait3A_835] : memref<2x16x129xf32, #tpu.memory_space<vmem>> -> memref<2x8x128xf32, #tpu.memory_space<vmem>>
    %dma_wait3A_837 = arith.constant 198 : i32
    %dma_wait3A_838 = arith.constant 0 : i32
    %dma_wait3A_839 = arith.constant 0 : i32
    %dma_wait3A_840 = tpu.memref_slice %arg8[%dma_wait3A_837, %dma_wait3A_832, %add3A, %dma_wait3A_838, %dma_wait3A_839] : memref<200x2x32x8x128xf32, #tpu.memory_space<hbm>> -> memref<2x1x1x8x128xf32, #tpu.memory_space<hbm>>
    %dma_wait3A_841 = tpu.memref_squeeze %dma_wait3A_840 : memref<2x1x1x8x128xf32, #tpu.memory_space<hbm>> -> memref<2x8x128xf32, #tpu.memory_space<hbm>>
    %dma_wait3A_842 = arith.constant 198 : i32
    %dma_wait3A_843 = arith.constant 0 : i32
    %dma_wait3A_844 = arith.constant 0 : i32
    %dma_wait3A_845 = tpu.memref_slice %arg8[%dma_wait3A_842, %dma_wait3A_832, %add3A, %dma_wait3A_843, %dma_wait3A_844] : memref<200x2x32x8x128xf32, #tpu.memory_space<hbm>> -> memref<2x1x1x8x128xf32, #tpu.memory_space<hbm>>
    %dma_wait3A_846 = tpu.memref_squeeze %dma_wait3A_845 : memref<2x1x1x8x128xf32, #tpu.memory_space<hbm>> -> memref<2x8x128xf32, #tpu.memory_space<hbm>>
    %dma_wait3A_847 = arith.constant 0 : i32
    %dma_wait3A_848 = arith.constant 0 : i32
    %dma_wait3A_849 = arith.constant 0 : i32
    %dma_wait3A_850 = tpu.memref_slice %arg23[%dma_wait3A_847, %dma_wait3A_848, %dma_wait3A_849] : memref<2x16x129xf32, #tpu.memory_space<vmem>> -> memref<2x8x128xf32, #tpu.memory_space<vmem>>
    tpu.wait_dma2 semaphore(%arg28 : memref<!tpu.dma_semaphore, #tpu.memory_space<semaphore_mem>>) src(%dma_wait3A_850 : memref<2x8x128xf32, #tpu.memory_space<vmem>>) dst(%dma_wait3A_846 : memref<2x8x128xf32, #tpu.memory_space<hbm>>)
    %dma_wait3A_851 = arith.constant 1 : i32
    %dma_wait3A_852 = arith.constant 0 : i32
    %dma_wait3A_853 = arith.constant 8 : i32
    %dma_wait3A_854 = arith.constant 0 : i32
    %dma_wait3A_855 = tpu.memref_slice %arg23[%dma_wait3A_852, %dma_wait3A_853, %dma_wait3A_854] : memref<2x16x129xf32, #tpu.memory_space<vmem>> -> memref<2x8x128xf32, #tpu.memory_space<vmem>>
    %dma_wait3A_856 = arith.constant 198 : i32
    %dma_wait3A_857 = arith.constant 0 : i32
    %dma_wait3A_858 = arith.constant 0 : i32
    %dma_wait3A_859 = tpu.memref_slice %arg8[%dma_wait3A_856, %dma_wait3A_851, %add3A, %dma_wait3A_857, %dma_wait3A_858] : memref<200x2x32x8x128xf32, #tpu.memory_space<hbm>> -> memref<2x1x1x8x128xf32, #tpu.memory_space<hbm>>
    %dma_wait3A_860 = tpu.memref_squeeze %dma_wait3A_859 : memref<2x1x1x8x128xf32, #tpu.memory_space<hbm>> -> memref<2x8x128xf32, #tpu.memory_space<hbm>>
    %dma_wait3A_861 = arith.constant 198 : i32
    %dma_wait3A_862 = arith.constant 0 : i32
    %dma_wait3A_863 = arith.constant 0 : i32
    %dma_wait3A_864 = tpu.memref_slice %arg8[%dma_wait3A_861, %dma_wait3A_851, %add3A, %dma_wait3A_862, %dma_wait3A_863] : memref<200x2x32x8x128xf32, #tpu.memory_space<hbm>> -> memref<2x1x1x8x128xf32, #tpu.memory_space<hbm>>
    %dma_wait3A_865 = tpu.memref_squeeze %dma_wait3A_864 : memref<2x1x1x8x128xf32, #tpu.memory_space<hbm>> -> memref<2x8x128xf32, #tpu.memory_space<hbm>>
    %dma_wait3A_866 = arith.constant 0 : i32
    %dma_wait3A_867 = arith.constant 8 : i32
    %dma_wait3A_868 = arith.constant 0 : i32
    %dma_wait3A_869 = tpu.memref_slice %arg23[%dma_wait3A_866, %dma_wait3A_867, %dma_wait3A_868] : memref<2x16x129xf32, #tpu.memory_space<vmem>> -> memref<2x8x128xf32, #tpu.memory_space<vmem>>
    tpu.wait_dma2 semaphore(%arg28 : memref<!tpu.dma_semaphore, #tpu.memory_space<semaphore_mem>>) src(%dma_wait3A_869 : memref<2x8x128xf32, #tpu.memory_space<vmem>>) dst(%dma_wait3A_865 : memref<2x8x128xf32, #tpu.memory_space<hbm>>)
    return
  }
}

</mosaic_0001>

<sc_bundles>
// kernel: kernel.3.cloned.1.call-start
scs
__scs_entry_jumppad:
0x0: {  	(pc) =	sbr.rel $0x88, $3  }
0x1: {  	(tag) =	ssettag $0x0;
	lr =	simm.s32 $0x1  }
0x2: {  	[smem:$0x3F9D] =	sst lr;
	_ =	strace $0xD0000000  }
0x3: {  	_ = 	snop  }
0x4: {  	_ = 	snop  }
0x5: {  	_ = 	snop  }
0x6: {  	_ = 	snop  }
0x7: {  	_ = 	snop  }
__scs_overlays_trampoline_lowered:
0x8: {  	[smem:$0x3FAC] =	sst s0  }
0x9: {  	[smem:$0x3FAD] =	sst s1  }
0xa: {  	[smem:$0x3FAE] =	sst s2  }
0xb: {  	[smem:$0x3FAF] =	sst s3  }
0xc: {  	[smem:$0x3FB0] =	sst s4  }
0xd: {  	[smem:$0x3FB1] =	sst s5  }
0xe: {  	[smem:$0x3FB2] =	sst s6  }
0xf: {  	[smem:$0x3FB3] =	sst s7  }
0x10: {  	[smem:$0x3FB4] =	sst s8  }
0x11: {  	[smem:$0x3FB5] =	sst s9;
	s0 =	simm.s32 @!p0 $0x0  }
0x12: {  	s1 =	sld [smem:$0x3F9B];
	s0 =	simm.s32 @p0 $0x1  }
0x13: {  	[smem:$0x3FB6] =	sst s0;
	s0 =	simm.s32 @!p1 $0x0  }
0x14: {  	s2 =	sld [smem:$0x3F9A];
	s0 =	simm.s32 @p1 $0x1  }
0x15: {  	[smem:$0x3FB7] =	sst s0;
	s0 =	simm.s32 @!p2 $0x0  }
0x16: {  	s3 =	sld [smem:$0x3FDB];
	s0 =	simm.s32 @p2 $0x1  }
0x17: {  	s4 =	simm.s32 $0x1BF5;
	[smem:$0x3FB9] =	sst s0  }
0x18: {  	s0 =	sld [smem:$0x3F9C];
	_ =	swait.ge [sflag:s4], $0x0  }
0x19: {  	s7 =	sld [smem:$0x3F9D]  }
0x1a: {  	s8 =	sadd.s32 $0xFFFFE003, lr  }
0x1b: {  	s9 =	sadd.s32 $0xFFFFFEF7, lr;
	s5 =	simm.s32 $0xFFFFFFFF;
	p2 =	slt.u32 s8, $0xFFFFF086  }
0x1c: {  	p1 =	slt.u32 s9, $0xF7A;
	s5 =	simm.s32 @!p2 $0x0  }
0x1d: {  	s5 =	simm.s32 @p1 $0x1;
	p0 =	seq.s32 s7, s2  }
0x1e: {  	s7 =	smul.u32 @!p0 $0xF7A, s2;
	p2 =	seq.s32 @!p0 s5, $0x0  }
0x1f: {  	s9 =	smul.u32 $0xF7A, s1;
	s8 =	simm.s32 @!p0 $0x1BF5;
	p2 =	por !p2, p0  }
0x20: {  	[sflag:s8] =	ssyncset.s32 @!p0 $0xFFFFF086;
	s6 =	sadd.s32 @!p0 s3, s7;
	s7 =	simm.s32 @!p0 $0x108  }
0x21: {  	s3 =	sadd.s32 s3, s9;
	s6 =	sadd.s32 @!p0 $0x88, s6;
	s7 =	simm.s32 @p2 $0x1082  }
0x22: {  	[simem:s7], [sflag:s8] =	dma.local @!p0 [hbm:s6], $0xF7A  }
0x23: {  	s9 =	sor.u32 $0xD0000000, s2;
	s6 =	simm.s32 $0x108;
	_ =	swait.ge @!p0 [sflag:s8], $0x0  }
0x24: {  	s3 =	sadd.s32 $0x88, s3;
	s6 =	simm.s32 @!p1 $0x1082;
	[sflag:s4] =	ssyncset.s32 $0xFFFFF086  }
0x25: {  	[simem:s6], [sflag:s4] =	dma.local [hbm:s3], $0xF7A  }
0x26: {  	[smem:$0x3F9D] =	sst s1;
	(tag) =	ssettag s2;
	_ =	strace s9  }
0x27: {  	s1 =	sld [smem:$0x3FAD]  }
0x28: {  	s2 =	sld [smem:$0x3FAE]  }
0x29: {  	s4 =	sld [smem:$0x3FB0]  }
0x2a: {  	p0 =	seq.s32 s5, $0x0;
	s5 =	sld [smem:$0x3FB1]  }
0x2b: {  	s6 =	sld [smem:$0x3FB2]  }
0x2c: {  	s7 =	sld [smem:$0x3FB3]  }
0x2d: {  	s3 =	simm.s32 $0x108;
	s8 =	sld [smem:$0x3FB4]  }
0x2e: {  	s3 =	simm.s32 @!p0 $0x1082;
	s9 =	sld [smem:$0x3FB5]  }
0x2f: {  	lr =	sadd.s32 s0, s3;
	s0 =	sld [smem:$0x3FAC]  }
0x30: {  	s3 =	sld [smem:$0x3FAF]  }
0x31: {  	[smem:$0x3FB8] =	sst s10  }
0x32: {  	s10 =	sld [smem:$0x3FB6];
	_ =	sdelay $0x3  }
0x33: {  	p0 =	seq.s32 s10, $0x1;
	s10 =	sld [smem:$0x3FB8];
	_ =	sdelay $0x3  }
0x34: {  	[smem:$0x3FB8] =	sst s10  }
0x35: {  	s10 =	sld [smem:$0x3FB7];
	_ =	sdelay $0x3  }
0x36: {  	p1 =	seq.s32 s10, $0x1;
	s10 =	sld [smem:$0x3FB8];
	_ =	sdelay $0x3  }
0x37: {  	[smem:$0x3FB8] =	sst s10  }
0x38: {  	s10 =	sld [smem:$0x3FB9]  }
0x39: {  	_ = 	snop;
	(pc) =	sbr.ind lr, $3  }
0x3a: {  	_ = 	snop  }
0x3b: {  	_ = 	snop  }
0x3c: {  	p2 =	seq.s32 s10, $0x1;
	s10 =	sld [smem:$0x3FB8]  }
0x3d: {  	_ =	shalt  }
0x3e: {  	_ =	shalt  }
0x3f: {  	_ =	shalt  }
0x40: {  	_ =	shalt  }
0x41: {  	_ =	shalt  }
0x42: {  	_ =	shalt  }
0x43: {  	_ =	shalt  }
0x44: {  	_ =	shalt  }
0x45: {  	_ =	shalt  }
0x46: {  	_ =	shalt  }
0x47: {  	_ =	shalt  }
0x48: {  	_ =	shalt  }
0x49: {  	_ =	shalt  }
0x4a: {  	_ =	shalt  }
0x4b: {  	_ =	shalt  }
0x4c: {  	_ =	shalt  }
0x4d: {  	_ =	shalt  }
0x4e: {  	_ =	shalt  }
0x4f: {  	_ =	shalt  }
0x50: {  	_ =	shalt  }
0x51: {  	_ =	shalt  }
0x52: {  	_ =	shalt  }
0x53: {  	_ =	shalt  }
0x54: {  	_ =	shalt  }
0x55: {  	_ =	shalt  }
0x56: {  	_ =	shalt  }
0x57: {  	_ =	shalt  }
0x58: {  	_ =	shalt  }
0x59: {  	_ =	shalt  }
0x5a: {  	_ =	shalt  }
0x5b: {  	_ =	shalt  }
0x5c: {  	_ =	shalt  }
0x5d: {  	_ =	shalt  }
0x5e: {  	_ =	shalt  }
0x5f: {  	_ =	shalt  }
0x60: {  	_ =	shalt  }
0x61: {  	_ =	shalt  }
0x62: {  	_ =	shalt  }
0x63: {  	_ =	shalt  }
0x64: {  	_ =	shalt  }
0x65: {  	_ =	shalt  }
0x66: {  	_ =	shalt  }
0x67: {  	_ =	shalt  }
0x68: {  	_ =	shalt  }
0x69: {  	_ =	shalt  }
0x6a: {  	_ =	shalt  }
0x6b: {  	_ =	shalt  }
0x6c: {  	_ =	shalt  }
0x6d: {  	_ =	shalt  }
0x6e: {  	_ =	shalt  }
0x6f: {  	_ =	shalt  }
0x70: {  	_ =	shalt  }
0x71: {  	_ =	shalt  }
0x72: {  	_ =	shalt  }
0x73: {  	_ =	shalt  }
0x74: {  	_ =	shalt  }
0x75: {  	_ =	shalt  }
0x76: {  	_ =	shalt  }
0x77: {  	_ =	shalt  }
0x78: {  	_ =	shalt  }
0x79: {  	_ =	shalt  }
0x7a: {  	_ =	shalt  }
0x7b: {  	_ =	shalt  }
0x7c: {  	_ =	shalt  }
0x7d: {  	_ =	shalt  }
0x7e: {  	_ =	shalt  }
0x7f: {  	_ =	shalt  }
0x80: {  	_ =	shalt  }
0x81: {  	_ =	shalt  }
0x82: {  	_ =	shalt  }
0x83: {  	_ =	shalt  }
0x84: {  	_ =	shalt  }
0x85: {  	_ =	shalt  }
0x86: {  	_ =	shalt  }
0x87: {  	_ =	shalt  }
.Lfunc_end0:
.L_simem_size_0:
called_computation_lowered:
.L_overlay_start_0:
0x88: {  	s2 =	sld [smem:$0x3FD9]  }
0x89: {  	s3 =	sld [smem:$0x3FFE];
	_ =	sdelay $0x1  }
0x8a: {  	s1 =	srdreg.scid  }
0x8b: {  	s0 =	sand.u32 $0x1, s1  }
0x8c: {  	s14 =	sshll.u32 s0, $0xA;
	s2 =	sadd.s32 s3, s2  }
0x8d: {  	s2 =	sadd.s32 s2, s14  }
0x8e: {  	[smem:$0x3FC4] =	sst s2  }
0x8f: {  	_ = 	snop  }
0x90: {  	s2 =	sld [smem:$0x3FD0];
	_ =	sdelay $0x1  }
0x91: {  	s15 =	sld [smem:$0x3FC9]  }
0x92: {  	s5 =	simm.s32 $0xA;
	s6 =	simm.s32 $0x10;
	s4 =	sld [smem:$0x3FC8]  }
0x93: {  	[smem:s6], [sflag:s5] =	dma.local [hbm:s2], $0x1  }
0x94: {  	_ =	swait.eq [sflag:s5], $0x1  }
0x95: {  	s16 =	sld [smem:$0x10];
	[sflag:s5] =	ssyncset.done $0x0  }
0x96: {  	s17 =	sld [smem:$0x11];
	[sflag:s5] =	ssyncadd.s32 $0xFFFFFFFF  }
0x97: {  	s18 =	sld [smem:$0x12];
	(tm) =	ssettm $0x1  }
0x98: {  	s7 =	sld [smem:$0x3FFB];
	_ =	sdelay $0x3  }
0x99: {  	_ =	strace s7  }
0x9a: {  	s7 =	sld [smem:$0x3FFC];
	_ =	sdelay $0x3  }
0x9b: {  	_ =	strace s7  }
0x9c: {  	s7 =	sld [smem:$0x3FFD];
	_ =	sdelay $0x3  }
0x9d: {  	_ =	strace s7  }
0x9e: {  	_ =	strace $0x8FFFFFFF  }
0x9f: {  	s19 =	sld [smem:$0x3FDB];
	_ =	sdelay $0x1  }
0xa0: {  	s8 =	simm.s32 $_scs_section_size  }
0xa1: {  	s9 =	simm.s32 $_size__tile_overlayer_lowered;
	s10 =	simm.s32 $_tile_overlayer_lowered  }
0xa2: {  	s22 =	simm.s32 $0x1BFF;
	s21 =	sshll.u32 s10, $0x1;
	s7 =	sadd.s32 s8, s19  }
0xa3: {  	s11 =	simm.s32 $0x0;
	s20 =	sshll.u32 s9, $0x1;
	s9 =	sadd.s32 s21, s7  }
0xa4: {  	[timem:s11], [sflag:s22] =	dma.local [hbm:s9], s20  }
0xa5: {  	_ =	swait.ge [sflag:s22], s20  }
0xa6: {  	s8 =	ssub.s32 $0x0, s20;
	[sflag:s22] =	ssyncset.done $0x0  }
0xa7: {  	[sflag:s22] =	ssyncadd.s32 s8;
	_ =	sdelay $0x1  }
0xa8: {  	s23 =	simm.s32 $0x1B8B  }
0xa9: {  	_ =	swait.ge [sflag:s23], $0x1  }
0xaa: {  	[sflag:s23] =	ssyncset.done $0x0  }
0xab: {  	s25 =	simm.s32 $0x1B8E;
	s24 =	sld [smem:$0x3FFE];
	[sflag:s23] =	ssyncadd.s32 $0xFFFFFFFF  }
0xac: {  	s26 =	simm.s32 $execute0_lowered;
	[smem:$0x3FD2] =	sst s25  }
0xad: {  	s9 =	sshll.u32 s26, $0x1;
	_ =	strace $0x80000046;
	[dreg:$0x1] =	wrdreg $0xFFFFFFFF  }
0xae: {  	s28 =	simm.s32 $_size_execute0_lowered;
	s7 =	sadd.s32 s7, s9;
	[dreg:$0x0] =	wrdreg $0x0  }
0xaf: {  	s9 =	sshll.u32 s28, $0x1;
	[dreg:$0x2] =	wrdreg s7  }
0xb0: {  	[dreg:$0x3] =	wrdreg s9  }
0xb1: {  	[dreg:$0x4] =	wrdreg $0xC0  }
0xb2: {  	_ =	task [dreg:s11], $0x5FFFF  }
0xb3: {  	[dreg:$0x1] =	wrdreg $0xFFFFFFFF  }
0xb4: {  	[dreg:$0x0] =	wrdreg $0x60  }
0xb5: {  	[dreg:$0x2] =	wrdreg s15  }
0xb6: {  	[dreg:$0x3] =	wrdreg s4  }
0xb7: {  	[dreg:$0x4] =	wrdreg s24  }
0xb8: {  	[dreg:$0x5] =	wrdreg s16  }
0xb9: {  	[dreg:$0x6] =	wrdreg s17  }
0xba: {  	[dreg:$0x7] =	wrdreg s18  }
0xbb: {  	[dreg:$0x8] =	wrdreg $0x9  }
0xbc: {  	_ =	task.clear_ibuf [dreg:s11], $0x9FFFF;
	_ =	strace $0x90000046  }
0xbd: {  	s29 =	simm.s32 $0x9;
	_ =	strace $0x80000048  }
0xbe: {  	_ =	swait.ge [sflag:s29], $0x1  }
0xbf: {  	[sflag:s29] =	ssyncadd.s32 $0xFFFFFFFF  }
0xc0: {  	_ =	strace $0x90000048  }
0xc1: {  	_ =	sfence  }
0xc2: {  	s30 =	sld [smem:$0x0];
	_ =	sdelay $0x2  }
0xc3: {  	s31 =	sshll.u32 s1, $0xD;
	s1 =	sshrl.u32 s1, $0x2  }
0xc4: {  	s3 =	sand.u32 $0x4000, s31;
	s1 =	sadd.s32 s1, s30  }
0xc5: {  	s0 =	sor.u32 s3, s0;
	s1 =	sshll.u32 s1, $0x11  }
0xc6: {  	s0 =	sor.u32 s1, s0  }
0xc7: {  	s0 =	sadd.s32 $0x8F2B, s0  }
0xc8: {  	[sflag:s0] =	ssyncadd.remote.s32 $0x1  }
0xc9: {  	_ =	sfence.sel $0xFFFF  }
0xca: {  	[dreg:$0x0] =	wrdreg $0xFFFFFFFF;
	(pc) =	sbr.abs _section_cstart, $3  }
0xcb: {  	[dreg:$0x1] =	wrdreg $0xFFFFFFFF  }
0xcc: {  	_ =	task.clear_ibuf [dreg:s11], $0x2FFFF;
	_ =	strace $0x9FFFFFFF  }
0xcd: {  	(tm) =	ssettm $0x7FFFFFFF  }
tec
execute0_lowered:
.L_overlay_start_1:
0x0: {  	(tag) =	ssettag $0x1  }
0x1: {  	s0 =	rddreg [dreg:$0x0]  }
0x2: {  	s9 =	rddreg [dreg:$0x1]  }
0x3: {  	s1 =	rddreg [dreg:$0x2]  }
0x4: {  	s2 =	rddreg [dreg:$0x3]  }
0x5: {  	s3 =	rddreg [dreg:$0x4]  }
0x6: {  	s4 =	rddreg [dreg:$0x5]  }
0x7: {  	s6 =	simm.s32 $0x0;
	s5 =	srdreg.scid;
	s7 =	stileid.u32  }
0x8: {  	[smem:$0x7FF] =	sst s6;
	s5 =	sand.u32 $0x1, s5;
	s10 =	sadd.s32 $0xF42C00, s1  }
0x9: {  	s7 =	sshll.u32 s7, $0xB;
	s1 =	sadd.s32 $0x112B200, s1;
	s8 =	sshll.u32 s5, $0xA  }
0xa: {  	_ =	strace $0x80000047;
	s5 =	ssub.s32 $0x2, s5;
	s8 =	sor.u32 s8, s7  }
0xb: {  	[dreg:$0x7] =	wrdreg s10;
	s14 =	sshrl.u32 s5, $0x1;
	s7 =	sshrl.u32 s8, $0x3  }
0xc: {  	[dreg:$0x8] =	wrdreg s1;
	s1 =	ssub.s32 s5, s14;
	s11 =	sadd.s32 s9, s7  }
0xd: {  	s13 =	smax.u32 s1, $0x1;
	[dreg:$0x16] =	wrdreg s11  }
0xe: {  	s10 =	sadd.s32 s0, s7;
	s15 =	sor.u32 $0x1000, s7;
	[dreg:$0x18] =	wrdreg s13  }
0xf: {  	s0 =	sadd.s32 s0, s15;
	[dreg:$0x9] =	wrdreg s10  }
0x10: {  	s16 =	sadd.s32 $0x2000, s10;
	[dreg:$0xa] =	wrdreg s0  }
0x11: {  	s17 =	sadd.s32 $0x3000, s10;
	[dreg:$0xb] =	wrdreg s16  }
0x12: {  	s18 =	sadd.s32 $0x4000, s10;
	[dreg:$0xc] =	wrdreg s17  }
0x13: {  	s19 =	sadd.s32 $0x5000, s10;
	[dreg:$0xd] =	wrdreg s18  }
0x14: {  	s20 =	sadd.s32 $0x6000, s10;
	[dreg:$0xe] =	wrdreg s19  }
0x15: {  	s21 =	sadd.s32 $0x7000, s10;
	[dreg:$0xf] =	wrdreg s20  }
0x16: {  	s22 =	sadd.s32 $0x8000, s10;
	[dreg:$0x10] =	wrdreg s21  }
0x17: {  	s23 =	sadd.s32 $0x9000, s10;
	[dreg:$0x11] =	wrdreg s22  }
0x18: {  	s24 =	sadd.s32 $0xA000, s10;
	[dreg:$0x12] =	wrdreg s23  }
0x19: {  	s25 =	sadd.s32 $0xB000, s10;
	[dreg:$0x13] =	wrdreg s24  }
0x1a: {  	s26 =	sadd.s32 $0xC000, s10;
	[dreg:$0x14] =	wrdreg s25  }
0x1b: {  	s12 =	sadd.s32 s9, s15;
	[dreg:$0x15] =	wrdreg s26  }
0x1c: {  	s14 =	sadd.s32 $0xD000, s10;
	[dreg:$0x17] =	wrdreg s12  }
0x1d: {  	s15 =	sadd.s32 $0xE000, s10;
	[dreg:$0x19] =	wrdreg s14  }
0x1e: {  	[dreg:$0x1a] =	wrdreg s15;
	s16 =	sadd.s32 $0xF000, s10  }
0x1f: {  	s28 =	simm.s32 $0x4;
	s17 =	sadd.s32 $0x10000, s10;
	[dreg:$0x1b] =	wrdreg s16  }
0x20: {  	s29 =	simm.s32 $0x5;
	s18 =	sadd.s32 $0x11000, s10;
	[dreg:$0x1c] =	wrdreg s17  }
0x21: {  	s30 =	simm.s32 $0x6;
	s19 =	sadd.s32 $0x12000, s10;
	[dreg:$0x1d] =	wrdreg s18  }
0x22: {  	s31 =	simm.s32 $0xD900;
	s20 =	sadd.s32 $0x13000, s10;
	[dreg:$0x1e] =	wrdreg s19  }
0x23: {  	s5 =	simm.s32 $0xFB00;
	s21 =	sadd.s32 $0x14000, s10;
	[dreg:$0x1f] =	wrdreg s20  }
0x24: {  	s13 =	simm.s32 $0xA800;
	s22 =	sadd.s32 $0x15000, s10;
	[smem:$0x7F8] =	sst s21  }
0x25: {  	s23 =	sadd.s32 $0x16000, s10;
	s24 =	sadd.s32 $0x17000, s10;
	[smem:$0x7F9] =	sst s22  }
0x26: {  	s25 =	sadd.s32 $0x18000, s10;
	s26 =	sadd.s32 $0x1000, s9;
	[smem:$0x7FA] =	sst s23  }
0x27: {  	s14 =	simm.s32 $0xB800;
	s15 =	simm.s32 $0xC800;
	[smem:$0x7FB] =	sst s24  }
0x28: {  	s10 =	simm.s32 $0x3;
	s0 =	simm.s32 $0xEA00;
	[smem:$0x7FC] =	sst s25  }
0x29: {  	s9 =	simm.s32 $0x0;
	[smem:$0x7FD] =	sst s26;
	s18 =	simm.s32 $0x6400  }
0x2a: {  	v0 =	vlaneseq.u32;
	s23 =	simm.s32 $0x10C00;
	s24 =	simm.s32 $0x11C00;
	s16 =	simm.s32 $0x2  }
0x2b: {  	v1 =	vmul.u32 $0x88, v0;
	s19 =	simm.s32 $0x7500;
	s20 =	simm.s32 $0x8600;
	s21 =	simm.s32 $0x9700  }
.LBB2_1:
0x2c: {  	[smem:$0x7F7] =	sst s9  }
0x2d: {  	s1 =	rddreg [dreg:$0x9]  }
0x2e: {  	s22 =	rddreg [dreg:$0xa]  }
0x2f: {  	[tilespmem:s6], [sflag:$0x1] =	stream.linear.gather [hbm4b:s1+s6], $0x400, $0x38;
	[tilespmem:$0x12C00] =	vst v63  }
0x30: {  	s7 =	simm.s32 $0x400;
	s25 =	rddreg [dreg:$0xb]  }
0x31: {  	[tilespmem:s7], [sflag:$0x1] =	stream.linear.gather [hbm4b:s22+s6], $0x400, $0x38;
	[tilespmem:$0x12C00] =	vst v63  }
0x32: {  	s26 =	simm.s32 $0x800;
	s11 =	rddreg [dreg:$0xd]  }
0x33: {  	[tilespmem:s26], [sflag:$0x1] =	stream.linear.gather [hbm4b:s25+s6], $0x400, $0x38;
	[tilespmem:$0x12C00] =	vst v63  }
0x34: {  	s9 =	simm.s32 $0xC00;
	s7 =	rddreg [dreg:$0xc]  }
0x35: {  	[tilespmem:s9], [sflag:$0x1] =	stream.linear.gather [hbm4b:s7+s6], $0x400, $0x38;
	[tilespmem:$0x12C00] =	vst v63  }
0x36: {  	s12 =	simm.s32 $0x1000;
	s17 =	rddreg [dreg:$0xe]  }
0x37: {  	[tilespmem:s12], [sflag:$0x1] =	stream.linear.gather [hbm4b:s11+s6], $0x400, $0x38;
	[tilespmem:$0x12C00] =	vst v63  }
0x38: {  	s22 =	simm.s32 $0x1400;
	s25 =	rddreg [dreg:$0xf]  }
0x39: {  	[tilespmem:s22], [sflag:$0x1] =	stream.linear.gather [hbm4b:s17+s6], $0x400, $0x38;
	[tilespmem:$0x12C00] =	vst v63  }
0x3a: {  	s26 =	simm.s32 $0x1800;
	s7 =	rddreg [dreg:$0x10]  }
0x3b: {  	[tilespmem:s26], [sflag:$0x1] =	stream.linear.gather [hbm4b:s25+s6], $0x400, $0x38;
	[tilespmem:$0x12C00] =	vst v63  }
0x3c: {  	s9 =	simm.s32 $0x1C00;
	s11 =	rddreg [dreg:$0x11]  }
0x3d: {  	[tilespmem:s9], [sflag:$0x1] =	stream.linear.gather [hbm4b:s7+s6], $0x400, $0x38;
	[tilespmem:$0x12C00] =	vst v63  }
0x3e: {  	s12 =	simm.s32 $0x2000;
	s17 =	rddreg [dreg:$0x12]  }
0x3f: {  	[tilespmem:s12], [sflag:$0x1] =	stream.linear.gather [hbm4b:s11+s6], $0x400, $0x38;
	[tilespmem:$0x12C00] =	vst v63  }
0x40: {  	s22 =	simm.s32 $0x2400;
	s25 =	rddreg [dreg:$0x13]  }
0x41: {  	[tilespmem:s22], [sflag:$0x1] =	stream.linear.gather [hbm4b:s17+s6], $0x400, $0x38;
	[tilespmem:$0x12C00] =	vst v63  }
0x42: {  	s26 =	simm.s32 $0x2800;
	s7 =	rddreg [dreg:$0x14]  }
0x43: {  	[tilespmem:s26], [sflag:$0x1] =	stream.linear.gather [hbm4b:s25+s6], $0x400, $0x38;
	[tilespmem:$0x12C00] =	vst v63  }
0x44: {  	s9 =	simm.s32 $0x2C00;
	s11 =	rddreg [dreg:$0x15]  }
0x45: {  	[tilespmem:s9], [sflag:$0x1] =	stream.linear.gather [hbm4b:s7+s6], $0x400, $0x38;
	[tilespmem:$0x12C00] =	vst v63  }
0x46: {  	s12 =	simm.s32 $0x3000;
	s17 =	rddreg [dreg:$0x19]  }
0x47: {  	[tilespmem:s12], [sflag:$0x1] =	stream.linear.gather [hbm4b:s11+s6], $0x400, $0x38;
	[tilespmem:$0x12C00] =	vst v63  }
0x48: {  	s22 =	simm.s32 $0x3400;
	s25 =	rddreg [dreg:$0x1a]  }
0x49: {  	[tilespmem:s22], [sflag:$0x1] =	stream.linear.gather [hbm4b:s17+s6], $0x400, $0x38;
	[tilespmem:$0x12C00] =	vst v63  }
0x4a: {  	s26 =	simm.s32 $0x3800;
	s7 =	rddreg [dreg:$0x1b]  }
0x4b: {  	[tilespmem:s26], [sflag:$0x1] =	stream.linear.gather [hbm4b:s25+s6], $0x400, $0x38;
	[tilespmem:$0x12C00] =	vst v63  }
0x4c: {  	s9 =	simm.s32 $0x3C00;
	s11 =	rddreg [dreg:$0x1c]  }
0x4d: {  	[tilespmem:s9], [sflag:$0x1] =	stream.linear.gather [hbm4b:s7+s6], $0x400, $0x38;
	[tilespmem:$0x12C00] =	vst v63  }
0x4e: {  	s12 =	simm.s32 $0x4000;
	s17 =	rddreg [dreg:$0x1d]  }
0x4f: {  	[tilespmem:s12], [sflag:$0x1] =	stream.linear.gather [hbm4b:s11+s6], $0x400, $0x38;
	[tilespmem:$0x12C00] =	vst v63  }
0x50: {  	s22 =	simm.s32 $0x4400;
	s25 =	rddreg [dreg:$0x1e]  }
0x51: {  	[tilespmem:s22], [sflag:$0x1] =	stream.linear.gather [hbm4b:s17+s6], $0x400, $0x38;
	[tilespmem:$0x12C00] =	vst v63  }
0x52: {  	s26 =	simm.s32 $0x4800;
	s7 =	rddreg [dreg:$0x1f]  }
0x53: {  	[tilespmem:s26], [sflag:$0x1] =	stream.linear.gather [hbm4b:s25+s6], $0x400, $0x38;
	[tilespmem:$0x12C00] =	vst v63  }
0x54: {  	s9 =	simm.s32 $0x4C00;
	s11 =	sld [smem:$0x7F8]  }
0x55: {  	[tilespmem:s9], [sflag:$0x1] =	stream.linear.gather [hbm4b:s7+s6], $0x400, $0x38;
	[tilespmem:$0x12C00] =	vst v63  }
0x56: {  	s12 =	simm.s32 $0x5000;
	s17 =	sld [smem:$0x7F9]  }
0x57: {  	[tilespmem:s12], [sflag:$0x1] =	stream.linear.gather [hbm4b:s11+s6], $0x400, $0x38;
	[tilespmem:$0x12C00] =	vst v63  }
0x58: {  	s22 =	simm.s32 $0x5400;
	s25 =	sld [smem:$0x7FA]  }
0x59: {  	[tilespmem:s22], [sflag:$0x1] =	stream.linear.gather [hbm4b:s17+s6], $0x400, $0x38;
	[tilespmem:$0x12C00] =	vst v63  }
0x5a: {  	s26 =	simm.s32 $0x5800;
	s9 =	sld [smem:$0x7FB]  }
0x5b: {  	[tilespmem:s26], [sflag:$0x1] =	stream.linear.gather [hbm4b:s25+s6], $0x400, $0x38;
	[tilespmem:$0x12C00] =	vst v63  }
0x5c: {  	s11 =	simm.s32 $0x5C00;
	s12 =	sld [smem:$0x7FC]  }
0x5d: {  	[tilespmem:s11], [sflag:$0x1] =	stream.linear.gather [hbm4b:s9+s6], $0x400, $0x38;
	[tilespmem:$0x12C00] =	vst v63  }
0x5e: {  	s17 =	simm.s32 $0x6000;
	s22 =	simm.s32 $0x1  }
0x5f: {  	[tilespmem:s17], [sflag:$0x1] =	stream.linear.gather [hbm4b:s12+s6], $0x400, $0x38;
	[tilespmem:$0x12C00] =	vst v63  }
0x60: {  	_ =	swait.ge [sflag:s22], $0x400  }
0x61: {  	[sflag:s22] =	ssyncset.done $0x0  }
0x62: {  	[sflag:s22] =	ssyncadd.s32 $0xFFFFFC00  }
0x63: {  	_ =	swait.ge [sflag:s22], $0x400  }
0x64: {  	[sflag:s22] =	ssyncset.done $0x0  }
0x65: {  	[sflag:s22] =	ssyncadd.s32 $0xFFFFFC00  }
0x66: {  	_ =	swait.ge [sflag:s22], $0x400  }
0x67: {  	[sflag:s22] =	ssyncset.done $0x0  }
0x68: {  	[sflag:s22] =	ssyncadd.s32 $0xFFFFFC00  }
0x69: {  	_ =	swait.ge [sflag:s22], $0x400  }
0x6a: {  	[sflag:s22] =	ssyncset.done $0x0  }
0x6b: {  	[sflag:s22] =	ssyncadd.s32 $0xFFFFFC00  }
0x6c: {  	_ =	swait.ge [sflag:s22], $0x400  }
0x6d: {  	[sflag:s22] =	ssyncset.done $0x0  }
0x6e: {  	[sflag:s22] =	ssyncadd.s32 $0xFFFFFC00  }
0x6f: {  	_ =	swait.ge [sflag:s22], $0x400  }
0x70: {  	[sflag:s22] =	ssyncset.done $0x0  }
0x71: {  	[sflag:s22] =	ssyncadd.s32 $0xFFFFFC00  }
0x72: {  	_ =	swait.ge [sflag:s22], $0x400  }
0x73: {  	[sflag:s22] =	ssyncset.done $0x0  }
0x74: {  	[sflag:s22] =	ssyncadd.s32 $0xFFFFFC00  }
0x75: {  	_ =	swait.ge [sflag:s22], $0x400  }
0x76: {  	[sflag:s22] =	ssyncset.done $0x0  }
0x77: {  	[sflag:s22] =	ssyncadd.s32 $0xFFFFFC00  }
0x78: {  	_ =	swait.ge [sflag:s22], $0x400  }
0x79: {  	[sflag:s22] =	ssyncset.done $0x0  }
0x7a: {  	[sflag:s22] =	ssyncadd.s32 $0xFFFFFC00  }
0x7b: {  	_ =	swait.ge [sflag:s22], $0x400  }
0x7c: {  	[sflag:s22] =	ssyncset.done $0x0  }
0x7d: {  	[sflag:s22] =	ssyncadd.s32 $0xFFFFFC00  }
0x7e: {  	_ =	swait.ge [sflag:s22], $0x400  }
0x7f: {  	[sflag:s22] =	ssyncset.done $0x0  }
0x80: {  	[sflag:s22] =	ssyncadd.s32 $0xFFFFFC00  }
0x81: {  	_ =	swait.ge [sflag:s22], $0x400  }
0x82: {  	[sflag:s22] =	ssyncset.done $0x0  }
0x83: {  	[sflag:s22] =	ssyncadd.s32 $0xFFFFFC00  }
0x84: {  	_ =	swait.ge [sflag:s22], $0x400  }
0x85: {  	[sflag:s22] =	ssyncset.done $0x0  }
0x86: {  	[sflag:s22] =	ssyncadd.s32 $0xFFFFFC00  }
0x87: {  	_ =	swait.ge [sflag:s22], $0x400  }
0x88: {  	[sflag:s22] =	ssyncset.done $0x0  }
0x89: {  	[sflag:s22] =	ssyncadd.s32 $0xFFFFFC00  }
0x8a: {  	_ =	swait.ge [sflag:s22], $0x400  }
0x8b: {  	[sflag:s22] =	ssyncset.done $0x0  }
0x8c: {  	[sflag:s22] =	ssyncadd.s32 $0xFFFFFC00  }
0x8d: {  	_ =	swait.ge [sflag:s22], $0x400  }
0x8e: {  	[sflag:s22] =	ssyncset.done $0x0  }
0x8f: {  	[sflag:s22] =	ssyncadd.s32 $0xFFFFFC00  }
0x90: {  	_ =	swait.ge [sflag:s22], $0x400  }
0x91: {  	[sflag:s22] =	ssyncset.done $0x0  }
0x92: {  	[sflag:s22] =	ssyncadd.s32 $0xFFFFFC00  }
0x93: {  	_ =	swait.ge [sflag:s22], $0x400  }
0x94: {  	[sflag:s22] =	ssyncset.done $0x0  }
0x95: {  	[sflag:s22] =	ssyncadd.s32 $0xFFFFFC00  }
0x96: {  	_ =	swait.ge [sflag:s22], $0x400  }
0x97: {  	[sflag:s22] =	ssyncset.done $0x0  }
0x98: {  	[sflag:s22] =	ssyncadd.s32 $0xFFFFFC00  }
0x99: {  	_ =	swait.ge [sflag:s22], $0x400  }
0x9a: {  	[sflag:s22] =	ssyncset.done $0x0  }
0x9b: {  	[sflag:s22] =	ssyncadd.s32 $0xFFFFFC00  }
0x9c: {  	_ =	swait.ge [sflag:s22], $0x400  }
0x9d: {  	[sflag:s22] =	ssyncset.done $0x0  }
0x9e: {  	[sflag:s22] =	ssyncadd.s32 $0xFFFFFC00  }
0x9f: {  	_ =	swait.ge [sflag:s22], $0x400  }
0xa0: {  	[sflag:s22] =	ssyncset.done $0x0  }
0xa1: {  	[sflag:s22] =	ssyncadd.s32 $0xFFFFFC00  }
0xa2: {  	_ =	swait.ge [sflag:s22], $0x400  }
0xa3: {  	[sflag:s22] =	ssyncset.done $0x0  }
0xa4: {  	[sflag:s22] =	ssyncadd.s32 $0xFFFFFC00  }
0xa5: {  	_ =	swait.ge [sflag:s22], $0x400  }
0xa6: {  	[sflag:s22] =	ssyncset.done $0x0  }
0xa7: {  	[sflag:s22] =	ssyncadd.s32 $0xFFFFFC00  }
0xa8: {  	_ =	swait.ge [sflag:s22], $0x400  }
0xa9: {  	[sflag:s22] =	ssyncset.done $0x0  }
0xaa: {  	s7 =	rddreg [dreg:$0x16];
	[sflag:s22] =	ssyncadd.s32 $0xFFFFFC00  }
0xab: {  	[tilespmem:s18], [sflag:$0x2] =	stream.linear.gather [hbm4b:s7+s6], $0x80, $0x38;
	[tilespmem:$0x12C00] =	vst v63  }
0xac: {  	s26 =	simm.s32 $0x6488;
	s25 =	sadd.s32 $0x10, s7  }
0xad: {  	[tilespmem:s26], [sflag:$0x2] =	stream.linear.gather [hbm4b:s25+s6], $0x80, $0x38;
	[tilespmem:$0x12C00] =	vst v63  }
0xae: {  	s12 =	simm.s32 $0x6510;
	s11 =	sadd.s32 $0x20, s7  }
0xaf: {  	[tilespmem:s12], [sflag:$0x2] =	stream.linear.gather [hbm4b:s11+s6], $0x80, $0x38;
	[tilespmem:$0x12C00] =	vst v63  }
0xb0: {  	s17 =	sadd.s32 $0x30, s7;
	s22 =	simm.s32 $0x6598  }
0xb1: {  	[tilespmem:s22], [sflag:$0x2] =	stream.linear.gather [hbm4b:s17+s6], $0x80, $0x38;
	[tilespmem:$0x12C00] =	vst v63  }
0xb2: {  	s25 =	sadd.s32 $0x40, s7;
	s26 =	simm.s32 $0x6620  }
0xb3: {  	[tilespmem:s26], [sflag:$0x2] =	stream.linear.gather [hbm4b:s25+s6], $0x80, $0x38;
	[tilespmem:$0x12C00] =	vst v63  }
0xb4: {  	s11 =	sadd.s32 $0x50, s7;
	s12 =	simm.s32 $0x66A8  }
0xb5: {  	[tilespmem:s12], [sflag:$0x2] =	stream.linear.gather [hbm4b:s11+s6], $0x80, $0x38;
	[tilespmem:$0x12C00] =	vst v63  }
0xb6: {  	s17 =	sadd.s32 $0x60, s7;
	s22 =	simm.s32 $0x6730  }
0xb7: {  	[tilespmem:s22], [sflag:$0x2] =	stream.linear.gather [hbm4b:s17+s6], $0x80, $0x38;
	[tilespmem:$0x12C00] =	vst v63  }
0xb8: {  	s25 =	sadd.s32 $0x70, s7;
	s26 =	simm.s32 $0x67B8  }
0xb9: {  	[tilespmem:s26], [sflag:$0x2] =	stream.linear.gather [hbm4b:s25+s6], $0x80, $0x38;
	[tilespmem:$0x12C00] =	vst v63  }
0xba: {  	s11 =	sadd.s32 $0x2000, s7;
	s12 =	simm.s32 $0x6C80  }
0xbb: {  	[tilespmem:s12], [sflag:$0x2] =	stream.linear.gather [hbm4b:s11+s6], $0x80, $0x38;
	[tilespmem:$0x12C00] =	vst v63  }
0xbc: {  	s17 =	sadd.s32 $0x2010, s7;
	s22 =	simm.s32 $0x6D08  }
0xbd: {  	[tilespmem:s22], [sflag:$0x2] =	stream.linear.gather [hbm4b:s17+s6], $0x80, $0x38;
	[tilespmem:$0x12C00] =	vst v63  }
0xbe: {  	s25 =	sadd.s32 $0x2020, s7;
	s26 =	simm.s32 $0x6D90  }
0xbf: {  	[tilespmem:s26], [sflag:$0x2] =	stream.linear.gather [hbm4b:s25+s6], $0x80, $0x38;
	[tilespmem:$0x12C00] =	vst v63  }
0xc0: {  	s11 =	sadd.s32 $0x2030, s7;
	s12 =	simm.s32 $0x6E18  }
0xc1: {  	[tilespmem:s12], [sflag:$0x2] =	stream.linear.gather [hbm4b:s11+s6], $0x80, $0x38;
	[tilespmem:$0x12C00] =	vst v63  }
0xc2: {  	s17 =	sadd.s32 $0x2040, s7;
	s22 =	simm.s32 $0x6EA0  }
0xc3: {  	[tilespmem:s22], [sflag:$0x2] =	stream.linear.gather [hbm4b:s17+s6], $0x80, $0x38;
	[tilespmem:$0x12C00] =	vst v63  }
0xc4: {  	s25 =	sadd.s32 $0x2050, s7;
	s26 =	simm.s32 $0x6F28  }
0xc5: {  	[tilespmem:s26], [sflag:$0x2] =	stream.linear.gather [hbm4b:s25+s6], $0x80, $0x38;
	[tilespmem:$0x12C00] =	vst v63  }
0xc6: {  	s9 =	sadd.s32 $0x2060, s7;
	s11 =	simm.s32 $0x6FB0  }
0xc7: {  	[tilespmem:s11], [sflag:$0x2] =	stream.linear.gather [hbm4b:s9+s6], $0x80, $0x38;
	[tilespmem:$0x12C00] =	vst v63  }
0xc8: {  	s12 =	sadd.s32 $0x2070, s7;
	s17 =	simm.s32 $0x7038  }
0xc9: {  	[tilespmem:s17], [sflag:$0x2] =	stream.linear.gather [hbm4b:s12+s6], $0x80, $0x38;
	[tilespmem:$0x12C00] =	vst v63  }
0xca: {  	s7 =	rddreg [dreg:$0x17];
	s22 =	simm.s32 $0x6840  }
0xcb: {  	[tilespmem:s22], [sflag:$0x2] =	stream.linear.gather [hbm4b:s7+s6], $0x80, $0x38;
	[tilespmem:$0x12C00] =	vst v63  }
0xcc: {  	s25 =	sadd.s32 $0x10, s7;
	s26 =	simm.s32 $0x68C8  }
0xcd: {  	[tilespmem:s26], [sflag:$0x2] =	stream.linear.gather [hbm4b:s25+s6], $0x80, $0x38;
	[tilespmem:$0x12C00] =	vst v63  }
0xce: {  	s11 =	sadd.s32 $0x20, s7;
	s12 =	simm.s32 $0x6950  }
0xcf: {  	[tilespmem:s12], [sflag:$0x2] =	stream.linear.gather [hbm4b:s11+s6], $0x80, $0x38;
	[tilespmem:$0x12C00] =	vst v63  }
0xd0: {  	s17 =	sadd.s32 $0x30, s7;
	s22 =	simm.s32 $0x69D8  }
0xd1: {  	[tilespmem:s22], [sflag:$0x2] =	stream.linear.gather [hbm4b:s17+s6], $0x80, $0x38;
	[tilespmem:$0x12C00] =	vst v63  }
0xd2: {  	s25 =	sadd.s32 $0x40, s7;
	s26 =	simm.s32 $0x6A60  }
0xd3: {  	[tilespmem:s26], [sflag:$0x2] =	stream.linear.gather [hbm4b:s25+s6], $0x80, $0x38;
	[tilespmem:$0x12C00] =	vst v63  }
0xd4: {  	s11 =	sadd.s32 $0x50, s7;
	s12 =	simm.s32 $0x6AE8  }
0xd5: {  	[tilespmem:s12], [sflag:$0x2] =	stream.linear.gather [hbm4b:s11+s6], $0x80, $0x38;
	[tilespmem:$0x12C00] =	vst v63  }
0xd6: {  	s17 =	sadd.s32 $0x60, s7;
	s22 =	simm.s32 $0x6B70  }
0xd7: {  	[tilespmem:s22], [sflag:$0x2] =	stream.linear.gather [hbm4b:s17+s6], $0x80, $0x38;
	[tilespmem:$0x12C00] =	vst v63  }
0xd8: {  	s25 =	sadd.s32 $0x70, s7;
	s26 =	simm.s32 $0x6BF8  }
0xd9: {  	[tilespmem:s26], [sflag:$0x2] =	stream.linear.gather [hbm4b:s25+s6], $0x80, $0x38;
	[tilespmem:$0x12C00] =	vst v63  }
0xda: {  	s11 =	sadd.s32 $0x2000, s7;
	s12 =	simm.s32 $0x70C0  }
0xdb: {  	[tilespmem:s12], [sflag:$0x2] =	stream.linear.gather [hbm4b:s11+s6], $0x80, $0x38;
	[tilespmem:$0x12C00] =	vst v63  }
0xdc: {  	s17 =	sadd.s32 $0x2010, s7;
	s22 =	simm.s32 $0x7148  }
0xdd: {  	[tilespmem:s22], [sflag:$0x2] =	stream.linear.gather [hbm4b:s17+s6], $0x80, $0x38;
	[tilespmem:$0x12C00] =	vst v63  }
0xde: {  	s25 =	sadd.s32 $0x2020, s7;
	s26 =	simm.s32 $0x71D0  }
0xdf: {  	[tilespmem:s26], [sflag:$0x2] =	stream.linear.gather [hbm4b:s25+s6], $0x80, $0x38;
	[tilespmem:$0x12C00] =	vst v63  }
0xe0: {  	s11 =	sadd.s32 $0x2030, s7;
	s12 =	simm.s32 $0x7258  }
0xe1: {  	[tilespmem:s12], [sflag:$0x2] =	stream.linear.gather [hbm4b:s11+s6], $0x80, $0x38;
	[tilespmem:$0x12C00] =	vst v63  }
0xe2: {  	s17 =	sadd.s32 $0x2040, s7;
	s22 =	simm.s32 $0x72E0  }
0xe3: {  	[tilespmem:s22], [sflag:$0x2] =	stream.linear.gather [hbm4b:s17+s6], $0x80, $0x38;
	[tilespmem:$0x12C00] =	vst v63  }
0xe4: {  	s25 =	sadd.s32 $0x2050, s7;
	s26 =	simm.s32 $0x7368  }
0xe5: {  	[tilespmem:s26], [sflag:$0x2] =	stream.linear.gather [hbm4b:s25+s6], $0x80, $0x38;
	[tilespmem:$0x12C00] =	vst v63  }
0xe6: {  	s9 =	sadd.s32 $0x2060, s7;
	s11 =	simm.s32 $0x73F0  }
0xe7: {  	[tilespmem:s11], [sflag:$0x2] =	stream.linear.gather [hbm4b:s9+s6], $0x80, $0x38;
	[tilespmem:$0x12C00] =	vst v63  }
0xe8: {  	s12 =	sadd.s32 $0x2070, s7;
	s17 =	simm.s32 $0x7478  }
0xe9: {  	[tilespmem:s17], [sflag:$0x2] =	stream.linear.gather [hbm4b:s12+s6], $0x80, $0x38;
	[tilespmem:$0x12C00] =	vst v63  }
0xea: {  	s22 =	rddreg [dreg:$0x7];
	s25 =	simm.s32 $0x100  }
0xeb: {  	[tilespmem:s13], [sflag:$0x3] =	stream.indirect.gather [hbm4b:s22+s25], $0x10, s6, s25, $0xb8;
	[tilespmem:$0x12C00] =	vst v63  }
0xec: {  	s26 =	rddreg [dreg:$0x8];
	s22 =	simm.s32 $0x0  }
0xed: {  	[tilespmem:s14], [sflag:$0x3] =	stream.indirect.gather [hbm4b:s26+s25], $0x10, s6, s25, $0xb8;
	[tilespmem:$0x12C00] =	vst v63  }
.LBB2_2:
0xee: {  	p0 =	seq.s32 s22, $0x0  }
0xef: {  	s1 =	simm.s32 @!p0 $0x7  }
0xf0: {  	_ =	swait.ge @!p0 [sflag:s1], $0x800  }
0xf1: {  	[sflag:s1] =	ssyncset.done @!p0 $0x0  }
0xf2: {  	[sflag:s1] =	ssyncadd.s32 @!p0 $0xFFFFF800  }
0xf3: {  	_ =	swait.ge @!p0 [sflag:s1], $0x800  }
0xf4: {  	[sflag:s1] =	ssyncset.done @!p0 $0x0  }
0xf5: {  	[sflag:s1] =	ssyncadd.s32 @!p0 $0xFFFFF800  }
0xf6: {  	_ =	swait.ge @!p0 [sflag:s1], $0x800  }
0xf7: {  	[sflag:s1] =	ssyncset.done @!p0 $0x0  }
0xf8: {  	[sflag:s1] =	ssyncadd.s32 @!p0 $0xFFFFF800  }
0xf9: {  	_ =	swait.ge @!p0 [sflag:s1], $0x800  }
0xfa: {  	[sflag:s1] =	ssyncset.done @!p0 $0x0  }
0xfb: {  	[sflag:s1] =	ssyncadd.s32 @!p0 $0xFFFFF800  }
0xfc: {  	_ =	swait.ge @!p0 [sflag:s1], $0x800  }
0xfd: {  	[sflag:s1] =	ssyncset.done @!p0 $0x0  }
0xfe: {  	s11 =	sshll.u32 s22, $0x1;
	[sflag:s1] =	ssyncadd.s32 @!p0 $0xFFFFF800  }
0xff: {  	s7 =	sor.u32 $0x1, s11;
	_ =	swait.ge @!p0 [sflag:s1], $0x800  }
0x100: {  	s17 =	sshll.u32 s7, $0x11;
	[sflag:s1] =	ssyncset.done @!p0 $0x0  }
0x101: {  	s17 =	sor.u32 s8, s17;
	[sflag:s1] =	ssyncadd.s32 @!p0 $0xFFFFF800  }
0x102: {  	s25 =	sshrl.u32 s17, $0x3;
	s9 =	rddreg [dreg:$0x1]  }
0x103: {  	s1 =	simm.s32 $0x0;
	s17 =	sadd.s32 s9, s25  }
0x104: {  	[tilespmem:s15], [sflag:$0x5] =	stream.linear.gather [hbm4b:s17+s1], $0x80, $0x38;
	[tilespmem:$0x12C00] =	vst v63  }
0x105: {  	s12 =	simm.s32 $0xC888;
	s26 =	sadd.s32 $0x10, s17  }
0x106: {  	[tilespmem:s12], [sflag:$0x5] =	stream.linear.gather [hbm4b:s26+s1], $0x80, $0x38;
	[tilespmem:$0x12C00] =	vst v63  }
0x107: {  	s26 =	sadd.s32 $0x20, s17;
	s12 =	simm.s32 $0xC910  }
0x108: {  	[tilespmem:s12], [sflag:$0x5] =	stream.linear.gather [hbm4b:s26+s1], $0x80, $0x38;
	[tilespmem:$0x12C00] =	vst v63  }
0x109: {  	s26 =	sadd.s32 $0x30, s17;
	s12 =	simm.s32 $0xC998  }
0x10a: {  	[tilespmem:s12], [sflag:$0x5] =	stream.linear.gather [hbm4b:s26+s1], $0x80, $0x38;
	[tilespmem:$0x12C00] =	vst v63  }
0x10b: {  	s26 =	sadd.s32 $0x40, s17;
	s12 =	simm.s32 $0xCA20  }
0x10c: {  	[tilespmem:s12], [sflag:$0x5] =	stream.linear.gather [hbm4b:s26+s1], $0x80, $0x38;
	[tilespmem:$0x12C00] =	vst v63  }
0x10d: {  	s26 =	sadd.s32 $0x50, s17;
	s12 =	simm.s32 $0xCAA8  }
0x10e: {  	[tilespmem:s12], [sflag:$0x5] =	stream.linear.gather [hbm4b:s26+s1], $0x80, $0x38;
	[tilespmem:$0x12C00] =	vst v63  }
0x10f: {  	s26 =	sadd.s32 $0x60, s17;
	s12 =	simm.s32 $0xCB30  }
0x110: {  	[tilespmem:s12], [sflag:$0x5] =	stream.linear.gather [hbm4b:s26+s1], $0x80, $0x38;
	[tilespmem:$0x12C00] =	vst v63  }
0x111: {  	s26 =	sadd.s32 $0x70, s17;
	s12 =	simm.s32 $0xCBB8  }
0x112: {  	[tilespmem:s12], [sflag:$0x5] =	stream.linear.gather [hbm4b:s26+s1], $0x80, $0x38;
	[tilespmem:$0x12C00] =	vst v63  }
0x113: {  	s26 =	sadd.s32 $0x2000, s17;
	s12 =	simm.s32 $0xD080  }
0x114: {  	[tilespmem:s12], [sflag:$0x5] =	stream.linear.gather [hbm4b:s26+s1], $0x80, $0x38;
	[tilespmem:$0x12C00] =	vst v63  }
0x115: {  	s26 =	sadd.s32 $0x2010, s17;
	s12 =	simm.s32 $0xD108  }
0x116: {  	[tilespmem:s12], [sflag:$0x5] =	stream.linear.gather [hbm4b:s26+s1], $0x80, $0x38;
	[tilespmem:$0x12C00] =	vst v63  }
0x117: {  	s26 =	sadd.s32 $0x2020, s17;
	s12 =	simm.s32 $0xD190  }
0x118: {  	[tilespmem:s12], [sflag:$0x5] =	stream.linear.gather [hbm4b:s26+s1], $0x80, $0x38;
	[tilespmem:$0x12C00] =	vst v63  }
0x119: {  	s26 =	sadd.s32 $0x2030, s17;
	s12 =	simm.s32 $0xD218  }
0x11a: {  	[tilespmem:s12], [sflag:$0x5] =	stream.linear.gather [hbm4b:s26+s1], $0x80, $0x38;
	[tilespmem:$0x12C00] =	vst v63  }
0x11b: {  	s26 =	sadd.s32 $0x2040, s17;
	s12 =	simm.s32 $0xD2A0  }
0x11c: {  	[tilespmem:s12], [sflag:$0x5] =	stream.linear.gather [hbm4b:s26+s1], $0x80, $0x38;
	[tilespmem:$0x12C00] =	vst v63  }
0x11d: {  	s26 =	sadd.s32 $0x2050, s17;
	s12 =	simm.s32 $0xD328  }
0x11e: {  	[tilespmem:s12], [sflag:$0x5] =	stream.linear.gather [hbm4b:s26+s1], $0x80, $0x38;
	[tilespmem:$0x12C00] =	vst v63  }
0x11f: {  	s26 =	sadd.s32 $0x2060, s17;
	s12 =	simm.s32 $0xD3B0  }
0x120: {  	[tilespmem:s12], [sflag:$0x5] =	stream.linear.gather [hbm4b:s26+s1], $0x80, $0x38;
	[tilespmem:$0x12C00] =	vst v63  }
0x121: {  	s17 =	sadd.s32 $0x2070, s17;
	s26 =	simm.s32 $0xD438  }
0x122: {  	[tilespmem:s26], [sflag:$0x5] =	stream.linear.gather [hbm4b:s17+s1], $0x80, $0x38;
	[tilespmem:$0x12C00] =	vst v63  }
0x123: {  	s26 =	sor.u32 $0x1000, s25  }
0x124: {  	s12 =	simm.s32 $0xCC40;
	s17 =	sadd.s32 s9, s26  }
0x125: {  	[tilespmem:s12], [sflag:$0x5] =	stream.linear.gather [hbm4b:s17+s1], $0x80, $0x38;
	[tilespmem:$0x12C00] =	vst v63  }
0x126: {  	s9 =	sadd.s32 $0x10, s17;
	s12 =	simm.s32 $0xCCC8  }
0x127: {  	[tilespmem:s12], [sflag:$0x5] =	stream.linear.gather [hbm4b:s9+s1], $0x80, $0x38;
	[tilespmem:$0x12C00] =	vst v63  }
0x128: {  	s9 =	sadd.s32 $0x20, s17;
	s12 =	simm.s32 $0xCD50  }
0x129: {  	[tilespmem:s12], [sflag:$0x5] =	stream.linear.gather [hbm4b:s9+s1], $0x80, $0x38;
	[tilespmem:$0x12C00] =	vst v63  }
0x12a: {  	s9 =	sadd.s32 $0x30, s17;
	s12 =	simm.s32 $0xCDD8  }
0x12b: {  	[tilespmem:s12], [sflag:$0x5] =	stream.linear.gather [hbm4b:s9+s1], $0x80, $0x38;
	[tilespmem:$0x12C00] =	vst v63  }
0x12c: {  	s9 =	sadd.s32 $0x40, s17;
	s12 =	simm.s32 $0xCE60  }
0x12d: {  	[tilespmem:s12], [sflag:$0x5] =	stream.linear.gather [hbm4b:s9+s1], $0x80, $0x38;
	[tilespmem:$0x12C00] =	vst v63  }
0x12e: {  	s9 =	sadd.s32 $0x50, s17;
	s12 =	simm.s32 $0xCEE8  }
0x12f: {  	[tilespmem:s12], [sflag:$0x5] =	stream.linear.gather [hbm4b:s9+s1], $0x80, $0x38;
	[tilespmem:$0x12C00] =	vst v63  }
0x130: {  	s9 =	sadd.s32 $0x60, s17;
	s12 =	simm.s32 $0xCF70  }
0x131: {  	[tilespmem:s12], [sflag:$0x5] =	stream.linear.gather [hbm4b:s9+s1], $0x80, $0x38;
	[tilespmem:$0x12C00] =	vst v63  }
0x132: {  	s9 =	sadd.s32 $0x70, s17;
	s12 =	simm.s32 $0xCFF8  }
0x133: {  	[tilespmem:s12], [sflag:$0x5] =	stream.linear.gather [hbm4b:s9+s1], $0x80, $0x38;
	[tilespmem:$0x12C00] =	vst v63  }
0x134: {  	s9 =	sadd.s32 $0x2000, s17;
	s12 =	simm.s32 $0xD4C0  }
0x135: {  	[tilespmem:s12], [sflag:$0x5] =	stream.linear.gather [hbm4b:s9+s1], $0x80, $0x38;
	[tilespmem:$0x12C00] =	vst v63  }
0x136: {  	s9 =	sadd.s32 $0x2010, s17;
	s12 =	simm.s32 $0xD548  }
0x137: {  	[tilespmem:s12], [sflag:$0x5] =	stream.linear.gather [hbm4b:s9+s1], $0x80, $0x38;
	[tilespmem:$0x12C00] =	vst v63  }
0x138: {  	s9 =	sadd.s32 $0x2020, s17;
	s12 =	simm.s32 $0xD5D0  }
0x139: {  	[tilespmem:s12], [sflag:$0x5] =	stream.linear.gather [hbm4b:s9+s1], $0x80, $0x38;
	[tilespmem:$0x12C00] =	vst v63  }
0x13a: {  	s9 =	sadd.s32 $0x2030, s17;
	s12 =	simm.s32 $0xD658  }
0x13b: {  	[tilespmem:s12], [sflag:$0x5] =	stream.linear.gather [hbm4b:s9+s1], $0x80, $0x38;
	[tilespmem:$0x12C00] =	vst v63  }
0x13c: {  	s9 =	sadd.s32 $0x2040, s17;
	s12 =	simm.s32 $0xD6E0  }
0x13d: {  	[tilespmem:s12], [sflag:$0x5] =	stream.linear.gather [hbm4b:s9+s1], $0x80, $0x38;
	[tilespmem:$0x12C00] =	vst v63  }
0x13e: {  	s9 =	sadd.s32 $0x2050, s17;
	s12 =	simm.s32 $0xD768  }
0x13f: {  	[tilespmem:s12], [sflag:$0x5] =	stream.linear.gather [hbm4b:s9+s1], $0x80, $0x38;
	[tilespmem:$0x12C00] =	vst v63  }
0x140: {  	s9 =	sadd.s32 $0x2060, s17;
	s12 =	simm.s32 $0xD7F0  }
0x141: {  	[tilespmem:s12], [sflag:$0x5] =	stream.linear.gather [hbm4b:s9+s1], $0x80, $0x38;
	[tilespmem:$0x12C00] =	vst v63  }
0x142: {  	s12 =	sadd.s32 $0x2070, s17;
	s17 =	simm.s32 $0xD878  }
0x143: {  	[tilespmem:s17], [sflag:$0x5] =	stream.linear.gather [hbm4b:s12+s1], $0x80, $0x38;
	[tilespmem:$0x12C00] =	vst v63  }
0x144: {  	s7 =	sshll.u32 s7, $0x8;
	s12 =	sshll.u32 s22, $0x9  }
0x145: {  	s7 =	sand.u32 $0x300, s7;
	s9 =	sand.u32 $0x7C00, s12  }
0x146: {  	s17 =	rddreg [dreg:$0x7];
	s12 =	simm.s32 $0x100;
	s7 =	sor.u32 s7, s9  }
0x147: {  	[tilespmem:s23], [sflag:$0x6] =	stream.indirect.gather [hbm4b:s17+s12], $0x10, s7, s12, $0xb8;
	[tilespmem:$0x12C00] =	vst v63  }
0x148: {  	s17 =	rddreg [dreg:$0x8]  }
0x149: {  	[tilespmem:s24], [sflag:$0x6] =	stream.indirect.gather [hbm4b:s17+s12], $0x10, s7, s12, $0xb8;
	[tilespmem:$0x12C00] =	vst v63  }
0x14a: {  	_ =	swait.ge [sflag:s16], $0x800  }
0x14b: {  	[sflag:s16] =	ssyncset.done $0x0  }
0x14c: {  	[sflag:s16] =	ssyncadd.s32 $0xFFFFF800  }
0x14d: {  	_ =	swait.ge [sflag:s16], $0x800  }
0x14e: {  	[sflag:s16] =	ssyncset.done $0x0  }
0x14f: {  	[sflag:s16] =	ssyncadd.s32 $0xFFFFF800  }
0x150: {  	s12 =	simm.s32 $0x0;
	_ =	swait.ge [sflag:s10], $0x1000  }
0x151: {  	v2 =	vor.u32 s12, v0;
	[sflag:s10] =	ssyncset.done $0x0  }
0x152: {  	[sflag:s10] =	ssyncadd.s32 $0xFFFFF000  }
0x153: {  	_ =	swait.ge [sflag:s10], $0x1000  }
0x154: {  	[sflag:s10] =	ssyncset.done $0x0  }
0x155: {  	[sflag:s10] =	ssyncadd.s32 $0xFFFFF000  }
0x156: {  	v3 =	vld.idx.msk [tilespmem:v2+s14+$0x0], $0xffff;
	_ =	sdelay $0x1  }
0x157: {  	s17 =	simm.s32 $0x0  }
0x158: {  	v4 =	vmov s17  }
0x159: {  	v4 =	vmul.u32 $0x880, v4  }
0x15a: {  	v5 =	vshra.s32 v3, $0x1;
	v6 =	vmul.f32 $5.000000000e-01, v3  }
0x15b: {  	v4 =	vbroadcast v4, $0x0;
	v5 =	vsub.s32 $0x5F3759DF, v5  }
0x15c: {  	v7 =	vmov s1;
	v8 =	vmul.f32 v5, v6  }
0x15d: {  	v9 =	vand.u32 $0x78, v7;
	v4 =	vadd.s32 v1, v4  }
0x15e: {  	v7 =	vand.u32 $0x4, v7;
	v9 =	vadd.s32 v9, v4;
	v8 =	vmul.f32 v5, v8  }
0x15f: {  	v7 =	vor.u32 v7, v9  }
0x160: {  	v8 =	vsub.f32 $1.500000000e+00, v8;
	_ =	sdelay $0x1  }
0x161: {  	v5 =	vmul.f32 v5, v8;
	_ =	sdelay $0x1  }
0x162: {  	v55 =	vld.idx.msk [tilespmem:v7+s18+$0x0], $0xffff;
	v6 =	vmul.f32 v5, v6  }
0x163: {  	v2 =	vld.idx.msk [tilespmem:v2+s13+$0x0], $0xffff  }
0x164: {  	v6 =	vmul.f32 v6, v5;
	_ =	sdelay $0x1  }
0x165: {  	v6 =	vsub.f32 $1.500000000e+00, v6;
	_ =	sdelay $0x1  }
0x166: {  	v8 =	vsub.f32 v55, v2;
	v5 =	vmul.f32 v6, v5  }
0x167: {  	s9 =	simm.s32 $0x10  }
0x168: {  	v6 =	vor.u32 s9, v0;
	v5 =	vmul.f32 v5, v8;
	_ =	sdelay $0x1  }
0x169: {  	[tilespmem:v7+s19+$0x0] =	vst.idx.msk $0xffff, v5  }
0x16a: {  	[tilespmem:v7+s20+$0x0] =	vst.idx.msk $0xffff, v2  }
0x16b: {  	[tilespmem:v7+s21+$0x0] =	vst.idx.msk $0xffff, v3  }
0x16c: {  	v2 =	vld.idx.msk [tilespmem:v6+s14+$0x0], $0xffff;
	_ =	sdelay $0x4  }
0x16d: {  	v3 =	vshra.s32 v2, $0x1;
	v5 =	vmul.f32 $5.000000000e-01, v2  }
0x16e: {  	v3 =	vsub.s32 $0x5F3759DF, v3  }
0x16f: {  	s1 =	simm.s32 $0x1;
	v56 =	vmul.f32 v3, v5  }
0x170: {  	v7 =	vmov s1  }
0x171: {  	v57 =	vand.u32 $0x78, v7;
	v8 =	vmul.f32 v3, v56  }
0x172: {  	v7 =	vand.u32 $0x5, v7;
	v9 =	vadd.s32 v4, v57  }
0x173: {  	v7 =	vor.u32 v7, v9;
	v8 =	vsub.f32 $1.500000000e+00, v8;
	_ =	sdelay $0x1  }
0x174: {  	v3 =	vmul.f32 v3, v8;
	_ =	sdelay $0x1  }
0x175: {  	v6 =	vld.idx.msk [tilespmem:v6+s13+$0x0], $0xffff;
	v5 =	vmul.f32 v3, v5  }
0x176: {  	v58 =	vld.idx.msk [tilespmem:v7+s18+$0x0], $0xffff  }
0x177: {  	v5 =	vmul.f32 v5, v3;
	_ =	sdelay $0x1  }
0x178: {  	v5 =	vsub.f32 $1.500000000e+00, v5;
	_ =	sdelay $0x1  }
0x179: {  	v8 =	vsub.f32 v58, v6;
	v3 =	vmul.f32 v5, v3  }
0x17a: {  	s12 =	simm.s32 $0x20  }
0x17b: {  	v5 =	vor.u32 s12, v0;
	v3 =	vmul.f32 v3, v8;
	_ =	sdelay $0x1  }
0x17c: {  	[tilespmem:v7+s19+$0x0] =	vst.idx.msk $0xffff, v3  }
0x17d: {  	[tilespmem:v7+s20+$0x0] =	vst.idx.msk $0xffff, v6  }
0x17e: {  	[tilespmem:v7+s21+$0x0] =	vst.idx.msk $0xffff, v2  }
0x17f: {  	v2 =	vld.idx.msk [tilespmem:v5+s14+$0x0], $0xffff;
	_ =	sdelay $0x4  }
0x180: {  	v3 =	vshra.s32 v2, $0x1;
	v6 =	vmul.f32 $5.000000000e-01, v2  }
0x181: {  	v3 =	vsub.s32 $0x5F3759DF, v3  }
0x182: {  	s17 =	simm.s32 $0x2;
	v59 =	vmul.f32 v3, v6  }
0x183: {  	v7 =	vmov s17  }
0x184: {  	v60 =	vand.u32 $0x78, v7;
	v8 =	vmul.f32 v3, v59  }
0x185: {  	v7 =	vand.u32 $0x6, v7;
	v9 =	vadd.s32 v4, v60  }
0x186: {  	v7 =	vor.u32 v7, v9;
	v8 =	vsub.f32 $1.500000000e+00, v8;
	_ =	sdelay $0x1  }
0x187: {  	v3 =	vmul.f32 v3, v8;
	_ =	sdelay $0x1  }
0x188: {  	v5 =	vld.idx.msk [tilespmem:v5+s13+$0x0], $0xffff;
	v6 =	vmul.f32 v3, v6  }
0x189: {  	v61 =	vld.idx.msk [tilespmem:v7+s18+$0x0], $0xffff  }
0x18a: {  	v6 =	vmul.f32 v6, v3;
	_ =	sdelay $0x1  }
0x18b: {  	v6 =	vsub.f32 $1.500000000e+00, v6;
	_ =	sdelay $0x1  }
0x18c: {  	v8 =	vsub.f32 v61, v5;
	v3 =	vmul.f32 v6, v3  }
0x18d: {  	s9 =	simm.s32 $0x30  }
0x18e: {  	v6 =	vor.u32 s9, v0;
	v3 =	vmul.f32 v3, v8;
	_ =	sdelay $0x1  }
0x18f: {  	[tilespmem:v7+s19+$0x0] =	vst.idx.msk $0xffff, v3  }
0x190: {  	[tilespmem:v7+s20+$0x0] =	vst.idx.msk $0xffff, v5  }
0x191: {  	[tilespmem:v7+s21+$0x0] =	vst.idx.msk $0xffff, v2  }
0x192: {  	v2 =	vld.idx.msk [tilespmem:v6+s14+$0x0], $0xffff;
	_ =	sdelay $0x4  }
0x193: {  	v3 =	vshra.s32 v2, $0x1;
	v5 =	vmul.f32 $5.000000000e-01, v2  }
0x194: {  	v7 =	vsub.s32 $0x5F3759DF, v3  }
0x195: {  	s12 =	simm.s32 $0x3;
	v3 =	vmul.f32 v7, v5  }
0x196: {  	v62 =	vmov s12  }
0x197: {  	v63 =	vand.u32 $0x78, v62;
	v10 =	vmul.f32 v7, v3  }
0x198: {  	v4 =	vadd.s32 v4, v63;
	v3 =	vand.u32 $0x7, v62  }
0x199: {  	v3 =	vor.u32 v3, v4;
	v4 =	vsub.f32 $1.500000000e+00, v10;
	_ =	sdelay $0x1  }
0x19a: {  	v4 =	vmul.f32 v7, v4;
	_ =	sdelay $0x1  }
0x19b: {  	v6 =	vld.idx.msk [tilespmem:v6+s13+$0x0], $0xffff;
	v5 =	vmul.f32 v4, v5  }
0x19c: {  	v7 =	vld.idx.msk [tilespmem:v3+s18+$0x0], $0xffff  }
0x19d: {  	v5 =	vmul.f32 v5, v4;
	_ =	sdelay $0x1  }
0x19e: {  	v5 =	vsub.f32 $1.500000000e+00, v5;
	_ =	sdelay $0x1  }
0x19f: {  	v7 =	vsub.f32 v7, v6;
	v4 =	vmul.f32 v5, v4;
	_ =	sdelay $0x1  }
0x1a0: {  	v4 =	vmul.f32 v4, v7  }
0x1a1: {  	s17 =	simm.s32 $0x40  }
0x1a2: {  	[tilespmem:v3+s19+$0x0] =	vst.idx.msk $0xffff, v4;
	v4 =	vor.u32 s17, v0;
	_ =	sdelay $0x2  }
0x1a3: {  	s7 =	simm.s32 $0x2;
	s17 =	simm.s32 $0x4;
	[tilespmem:v3+s20+$0x0] =	vst.idx.msk $0xffff, v6  }
.LBB2_3:
0x1a4: {  	p0 =	sne.s32 s7, $0x3F;
	[tilespmem:v3+s21+$0x0] =	vst.idx.msk $0xffff, v2;
	s9 =	smov.u32 s7;
	s7 =	sadd.s32 $0x1, s7  }
0x1a5: {  	v3 =	vld.idx.msk [tilespmem:v4+s14+$0x0], $0xffff;
	_ =	sdelay $0x1  }
0x1a6: {  	s12 =	sshrl.u32 s1, $0x5;
	s1 =	smov.u32 s9  }
0x1a7: {  	v2 =	vmov s12  }
0x1a8: {  	v2 =	vmul.u32 $0x880, v2;
	_ =	sdelay $0x1  }
0x1a9: {  	v2 =	vbroadcast v2, $0x0;
	v5 =	vshra.s32 v3, $0x1;
	v6 =	vmul.f32 $5.000000000e-01, v3  }
0x1aa: {  	v7 =	vmov s17;
	v5 =	vsub.s32 $0x5F3759DF, v5  }
0x1ab: {  	v8 =	vand.u32 $0x78, v7;
	v2 =	vadd.s32 v1, v2;
	v9 =	vmul.f32 v5, v6  }
0x1ac: {  	v7 =	vand.u32 $0x4, v7;
	v8 =	vadd.s32 v8, v2  }
0x1ad: {  	v7 =	vor.u32 v7, v8;
	v8 =	vmul.f32 v5, v9;
	_ =	sdelay $0x1  }
0x1ae: {  	v8 =	vsub.f32 $1.500000000e+00, v8;
	_ =	sdelay $0x1  }
0x1af: {  	v5 =	vmul.f32 v5, v8  }
0x1b0: {  	v8 =	vld.idx.msk [tilespmem:v7+s18+$0x0], $0xffff  }
0x1b1: {  	v6 =	vmul.f32 v5, v6;
	v4 =	vld.idx.msk [tilespmem:v4+s13+$0x0], $0xffff;
	_ =	sdelay $0x1  }
0x1b2: {  	v6 =	vmul.f32 v6, v5;
	_ =	sdelay $0x1  }
0x1b3: {  	v6 =	vsub.f32 $1.500000000e+00, v6;
	_ =	sdelay $0x1  }
0x1b4: {  	s9 =	sadd.s32 $0x1, s17;
	v8 =	vsub.f32 v8, v4;
	v5 =	vmul.f32 v6, v5  }
0x1b5: {  	v6 =	vmov s9;
	s9 =	sshll.u32 s9, $0x4  }
0x1b6: {  	v9 =	vand.u32 $0x78, v6;
	v5 =	vmul.f32 v5, v8;
	v8 =	vor.u32 s9, v0  }
0x1b7: {  	v9 =	vadd.s32 v2, v9  }
0x1b8: {  	[tilespmem:v7+s19+$0x0] =	vst.idx.msk $0xffff, v5  }
0x1b9: {  	[tilespmem:v7+s20+$0x0] =	vst.idx.msk $0xffff, v4  }
0x1ba: {  	[tilespmem:v7+s21+$0x0] =	vst.idx.msk $0xffff, v3  }
0x1bb: {  	v3 =	vld.idx.msk [tilespmem:v8+s14+$0x0], $0xffff;
	_ =	sdelay $0x5  }
0x1bc: {  	v4 =	vshra.s32 v3, $0x1;
	v5 =	vmul.f32 $5.000000000e-01, v3  }
0x1bd: {  	v4 =	vsub.s32 $0x5F3759DF, v4  }
0x1be: {  	v7 =	vmul.f32 v4, v5  }
0x1bf: {  	v6 =	vand.u32 $0x5, v6  }
0x1c0: {  	v6 =	vor.u32 v6, v9;
	v7 =	vmul.f32 v4, v7;
	_ =	sdelay $0x1  }
0x1c1: {  	v7 =	vsub.f32 $1.500000000e+00, v7;
	_ =	sdelay $0x1  }
0x1c2: {  	v4 =	vmul.f32 v4, v7  }
0x1c3: {  	v7 =	vld.idx.msk [tilespmem:v6+s18+$0x0], $0xffff  }
0x1c4: {  	v5 =	vmul.f32 v4, v5;
	v8 =	vld.idx.msk [tilespmem:v8+s13+$0x0], $0xffff;
	_ =	sdelay $0x1  }
0x1c5: {  	v5 =	vmul.f32 v5, v4;
	_ =	sdelay $0x1  }
0x1c6: {  	v5 =	vsub.f32 $1.500000000e+00, v5;
	_ =	sdelay $0x1  }
0x1c7: {  	s9 =	sadd.s32 $0x2, s17;
	v7 =	vsub.f32 v7, v8;
	v4 =	vmul.f32 v5, v4  }
0x1c8: {  	v5 =	vmov s9;
	s9 =	sshll.u32 s9, $0x4  }
0x1c9: {  	v4 =	vmul.f32 v4, v7;
	v7 =	vor.u32 s9, v0;
	_ =	sdelay $0x1  }
0x1ca: {  	[tilespmem:v6+s19+$0x0] =	vst.idx.msk $0xffff, v4  }
0x1cb: {  	[tilespmem:v6+s20+$0x0] =	vst.idx.msk $0xffff, v8  }
0x1cc: {  	[tilespmem:v6+s21+$0x0] =	vst.idx.msk $0xffff, v3  }
0x1cd: {  	v4 =	vld.idx.msk [tilespmem:v7+s14+$0x0], $0xffff;
	_ =	sdelay $0x5  }
0x1ce: {  	v3 =	vshra.s32 v4, $0x1;
	v6 =	vmul.f32 $5.000000000e-01, v4  }
0x1cf: {  	v3 =	vsub.s32 $0x5F3759DF, v3  }
0x1d0: {  	v8 =	vand.u32 $0x78, v5;
	v9 =	vmul.f32 v3, v6  }
0x1d1: {  	v5 =	vand.u32 $0x6, v5;
	v8 =	vadd.s32 v2, v8  }
0x1d2: {  	v5 =	vor.u32 v5, v8;
	v8 =	vmul.f32 v3, v9;
	_ =	sdelay $0x1  }
0x1d3: {  	v8 =	vsub.f32 $1.500000000e+00, v8;
	_ =	sdelay $0x1  }
0x1d4: {  	v3 =	vmul.f32 v3, v8  }
0x1d5: {  	v8 =	vld.idx.msk [tilespmem:v5+s18+$0x0], $0xffff  }
0x1d6: {  	v6 =	vmul.f32 v3, v6;
	v7 =	vld.idx.msk [tilespmem:v7+s13+$0x0], $0xffff;
	_ =	sdelay $0x1  }
0x1d7: {  	v6 =	vmul.f32 v6, v3;
	_ =	sdelay $0x1  }
0x1d8: {  	v6 =	vsub.f32 $1.500000000e+00, v6;
	_ =	sdelay $0x1  }
0x1d9: {  	s9 =	sadd.s32 $0x3, s17;
	v8 =	vsub.f32 v8, v7;
	v3 =	vmul.f32 v6, v3  }
0x1da: {  	v6 =	vmov s9;
	s9 =	sshll.u32 s9, $0x4  }
0x1db: {  	v9 =	vand.u32 $0x78, v6;
	v3 =	vmul.f32 v3, v8;
	v8 =	vor.u32 s9, v0  }
0x1dc: {  	v6 =	vand.u32 $0x7, v6;
	v2 =	vadd.s32 v2, v9  }
0x1dd: {  	[tilespmem:v5+s19+$0x0] =	vst.idx.msk $0xffff, v3;
	v3 =	vor.u32 v6, v2  }
0x1de: {  	[tilespmem:v5+s20+$0x0] =	vst.idx.msk $0xffff, v7  }
0x1df: {  	[tilespmem:v5+s21+$0x0] =	vst.idx.msk $0xffff, v4  }
0x1e0: {  	v2 =	vld.idx.msk [tilespmem:v8+s14+$0x0], $0xffff  }
0x1e1: {  	v5 =	vld.idx.msk [tilespmem:v8+s13+$0x0], $0xffff  }
0x1e2: {  	v4 =	vld.idx.msk [tilespmem:v3+s18+$0x0], $0xffff;
	_ =	sdelay $0x3  }
0x1e3: {  	v6 =	vshra.s32 v2, $0x1;
	v7 =	vmul.f32 $5.000000000e-01, v2  }
0x1e4: {  	v6 =	vsub.s32 $0x5F3759DF, v6  }
0x1e5: {  	v8 =	vmul.f32 v6, v7;
	_ =	sdelay $0x1  }
0x1e6: {  	v8 =	vmul.f32 v6, v8;
	_ =	sdelay $0x1  }
0x1e7: {  	v8 =	vsub.f32 $1.500000000e+00, v8;
	_ =	sdelay $0x1  }
0x1e8: {  	v6 =	vmul.f32 v6, v8;
	_ =	sdelay $0x1  }
0x1e9: {  	v7 =	vmul.f32 v6, v7;
	_ =	sdelay $0x1  }
0x1ea: {  	v7 =	vmul.f32 v7, v6;
	_ =	sdelay $0x1  }
0x1eb: {  	v7 =	vsub.f32 $1.500000000e+00, v7;
	_ =	sdelay $0x1  }
0x1ec: {  	s17 =	sadd.s32 $0x4, s17;
	v8 =	vsub.f32 v4, v5;
	v6 =	vmul.f32 v7, v6  }
.Ltmp0:
0x1ed: {  	s9 =	sshll.u32 s17, $0x4;
	(pc) =	sbr.rel @p0 .LBB2_3-.Ltmp0, $3  }
0x1ee: {  	v4 =	vor.u32 s9, v0;
	v6 =	vmul.f32 v6, v8;
	_ =	sdelay $0x1  }
0x1ef: {  	[tilespmem:v3+s19+$0x0] =	vst.idx.msk $0xffff, v6  }
0x1f0: {  	[tilespmem:v3+s20+$0x0] =	vst.idx.msk $0xffff, v5  }
0x1f1: {  	_ =	sdelay $0x3  }
0x1f2: {  	[tilespmem:v3+s21+$0x0] =	vst.idx.msk $0xffff, v2  }
0x1f3: {  	v2 =	vld.idx.msk [tilespmem:v4+s14+$0x0], $0xffff;
	_ =	sdelay $0x2  }
0x1f4: {  	s1 =	sshrl.u32 s1, $0x5  }
0x1f5: {  	v3 =	vmov s1  }
0x1f6: {  	v3 =	vmul.u32 $0x880, v3;
	v5 =	vshra.s32 v2, $0x1;
	v6 =	vmul.f32 $5.000000000e-01, v2  }
0x1f7: {  	v5 =	vsub.s32 $0x5F3759DF, v5  }
0x1f8: {  	v3 =	vbroadcast v3, $0x0;
	v8 =	vmul.f32 v5, v6  }
0x1f9: {  	v7 =	vmov s17  }
0x1fa: {  	v9 =	vand.u32 $0x78, v7;
	v3 =	vadd.s32 v1, v3;
	v8 =	vmul.f32 v5, v8  }
0x1fb: {  	v7 =	vand.u32 $0x4, v7;
	v9 =	vadd.s32 v9, v3  }
0x1fc: {  	v7 =	vor.u32 v7, v9;
	v8 =	vsub.f32 $1.500000000e+00, v8;
	_ =	sdelay $0x1  }
0x1fd: {  	v5 =	vmul.f32 v5, v8;
	_ =	sdelay $0x1  }
0x1fe: {  	v42 =	vld.idx.msk [tilespmem:v4+s13+$0x0], $0xffff;
	v6 =	vmul.f32 v5, v6  }
0x1ff: {  	v41 =	vld.idx.msk [tilespmem:v7+s18+$0x0], $0xffff  }
0x200: {  	v6 =	vmul.f32 v6, v5;
	_ =	sdelay $0x1  }
0x201: {  	v6 =	vsub.f32 $1.500000000e+00, v6;
	_ =	sdelay $0x1  }
0x202: {  	s9 =	sadd.s32 $0x1, s17;
	v8 =	vsub.f32 v41, v42;
	v5 =	vmul.f32 v6, v5  }
0x203: {  	s7 =	sshll.u32 s9, $0x4  }
0x204: {  	v43 =	vor.u32 s7, v0;
	v5 =	vmul.f32 v5, v8;
	_ =	sdelay $0x1  }
0x205: {  	[tilespmem:v7+s19+$0x0] =	vst.idx.msk $0xffff, v5  }
0x206: {  	[tilespmem:v7+s20+$0x0] =	vst.idx.msk $0xffff, v42  }
0x207: {  	[tilespmem:v7+s21+$0x0] =	vst.idx.msk $0xffff, v2  }
0x208: {  	v2 =	vld.idx.msk [tilespmem:v43+s14+$0x0], $0xffff;
	_ =	sdelay $0x4  }
0x209: {  	v44 =	vshra.s32 v2, $0x1;
	v45 =	vmul.f32 $5.000000000e-01, v2  }
0x20a: {  	v4 =	vsub.s32 $0x5F3759DF, v44  }
0x20b: {  	v47 =	vmul.f32 v4, v45  }
0x20c: {  	v46 =	vmov s9  }
0x20d: {  	v48 =	vand.u32 $0x78, v46;
	v8 =	vmul.f32 v4, v47  }
0x20e: {  	v9 =	vadd.s32 v3, v48;
	v7 =	vand.u32 $0x5, v46  }
0x20f: {  	v7 =	vor.u32 v7, v9;
	v8 =	vsub.f32 $1.500000000e+00, v8;
	_ =	sdelay $0x1  }
0x210: {  	v4 =	vmul.f32 v4, v8;
	_ =	sdelay $0x1  }
0x211: {  	v6 =	vld.idx.msk [tilespmem:v43+s13+$0x0], $0xffff;
	v5 =	vmul.f32 v4, v45  }
0x212: {  	v49 =	vld.idx.msk [tilespmem:v7+s18+$0x0], $0xffff  }
0x213: {  	v5 =	vmul.f32 v5, v4;
	_ =	sdelay $0x1  }
0x214: {  	v5 =	vsub.f32 $1.500000000e+00, v5;
	_ =	sdelay $0x1  }
0x215: {  	s12 =	sadd.s32 $0x2, s17;
	v8 =	vsub.f32 v49, v6;
	v4 =	vmul.f32 v5, v4  }
0x216: {  	s9 =	sshll.u32 s12, $0x4  }
0x217: {  	v50 =	vor.u32 s9, v0;
	v4 =	vmul.f32 v4, v8;
	_ =	sdelay $0x1  }
0x218: {  	[tilespmem:v7+s19+$0x0] =	vst.idx.msk $0xffff, v4  }
0x219: {  	[tilespmem:v7+s20+$0x0] =	vst.idx.msk $0xffff, v6  }
0x21a: {  	[tilespmem:v7+s21+$0x0] =	vst.idx.msk $0xffff, v2  }
0x21b: {  	v2 =	vld.idx.msk [tilespmem:v50+s14+$0x0], $0xffff;
	_ =	sdelay $0x4  }
0x21c: {  	v51 =	vshra.s32 v2, $0x1;
	v52 =	vmul.f32 $5.000000000e-01, v2  }
0x21d: {  	v4 =	vsub.s32 $0x5F3759DF, v51  }
0x21e: {  	v54 =	vmul.f32 v4, v52  }
0x21f: {  	v53 =	vmov s12  }
0x220: {  	v55 =	vand.u32 $0x78, v53;
	v8 =	vmul.f32 v4, v54  }
0x221: {  	v9 =	vadd.s32 v3, v55;
	v7 =	vand.u32 $0x6, v53  }
0x222: {  	v7 =	vor.u32 v7, v9;
	v8 =	vsub.f32 $1.500000000e+00, v8;
	_ =	sdelay $0x1  }
0x223: {  	v4 =	vmul.f32 v4, v8;
	_ =	sdelay $0x1  }
0x224: {  	v5 =	vld.idx.msk [tilespmem:v50+s13+$0x0], $0xffff;
	v6 =	vmul.f32 v4, v52  }
0x225: {  	v56 =	vld.idx.msk [tilespmem:v7+s18+$0x0], $0xffff  }
0x226: {  	v6 =	vmul.f32 v6, v4;
	_ =	sdelay $0x1  }
0x227: {  	v6 =	vsub.f32 $1.500000000e+00, v6;
	_ =	sdelay $0x1  }
0x228: {  	s12 =	sadd.s32 $0x3, s17;
	v8 =	vsub.f32 v56, v5;
	v4 =	vmul.f32 v6, v4  }
0x229: {  	s17 =	sshll.u32 s12, $0x4  }
0x22a: {  	v57 =	vor.u32 s17, v0;
	v4 =	vmul.f32 v4, v8;
	_ =	sdelay $0x1  }
0x22b: {  	[tilespmem:v7+s19+$0x0] =	vst.idx.msk $0xffff, v4  }
0x22c: {  	[tilespmem:v7+s20+$0x0] =	vst.idx.msk $0xffff, v5  }
0x22d: {  	[tilespmem:v7+s21+$0x0] =	vst.idx.msk $0xffff, v2  }
0x22e: {  	v2 =	vld.idx.msk [tilespmem:v57+s14+$0x0], $0xffff;
	_ =	sdelay $0x4  }
0x22f: {  	v58 =	vshra.s32 v2, $0x1;
	v59 =	vmul.f32 $5.000000000e-01, v2  }
0x230: {  	v4 =	vsub.s32 $0x5F3759DF, v58  }
0x231: {  	v60 =	vmul.f32 v4, v59  }
0x232: {  	v61 =	vmov s12  }
0x233: {  	v62 =	vand.u32 $0x78, v61;
	v7 =	vmul.f32 v4, v60  }
0x234: {  	v3 =	vadd.s32 v3, v62;
	v8 =	vand.u32 $0x7, v61  }
0x235: {  	v3 =	vor.u32 v8, v3;
	v7 =	vsub.f32 $1.500000000e+00, v7;
	_ =	sdelay $0x1  }
0x236: {  	v4 =	vmul.f32 v4, v7;
	_ =	sdelay $0x1  }
0x237: {  	v6 =	vld.idx.msk [tilespmem:v57+s13+$0x0], $0xffff;
	v5 =	vmul.f32 v4, v59  }
0x238: {  	v63 =	vld.idx.msk [tilespmem:v3+s18+$0x0], $0xffff  }
0x239: {  	v5 =	vmul.f32 v5, v4;
	_ =	sdelay $0x1  }
0x23a: {  	v5 =	vsub.f32 $1.500000000e+00, v5;
	_ =	sdelay $0x1  }
0x23b: {  	v7 =	vsub.f32 v63, v6;
	v4 =	vmul.f32 v5, v4;
	_ =	sdelay $0x1  }
0x23c: {  	v4 =	vmul.f32 v4, v7  }
0x23d: {  	s9 =	sshll.u32 s22, $0x12  }
0x23e: {  	s1 =	sor.u32 s8, s9;
	[tilespmem:v3+s19+$0x0] =	vst.idx.msk $0xffff, v4  }
0x23f: {  	s1 =	sshrl.u32 s1, $0x3;
	[tilespmem:v3+s20+$0x0] =	vst.idx.msk $0xffff, v6  }
0x240: {  	s7 =	sadd.s32 s2, s1;
	[tilespmem:v3+s21+$0x0] =	vst.idx.msk $0xffff, v2  }
0x241: {  	[hbm4b:s7+s6] =	stream.linear.scatter [tilespmem:s19], [sflag:$0x4], $0x80, $0x38;
	[tilespmem:$0x12C00] =	vst v63  }
0x242: {  	s12 =	simm.s32 $0x7588;
	s9 =	sadd.s32 $0x10, s7  }
0x243: {  	[hbm4b:s9+s6] =	stream.linear.scatter [tilespmem:s12], [sflag:$0x4], $0x80, $0x38;
	[tilespmem:$0x12C00] =	vst v63  }
0x244: {  	s17 =	simm.s32 $0x7610;
	s12 =	sadd.s32 $0x20, s7  }
0x245: {  	[hbm4b:s12+s6] =	stream.linear.scatter [tilespmem:s17], [sflag:$0x4], $0x80, $0x38;
	[tilespmem:$0x12C00] =	vst v63  }
0x246: {  	s12 =	sadd.s32 $0x30, s7;
	s17 =	simm.s32 $0x7698  }
0x247: {  	[hbm4b:s12+s6] =	stream.linear.scatter [tilespmem:s17], [sflag:$0x4], $0x80, $0x38;
	[tilespmem:$0x12C00] =	vst v63  }
0x248: {  	s12 =	sadd.s32 $0x40, s7;
	s17 =	simm.s32 $0x7720  }
0x249: {  	[hbm4b:s12+s6] =	stream.linear.scatter [tilespmem:s17], [sflag:$0x4], $0x80, $0x38;
	[tilespmem:$0x12C00] =	vst v63  }
0x24a: {  	s12 =	sadd.s32 $0x50, s7;
	s17 =	simm.s32 $0x77A8  }
0x24b: {  	[hbm4b:s12+s6] =	stream.linear.scatter [tilespmem:s17], [sflag:$0x4], $0x80, $0x38;
	[tilespmem:$0x12C00] =	vst v63  }
0x24c: {  	s12 =	sadd.s32 $0x60, s7;
	s17 =	simm.s32 $0x7830  }
0x24d: {  	[hbm4b:s12+s6] =	stream.linear.scatter [tilespmem:s17], [sflag:$0x4], $0x80, $0x38;
	[tilespmem:$0x12C00] =	vst v63  }
0x24e: {  	s12 =	sadd.s32 $0x70, s7;
	s17 =	simm.s32 $0x78B8  }
0x24f: {  	[hbm4b:s12+s6] =	stream.linear.scatter [tilespmem:s17], [sflag:$0x4], $0x80, $0x38;
	[tilespmem:$0x12C00] =	vst v63  }
0x250: {  	s12 =	sadd.s32 $0x2000, s7;
	s17 =	simm.s32 $0x7D80  }
0x251: {  	[hbm4b:s12+s6] =	stream.linear.scatter [tilespmem:s17], [sflag:$0x4], $0x80, $0x38;
	[tilespmem:$0x12C00] =	vst v63  }
0x252: {  	s12 =	sadd.s32 $0x2010, s7;
	s17 =	simm.s32 $0x7E08  }
0x253: {  	[hbm4b:s12+s6] =	stream.linear.scatter [tilespmem:s17], [sflag:$0x4], $0x80, $0x38;
	[tilespmem:$0x12C00] =	vst v63  }
0x254: {  	s12 =	sadd.s32 $0x2020, s7;
	s17 =	simm.s32 $0x7E90  }
0x255: {  	[hbm4b:s12+s6] =	stream.linear.scatter [tilespmem:s17], [sflag:$0x4], $0x80, $0x38;
	[tilespmem:$0x12C00] =	vst v63  }
0x256: {  	s12 =	sadd.s32 $0x2030, s7;
	s17 =	simm.s32 $0x7F18  }
0x257: {  	[hbm4b:s12+s6] =	stream.linear.scatter [tilespmem:s17], [sflag:$0x4], $0x80, $0x38;
	[tilespmem:$0x12C00] =	vst v63  }
0x258: {  	s12 =	sadd.s32 $0x2040, s7;
	s17 =	simm.s32 $0x7FA0  }
0x259: {  	[hbm4b:s12+s6] =	stream.linear.scatter [tilespmem:s17], [sflag:$0x4], $0x80, $0x38;
	[tilespmem:$0x12C00] =	vst v63  }
0x25a: {  	s12 =	sadd.s32 $0x2050, s7;
	s17 =	simm.s32 $0x8028  }
0x25b: {  	[hbm4b:s12+s6] =	stream.linear.scatter [tilespmem:s17], [sflag:$0x4], $0x80, $0x38;
	[tilespmem:$0x12C00] =	vst v63  }
0x25c: {  	s12 =	sadd.s32 $0x2060, s7;
	s17 =	simm.s32 $0x80B0  }
0x25d: {  	[hbm4b:s12+s6] =	stream.linear.scatter [tilespmem:s17], [sflag:$0x4], $0x80, $0x38;
	[tilespmem:$0x12C00] =	vst v63  }
0x25e: {  	s7 =	sadd.s32 $0x2070, s7;
	s12 =	simm.s32 $0x8138  }
0x25f: {  	[hbm4b:s7+s6] =	stream.linear.scatter [tilespmem:s12], [sflag:$0x4], $0x80, $0x38;
	[tilespmem:$0x12C00] =	vst v63  }
0x260: {  	s7 =	sor.u32 $0x1000, s1  }
0x261: {  	s17 =	simm.s32 $0x7940;
	s9 =	sadd.s32 s2, s7  }
0x262: {  	[hbm4b:s9+s6] =	stream.linear.scatter [tilespmem:s17], [sflag:$0x4], $0x80, $0x38;
	[tilespmem:$0x12C00] =	vst v63  }
0x263: {  	s12 =	sadd.s32 $0x10, s9;
	s17 =	simm.s32 $0x79C8  }
0x264: {  	[hbm4b:s12+s6] =	stream.linear.scatter [tilespmem:s17], [sflag:$0x4], $0x80, $0x38;
	[tilespmem:$0x12C00] =	vst v63  }
0x265: {  	s12 =	sadd.s32 $0x20, s9;
	s17 =	simm.s32 $0x7A50  }
0x266: {  	[hbm4b:s12+s6] =	stream.linear.scatter [tilespmem:s17], [sflag:$0x4], $0x80, $0x38;
	[tilespmem:$0x12C00] =	vst v63  }
0x267: {  	s12 =	sadd.s32 $0x30, s9;
	s17 =	simm.s32 $0x7AD8  }
0x268: {  	[hbm4b:s12+s6] =	stream.linear.scatter [tilespmem:s17], [sflag:$0x4], $0x80, $0x38;
	[tilespmem:$0x12C00] =	vst v63  }
0x269: {  	s12 =	sadd.s32 $0x40, s9;
	s17 =	simm.s32 $0x7B60  }
0x26a: {  	[hbm4b:s12+s6] =	stream.linear.scatter [tilespmem:s17], [sflag:$0x4], $0x80, $0x38;
	[tilespmem:$0x12C00] =	vst v63  }
0x26b: {  	s12 =	sadd.s32 $0x50, s9;
	s17 =	simm.s32 $0x7BE8  }
0x26c: {  	[hbm4b:s12+s6] =	stream.linear.scatter [tilespmem:s17], [sflag:$0x4], $0x80, $0x38;
	[tilespmem:$0x12C00] =	vst v63  }
0x26d: {  	s12 =	sadd.s32 $0x60, s9;
	s17 =	simm.s32 $0x7C70  }
0x26e: {  	[hbm4b:s12+s6] =	stream.linear.scatter [tilespmem:s17], [sflag:$0x4], $0x80, $0x38;
	[tilespmem:$0x12C00] =	vst v63  }
0x26f: {  	s12 =	sadd.s32 $0x70, s9;
	s17 =	simm.s32 $0x7CF8  }
0x270: {  	[hbm4b:s12+s6] =	stream.linear.scatter [tilespmem:s17], [sflag:$0x4], $0x80, $0x38;
	[tilespmem:$0x12C00] =	vst v63  }
0x271: {  	s12 =	sadd.s32 $0x2000, s9;
	s17 =	simm.s32 $0x81C0  }
0x272: {  	[hbm4b:s12+s6] =	stream.linear.scatter [tilespmem:s17], [sflag:$0x4], $0x80, $0x38;
	[tilespmem:$0x12C00] =	vst v63  }
0x273: {  	s12 =	sadd.s32 $0x2010, s9;
	s17 =	simm.s32 $0x8248  }
0x274: {  	[hbm4b:s12+s6] =	stream.linear.scatter [tilespmem:s17], [sflag:$0x4], $0x80, $0x38;
	[tilespmem:$0x12C00] =	vst v63  }
0x275: {  	s12 =	sadd.s32 $0x2020, s9;
	s17 =	simm.s32 $0x82D0  }
0x276: {  	[hbm4b:s12+s6] =	stream.linear.scatter [tilespmem:s17], [sflag:$0x4], $0x80, $0x38;
	[tilespmem:$0x12C00] =	vst v63  }
0x277: {  	s12 =	sadd.s32 $0x2030, s9;
	s17 =	simm.s32 $0x8358  }
0x278: {  	[hbm4b:s12+s6] =	stream.linear.scatter [tilespmem:s17], [sflag:$0x4], $0x80, $0x38;
	[tilespmem:$0x12C00] =	vst v63  }
0x279: {  	s12 =	sadd.s32 $0x2040, s9;
	s17 =	simm.s32 $0x83E0  }
0x27a: {  	[hbm4b:s12+s6] =	stream.linear.scatter [tilespmem:s17], [sflag:$0x4], $0x80, $0x38;
	[tilespmem:$0x12C00] =	vst v63  }
0x27b: {  	s12 =	sadd.s32 $0x2050, s9;
	s17 =	simm.s32 $0x8468  }
0x27c: {  	[hbm4b:s12+s6] =	stream.linear.scatter [tilespmem:s17], [sflag:$0x4], $0x80, $0x38;
	[tilespmem:$0x12C00] =	vst v63  }
0x27d: {  	s12 =	sadd.s32 $0x2060, s9;
	s17 =	simm.s32 $0x84F0  }
0x27e: {  	[hbm4b:s12+s6] =	stream.linear.scatter [tilespmem:s17], [sflag:$0x4], $0x80, $0x38;
	[tilespmem:$0x12C00] =	vst v63  }
0x27f: {  	s9 =	sadd.s32 $0x2070, s9;
	s17 =	simm.s32 $0x8578  }
0x280: {  	[hbm4b:s9+s6] =	stream.linear.scatter [tilespmem:s17], [sflag:$0x4], $0x80, $0x38;
	[tilespmem:$0x12C00] =	vst v63  }
0x281: {  	s9 =	sadd.s32 s3, s1  }
0x282: {  	[hbm4b:s9+s6] =	stream.linear.scatter [tilespmem:s20], [sflag:$0x4], $0x80, $0x38;
	[tilespmem:$0x12C00] =	vst v63  }
0x283: {  	s17 =	simm.s32 $0x8688;
	s12 =	sadd.s32 $0x10, s9  }
0x284: {  	[hbm4b:s12+s6] =	stream.linear.scatter [tilespmem:s17], [sflag:$0x4], $0x80, $0x38;
	[tilespmem:$0x12C00] =	vst v63  }
0x285: {  	s12 =	sadd.s32 $0x20, s9;
	s17 =	simm.s32 $0x8710  }
0x286: {  	[hbm4b:s12+s6] =	stream.linear.scatter [tilespmem:s17], [sflag:$0x4], $0x80, $0x38;
	[tilespmem:$0x12C00] =	vst v63  }
0x287: {  	s12 =	sadd.s32 $0x30, s9;
	s17 =	simm.s32 $0x8798  }
0x288: {  	[hbm4b:s12+s6] =	stream.linear.scatter [tilespmem:s17], [sflag:$0x4], $0x80, $0x38;
	[tilespmem:$0x12C00] =	vst v63  }
0x289: {  	s12 =	sadd.s32 $0x40, s9;
	s17 =	simm.s32 $0x8820  }
0x28a: {  	[hbm4b:s12+s6] =	stream.linear.scatter [tilespmem:s17], [sflag:$0x4], $0x80, $0x38;
	[tilespmem:$0x12C00] =	vst v63  }
0x28b: {  	s12 =	sadd.s32 $0x50, s9;
	s17 =	simm.s32 $0x88A8  }
0x28c: {  	[hbm4b:s12+s6] =	stream.linear.scatter [tilespmem:s17], [sflag:$0x4], $0x80, $0x38;
	[tilespmem:$0x12C00] =	vst v63  }
0x28d: {  	s12 =	sadd.s32 $0x60, s9;
	s17 =	simm.s32 $0x8930  }
0x28e: {  	[hbm4b:s12+s6] =	stream.linear.scatter [tilespmem:s17], [sflag:$0x4], $0x80, $0x38;
	[tilespmem:$0x12C00] =	vst v63  }
0x28f: {  	s12 =	sadd.s32 $0x70, s9;
	s17 =	simm.s32 $0x89B8  }
0x290: {  	[hbm4b:s12+s6] =	stream.linear.scatter [tilespmem:s17], [sflag:$0x4], $0x80, $0x38;
	[tilespmem:$0x12C00] =	vst v63  }
0x291: {  	s12 =	sadd.s32 $0x2000, s9;
	s17 =	simm.s32 $0x8E80  }
0x292: {  	[hbm4b:s12+s6] =	stream.linear.scatter [tilespmem:s17], [sflag:$0x4], $0x80, $0x38;
	[tilespmem:$0x12C00] =	vst v63  }
0x293: {  	s12 =	sadd.s32 $0x2010, s9;
	s17 =	simm.s32 $0x8F08  }
0x294: {  	[hbm4b:s12+s6] =	stream.linear.scatter [tilespmem:s17], [sflag:$0x4], $0x80, $0x38;
	[tilespmem:$0x12C00] =	vst v63  }
0x295: {  	s12 =	sadd.s32 $0x2020, s9;
	s17 =	simm.s32 $0x8F90  }
0x296: {  	[hbm4b:s12+s6] =	stream.linear.scatter [tilespmem:s17], [sflag:$0x4], $0x80, $0x38;
	[tilespmem:$0x12C00] =	vst v63  }
0x297: {  	s12 =	sadd.s32 $0x2030, s9;
	s17 =	simm.s32 $0x9018  }
0x298: {  	[hbm4b:s12+s6] =	stream.linear.scatter [tilespmem:s17], [sflag:$0x4], $0x80, $0x38;
	[tilespmem:$0x12C00] =	vst v63  }
0x299: {  	s12 =	sadd.s32 $0x2040, s9;
	s17 =	simm.s32 $0x90A0  }
0x29a: {  	[hbm4b:s12+s6] =	stream.linear.scatter [tilespmem:s17], [sflag:$0x4], $0x80, $0x38;
	[tilespmem:$0x12C00] =	vst v63  }
0x29b: {  	s12 =	sadd.s32 $0x2050, s9;
	s17 =	simm.s32 $0x9128  }
0x29c: {  	[hbm4b:s12+s6] =	stream.linear.scatter [tilespmem:s17], [sflag:$0x4], $0x80, $0x38;
	[tilespmem:$0x12C00] =	vst v63  }
0x29d: {  	s12 =	sadd.s32 $0x2060, s9;
	s17 =	simm.s32 $0x91B0  }
0x29e: {  	[hbm4b:s12+s6] =	stream.linear.scatter [tilespmem:s17], [sflag:$0x4], $0x80, $0x38;
	[tilespmem:$0x12C00] =	vst v63  }
0x29f: {  	s9 =	sadd.s32 $0x2070, s9;
	s17 =	simm.s32 $0x9238  }
0x2a0: {  	[hbm4b:s9+s6] =	stream.linear.scatter [tilespmem:s17], [sflag:$0x4], $0x80, $0x38;
	[tilespmem:$0x12C00] =	vst v63  }
0x2a1: {  	s9 =	sadd.s32 s3, s7;
	s17 =	simm.s32 $0x8A40  }
0x2a2: {  	[hbm4b:s9+s6] =	stream.linear.scatter [tilespmem:s17], [sflag:$0x4], $0x80, $0x38;
	[tilespmem:$0x12C00] =	vst v63  }
0x2a3: {  	s12 =	sadd.s32 $0x10, s9;
	s17 =	simm.s32 $0x8AC8  }
0x2a4: {  	[hbm4b:s12+s6] =	stream.linear.scatter [tilespmem:s17], [sflag:$0x4], $0x80, $0x38;
	[tilespmem:$0x12C00] =	vst v63  }
0x2a5: {  	s12 =	sadd.s32 $0x20, s9;
	s17 =	simm.s32 $0x8B50  }
0x2a6: {  	[hbm4b:s12+s6] =	stream.linear.scatter [tilespmem:s17], [sflag:$0x4], $0x80, $0x38;
	[tilespmem:$0x12C00] =	vst v63  }
0x2a7: {  	s12 =	sadd.s32 $0x30, s9;
	s17 =	simm.s32 $0x8BD8  }
0x2a8: {  	[hbm4b:s12+s6] =	stream.linear.scatter [tilespmem:s17], [sflag:$0x4], $0x80, $0x38;
	[tilespmem:$0x12C00] =	vst v63  }
0x2a9: {  	s12 =	sadd.s32 $0x40, s9;
	s17 =	simm.s32 $0x8C60  }
0x2aa: {  	[hbm4b:s12+s6] =	stream.linear.scatter [tilespmem:s17], [sflag:$0x4], $0x80, $0x38;
	[tilespmem:$0x12C00] =	vst v63  }
0x2ab: {  	s12 =	sadd.s32 $0x50, s9;
	s17 =	simm.s32 $0x8CE8  }
0x2ac: {  	[hbm4b:s12+s6] =	stream.linear.scatter [tilespmem:s17], [sflag:$0x4], $0x80, $0x38;
	[tilespmem:$0x12C00] =	vst v63  }
0x2ad: {  	s12 =	sadd.s32 $0x60, s9;
	s17 =	simm.s32 $0x8D70  }
0x2ae: {  	[hbm4b:s12+s6] =	stream.linear.scatter [tilespmem:s17], [sflag:$0x4], $0x80, $0x38;
	[tilespmem:$0x12C00] =	vst v63  }
0x2af: {  	s12 =	sadd.s32 $0x70, s9;
	s17 =	simm.s32 $0x8DF8  }
0x2b0: {  	[hbm4b:s12+s6] =	stream.linear.scatter [tilespmem:s17], [sflag:$0x4], $0x80, $0x38;
	[tilespmem:$0x12C00] =	vst v63  }
0x2b1: {  	s12 =	sadd.s32 $0x2000, s9;
	s17 =	simm.s32 $0x92C0  }
0x2b2: {  	[hbm4b:s12+s6] =	stream.linear.scatter [tilespmem:s17], [sflag:$0x4], $0x80, $0x38;
	[tilespmem:$0x12C00] =	vst v63  }
0x2b3: {  	s12 =	sadd.s32 $0x2010, s9;
	s17 =	simm.s32 $0x9348  }
0x2b4: {  	[hbm4b:s12+s6] =	stream.linear.scatter [tilespmem:s17], [sflag:$0x4], $0x80, $0x38;
	[tilespmem:$0x12C00] =	vst v63  }
0x2b5: {  	s12 =	sadd.s32 $0x2020, s9;
	s17 =	simm.s32 $0x93D0  }
0x2b6: {  	[hbm4b:s12+s6] =	stream.linear.scatter [tilespmem:s17], [sflag:$0x4], $0x80, $0x38;
	[tilespmem:$0x12C00] =	vst v63  }
0x2b7: {  	s12 =	sadd.s32 $0x2030, s9;
	s17 =	simm.s32 $0x9458  }
0x2b8: {  	[hbm4b:s12+s6] =	stream.linear.scatter [tilespmem:s17], [sflag:$0x4], $0x80, $0x38;
	[tilespmem:$0x12C00] =	vst v63  }
0x2b9: {  	s12 =	sadd.s32 $0x2040, s9;
	s17 =	simm.s32 $0x94E0  }
0x2ba: {  	[hbm4b:s12+s6] =	stream.linear.scatter [tilespmem:s17], [sflag:$0x4], $0x80, $0x38;
	[tilespmem:$0x12C00] =	vst v63  }
0x2bb: {  	s12 =	sadd.s32 $0x2050, s9;
	s17 =	simm.s32 $0x9568  }
0x2bc: {  	[hbm4b:s12+s6] =	stream.linear.scatter [tilespmem:s17], [sflag:$0x4], $0x80, $0x38;
	[tilespmem:$0x12C00] =	vst v63  }
0x2bd: {  	s12 =	sadd.s32 $0x2060, s9;
	s17 =	simm.s32 $0x95F0  }
0x2be: {  	[hbm4b:s12+s6] =	stream.linear.scatter [tilespmem:s17], [sflag:$0x4], $0x80, $0x38;
	[tilespmem:$0x12C00] =	vst v63  }
0x2bf: {  	s9 =	sadd.s32 $0x2070, s9;
	s17 =	simm.s32 $0x9678  }
0x2c0: {  	[hbm4b:s9+s6] =	stream.linear.scatter [tilespmem:s17], [sflag:$0x4], $0x80, $0x38;
	[tilespmem:$0x12C00] =	vst v63  }
0x2c1: {  	s1 =	sadd.s32 s4, s1  }
0x2c2: {  	[hbm4b:s1+s6] =	stream.linear.scatter [tilespmem:s21], [sflag:$0x4], $0x80, $0x38;
	[tilespmem:$0x12C00] =	vst v63  }
0x2c3: {  	s12 =	sadd.s32 $0x10, s1;
	s17 =	simm.s32 $0x9788  }
0x2c4: {  	[hbm4b:s12+s6] =	stream.linear.scatter [tilespmem:s17], [sflag:$0x4], $0x80, $0x38;
	[tilespmem:$0x12C00] =	vst v63  }
0x2c5: {  	s12 =	sadd.s32 $0x20, s1;
	s17 =	simm.s32 $0x9810  }
0x2c6: {  	[hbm4b:s12+s6] =	stream.linear.scatter [tilespmem:s17], [sflag:$0x4], $0x80, $0x38;
	[tilespmem:$0x12C00] =	vst v63  }
0x2c7: {  	s12 =	sadd.s32 $0x30, s1;
	s17 =	simm.s32 $0x9898  }
0x2c8: {  	[hbm4b:s12+s6] =	stream.linear.scatter [tilespmem:s17], [sflag:$0x4], $0x80, $0x38;
	[tilespmem:$0x12C00] =	vst v63  }
0x2c9: {  	s12 =	sadd.s32 $0x40, s1;
	s17 =	simm.s32 $0x9920  }
0x2ca: {  	[hbm4b:s12+s6] =	stream.linear.scatter [tilespmem:s17], [sflag:$0x4], $0x80, $0x38;
	[tilespmem:$0x12C00] =	vst v63  }
0x2cb: {  	s12 =	sadd.s32 $0x50, s1;
	s17 =	simm.s32 $0x99A8  }
0x2cc: {  	[hbm4b:s12+s6] =	stream.linear.scatter [tilespmem:s17], [sflag:$0x4], $0x80, $0x38;
	[tilespmem:$0x12C00] =	vst v63  }
0x2cd: {  	s12 =	sadd.s32 $0x60, s1;
	s17 =	simm.s32 $0x9A30  }
0x2ce: {  	[hbm4b:s12+s6] =	stream.linear.scatter [tilespmem:s17], [sflag:$0x4], $0x80, $0x38;
	[tilespmem:$0x12C00] =	vst v63  }
0x2cf: {  	s12 =	sadd.s32 $0x70, s1;
	s17 =	simm.s32 $0x9AB8  }
0x2d0: {  	[hbm4b:s12+s6] =	stream.linear.scatter [tilespmem:s17], [sflag:$0x4], $0x80, $0x38;
	[tilespmem:$0x12C00] =	vst v63  }
0x2d1: {  	s12 =	sadd.s32 $0x2000, s1;
	s17 =	simm.s32 $0x9F80  }
0x2d2: {  	[hbm4b:s12+s6] =	stream.linear.scatter [tilespmem:s17], [sflag:$0x4], $0x80, $0x38;
	[tilespmem:$0x12C00] =	vst v63  }
0x2d3: {  	s12 =	sadd.s32 $0x2010, s1;
	s17 =	simm.s32 $0xA008  }
0x2d4: {  	[hbm4b:s12+s6] =	stream.linear.scatter [tilespmem:s17], [sflag:$0x4], $0x80, $0x38;
	[tilespmem:$0x12C00] =	vst v63  }
0x2d5: {  	s12 =	sadd.s32 $0x2020, s1;
	s17 =	simm.s32 $0xA090  }
0x2d6: {  	[hbm4b:s12+s6] =	stream.linear.scatter [tilespmem:s17], [sflag:$0x4], $0x80, $0x38;
	[tilespmem:$0x12C00] =	vst v63  }
0x2d7: {  	s12 =	sadd.s32 $0x2030, s1;
	s17 =	simm.s32 $0xA118  }
0x2d8: {  	[hbm4b:s12+s6] =	stream.linear.scatter [tilespmem:s17], [sflag:$0x4], $0x80, $0x38;
	[tilespmem:$0x12C00] =	vst v63  }
0x2d9: {  	s12 =	sadd.s32 $0x2040, s1;
	s17 =	simm.s32 $0xA1A0  }
0x2da: {  	[hbm4b:s12+s6] =	stream.linear.scatter [tilespmem:s17], [sflag:$0x4], $0x80, $0x38;
	[tilespmem:$0x12C00] =	vst v63  }
0x2db: {  	s12 =	sadd.s32 $0x2050, s1;
	s17 =	simm.s32 $0xA228  }
0x2dc: {  	[hbm4b:s12+s6] =	stream.linear.scatter [tilespmem:s17], [sflag:$0x4], $0x80, $0x38;
	[tilespmem:$0x12C00] =	vst v63  }
0x2dd: {  	s12 =	sadd.s32 $0x2060, s1;
	s17 =	simm.s32 $0xA2B0  }
0x2de: {  	[hbm4b:s12+s6] =	stream.linear.scatter [tilespmem:s17], [sflag:$0x4], $0x80, $0x38;
	[tilespmem:$0x12C00] =	vst v63  }
0x2df: {  	s1 =	sadd.s32 $0x2070, s1;
	s17 =	simm.s32 $0xA338  }
0x2e0: {  	[hbm4b:s1+s6] =	stream.linear.scatter [tilespmem:s17], [sflag:$0x4], $0x80, $0x38;
	[tilespmem:$0x12C00] =	vst v63  }
0x2e1: {  	s9 =	simm.s32 $0x9B40;
	s1 =	sadd.s32 s4, s7  }
0x2e2: {  	[hbm4b:s1+s6] =	stream.linear.scatter [tilespmem:s9], [sflag:$0x4], $0x80, $0x38;
	[tilespmem:$0x12C00] =	vst v63  }
0x2e3: {  	s17 =	simm.s32 $0x9BC8;
	s12 =	sadd.s32 $0x10, s1  }
0x2e4: {  	[hbm4b:s12+s6] =	stream.linear.scatter [tilespmem:s17], [sflag:$0x4], $0x80, $0x38;
	[tilespmem:$0x12C00] =	vst v63  }
0x2e5: {  	s12 =	sadd.s32 $0x20, s1;
	s17 =	simm.s32 $0x9C50  }
0x2e6: {  	[hbm4b:s12+s6] =	stream.linear.scatter [tilespmem:s17], [sflag:$0x4], $0x80, $0x38;
	[tilespmem:$0x12C00] =	vst v63  }
0x2e7: {  	s12 =	sadd.s32 $0x30, s1;
	s17 =	simm.s32 $0x9CD8  }
0x2e8: {  	[hbm4b:s12+s6] =	stream.linear.scatter [tilespmem:s17], [sflag:$0x4], $0x80, $0x38;
	[tilespmem:$0x12C00] =	vst v63  }
0x2e9: {  	s12 =	sadd.s32 $0x40, s1;
	s17 =	simm.s32 $0x9D60  }
0x2ea: {  	[hbm4b:s12+s6] =	stream.linear.scatter [tilespmem:s17], [sflag:$0x4], $0x80, $0x38;
	[tilespmem:$0x12C00] =	vst v63  }
0x2eb: {  	s12 =	sadd.s32 $0x50, s1;
	s17 =	simm.s32 $0x9DE8  }
0x2ec: {  	[hbm4b:s12+s6] =	stream.linear.scatter [tilespmem:s17], [sflag:$0x4], $0x80, $0x38;
	[tilespmem:$0x12C00] =	vst v63  }
0x2ed: {  	s12 =	sadd.s32 $0x60, s1;
	s17 =	simm.s32 $0x9E70  }
0x2ee: {  	[hbm4b:s12+s6] =	stream.linear.scatter [tilespmem:s17], [sflag:$0x4], $0x80, $0x38;
	[tilespmem:$0x12C00] =	vst v63  }
0x2ef: {  	s12 =	sadd.s32 $0x70, s1;
	s17 =	simm.s32 $0x9EF8  }
0x2f0: {  	[hbm4b:s12+s6] =	stream.linear.scatter [tilespmem:s17], [sflag:$0x4], $0x80, $0x38;
	[tilespmem:$0x12C00] =	vst v63  }
0x2f1: {  	s12 =	sadd.s32 $0x2000, s1;
	s17 =	simm.s32 $0xA3C0  }
0x2f2: {  	[hbm4b:s12+s6] =	stream.linear.scatter [tilespmem:s17], [sflag:$0x4], $0x80, $0x38;
	[tilespmem:$0x12C00] =	vst v63  }
0x2f3: {  	s12 =	sadd.s32 $0x2010, s1;
	s17 =	simm.s32 $0xA448  }
0x2f4: {  	[hbm4b:s12+s6] =	stream.linear.scatter [tilespmem:s17], [sflag:$0x4], $0x80, $0x38;
	[tilespmem:$0x12C00] =	vst v63  }
0x2f5: {  	s12 =	sadd.s32 $0x2020, s1;
	s17 =	simm.s32 $0xA4D0  }
0x2f6: {  	[hbm4b:s12+s6] =	stream.linear.scatter [tilespmem:s17], [sflag:$0x4], $0x80, $0x38;
	[tilespmem:$0x12C00] =	vst v63  }
0x2f7: {  	s12 =	sadd.s32 $0x2030, s1;
	s17 =	simm.s32 $0xA558  }
0x2f8: {  	[hbm4b:s12+s6] =	stream.linear.scatter [tilespmem:s17], [sflag:$0x4], $0x80, $0x38;
	[tilespmem:$0x12C00] =	vst v63  }
0x2f9: {  	s12 =	sadd.s32 $0x2040, s1;
	s17 =	simm.s32 $0xA5E0  }
0x2fa: {  	[hbm4b:s12+s6] =	stream.linear.scatter [tilespmem:s17], [sflag:$0x4], $0x80, $0x38;
	[tilespmem:$0x12C00] =	vst v63  }
0x2fb: {  	s12 =	sadd.s32 $0x2050, s1;
	s17 =	simm.s32 $0xA668  }
0x2fc: {  	[hbm4b:s12+s6] =	stream.linear.scatter [tilespmem:s17], [sflag:$0x4], $0x80, $0x38;
	[tilespmem:$0x12C00] =	vst v63  }
0x2fd: {  	s9 =	sadd.s32 $0x2060, s1;
	s12 =	simm.s32 $0xA6F0  }
0x2fe: {  	[hbm4b:s9+s6] =	stream.linear.scatter [tilespmem:s12], [sflag:$0x4], $0x80, $0x38;
	[tilespmem:$0x12C00] =	vst v63  }
0x2ff: {  	s1 =	sadd.s32 $0x2070, s1;
	s17 =	simm.s32 $0xA778  }
0x300: {  	[hbm4b:s1+s6] =	stream.linear.scatter [tilespmem:s17], [sflag:$0x4], $0x80, $0x38;
	[tilespmem:$0x12C00] =	vst v63  }
0x301: {  	_ =	swait.ge [sflag:s28], $0x800  }
0x302: {  	[sflag:s28] =	ssyncset.done $0x0  }
0x303: {  	[sflag:s28] =	ssyncadd.s32 $0xFFFFF800  }
0x304: {  	_ =	swait.ge [sflag:s28], $0x800  }
0x305: {  	[sflag:s28] =	ssyncset.done $0x0  }
0x306: {  	[sflag:s28] =	ssyncadd.s32 $0xFFFFF800  }
0x307: {  	_ =	swait.ge [sflag:s28], $0x800  }
0x308: {  	[sflag:s28] =	ssyncset.done $0x0  }
0x309: {  	[sflag:s28] =	ssyncadd.s32 $0xFFFFF800  }
0x30a: {  	_ =	swait.ge [sflag:s28], $0x800  }
0x30b: {  	[sflag:s28] =	ssyncset.done $0x0  }
0x30c: {  	[sflag:s28] =	ssyncadd.s32 $0xFFFFF800  }
0x30d: {  	p0 =	seq.s32 s22, $0x31;
	_ =	swait.ge [sflag:s28], $0x800  }
.Ltmp1:
0x30e: {  	[sflag:s28] =	ssyncset.done $0x0;
	(pc) =	sbr.rel @p0 .LBB2_6-.Ltmp1, $4  }
0x30f: {  	[sflag:s28] =	ssyncadd.s32 $0xFFFFF800  }
0x310: {  	_ =	swait.ge [sflag:s28], $0x800  }
0x311: {  	[sflag:s28] =	ssyncset.done $0x0  }
0x312: {  	[sflag:s28] =	ssyncadd.s32 $0xFFFFF800  }
0x313: {  	s1 =	sadd.s32 $0x2, s11  }
0x314: {  	s7 =	sshll.u32 s1, $0x11  }
0x315: {  	s7 =	sor.u32 s8, s7  }
0x316: {  	s9 =	rddreg [dreg:$0x1];
	s7 =	sshrl.u32 s7, $0x3  }
0x317: {  	s9 =	sadd.s32 s9, s7  }
0x318: {  	[tilespmem:s18], [sflag:$0x2] =	stream.linear.gather [hbm4b:s9+s6], $0x80, $0x38;
	[tilespmem:$0x12C00] =	vst v63  }
0x319: {  	s12 =	simm.s32 $0x6488;
	s17 =	sadd.s32 $0x10, s9  }
0x31a: {  	[tilespmem:s12], [sflag:$0x2] =	stream.linear.gather [hbm4b:s17+s6], $0x80, $0x38;
	[tilespmem:$0x12C00] =	vst v63  }
0x31b: {  	s12 =	sadd.s32 $0x20, s9;
	s17 =	simm.s32 $0x6510  }
0x31c: {  	[tilespmem:s17], [sflag:$0x2] =	stream.linear.gather [hbm4b:s12+s6], $0x80, $0x38;
	[tilespmem:$0x12C00] =	vst v63  }
0x31d: {  	s12 =	sadd.s32 $0x30, s9;
	s17 =	simm.s32 $0x6598  }
0x31e: {  	[tilespmem:s17], [sflag:$0x2] =	stream.linear.gather [hbm4b:s12+s6], $0x80, $0x38;
	[tilespmem:$0x12C00] =	vst v63  }
0x31f: {  	s12 =	sadd.s32 $0x40, s9;
	s17 =	simm.s32 $0x6620  }
0x320: {  	[tilespmem:s17], [sflag:$0x2] =	stream.linear.gather [hbm4b:s12+s6], $0x80, $0x38;
	[tilespmem:$0x12C00] =	vst v63  }
0x321: {  	s12 =	sadd.s32 $0x50, s9;
	s17 =	simm.s32 $0x66A8  }
0x322: {  	[tilespmem:s17], [sflag:$0x2] =	stream.linear.gather [hbm4b:s12+s6], $0x80, $0x38;
	[tilespmem:$0x12C00] =	vst v63  }
0x323: {  	s12 =	sadd.s32 $0x60, s9;
	s17 =	simm.s32 $0x6730  }
0x324: {  	[tilespmem:s17], [sflag:$0x2] =	stream.linear.gather [hbm4b:s12+s6], $0x80, $0x38;
	[tilespmem:$0x12C00] =	vst v63  }
0x325: {  	s12 =	sadd.s32 $0x70, s9;
	s17 =	simm.s32 $0x67B8  }
0x326: {  	[tilespmem:s17], [sflag:$0x2] =	stream.linear.gather [hbm4b:s12+s6], $0x80, $0x38;
	[tilespmem:$0x12C00] =	vst v63  }
0x327: {  	s12 =	sadd.s32 $0x2000, s9;
	s17 =	simm.s32 $0x6C80  }
0x328: {  	[tilespmem:s17], [sflag:$0x2] =	stream.linear.gather [hbm4b:s12+s6], $0x80, $0x38;
	[tilespmem:$0x12C00] =	vst v63  }
0x329: {  	s12 =	sadd.s32 $0x2010, s9;
	s17 =	simm.s32 $0x6D08  }
0x32a: {  	[tilespmem:s17], [sflag:$0x2] =	stream.linear.gather [hbm4b:s12+s6], $0x80, $0x38;
	[tilespmem:$0x12C00] =	vst v63  }
0x32b: {  	s12 =	sadd.s32 $0x2020, s9;
	s17 =	simm.s32 $0x6D90  }
0x32c: {  	[tilespmem:s17], [sflag:$0x2] =	stream.linear.gather [hbm4b:s12+s6], $0x80, $0x38;
	[tilespmem:$0x12C00] =	vst v63  }
0x32d: {  	s12 =	sadd.s32 $0x2030, s9;
	s17 =	simm.s32 $0x6E18  }
0x32e: {  	[tilespmem:s17], [sflag:$0x2] =	stream.linear.gather [hbm4b:s12+s6], $0x80, $0x38;
	[tilespmem:$0x12C00] =	vst v63  }
0x32f: {  	s12 =	sadd.s32 $0x2040, s9;
	s17 =	simm.s32 $0x6EA0  }
0x330: {  	[tilespmem:s17], [sflag:$0x2] =	stream.linear.gather [hbm4b:s12+s6], $0x80, $0x38;
	[tilespmem:$0x12C00] =	vst v63  }
0x331: {  	s12 =	sadd.s32 $0x2050, s9;
	s17 =	simm.s32 $0x6F28  }
0x332: {  	[tilespmem:s17], [sflag:$0x2] =	stream.linear.gather [hbm4b:s12+s6], $0x80, $0x38;
	[tilespmem:$0x12C00] =	vst v63  }
0x333: {  	s12 =	sadd.s32 $0x2060, s9;
	s17 =	simm.s32 $0x6FB0  }
0x334: {  	[tilespmem:s17], [sflag:$0x2] =	stream.linear.gather [hbm4b:s12+s6], $0x80, $0x38;
	[tilespmem:$0x12C00] =	vst v63  }
0x335: {  	s17 =	sld [smem:$0x7FD]  }
0x336: {  	s9 =	sadd.s32 $0x2070, s9;
	s12 =	simm.s32 $0x7038  }
0x337: {  	[tilespmem:s12], [sflag:$0x2] =	stream.linear.gather [hbm4b:s9+s6], $0x80, $0x38;
	[tilespmem:$0x12C00] =	vst v63  }
0x338: {  	s11 =	simm.s32 $0x6840;
	s7 =	sadd.s32 s7, s17  }
0x339: {  	[tilespmem:s11], [sflag:$0x2] =	stream.linear.gather [hbm4b:s7+s6], $0x80, $0x38;
	[tilespmem:$0x12C00] =	vst v63  }
0x33a: {  	s17 =	simm.s32 $0x68C8;
	s12 =	sadd.s32 $0x10, s7  }
0x33b: {  	[tilespmem:s17], [sflag:$0x2] =	stream.linear.gather [hbm4b:s12+s6], $0x80, $0x38;
	[tilespmem:$0x12C00] =	vst v63  }
0x33c: {  	s12 =	sadd.s32 $0x20, s7;
	s17 =	simm.s32 $0x6950  }
0x33d: {  	[tilespmem:s17], [sflag:$0x2] =	stream.linear.gather [hbm4b:s12+s6], $0x80, $0x38;
	[tilespmem:$0x12C00] =	vst v63  }
0x33e: {  	s12 =	sadd.s32 $0x30, s7;
	s17 =	simm.s32 $0x69D8  }
0x33f: {  	[tilespmem:s17], [sflag:$0x2] =	stream.linear.gather [hbm4b:s12+s6], $0x80, $0x38;
	[tilespmem:$0x12C00] =	vst v63  }
0x340: {  	s12 =	sadd.s32 $0x40, s7;
	s17 =	simm.s32 $0x6A60  }
0x341: {  	[tilespmem:s17], [sflag:$0x2] =	stream.linear.gather [hbm4b:s12+s6], $0x80, $0x38;
	[tilespmem:$0x12C00] =	vst v63  }
0x342: {  	s12 =	sadd.s32 $0x50, s7;
	s17 =	simm.s32 $0x6AE8  }
0x343: {  	[tilespmem:s17], [sflag:$0x2] =	stream.linear.gather [hbm4b:s12+s6], $0x80, $0x38;
	[tilespmem:$0x12C00] =	vst v63  }
0x344: {  	s12 =	sadd.s32 $0x60, s7;
	s17 =	simm.s32 $0x6B70  }
0x345: {  	[tilespmem:s17], [sflag:$0x2] =	stream.linear.gather [hbm4b:s12+s6], $0x80, $0x38;
	[tilespmem:$0x12C00] =	vst v63  }
0x346: {  	s12 =	sadd.s32 $0x70, s7;
	s17 =	simm.s32 $0x6BF8  }
0x347: {  	[tilespmem:s17], [sflag:$0x2] =	stream.linear.gather [hbm4b:s12+s6], $0x80, $0x38;
	[tilespmem:$0x12C00] =	vst v63  }
0x348: {  	s12 =	sadd.s32 $0x2000, s7;
	s17 =	simm.s32 $0x70C0  }
0x349: {  	[tilespmem:s17], [sflag:$0x2] =	stream.linear.gather [hbm4b:s12+s6], $0x80, $0x38;
	[tilespmem:$0x12C00] =	vst v63  }
0x34a: {  	s12 =	sadd.s32 $0x2010, s7;
	s17 =	simm.s32 $0x7148  }
0x34b: {  	[tilespmem:s17], [sflag:$0x2] =	stream.linear.gather [hbm4b:s12+s6], $0x80, $0x38;
	[tilespmem:$0x12C00] =	vst v63  }
0x34c: {  	s12 =	sadd.s32 $0x2020, s7;
	s17 =	simm.s32 $0x71D0  }
0x34d: {  	[tilespmem:s17], [sflag:$0x2] =	stream.linear.gather [hbm4b:s12+s6], $0x80, $0x38;
	[tilespmem:$0x12C00] =	vst v63  }
0x34e: {  	s12 =	sadd.s32 $0x2030, s7;
	s17 =	simm.s32 $0x7258  }
0x34f: {  	[tilespmem:s17], [sflag:$0x2] =	stream.linear.gather [hbm4b:s12+s6], $0x80, $0x38;
	[tilespmem:$0x12C00] =	vst v63  }
0x350: {  	s12 =	sadd.s32 $0x2040, s7;
	s17 =	simm.s32 $0x72E0  }
0x351: {  	[tilespmem:s17], [sflag:$0x2] =	stream.linear.gather [hbm4b:s12+s6], $0x80, $0x38;
	[tilespmem:$0x12C00] =	vst v63  }
0x352: {  	s12 =	sadd.s32 $0x2050, s7;
	s17 =	simm.s32 $0x7368  }
0x353: {  	[tilespmem:s17], [sflag:$0x2] =	stream.linear.gather [hbm4b:s12+s6], $0x80, $0x38;
	[tilespmem:$0x12C00] =	vst v63  }
0x354: {  	s11 =	sadd.s32 $0x2060, s7;
	s12 =	simm.s32 $0x73F0  }
0x355: {  	[tilespmem:s12], [sflag:$0x2] =	stream.linear.gather [hbm4b:s11+s6], $0x80, $0x38;
	[tilespmem:$0x12C00] =	vst v63  }
0x356: {  	s1 =	sshll.u32 s1, $0x8;
	s7 =	sadd.s32 $0x2070, s7;
	s17 =	simm.s32 $0x7478  }
0x357: {  	[tilespmem:s17], [sflag:$0x2] =	stream.linear.gather [hbm4b:s7+s6], $0x80, $0x38;
	[tilespmem:$0x12C00] =	vst v63  }
0x358: {  	s1 =	sand.u32 $0xFE00, s1;
	s11 =	rddreg [dreg:$0x7];
	s12 =	simm.s32 $0x100  }
0x359: {  	[tilespmem:s13], [sflag:$0x3] =	stream.indirect.gather [hbm4b:s11+s12], $0x10, s1, s12, $0xb8;
	[tilespmem:$0x12C00] =	vst v63  }
0x35a: {  	s17 =	rddreg [dreg:$0x8]  }
0x35b: {  	[tilespmem:s14], [sflag:$0x3] =	stream.indirect.gather [hbm4b:s17+s12], $0x10, s1, s12, $0xb8;
	[tilespmem:$0x12C00] =	vst v63  }
.LBB2_6:
0x35c: {  	_ =	swait.ge [sflag:s29], $0x800  }
0x35d: {  	[sflag:s29] =	ssyncset.done $0x0  }
0x35e: {  	[sflag:s29] =	ssyncadd.s32 $0xFFFFF800  }
0x35f: {  	_ =	swait.ge [sflag:s29], $0x800  }
0x360: {  	[sflag:s29] =	ssyncset.done $0x0  }
0x361: {  	[sflag:s29] =	ssyncadd.s32 $0xFFFFF800  }
0x362: {  	s1 =	simm.s32 $0x0;
	_ =	swait.ge [sflag:s30], $0x1000  }
0x363: {  	v2 =	vor.u32 s1, v0;
	[sflag:s30] =	ssyncset.done $0x0  }
0x364: {  	[sflag:s30] =	ssyncadd.s32 $0xFFFFF000  }
0x365: {  	_ =	swait.ge [sflag:s30], $0x1000  }
0x366: {  	[sflag:s30] =	ssyncset.done $0x0  }
0x367: {  	[sflag:s30] =	ssyncadd.s32 $0xFFFFF000  }
0x368: {  	v3 =	vld.idx.msk [tilespmem:v2+s24+$0x0], $0xffff;
	_ =	sdelay $0x2  }
0x369: {  	s17 =	simm.s32 $0x0  }
0x36a: {  	v4 =	vmov s17  }
0x36b: {  	v4 =	vmul.u32 $0x880, v4;
	v5 =	vshra.s32 v3, $0x1;
	v6 =	vmul.f32 $5.000000000e-01, v3  }
0x36c: {  	v5 =	vsub.s32 $0x5F3759DF, v5  }
0x36d: {  	s7 =	simm.s32 $0x0;
	v4 =	vbroadcast v4, $0x0;
	v8 =	vmul.f32 v5, v6  }
0x36e: {  	v7 =	vmov s7  }
0x36f: {  	v9 =	vand.u32 $0x78, v7;
	v4 =	vadd.s32 v1, v4;
	v8 =	vmul.f32 v5, v8  }
0x370: {  	v7 =	vand.u32 $0x4, v7;
	v9 =	vadd.s32 v9, v4  }
0x371: {  	v7 =	vor.u32 v7, v9;
	v8 =	vsub.f32 $1.500000000e+00, v8;
	_ =	sdelay $0x1  }
0x372: {  	v5 =	vmul.f32 v5, v8;
	_ =	sdelay $0x1  }
0x373: {  	v2 =	vld.idx.msk [tilespmem:v2+s23+$0x0], $0xffff;
	v6 =	vmul.f32 v5, v6  }
0x374: {  	v55 =	vld.idx.msk [tilespmem:v7+s15+$0x0], $0xffff  }
0x375: {  	v6 =	vmul.f32 v6, v5;
	_ =	sdelay $0x1  }
0x376: {  	v6 =	vsub.f32 $1.500000000e+00, v6;
	_ =	sdelay $0x1  }
0x377: {  	v8 =	vsub.f32 v55, v2;
	v5 =	vmul.f32 v6, v5  }
0x378: {  	s9 =	simm.s32 $0x10  }
0x379: {  	v6 =	vor.u32 s9, v0;
	v5 =	vmul.f32 v5, v8;
	_ =	sdelay $0x1  }
0x37a: {  	[tilespmem:v7+s31+$0x0] =	vst.idx.msk $0xffff, v5  }
0x37b: {  	[tilespmem:v7+s0+$0x0] =	vst.idx.msk $0xffff, v2  }
0x37c: {  	[tilespmem:v7+s5+$0x0] =	vst.idx.msk $0xffff, v3  }
0x37d: {  	v2 =	vld.idx.msk [tilespmem:v6+s24+$0x0], $0xffff;
	_ =	sdelay $0x4  }
0x37e: {  	v3 =	vshra.s32 v2, $0x1;
	v5 =	vmul.f32 $5.000000000e-01, v2  }
0x37f: {  	v3 =	vsub.s32 $0x5F3759DF, v3  }
0x380: {  	s1 =	simm.s32 $0x1;
	v56 =	vmul.f32 v3, v5  }
0x381: {  	v7 =	vmov s1  }
0x382: {  	v57 =	vand.u32 $0x78, v7;
	v8 =	vmul.f32 v3, v56  }
0x383: {  	v7 =	vand.u32 $0x5, v7;
	v9 =	vadd.s32 v4, v57  }
0x384: {  	v7 =	vor.u32 v7, v9;
	v8 =	vsub.f32 $1.500000000e+00, v8;
	_ =	sdelay $0x1  }
0x385: {  	v3 =	vmul.f32 v3, v8;
	_ =	sdelay $0x1  }
0x386: {  	v6 =	vld.idx.msk [tilespmem:v6+s23+$0x0], $0xffff;
	v5 =	vmul.f32 v3, v5  }
0x387: {  	v58 =	vld.idx.msk [tilespmem:v7+s15+$0x0], $0xffff  }
0x388: {  	v5 =	vmul.f32 v5, v3;
	_ =	sdelay $0x1  }
0x389: {  	v5 =	vsub.f32 $1.500000000e+00, v5;
	_ =	sdelay $0x1  }
0x38a: {  	v8 =	vsub.f32 v58, v6;
	v3 =	vmul.f32 v5, v3  }
0x38b: {  	s7 =	simm.s32 $0x20  }
0x38c: {  	v5 =	vor.u32 s7, v0;
	v3 =	vmul.f32 v3, v8;
	_ =	sdelay $0x1  }
0x38d: {  	[tilespmem:v7+s31+$0x0] =	vst.idx.msk $0xffff, v3  }
0x38e: {  	[tilespmem:v7+s0+$0x0] =	vst.idx.msk $0xffff, v6  }
0x38f: {  	[tilespmem:v7+s5+$0x0] =	vst.idx.msk $0xffff, v2  }
0x390: {  	v2 =	vld.idx.msk [tilespmem:v5+s24+$0x0], $0xffff;
	_ =	sdelay $0x4  }
0x391: {  	v3 =	vshra.s32 v2, $0x1;
	v6 =	vmul.f32 $5.000000000e-01, v2  }
0x392: {  	v3 =	vsub.s32 $0x5F3759DF, v3  }
0x393: {  	s11 =	simm.s32 $0x2;
	v59 =	vmul.f32 v3, v6  }
0x394: {  	v7 =	vmov s11  }
0x395: {  	v60 =	vand.u32 $0x78, v7;
	v8 =	vmul.f32 v3, v59  }
0x396: {  	v7 =	vand.u32 $0x6, v7;
	v9 =	vadd.s32 v4, v60  }
0x397: {  	v7 =	vor.u32 v7, v9;
	v8 =	vsub.f32 $1.500000000e+00, v8;
	_ =	sdelay $0x1  }
0x398: {  	v3 =	vmul.f32 v3, v8;
	_ =	sdelay $0x1  }
0x399: {  	v5 =	vld.idx.msk [tilespmem:v5+s23+$0x0], $0xffff;
	v6 =	vmul.f32 v3, v6  }
0x39a: {  	v61 =	vld.idx.msk [tilespmem:v7+s15+$0x0], $0xffff  }
0x39b: {  	v6 =	vmul.f32 v6, v3;
	_ =	sdelay $0x1  }
0x39c: {  	v6 =	vsub.f32 $1.500000000e+00, v6;
	_ =	sdelay $0x1  }
0x39d: {  	v8 =	vsub.f32 v61, v5;
	v3 =	vmul.f32 v6, v3  }
0x39e: {  	s12 =	simm.s32 $0x30  }
0x39f: {  	v6 =	vor.u32 s12, v0;
	v3 =	vmul.f32 v3, v8;
	_ =	sdelay $0x1  }
0x3a0: {  	[tilespmem:v7+s31+$0x0] =	vst.idx.msk $0xffff, v3  }
0x3a1: {  	[tilespmem:v7+s0+$0x0] =	vst.idx.msk $0xffff, v5  }
0x3a2: {  	[tilespmem:v7+s5+$0x0] =	vst.idx.msk $0xffff, v2  }
0x3a3: {  	v2 =	vld.idx.msk [tilespmem:v6+s24+$0x0], $0xffff;
	_ =	sdelay $0x4  }
0x3a4: {  	v3 =	vshra.s32 v2, $0x1;
	v5 =	vmul.f32 $5.000000000e-01, v2  }
0x3a5: {  	v7 =	vsub.s32 $0x5F3759DF, v3  }
0x3a6: {  	s17 =	simm.s32 $0x3;
	v3 =	vmul.f32 v7, v5  }
0x3a7: {  	v62 =	vmov s17  }
0x3a8: {  	v63 =	vand.u32 $0x78, v62;
	v10 =	vmul.f32 v7, v3  }
0x3a9: {  	v4 =	vadd.s32 v4, v63;
	v3 =	vand.u32 $0x7, v62  }
0x3aa: {  	v3 =	vor.u32 v3, v4;
	v4 =	vsub.f32 $1.500000000e+00, v10;
	_ =	sdelay $0x1  }
0x3ab: {  	v4 =	vmul.f32 v7, v4;
	_ =	sdelay $0x1  }
0x3ac: {  	v6 =	vld.idx.msk [tilespmem:v6+s23+$0x0], $0xffff;
	v5 =	vmul.f32 v4, v5  }
0x3ad: {  	v7 =	vld.idx.msk [tilespmem:v3+s15+$0x0], $0xffff  }
0x3ae: {  	v5 =	vmul.f32 v5, v4;
	_ =	sdelay $0x1  }
0x3af: {  	v5 =	vsub.f32 $1.500000000e+00, v5;
	_ =	sdelay $0x1  }
0x3b0: {  	v7 =	vsub.f32 v7, v6;
	v4 =	vmul.f32 v5, v4;
	_ =	sdelay $0x1  }
0x3b1: {  	v4 =	vmul.f32 v4, v7  }
0x3b2: {  	s9 =	simm.s32 $0x40  }
0x3b3: {  	[tilespmem:v3+s31+$0x0] =	vst.idx.msk $0xffff, v4;
	v4 =	vor.u32 s9, v0;
	_ =	sdelay $0x2  }
0x3b4: {  	s7 =	simm.s32 $0x2;
	s11 =	simm.s32 $0x4;
	[tilespmem:v3+s0+$0x0] =	vst.idx.msk $0xffff, v6  }
.LBB2_7:
0x3b5: {  	p0 =	sne.s32 s7, $0x3F;
	[tilespmem:v3+s5+$0x0] =	vst.idx.msk $0xffff, v2;
	s9 =	smov.u32 s7;
	s7 =	sadd.s32 $0x1, s7  }
0x3b6: {  	v3 =	vld.idx.msk [tilespmem:v4+s24+$0x0], $0xffff;
	_ =	sdelay $0x1  }
0x3b7: {  	s12 =	sshrl.u32 s1, $0x5;
	s1 =	smov.u32 s9  }
0x3b8: {  	v2 =	vmov s12  }
0x3b9: {  	v2 =	vmul.u32 $0x880, v2;
	_ =	sdelay $0x1  }
0x3ba: {  	v2 =	vbroadcast v2, $0x0;
	v5 =	vshra.s32 v3, $0x1;
	v6 =	vmul.f32 $5.000000000e-01, v3  }
0x3bb: {  	v7 =	vmov s11;
	v5 =	vsub.s32 $0x5F3759DF, v5  }
0x3bc: {  	v8 =	vand.u32 $0x78, v7;
	v2 =	vadd.s32 v1, v2;
	v9 =	vmul.f32 v5, v6  }
0x3bd: {  	v7 =	vand.u32 $0x4, v7;
	v8 =	vadd.s32 v8, v2  }
0x3be: {  	v7 =	vor.u32 v7, v8;
	v8 =	vmul.f32 v5, v9;
	_ =	sdelay $0x1  }
0x3bf: {  	v8 =	vsub.f32 $1.500000000e+00, v8;
	_ =	sdelay $0x1  }
0x3c0: {  	v5 =	vmul.f32 v5, v8  }
0x3c1: {  	v8 =	vld.idx.msk [tilespmem:v7+s15+$0x0], $0xffff  }
0x3c2: {  	v6 =	vmul.f32 v5, v6;
	v4 =	vld.idx.msk [tilespmem:v4+s23+$0x0], $0xffff;
	_ =	sdelay $0x1  }
0x3c3: {  	v6 =	vmul.f32 v6, v5;
	_ =	sdelay $0x1  }
0x3c4: {  	v6 =	vsub.f32 $1.500000000e+00, v6;
	_ =	sdelay $0x1  }
0x3c5: {  	s9 =	sadd.s32 $0x1, s11;
	v8 =	vsub.f32 v8, v4;
	v5 =	vmul.f32 v6, v5  }
0x3c6: {  	v6 =	vmov s9;
	s9 =	sshll.u32 s9, $0x4  }
0x3c7: {  	v9 =	vand.u32 $0x78, v6;
	v5 =	vmul.f32 v5, v8;
	v8 =	vor.u32 s9, v0  }
0x3c8: {  	v9 =	vadd.s32 v2, v9  }
0x3c9: {  	[tilespmem:v7+s31+$0x0] =	vst.idx.msk $0xffff, v5  }
0x3ca: {  	[tilespmem:v7+s0+$0x0] =	vst.idx.msk $0xffff, v4  }
0x3cb: {  	[tilespmem:v7+s5+$0x0] =	vst.idx.msk $0xffff, v3  }
0x3cc: {  	v3 =	vld.idx.msk [tilespmem:v8+s24+$0x0], $0xffff;
	_ =	sdelay $0x5  }
0x3cd: {  	v4 =	vshra.s32 v3, $0x1;
	v5 =	vmul.f32 $5.000000000e-01, v3  }
0x3ce: {  	v4 =	vsub.s32 $0x5F3759DF, v4  }
0x3cf: {  	v7 =	vmul.f32 v4, v5  }
0x3d0: {  	v6 =	vand.u32 $0x5, v6  }
0x3d1: {  	v6 =	vor.u32 v6, v9;
	v7 =	vmul.f32 v4, v7;
	_ =	sdelay $0x1  }
0x3d2: {  	v7 =	vsub.f32 $1.500000000e+00, v7;
	_ =	sdelay $0x1  }
0x3d3: {  	v4 =	vmul.f32 v4, v7  }
0x3d4: {  	v7 =	vld.idx.msk [tilespmem:v6+s15+$0x0], $0xffff  }
0x3d5: {  	v5 =	vmul.f32 v4, v5;
	v8 =	vld.idx.msk [tilespmem:v8+s23+$0x0], $0xffff;
	_ =	sdelay $0x1  }
0x3d6: {  	v5 =	vmul.f32 v5, v4;
	_ =	sdelay $0x1  }
0x3d7: {  	v5 =	vsub.f32 $1.500000000e+00, v5;
	_ =	sdelay $0x1  }
0x3d8: {  	s9 =	sadd.s32 $0x2, s11;
	v7 =	vsub.f32 v7, v8;
	v4 =	vmul.f32 v5, v4  }
0x3d9: {  	v5 =	vmov s9;
	s9 =	sshll.u32 s9, $0x4  }
0x3da: {  	v4 =	vmul.f32 v4, v7;
	v7 =	vor.u32 s9, v0;
	_ =	sdelay $0x1  }
0x3db: {  	[tilespmem:v6+s31+$0x0] =	vst.idx.msk $0xffff, v4  }
0x3dc: {  	[tilespmem:v6+s0+$0x0] =	vst.idx.msk $0xffff, v8  }
0x3dd: {  	[tilespmem:v6+s5+$0x0] =	vst.idx.msk $0xffff, v3  }
0x3de: {  	v4 =	vld.idx.msk [tilespmem:v7+s24+$0x0], $0xffff;
	_ =	sdelay $0x5  }
0x3df: {  	v3 =	vshra.s32 v4, $0x1;
	v6 =	vmul.f32 $5.000000000e-01, v4  }
0x3e0: {  	v3 =	vsub.s32 $0x5F3759DF, v3  }
0x3e1: {  	v8 =	vand.u32 $0x78, v5;
	v9 =	vmul.f32 v3, v6  }
0x3e2: {  	v5 =	vand.u32 $0x6, v5;
	v8 =	vadd.s32 v2, v8  }
0x3e3: {  	v5 =	vor.u32 v5, v8;
	v8 =	vmul.f32 v3, v9;
	_ =	sdelay $0x1  }
0x3e4: {  	v8 =	vsub.f32 $1.500000000e+00, v8;
	_ =	sdelay $0x1  }
0x3e5: {  	v3 =	vmul.f32 v3, v8  }
0x3e6: {  	v8 =	vld.idx.msk [tilespmem:v5+s15+$0x0], $0xffff  }
0x3e7: {  	v6 =	vmul.f32 v3, v6;
	v7 =	vld.idx.msk [tilespmem:v7+s23+$0x0], $0xffff;
	_ =	sdelay $0x1  }
0x3e8: {  	v6 =	vmul.f32 v6, v3;
	_ =	sdelay $0x1  }
0x3e9: {  	v6 =	vsub.f32 $1.500000000e+00, v6;
	_ =	sdelay $0x1  }
0x3ea: {  	s9 =	sadd.s32 $0x3, s11;
	v8 =	vsub.f32 v8, v7;
	v3 =	vmul.f32 v6, v3  }
0x3eb: {  	v6 =	vmov s9;
	s9 =	sshll.u32 s9, $0x4  }
0x3ec: {  	v9 =	vand.u32 $0x78, v6;
	v3 =	vmul.f32 v3, v8;
	v8 =	vor.u32 s9, v0  }
0x3ed: {  	v6 =	vand.u32 $0x7, v6;
	v2 =	vadd.s32 v2, v9  }
0x3ee: {  	[tilespmem:v5+s31+$0x0] =	vst.idx.msk $0xffff, v3;
	v3 =	vor.u32 v6, v2  }
0x3ef: {  	[tilespmem:v5+s0+$0x0] =	vst.idx.msk $0xffff, v7  }
0x3f0: {  	[tilespmem:v5+s5+$0x0] =	vst.idx.msk $0xffff, v4  }
0x3f1: {  	v2 =	vld.idx.msk [tilespmem:v8+s24+$0x0], $0xffff  }
0x3f2: {  	v5 =	vld.idx.msk [tilespmem:v8+s23+$0x0], $0xffff  }
0x3f3: {  	v4 =	vld.idx.msk [tilespmem:v3+s15+$0x0], $0xffff;
	_ =	sdelay $0x3  }
0x3f4: {  	v6 =	vshra.s32 v2, $0x1;
	v7 =	vmul.f32 $5.000000000e-01, v2  }
0x3f5: {  	v6 =	vsub.s32 $0x5F3759DF, v6  }
0x3f6: {  	v8 =	vmul.f32 v6, v7;
	_ =	sdelay $0x1  }
0x3f7: {  	v8 =	vmul.f32 v6, v8;
	_ =	sdelay $0x1  }
0x3f8: {  	v8 =	vsub.f32 $1.500000000e+00, v8;
	_ =	sdelay $0x1  }
0x3f9: {  	v6 =	vmul.f32 v6, v8;
	_ =	sdelay $0x1  }
0x3fa: {  	v7 =	vmul.f32 v6, v7;
	_ =	sdelay $0x1  }
0x3fb: {  	v7 =	vmul.f32 v7, v6;
	_ =	sdelay $0x1  }
0x3fc: {  	v7 =	vsub.f32 $1.500000000e+00, v7;
	_ =	sdelay $0x1  }
0x3fd: {  	s11 =	sadd.s32 $0x4, s11;
	v8 =	vsub.f32 v4, v5;
	v6 =	vmul.f32 v7, v6  }
.Ltmp2:
0x3fe: {  	s9 =	sshll.u32 s11, $0x4;
	(pc) =	sbr.rel @p0 .LBB2_7-.Ltmp2, $3  }
0x3ff: {  	v4 =	vor.u32 s9, v0;
	v6 =	vmul.f32 v6, v8;
	_ =	sdelay $0x1  }
0x400: {  	[tilespmem:v3+s31+$0x0] =	vst.idx.msk $0xffff, v6  }
0x401: {  	[tilespmem:v3+s0+$0x0] =	vst.idx.msk $0xffff, v5  }
0x402: {  	_ =	sdelay $0x3  }
0x403: {  	[tilespmem:v3+s5+$0x0] =	vst.idx.msk $0xffff, v2  }
0x404: {  	v2 =	vld.idx.msk [tilespmem:v4+s24+$0x0], $0xffff;
	_ =	sdelay $0x2  }
0x405: {  	s1 =	sshrl.u32 s1, $0x5  }
0x406: {  	v3 =	vmov s1  }
0x407: {  	v3 =	vmul.u32 $0x880, v3;
	v5 =	vshra.s32 v2, $0x1;
	v6 =	vmul.f32 $5.000000000e-01, v2  }
0x408: {  	v5 =	vsub.s32 $0x5F3759DF, v5  }
0x409: {  	v3 =	vbroadcast v3, $0x0;
	v8 =	vmul.f32 v5, v6  }
0x40a: {  	v7 =	vmov s11  }
0x40b: {  	v9 =	vand.u32 $0x78, v7;
	v3 =	vadd.s32 v1, v3;
	v8 =	vmul.f32 v5, v8  }
0x40c: {  	v7 =	vand.u32 $0x4, v7;
	v9 =	vadd.s32 v9, v3  }
0x40d: {  	v7 =	vor.u32 v7, v9;
	v8 =	vsub.f32 $1.500000000e+00, v8;
	_ =	sdelay $0x1  }
0x40e: {  	v5 =	vmul.f32 v5, v8;
	_ =	sdelay $0x1  }
0x40f: {  	v42 =	vld.idx.msk [tilespmem:v4+s23+$0x0], $0xffff;
	v6 =	vmul.f32 v5, v6  }
0x410: {  	v41 =	vld.idx.msk [tilespmem:v7+s15+$0x0], $0xffff  }
0x411: {  	v6 =	vmul.f32 v6, v5;
	_ =	sdelay $0x1  }
0x412: {  	v6 =	vsub.f32 $1.500000000e+00, v6;
	_ =	sdelay $0x1  }
0x413: {  	s12 =	sadd.s32 $0x1, s11;
	v8 =	vsub.f32 v41, v42;
	v5 =	vmul.f32 v6, v5  }
0x414: {  	s7 =	sshll.u32 s12, $0x4  }
0x415: {  	v43 =	vor.u32 s7, v0;
	v5 =	vmul.f32 v5, v8;
	_ =	sdelay $0x1  }
0x416: {  	[tilespmem:v7+s31+$0x0] =	vst.idx.msk $0xffff, v5  }
0x417: {  	[tilespmem:v7+s0+$0x0] =	vst.idx.msk $0xffff, v42  }
0x418: {  	[tilespmem:v7+s5+$0x0] =	vst.idx.msk $0xffff, v2  }
0x419: {  	v2 =	vld.idx.msk [tilespmem:v43+s24+$0x0], $0xffff;
	_ =	sdelay $0x4  }
0x41a: {  	v44 =	vshra.s32 v2, $0x1;
	v45 =	vmul.f32 $5.000000000e-01, v2  }
0x41b: {  	v4 =	vsub.s32 $0x5F3759DF, v44  }
0x41c: {  	v47 =	vmul.f32 v4, v45  }
0x41d: {  	v46 =	vmov s12  }
0x41e: {  	v48 =	vand.u32 $0x78, v46;
	v8 =	vmul.f32 v4, v47  }
0x41f: {  	v9 =	vadd.s32 v3, v48;
	v7 =	vand.u32 $0x5, v46  }
0x420: {  	v7 =	vor.u32 v7, v9;
	v8 =	vsub.f32 $1.500000000e+00, v8;
	_ =	sdelay $0x1  }
0x421: {  	v4 =	vmul.f32 v4, v8;
	_ =	sdelay $0x1  }
0x422: {  	v6 =	vld.idx.msk [tilespmem:v43+s23+$0x0], $0xffff;
	v5 =	vmul.f32 v4, v45  }
0x423: {  	v49 =	vld.idx.msk [tilespmem:v7+s15+$0x0], $0xffff  }
0x424: {  	v5 =	vmul.f32 v5, v4;
	_ =	sdelay $0x1  }
0x425: {  	v5 =	vsub.f32 $1.500000000e+00, v5;
	_ =	sdelay $0x1  }
0x426: {  	s17 =	sadd.s32 $0x2, s11;
	v8 =	vsub.f32 v49, v6;
	v4 =	vmul.f32 v5, v4  }
0x427: {  	s9 =	sshll.u32 s17, $0x4  }
0x428: {  	v50 =	vor.u32 s9, v0;
	v4 =	vmul.f32 v4, v8;
	_ =	sdelay $0x1  }
0x429: {  	[tilespmem:v7+s31+$0x0] =	vst.idx.msk $0xffff, v4  }
0x42a: {  	[tilespmem:v7+s0+$0x0] =	vst.idx.msk $0xffff, v6  }
0x42b: {  	[tilespmem:v7+s5+$0x0] =	vst.idx.msk $0xffff, v2  }
0x42c: {  	v2 =	vld.idx.msk [tilespmem:v50+s24+$0x0], $0xffff;
	_ =	sdelay $0x4  }
0x42d: {  	v51 =	vshra.s32 v2, $0x1;
	v52 =	vmul.f32 $5.000000000e-01, v2  }
0x42e: {  	v4 =	vsub.s32 $0x5F3759DF, v51  }
0x42f: {  	v54 =	vmul.f32 v4, v52  }
0x430: {  	v53 =	vmov s17  }
0x431: {  	v55 =	vand.u32 $0x78, v53;
	v8 =	vmul.f32 v4, v54  }
0x432: {  	v9 =	vadd.s32 v3, v55;
	v7 =	vand.u32 $0x6, v53  }
0x433: {  	v7 =	vor.u32 v7, v9;
	v8 =	vsub.f32 $1.500000000e+00, v8;
	_ =	sdelay $0x1  }
0x434: {  	v4 =	vmul.f32 v4, v8;
	_ =	sdelay $0x1  }
0x435: {  	v5 =	vld.idx.msk [tilespmem:v50+s23+$0x0], $0xffff;
	v6 =	vmul.f32 v4, v52  }
0x436: {  	v56 =	vld.idx.msk [tilespmem:v7+s15+$0x0], $0xffff  }
0x437: {  	v6 =	vmul.f32 v6, v4;
	_ =	sdelay $0x1  }
0x438: {  	v6 =	vsub.f32 $1.500000000e+00, v6;
	_ =	sdelay $0x1  }
0x439: {  	s11 =	sadd.s32 $0x3, s11;
	v8 =	vsub.f32 v56, v5;
	v4 =	vmul.f32 v6, v4  }
0x43a: {  	s12 =	sshll.u32 s11, $0x4  }
0x43b: {  	v57 =	vor.u32 s12, v0;
	v4 =	vmul.f32 v4, v8;
	_ =	sdelay $0x1  }
0x43c: {  	[tilespmem:v7+s31+$0x0] =	vst.idx.msk $0xffff, v4  }
0x43d: {  	[tilespmem:v7+s0+$0x0] =	vst.idx.msk $0xffff, v5  }
0x43e: {  	[tilespmem:v7+s5+$0x0] =	vst.idx.msk $0xffff, v2  }
0x43f: {  	v2 =	vld.idx.msk [tilespmem:v57+s24+$0x0], $0xffff;
	_ =	sdelay $0x4  }
0x440: {  	v58 =	vshra.s32 v2, $0x1;
	v59 =	vmul.f32 $5.000000000e-01, v2  }
0x441: {  	v4 =	vsub.s32 $0x5F3759DF, v58  }
0x442: {  	v60 =	vmul.f32 v4, v59  }
0x443: {  	v61 =	vmov s11  }
0x444: {  	v62 =	vand.u32 $0x78, v61;
	v7 =	vmul.f32 v4, v60  }
0x445: {  	v3 =	vadd.s32 v3, v62;
	v8 =	vand.u32 $0x7, v61  }
0x446: {  	v3 =	vor.u32 v8, v3;
	v7 =	vsub.f32 $1.500000000e+00, v7;
	_ =	sdelay $0x1  }
0x447: {  	v4 =	vmul.f32 v4, v7;
	_ =	sdelay $0x1  }
0x448: {  	v6 =	vld.idx.msk [tilespmem:v57+s23+$0x0], $0xffff;
	v5 =	vmul.f32 v4, v59  }
0x449: {  	v63 =	vld.idx.msk [tilespmem:v3+s15+$0x0], $0xffff  }
0x44a: {  	v5 =	vmul.f32 v5, v4;
	_ =	sdelay $0x1  }
0x44b: {  	v5 =	vsub.f32 $1.500000000e+00, v5;
	_ =	sdelay $0x1  }
0x44c: {  	v7 =	vsub.f32 v63, v6;
	v4 =	vmul.f32 v5, v4;
	_ =	sdelay $0x1  }
0x44d: {  	v4 =	vmul.f32 v4, v7;
	_ =	sdelay $0x1  }
0x44e: {  	[tilespmem:v3+s31+$0x0] =	vst.idx.msk $0xffff, v4  }
0x44f: {  	[tilespmem:v3+s0+$0x0] =	vst.idx.msk $0xffff, v6  }
0x450: {  	s1 =	sadd.s32 s2, s25;
	[tilespmem:v3+s5+$0x0] =	vst.idx.msk $0xffff, v2  }
0x451: {  	[hbm4b:s1+s6] =	stream.linear.scatter [tilespmem:s31], [sflag:$0x7], $0x80, $0x38;
	[tilespmem:$0x12C00] =	vst v63  }
0x452: {  	s17 =	sadd.s32 $0x10, s1;
	s9 =	simm.s32 $0xD988  }
0x453: {  	[hbm4b:s17+s6] =	stream.linear.scatter [tilespmem:s9], [sflag:$0x7], $0x80, $0x38;
	[tilespmem:$0x12C00] =	vst v63  }
0x454: {  	s11 =	simm.s32 $0xDA10;
	s9 =	sadd.s32 $0x20, s1  }
0x455: {  	[hbm4b:s9+s6] =	stream.linear.scatter [tilespmem:s11], [sflag:$0x7], $0x80, $0x38;
	[tilespmem:$0x12C00] =	vst v63  }
0x456: {  	s12 =	sadd.s32 $0x30, s1;
	s17 =	simm.s32 $0xDA98  }
0x457: {  	[hbm4b:s12+s6] =	stream.linear.scatter [tilespmem:s17], [sflag:$0x7], $0x80, $0x38;
	[tilespmem:$0x12C00] =	vst v63  }
0x458: {  	s9 =	sadd.s32 $0x40, s1;
	s11 =	simm.s32 $0xDB20  }
0x459: {  	[hbm4b:s9+s6] =	stream.linear.scatter [tilespmem:s11], [sflag:$0x7], $0x80, $0x38;
	[tilespmem:$0x12C00] =	vst v63  }
0x45a: {  	s12 =	sadd.s32 $0x50, s1;
	s17 =	simm.s32 $0xDBA8  }
0x45b: {  	[hbm4b:s12+s6] =	stream.linear.scatter [tilespmem:s17], [sflag:$0x7], $0x80, $0x38;
	[tilespmem:$0x12C00] =	vst v63  }
0x45c: {  	s9 =	sadd.s32 $0x60, s1;
	s11 =	simm.s32 $0xDC30  }
0x45d: {  	[hbm4b:s9+s6] =	stream.linear.scatter [tilespmem:s11], [sflag:$0x7], $0x80, $0x38;
	[tilespmem:$0x12C00] =	vst v63  }
0x45e: {  	s12 =	sadd.s32 $0x70, s1;
	s17 =	simm.s32 $0xDCB8  }
0x45f: {  	[hbm4b:s12+s6] =	stream.linear.scatter [tilespmem:s17], [sflag:$0x7], $0x80, $0x38;
	[tilespmem:$0x12C00] =	vst v63  }
0x460: {  	s9 =	sadd.s32 $0x2000, s1;
	s11 =	simm.s32 $0xE180  }
0x461: {  	[hbm4b:s9+s6] =	stream.linear.scatter [tilespmem:s11], [sflag:$0x7], $0x80, $0x38;
	[tilespmem:$0x12C00] =	vst v63  }
0x462: {  	s12 =	sadd.s32 $0x2010, s1;
	s17 =	simm.s32 $0xE208  }
0x463: {  	[hbm4b:s12+s6] =	stream.linear.scatter [tilespmem:s17], [sflag:$0x7], $0x80, $0x38;
	[tilespmem:$0x12C00] =	vst v63  }
0x464: {  	s9 =	sadd.s32 $0x2020, s1;
	s11 =	simm.s32 $0xE290  }
0x465: {  	[hbm4b:s9+s6] =	stream.linear.scatter [tilespmem:s11], [sflag:$0x7], $0x80, $0x38;
	[tilespmem:$0x12C00] =	vst v63  }
0x466: {  	s12 =	sadd.s32 $0x2030, s1;
	s17 =	simm.s32 $0xE318  }
0x467: {  	[hbm4b:s12+s6] =	stream.linear.scatter [tilespmem:s17], [sflag:$0x7], $0x80, $0x38;
	[tilespmem:$0x12C00] =	vst v63  }
0x468: {  	s9 =	sadd.s32 $0x2040, s1;
	s11 =	simm.s32 $0xE3A0  }
0x469: {  	[hbm4b:s9+s6] =	stream.linear.scatter [tilespmem:s11], [sflag:$0x7], $0x80, $0x38;
	[tilespmem:$0x12C00] =	vst v63  }
0x46a: {  	s12 =	sadd.s32 $0x2050, s1;
	s17 =	simm.s32 $0xE428  }
0x46b: {  	[hbm4b:s12+s6] =	stream.linear.scatter [tilespmem:s17], [sflag:$0x7], $0x80, $0x38;
	[tilespmem:$0x12C00] =	vst v63  }
0x46c: {  	s9 =	sadd.s32 $0x2060, s1;
	s11 =	simm.s32 $0xE4B0  }
0x46d: {  	[hbm4b:s9+s6] =	stream.linear.scatter [tilespmem:s11], [sflag:$0x7], $0x80, $0x38;
	[tilespmem:$0x12C00] =	vst v63  }
0x46e: {  	s1 =	sadd.s32 $0x2070, s1;
	s12 =	simm.s32 $0xE538  }
0x46f: {  	[hbm4b:s1+s6] =	stream.linear.scatter [tilespmem:s12], [sflag:$0x7], $0x80, $0x38;
	[tilespmem:$0x12C00] =	vst v63  }
0x470: {  	s17 =	simm.s32 $0xDD40;
	s1 =	sadd.s32 s2, s26  }
0x471: {  	[hbm4b:s1+s6] =	stream.linear.scatter [tilespmem:s17], [sflag:$0x7], $0x80, $0x38;
	[tilespmem:$0x12C00] =	vst v63  }
0x472: {  	s11 =	simm.s32 $0xDDC8;
	s9 =	sadd.s32 $0x10, s1  }
0x473: {  	[hbm4b:s9+s6] =	stream.linear.scatter [tilespmem:s11], [sflag:$0x7], $0x80, $0x38;
	[tilespmem:$0x12C00] =	vst v63  }
0x474: {  	s12 =	sadd.s32 $0x20, s1;
	s17 =	simm.s32 $0xDE50  }
0x475: {  	[hbm4b:s12+s6] =	stream.linear.scatter [tilespmem:s17], [sflag:$0x7], $0x80, $0x38;
	[tilespmem:$0x12C00] =	vst v63  }
0x476: {  	s9 =	sadd.s32 $0x30, s1;
	s11 =	simm.s32 $0xDED8  }
0x477: {  	[hbm4b:s9+s6] =	stream.linear.scatter [tilespmem:s11], [sflag:$0x7], $0x80, $0x38;
	[tilespmem:$0x12C00] =	vst v63  }
0x478: {  	s12 =	sadd.s32 $0x40, s1;
	s17 =	simm.s32 $0xDF60  }
0x479: {  	[hbm4b:s12+s6] =	stream.linear.scatter [tilespmem:s17], [sflag:$0x7], $0x80, $0x38;
	[tilespmem:$0x12C00] =	vst v63  }
0x47a: {  	s9 =	sadd.s32 $0x50, s1;
	s11 =	simm.s32 $0xDFE8  }
0x47b: {  	[hbm4b:s9+s6] =	stream.linear.scatter [tilespmem:s11], [sflag:$0x7], $0x80, $0x38;
	[tilespmem:$0x12C00] =	vst v63  }
0x47c: {  	s12 =	sadd.s32 $0x60, s1;
	s17 =	simm.s32 $0xE070  }
0x47d: {  	[hbm4b:s12+s6] =	stream.linear.scatter [tilespmem:s17], [sflag:$0x7], $0x80, $0x38;
	[tilespmem:$0x12C00] =	vst v63  }
0x47e: {  	s9 =	sadd.s32 $0x70, s1;
	s11 =	simm.s32 $0xE0F8  }
0x47f: {  	[hbm4b:s9+s6] =	stream.linear.scatter [tilespmem:s11], [sflag:$0x7], $0x80, $0x38;
	[tilespmem:$0x12C00] =	vst v63  }
0x480: {  	s12 =	sadd.s32 $0x2000, s1;
	s17 =	simm.s32 $0xE5C0  }
0x481: {  	[hbm4b:s12+s6] =	stream.linear.scatter [tilespmem:s17], [sflag:$0x7], $0x80, $0x38;
	[tilespmem:$0x12C00] =	vst v63  }
0x482: {  	s9 =	sadd.s32 $0x2010, s1;
	s11 =	simm.s32 $0xE648  }
0x483: {  	[hbm4b:s9+s6] =	stream.linear.scatter [tilespmem:s11], [sflag:$0x7], $0x80, $0x38;
	[tilespmem:$0x12C00] =	vst v63  }
0x484: {  	s12 =	sadd.s32 $0x2020, s1;
	s17 =	simm.s32 $0xE6D0  }
0x485: {  	[hbm4b:s12+s6] =	stream.linear.scatter [tilespmem:s17], [sflag:$0x7], $0x80, $0x38;
	[tilespmem:$0x12C00] =	vst v63  }
0x486: {  	s9 =	sadd.s32 $0x2030, s1;
	s11 =	simm.s32 $0xE758  }
0x487: {  	[hbm4b:s9+s6] =	stream.linear.scatter [tilespmem:s11], [sflag:$0x7], $0x80, $0x38;
	[tilespmem:$0x12C00] =	vst v63  }
0x488: {  	s12 =	sadd.s32 $0x2040, s1;
	s17 =	simm.s32 $0xE7E0  }
0x489: {  	[hbm4b:s12+s6] =	stream.linear.scatter [tilespmem:s17], [sflag:$0x7], $0x80, $0x38;
	[tilespmem:$0x12C00] =	vst v63  }
0x48a: {  	s9 =	sadd.s32 $0x2050, s1;
	s11 =	simm.s32 $0xE868  }
0x48b: {  	[hbm4b:s9+s6] =	stream.linear.scatter [tilespmem:s11], [sflag:$0x7], $0x80, $0x38;
	[tilespmem:$0x12C00] =	vst v63  }
0x48c: {  	s12 =	sadd.s32 $0x2060, s1;
	s17 =	simm.s32 $0xE8F0  }
0x48d: {  	[hbm4b:s12+s6] =	stream.linear.scatter [tilespmem:s17], [sflag:$0x7], $0x80, $0x38;
	[tilespmem:$0x12C00] =	vst v63  }
0x48e: {  	s1 =	sadd.s32 $0x2070, s1;
	s11 =	simm.s32 $0xE978  }
0x48f: {  	[hbm4b:s1+s6] =	stream.linear.scatter [tilespmem:s11], [sflag:$0x7], $0x80, $0x38;
	[tilespmem:$0x12C00] =	vst v63  }
0x490: {  	s1 =	sadd.s32 s3, s25  }
0x491: {  	[hbm4b:s1+s6] =	stream.linear.scatter [tilespmem:s0], [sflag:$0x7], $0x80, $0x38;
	[tilespmem:$0x12C00] =	vst v63  }
0x492: {  	s17 =	simm.s32 $0xEA88;
	s12 =	sadd.s32 $0x10, s1  }
0x493: {  	[hbm4b:s12+s6] =	stream.linear.scatter [tilespmem:s17], [sflag:$0x7], $0x80, $0x38;
	[tilespmem:$0x12C00] =	vst v63  }
0x494: {  	s11 =	simm.s32 $0xEB10;
	s9 =	sadd.s32 $0x20, s1  }
0x495: {  	[hbm4b:s9+s6] =	stream.linear.scatter [tilespmem:s11], [sflag:$0x7], $0x80, $0x38;
	[tilespmem:$0x12C00] =	vst v63  }
0x496: {  	s12 =	sadd.s32 $0x30, s1;
	s17 =	simm.s32 $0xEB98  }
0x497: {  	[hbm4b:s12+s6] =	stream.linear.scatter [tilespmem:s17], [sflag:$0x7], $0x80, $0x38;
	[tilespmem:$0x12C00] =	vst v63  }
0x498: {  	s9 =	sadd.s32 $0x40, s1;
	s11 =	simm.s32 $0xEC20  }
0x499: {  	[hbm4b:s9+s6] =	stream.linear.scatter [tilespmem:s11], [sflag:$0x7], $0x80, $0x38;
	[tilespmem:$0x12C00] =	vst v63  }
0x49a: {  	s12 =	sadd.s32 $0x50, s1;
	s17 =	simm.s32 $0xECA8  }
0x49b: {  	[hbm4b:s12+s6] =	stream.linear.scatter [tilespmem:s17], [sflag:$0x7], $0x80, $0x38;
	[tilespmem:$0x12C00] =	vst v63  }
0x49c: {  	s9 =	sadd.s32 $0x60, s1;
	s11 =	simm.s32 $0xED30  }
0x49d: {  	[hbm4b:s9+s6] =	stream.linear.scatter [tilespmem:s11], [sflag:$0x7], $0x80, $0x38;
	[tilespmem:$0x12C00] =	vst v63  }
0x49e: {  	s12 =	sadd.s32 $0x70, s1;
	s17 =	simm.s32 $0xEDB8  }
0x49f: {  	[hbm4b:s12+s6] =	stream.linear.scatter [tilespmem:s17], [sflag:$0x7], $0x80, $0x38;
	[tilespmem:$0x12C00] =	vst v63  }
0x4a0: {  	s9 =	sadd.s32 $0x2000, s1;
	s11 =	simm.s32 $0xF280  }
0x4a1: {  	[hbm4b:s9+s6] =	stream.linear.scatter [tilespmem:s11], [sflag:$0x7], $0x80, $0x38;
	[tilespmem:$0x12C00] =	vst v63  }
0x4a2: {  	s12 =	sadd.s32 $0x2010, s1;
	s17 =	simm.s32 $0xF308  }
0x4a3: {  	[hbm4b:s12+s6] =	stream.linear.scatter [tilespmem:s17], [sflag:$0x7], $0x80, $0x38;
	[tilespmem:$0x12C00] =	vst v63  }
0x4a4: {  	s9 =	sadd.s32 $0x2020, s1;
	s11 =	simm.s32 $0xF390  }
0x4a5: {  	[hbm4b:s9+s6] =	stream.linear.scatter [tilespmem:s11], [sflag:$0x7], $0x80, $0x38;
	[tilespmem:$0x12C00] =	vst v63  }
0x4a6: {  	s12 =	sadd.s32 $0x2030, s1;
	s17 =	simm.s32 $0xF418  }
0x4a7: {  	[hbm4b:s12+s6] =	stream.linear.scatter [tilespmem:s17], [sflag:$0x7], $0x80, $0x38;
	[tilespmem:$0x12C00] =	vst v63  }
0x4a8: {  	s9 =	sadd.s32 $0x2040, s1;
	s11 =	simm.s32 $0xF4A0  }
0x4a9: {  	[hbm4b:s9+s6] =	stream.linear.scatter [tilespmem:s11], [sflag:$0x7], $0x80, $0x38;
	[tilespmem:$0x12C00] =	vst v63  }
0x4aa: {  	s12 =	sadd.s32 $0x2050, s1;
	s17 =	simm.s32 $0xF528  }
0x4ab: {  	[hbm4b:s12+s6] =	stream.linear.scatter [tilespmem:s17], [sflag:$0x7], $0x80, $0x38;
	[tilespmem:$0x12C00] =	vst v63  }
0x4ac: {  	s9 =	sadd.s32 $0x2060, s1;
	s11 =	simm.s32 $0xF5B0  }
0x4ad: {  	[hbm4b:s9+s6] =	stream.linear.scatter [tilespmem:s11], [sflag:$0x7], $0x80, $0x38;
	[tilespmem:$0x12C00] =	vst v63  }
0x4ae: {  	s1 =	sadd.s32 $0x2070, s1;
	s12 =	simm.s32 $0xF638  }
0x4af: {  	[hbm4b:s1+s6] =	stream.linear.scatter [tilespmem:s12], [sflag:$0x7], $0x80, $0x38;
	[tilespmem:$0x12C00] =	vst v63  }
0x4b0: {  	s17 =	simm.s32 $0xEE40;
	s1 =	sadd.s32 s3, s26  }
0x4b1: {  	[hbm4b:s1+s6] =	stream.linear.scatter [tilespmem:s17], [sflag:$0x7], $0x80, $0x38;
	[tilespmem:$0x12C00] =	vst v63  }
0x4b2: {  	s11 =	simm.s32 $0xEEC8;
	s9 =	sadd.s32 $0x10, s1  }
0x4b3: {  	[hbm4b:s9+s6] =	stream.linear.scatter [tilespmem:s11], [sflag:$0x7], $0x80, $0x38;
	[tilespmem:$0x12C00] =	vst v63  }
0x4b4: {  	s12 =	sadd.s32 $0x20, s1;
	s17 =	simm.s32 $0xEF50  }
0x4b5: {  	[hbm4b:s12+s6] =	stream.linear.scatter [tilespmem:s17], [sflag:$0x7], $0x80, $0x38;
	[tilespmem:$0x12C00] =	vst v63  }
0x4b6: {  	s9 =	sadd.s32 $0x30, s1;
	s11 =	simm.s32 $0xEFD8  }
0x4b7: {  	[hbm4b:s9+s6] =	stream.linear.scatter [tilespmem:s11], [sflag:$0x7], $0x80, $0x38;
	[tilespmem:$0x12C00] =	vst v63  }
0x4b8: {  	s12 =	sadd.s32 $0x40, s1;
	s17 =	simm.s32 $0xF060  }
0x4b9: {  	[hbm4b:s12+s6] =	stream.linear.scatter [tilespmem:s17], [sflag:$0x7], $0x80, $0x38;
	[tilespmem:$0x12C00] =	vst v63  }
0x4ba: {  	s9 =	sadd.s32 $0x50, s1;
	s11 =	simm.s32 $0xF0E8  }
0x4bb: {  	[hbm4b:s9+s6] =	stream.linear.scatter [tilespmem:s11], [sflag:$0x7], $0x80, $0x38;
	[tilespmem:$0x12C00] =	vst v63  }
0x4bc: {  	s12 =	sadd.s32 $0x60, s1;
	s17 =	simm.s32 $0xF170  }
0x4bd: {  	[hbm4b:s12+s6] =	stream.linear.scatter [tilespmem:s17], [sflag:$0x7], $0x80, $0x38;
	[tilespmem:$0x12C00] =	vst v63  }
0x4be: {  	s9 =	sadd.s32 $0x70, s1;
	s11 =	simm.s32 $0xF1F8  }
0x4bf: {  	[hbm4b:s9+s6] =	stream.linear.scatter [tilespmem:s11], [sflag:$0x7], $0x80, $0x38;
	[tilespmem:$0x12C00] =	vst v63  }
0x4c0: {  	s12 =	sadd.s32 $0x2000, s1;
	s17 =	simm.s32 $0xF6C0  }
0x4c1: {  	[hbm4b:s12+s6] =	stream.linear.scatter [tilespmem:s17], [sflag:$0x7], $0x80, $0x38;
	[tilespmem:$0x12C00] =	vst v63  }
0x4c2: {  	s9 =	sadd.s32 $0x2010, s1;
	s11 =	simm.s32 $0xF748  }
0x4c3: {  	[hbm4b:s9+s6] =	stream.linear.scatter [tilespmem:s11], [sflag:$0x7], $0x80, $0x38;
	[tilespmem:$0x12C00] =	vst v63  }
0x4c4: {  	s12 =	sadd.s32 $0x2020, s1;
	s17 =	simm.s32 $0xF7D0  }
0x4c5: {  	[hbm4b:s12+s6] =	stream.linear.scatter [tilespmem:s17], [sflag:$0x7], $0x80, $0x38;
	[tilespmem:$0x12C00] =	vst v63  }
0x4c6: {  	s9 =	sadd.s32 $0x2030, s1;
	s11 =	simm.s32 $0xF858  }
0x4c7: {  	[hbm4b:s9+s6] =	stream.linear.scatter [tilespmem:s11], [sflag:$0x7], $0x80, $0x38;
	[tilespmem:$0x12C00] =	vst v63  }
0x4c8: {  	s12 =	sadd.s32 $0x2040, s1;
	s17 =	simm.s32 $0xF8E0  }
0x4c9: {  	[hbm4b:s12+s6] =	stream.linear.scatter [tilespmem:s17], [sflag:$0x7], $0x80, $0x38;
	[tilespmem:$0x12C00] =	vst v63  }
0x4ca: {  	s9 =	sadd.s32 $0x2050, s1;
	s11 =	simm.s32 $0xF968  }
0x4cb: {  	[hbm4b:s9+s6] =	stream.linear.scatter [tilespmem:s11], [sflag:$0x7], $0x80, $0x38;
	[tilespmem:$0x12C00] =	vst v63  }
0x4cc: {  	s12 =	sadd.s32 $0x2060, s1;
	s17 =	simm.s32 $0xF9F0  }
0x4cd: {  	[hbm4b:s12+s6] =	stream.linear.scatter [tilespmem:s17], [sflag:$0x7], $0x80, $0x38;
	[tilespmem:$0x12C00] =	vst v63  }
0x4ce: {  	s1 =	sadd.s32 $0x2070, s1;
	s9 =	simm.s32 $0xFA78  }
0x4cf: {  	[hbm4b:s1+s6] =	stream.linear.scatter [tilespmem:s9], [sflag:$0x7], $0x80, $0x38;
	[tilespmem:$0x12C00] =	vst v63  }
0x4d0: {  	s1 =	sadd.s32 s4, s25  }
0x4d1: {  	[hbm4b:s1+s6] =	stream.linear.scatter [tilespmem:s5], [sflag:$0x7], $0x80, $0x38;
	[tilespmem:$0x12C00] =	vst v63  }
0x4d2: {  	s12 =	simm.s32 $0xFB88;
	s11 =	sadd.s32 $0x10, s1  }
0x4d3: {  	[hbm4b:s11+s6] =	stream.linear.scatter [tilespmem:s12], [sflag:$0x7], $0x80, $0x38;
	[tilespmem:$0x12C00] =	vst v63  }
0x4d4: {  	s25 =	simm.s32 $0xFC10;
	s17 =	sadd.s32 $0x20, s1  }
0x4d5: {  	[hbm4b:s17+s6] =	stream.linear.scatter [tilespmem:s25], [sflag:$0x7], $0x80, $0x38;
	[tilespmem:$0x12C00] =	vst v63  }
0x4d6: {  	s11 =	sadd.s32 $0x30, s1;
	s12 =	simm.s32 $0xFC98  }
0x4d7: {  	[hbm4b:s11+s6] =	stream.linear.scatter [tilespmem:s12], [sflag:$0x7], $0x80, $0x38;
	[tilespmem:$0x12C00] =	vst v63  }
0x4d8: {  	s17 =	sadd.s32 $0x40, s1;
	s25 =	simm.s32 $0xFD20  }
0x4d9: {  	[hbm4b:s17+s6] =	stream.linear.scatter [tilespmem:s25], [sflag:$0x7], $0x80, $0x38;
	[tilespmem:$0x12C00] =	vst v63  }
0x4da: {  	s11 =	sadd.s32 $0x50, s1;
	s12 =	simm.s32 $0xFDA8  }
0x4db: {  	[hbm4b:s11+s6] =	stream.linear.scatter [tilespmem:s12], [sflag:$0x7], $0x80, $0x38;
	[tilespmem:$0x12C00] =	vst v63  }
0x4dc: {  	s17 =	sadd.s32 $0x60, s1;
	s25 =	simm.s32 $0xFE30  }
0x4dd: {  	[hbm4b:s17+s6] =	stream.linear.scatter [tilespmem:s25], [sflag:$0x7], $0x80, $0x38;
	[tilespmem:$0x12C00] =	vst v63  }
0x4de: {  	s11 =	sadd.s32 $0x70, s1;
	s12 =	simm.s32 $0xFEB8  }
0x4df: {  	[hbm4b:s11+s6] =	stream.linear.scatter [tilespmem:s12], [sflag:$0x7], $0x80, $0x38;
	[tilespmem:$0x12C00] =	vst v63  }
0x4e0: {  	s17 =	sadd.s32 $0x2000, s1;
	s25 =	simm.s32 $0x10380  }
0x4e1: {  	[hbm4b:s17+s6] =	stream.linear.scatter [tilespmem:s25], [sflag:$0x7], $0x80, $0x38;
	[tilespmem:$0x12C00] =	vst v63  }
0x4e2: {  	s11 =	sadd.s32 $0x2010, s1;
	s12 =	simm.s32 $0x10408  }
0x4e3: {  	[hbm4b:s11+s6] =	stream.linear.scatter [tilespmem:s12], [sflag:$0x7], $0x80, $0x38;
	[tilespmem:$0x12C00] =	vst v63  }
0x4e4: {  	s17 =	sadd.s32 $0x2020, s1;
	s25 =	simm.s32 $0x10490  }
0x4e5: {  	[hbm4b:s17+s6] =	stream.linear.scatter [tilespmem:s25], [sflag:$0x7], $0x80, $0x38;
	[tilespmem:$0x12C00] =	vst v63  }
0x4e6: {  	s11 =	sadd.s32 $0x2030, s1;
	s12 =	simm.s32 $0x10518  }
0x4e7: {  	[hbm4b:s11+s6] =	stream.linear.scatter [tilespmem:s12], [sflag:$0x7], $0x80, $0x38;
	[tilespmem:$0x12C00] =	vst v63  }
0x4e8: {  	s17 =	sadd.s32 $0x2040, s1;
	s25 =	simm.s32 $0x105A0  }
0x4e9: {  	[hbm4b:s17+s6] =	stream.linear.scatter [tilespmem:s25], [sflag:$0x7], $0x80, $0x38;
	[tilespmem:$0x12C00] =	vst v63  }
0x4ea: {  	s9 =	sadd.s32 $0x2050, s1;
	s11 =	simm.s32 $0x10628  }
0x4eb: {  	[hbm4b:s9+s6] =	stream.linear.scatter [tilespmem:s11], [sflag:$0x7], $0x80, $0x38;
	[tilespmem:$0x12C00] =	vst v63  }
0x4ec: {  	s12 =	sadd.s32 $0x2060, s1;
	s17 =	simm.s32 $0x106B0  }
0x4ed: {  	[hbm4b:s12+s6] =	stream.linear.scatter [tilespmem:s17], [sflag:$0x7], $0x80, $0x38;
	[tilespmem:$0x12C00] =	vst v63  }
0x4ee: {  	s1 =	sadd.s32 $0x2070, s1;
	s25 =	simm.s32 $0x10738  }
0x4ef: {  	[hbm4b:s1+s6] =	stream.linear.scatter [tilespmem:s25], [sflag:$0x7], $0x80, $0x38;
	[tilespmem:$0x12C00] =	vst v63  }
0x4f0: {  	s1 =	sadd.s32 s4, s26;
	s26 =	simm.s32 $0xFF40  }
0x4f1: {  	[hbm4b:s1+s6] =	stream.linear.scatter [tilespmem:s26], [sflag:$0x7], $0x80, $0x38;
	[tilespmem:$0x12C00] =	vst v63  }
0x4f2: {  	s11 =	simm.s32 $0xFFC8;
	s9 =	sadd.s32 $0x10, s1  }
0x4f3: {  	[hbm4b:s9+s6] =	stream.linear.scatter [tilespmem:s11], [sflag:$0x7], $0x80, $0x38;
	[tilespmem:$0x12C00] =	vst v63  }
0x4f4: {  	s17 =	simm.s32 $0x10050;
	s12 =	sadd.s32 $0x20, s1  }
0x4f5: {  	[hbm4b:s12+s6] =	stream.linear.scatter [tilespmem:s17], [sflag:$0x7], $0x80, $0x38;
	[tilespmem:$0x12C00] =	vst v63  }
0x4f6: {  	s25 =	sadd.s32 $0x30, s1;
	s26 =	simm.s32 $0x100D8  }
0x4f7: {  	[hbm4b:s25+s6] =	stream.linear.scatter [tilespmem:s26], [sflag:$0x7], $0x80, $0x38;
	[tilespmem:$0x12C00] =	vst v63  }
0x4f8: {  	s9 =	sadd.s32 $0x40, s1;
	s11 =	simm.s32 $0x10160  }
0x4f9: {  	[hbm4b:s9+s6] =	stream.linear.scatter [tilespmem:s11], [sflag:$0x7], $0x80, $0x38;
	[tilespmem:$0x12C00] =	vst v63  }
0x4fa: {  	s12 =	sadd.s32 $0x50, s1;
	s17 =	simm.s32 $0x101E8  }
0x4fb: {  	[hbm4b:s12+s6] =	stream.linear.scatter [tilespmem:s17], [sflag:$0x7], $0x80, $0x38;
	[tilespmem:$0x12C00] =	vst v63  }
0x4fc: {  	s25 =	sadd.s32 $0x60, s1;
	s26 =	simm.s32 $0x10270  }
0x4fd: {  	[hbm4b:s25+s6] =	stream.linear.scatter [tilespmem:s26], [sflag:$0x7], $0x80, $0x38;
	[tilespmem:$0x12C00] =	vst v63  }
0x4fe: {  	s9 =	sadd.s32 $0x70, s1;
	s11 =	simm.s32 $0x102F8  }
0x4ff: {  	[hbm4b:s9+s6] =	stream.linear.scatter [tilespmem:s11], [sflag:$0x7], $0x80, $0x38;
	[tilespmem:$0x12C00] =	vst v63  }
0x500: {  	s12 =	sadd.s32 $0x2000, s1;
	s17 =	simm.s32 $0x107C0  }
0x501: {  	[hbm4b:s12+s6] =	stream.linear.scatter [tilespmem:s17], [sflag:$0x7], $0x80, $0x38;
	[tilespmem:$0x12C00] =	vst v63  }
0x502: {  	s25 =	sadd.s32 $0x2010, s1;
	s26 =	simm.s32 $0x10848  }
0x503: {  	[hbm4b:s25+s6] =	stream.linear.scatter [tilespmem:s26], [sflag:$0x7], $0x80, $0x38;
	[tilespmem:$0x12C00] =	vst v63  }
0x504: {  	s9 =	sadd.s32 $0x2020, s1;
	s11 =	simm.s32 $0x108D0  }
0x505: {  	[hbm4b:s9+s6] =	stream.linear.scatter [tilespmem:s11], [sflag:$0x7], $0x80, $0x38;
	[tilespmem:$0x12C00] =	vst v63  }
0x506: {  	s12 =	sadd.s32 $0x2030, s1;
	s17 =	simm.s32 $0x10958  }
0x507: {  	[hbm4b:s12+s6] =	stream.linear.scatter [tilespmem:s17], [sflag:$0x7], $0x80, $0x38;
	[tilespmem:$0x12C00] =	vst v63  }
0x508: {  	s22 =	sadd.s32 $0x1, s22;
	s25 =	sadd.s32 $0x2040, s1;
	s26 =	simm.s32 $0x109E0  }
0x509: {  	[hbm4b:s25+s6] =	stream.linear.scatter [tilespmem:s26], [sflag:$0x7], $0x80, $0x38;
	[tilespmem:$0x12C00] =	vst v63  }
0x50a: {  	p0 =	sne.s32 s22, $0x32;
	s11 =	sadd.s32 $0x2050, s1;
	s12 =	simm.s32 $0x10A68  }
0x50b: {  	[hbm4b:s11+s6] =	stream.linear.scatter [tilespmem:s12], [sflag:$0x7], $0x80, $0x38;
	[tilespmem:$0x12C00] =	vst v63  }
.Ltmp3:
0x50c: {  	_ = 	snop;
	(pc) =	sbr.rel @p0 .LBB2_2-.Ltmp3, $4  }
0x50d: {  	s17 =	sadd.s32 $0x2060, s1;
	s25 =	simm.s32 $0x10AF0  }
0x50e: {  	[hbm4b:s17+s6] =	stream.linear.scatter [tilespmem:s25], [sflag:$0x7], $0x80, $0x38;
	[tilespmem:$0x12C00] =	vst v63  }
0x50f: {  	s1 =	sadd.s32 $0x2070, s1;
	s26 =	simm.s32 $0x10B78  }
0x510: {  	[hbm4b:s1+s6] =	stream.linear.scatter [tilespmem:s26], [sflag:$0x7], $0x80, $0x38;
	[tilespmem:$0x12C00] =	vst v63  }
0x511: {  	s7 =	simm.s32 $0x7  }
0x512: {  	_ =	swait.ge [sflag:s7], $0x800  }
0x513: {  	[sflag:s7] =	ssyncset.done $0x0  }
0x514: {  	[sflag:s7] =	ssyncadd.s32 $0xFFFFF800  }
0x515: {  	_ =	swait.ge [sflag:s7], $0x800  }
0x516: {  	[sflag:s7] =	ssyncset.done $0x0  }
0x517: {  	[sflag:s7] =	ssyncadd.s32 $0xFFFFF800  }
0x518: {  	_ =	swait.ge [sflag:s7], $0x800  }
0x519: {  	[sflag:s7] =	ssyncset.done $0x0  }
0x51a: {  	[sflag:s7] =	ssyncadd.s32 $0xFFFFF800  }
0x51b: {  	_ =	swait.ge [sflag:s7], $0x800  }
0x51c: {  	[sflag:s7] =	ssyncset.done $0x0  }
0x51d: {  	[sflag:s7] =	ssyncadd.s32 $0xFFFFF800  }
0x51e: {  	_ =	swait.ge [sflag:s7], $0x800  }
0x51f: {  	[sflag:s7] =	ssyncset.done $0x0  }
0x520: {  	[sflag:s7] =	ssyncadd.s32 $0xFFFFF800  }
0x521: {  	_ =	swait.ge [sflag:s7], $0x800  }
0x522: {  	s9 =	sld [smem:$0x7F7];
	_ =	sdelay $0x2  }
0x523: {  	s1 =	rddreg [dreg:$0x18];
	s9 =	sadd.s32 $0x1, s9  }
0x524: {  	p0 =	sne.s32 s9, s1  }
.Ltmp4:
0x525: {  	_ = 	snop;
	(pc) =	sbr.rel @p0 .LBB2_1-.Ltmp4, $3  }
0x526: {  	_ =	sdelay $0x1  }
0x527: {  	[sflag:s7] =	ssyncset.done $0x0  }
0x528: {  	[sflag:s7] =	ssyncadd.s32 $0xFFFFF800  }
0x529: {  	_ =	sfence.sel $0x180000  }
0x52a: {  	[bflag:$0x0] =	sbarrier.arrive $0xFFFF  }
0x52b: {  	_ =	strace $0x90000047  }
0x52c: {  	s0 =	stileid.u32;
	[bflag:$0x2] =	sbarrier.arrive $0xFFFF  }
0x52d: {  	p0 =	sne.s32 s0, $0x0;
	s0 =	rddreg [dreg:$0x6]  }
0x52e: {  	s0 =	sadd.s32 @!p0 $0x100000, s0  }
0x52f: {  	[sflag:s0] =	ssyncadd.tile.s32 @!p0 $0x1;
	_ =	shalt  }
.Lfunc_end2:
_tile_overlayer_lowered:
.L_overlay_start_2:
0x530: {  	(tag) =	ssettag $0x2  }
0x531: {  	s0 =	rddreg [dreg:$0x0];
	s2 =	stileid.u32  }
0x532: {  	s1 =	rddreg [dreg:$0x1];
	p0 =	sne.s32 s2, $0x0  }
0x533: {  	s3 =	rddreg [dreg:$0x2];
	[bflag:$0x3] =	sbarrier.arrive $0xFFFF;
	s2 =	simm.s32 @!p0 $0x1C08  }
0x534: {  	[timem:s3], [sflag:s2] =	dma.local @!p0 [hbm:s0], s1  }
0x535: {  	s0 =	simm.s32 @!p0 $0x8  }
0x536: {  	_ =	swait.ge @!p0 [sflag:s0], s1  }
0x537: {  	s1 =	ssub.s32 @!p0 $0x0, s1;
	[sflag:s0] =	ssyncset.done @!p0 $0x0  }
0x538: {  	[sflag:s0] =	ssyncadd.s32 @!p0 s1  }
0x539: {  	[bflag:$0x3] =	sbarrier.arrive $0xFFFF  }
0x53a: {  	_ =	shalt  }

</sc_bundles>
